<compile_context>
chip_gen: v7x
topology: tpu7x:2x2x1
jax: 0.10.2.dev20260603
libtpu: 0.0.44.dev20260713+nightly
codegen_flags: <defaults>
</compile_context>

<pallas_src>
import jax
import jax.numpy as jnp
from jax import lax
from jax.experimental import pallas as pl
from jax.experimental.pallas import tpu as pltpu
from jax.experimental.pallas import tpu_sc as plsc

B = 16384
D = 128
L = 16
NC = 2
NS = 16
NW = NC * NS
BPW = B // NW
C = 64
NCHUNK = BPW // C
GROUPS = C // L
NBUF = 4
NUM_E = 100000


def _sc_body(u_id_ref, i_id_ref, user_emb, bias_cat, item_emb,
             mean_ref, out_ref,
             idx_u, idx_i, idx_ib, u_rows, i_rows, ub_rows, ib_rows, out_v,
             mean_v, sem0, sem1, sem2, sem3):
    wid = lax.axis_index("s") * NC + lax.axis_index("c")
    base_row = wid * BPW

    du = pltpu.async_copy(u_id_ref.at[pl.ds(base_row, BPW)], idx_u, sem0)
    di = pltpu.async_copy(i_id_ref.at[pl.ds(base_row, BPW)], idx_i, sem1)
    dm = pltpu.async_copy(mean_ref, mean_v.at[pl.ds(0, 1)], sem2)
    du.wait()
    di.wait()

    iota = lax.iota(jnp.int32, L)
    sems = (sem0, sem1, sem2, sem3)

    def shift_body(k, _):
        idx_ib[pl.ds(k * L, L)] = idx_i[pl.ds(k * L, L)] + NUM_E
        return 0

    lax.fori_loop(0, BPW // L, shift_body, 0)

    def start(c):
        buf = c % NBUF
        sem = sems[buf]
        iu = idx_u.at[pl.ds(c * C, C)]
        ii = idx_i.at[pl.ds(c * C, C)]
        return [
            pltpu.async_copy(user_emb.at[iu], u_rows.at[buf], sem),
            pltpu.async_copy(item_emb.at[ii], i_rows.at[buf], sem),
            pltpu.async_copy(bias_cat.at[iu], ub_rows.at[buf], sem),
            pltpu.async_copy(bias_cat.at[idx_ib.at[pl.ds(c * C, C)]],
                             ib_rows.at[buf], sem),
        ]

    pend = {c0: start(c0) for c0 in range(NBUF - 1)}
    dm.wait()
    m_sc = mean_v[...][0]
    for c in range(NCHUNK):
        if c + NBUF - 1 < NCHUNK:
            pend[c + NBUF - 1] = start(c + NBUF - 1)
        for d in pend.pop(c):
            d.wait()
        buf = c % NBUF
        u_b, i_b, ub_b, ib_b = (u_rows.at[buf], i_rows.at[buf],
                                ub_rows.at[buf], ib_rows.at[buf])

        @plsc.parallel_loop(0, C, step=L, carry=jnp.int32(0))
        def group_body(base, carry, u_b=u_b, i_b=i_b, ub_b=ub_b, ib_b=ib_b,
                       c=c):
            rows16 = iota + base
            UNR = 16
            init = [iota] + [jnp.zeros((L,), jnp.float32) for _ in range(8)]

            def dblock(_, carry, u_b=u_b, i_b=i_b, rows16=rows16):
                d, *accs = carry
                for j in range(UNR):
                    pu = plsc.load_gather(u_b, [rows16, d])
                    pi = plsc.load_gather(i_b, [rows16, d])
                    accs[j % 8] = accs[j % 8] + pu * pi
                    d = (d + 1) & (D - 1)
                return [d] + accs

            _, *accs = lax.fori_loop(0, D // UNR, dblock, init)
            s0 = (accs[0] + accs[1]) + (accs[2] + accs[3])
            s1 = (accs[4] + accs[5]) + (accs[6] + accs[7])
            tot = ub_b[pl.ds(base, L)] + ib_b[pl.ds(base, L)] + m_sc
            out_v[pl.ds(c * C + base, L)] = tot + (s0 + s1)
            return carry

    pltpu.sync_copy(out_v, out_ref.at[pl.ds(base_row, BPW)])


@jax.jit
def _sc_call(u_id, i_id, user_emb, bias_cat, item_emb, mean):
    mesh = plsc.VectorSubcoreMesh(core_axis_name="c", subcore_axis_name="s",
                                  num_cores=NC, num_subcores=NS)
    kern = pl.kernel(
        _sc_body,
        out_type=jax.ShapeDtypeStruct((B,), jnp.float32),
        mesh=mesh,
        compiler_params=pltpu.CompilerParams(needs_layout_passes=False),
        scratch_types=[
            pltpu.VMEM((BPW,), jnp.int32),
            pltpu.VMEM((BPW,), jnp.int32),
            pltpu.VMEM((BPW,), jnp.int32),
            pltpu.VMEM((NBUF, C, D), jnp.float32),
            pltpu.VMEM((NBUF, C, D), jnp.float32),
            pltpu.VMEM((NBUF, C), jnp.float32),
            pltpu.VMEM((NBUF, C), jnp.float32),
            pltpu.VMEM((BPW,), jnp.float32),
            pltpu.VMEM((L,), jnp.float32),
            pltpu.SemaphoreType.DMA,
            pltpu.SemaphoreType.DMA,
            pltpu.SemaphoreType.DMA,
            pltpu.SemaphoreType.DMA,
        ],
    )
    return kern(u_id, i_id, user_emb, bias_cat, item_emb, mean)


def kernel(u_id, i_id, user_emb, user_bias, item_emb, item_bias, mean):
    bias_cat = jnp.concatenate([user_bias.reshape(-1),
                                item_bias.reshape(-1)])
    return _sc_call(u_id, i_id, user_emb, bias_cat, item_emb, mean)

# --- scband reference (transcript-rebuilt; emitter-appended) ---
"""Pipeline reference for scband-rd-ips-mf-18116172054753 (READ-ONLY COPY).

The authoritative reference and input builder live on the scoring server;
editing this copy changes nothing except your own understanding.
"""

import jax, jax.numpy as jnp
import numpy as np

B = 16384
NUM_USERS = 100000
NUM_ITEMS = 100000
D = 128


def setup_inputs(seed: int = 0) -> dict:
    key = jax.random.key(seed)
    k1, k2, k3, k4, k5, k6 = jax.random.split(key, 6)
    u_id = jax.random.randint(k1, (B,), 0, NUM_USERS, dtype=jnp.int64 if jax.config.jax_enable_x64 else jnp.int32).astype(jnp.int32)
    i_id = jax.random.randint(k2, (B,), 0, NUM_ITEMS, dtype=jnp.int64 if jax.config.jax_enable_x64 else jnp.int32).astype(jnp.int32)
    user_emb = jax.random.uniform(k3, (NUM_USERS, D), minval=-0.01, maxval=0.01, dtype=jnp.float32)
    user_bias = jax.random.uniform(k4, (NUM_USERS, 1), minval=-0.01, maxval=0.01, dtype=jnp.float32)
    item_emb = jax.random.uniform(k5, (NUM_ITEMS, D), minval=-0.01, maxval=0.01, dtype=jnp.float32)
    item_bias = jax.random.uniform(k6, (NUM_ITEMS, 1), minval=-0.01, maxval=0.01, dtype=jnp.float32)
    mean = jnp.zeros((1,), dtype=jnp.float32)
    return {
        "u_id": u_id,
        "i_id": i_id,
        "user_emb": user_emb,
        "user_bias": user_bias,
        "item_emb": item_emb,
        "item_bias": item_bias,
        "mean": mean,
    }


def reference(u_id, i_id, user_emb, user_bias, item_emb, item_bias, mean):
    # U = self.user_emb(u_id)
    U = jnp.take(user_emb, u_id, axis=0)
    # b_u = self.user_bias(u_id).squeeze()
    b_u = jnp.take(user_bias, u_id, axis=0).squeeze()
    # I = self.item_emb(i_id)
    I = jnp.take(item_emb, i_id, axis=0)
    # b_i = self.item_bias(i_id).squeeze()
    b_i = jnp.take(item_bias, i_id, axis=0).squeeze()
    # (U * I).sum(1) + b_u + b_i + self.mean
    return (U * I).sum(1) + b_u + b_i + mean

if __name__ == "__main__":
    import jax
    _d = setup_inputs()
    print(jax.jit(kernel)(*tuple(_d.values())))

</pallas_src>

<mosaic_0001>
#map = affine_map<(d0, d1) -> (0)>
#map1 = affine_map<(d0, d1) -> (0, 0)>
module attributes {stable_mosaic.version = 14 : i64} {
  func.func @_sc_body(%arg0: i32, %arg1: i32, %arg2: memref<16384xi32, #tpu.memory_space<hbm>>, %arg3: memref<16384xi32, #tpu.memory_space<hbm>>, %arg4: memref<100000x128xf32, #tpu.memory_space<hbm>>, %arg5: memref<200000xf32, #tpu.memory_space<hbm>>, %arg6: memref<100000x128xf32, #tpu.memory_space<hbm>>, %arg7: memref<1xf32, #tpu.memory_space<hbm>>, %arg8: memref<16384xf32, #tpu.memory_space<hbm>>, %arg9: memref<512xi32, #tpu.memory_space<vmem>>, %arg10: memref<512xi32, #tpu.memory_space<vmem>>, %arg11: memref<512xi32, #tpu.memory_space<vmem>>, %arg12: memref<4x64x128xf32, #tpu.memory_space<vmem>>, %arg13: memref<4x64x128xf32, #tpu.memory_space<vmem>>, %arg14: memref<4x64xf32, #tpu.memory_space<vmem>>, %arg15: memref<4x64xf32, #tpu.memory_space<vmem>>, %arg16: memref<512xf32, #tpu.memory_space<vmem>>, %arg17: memref<16xf32, #tpu.memory_space<vmem>>, %arg18: memref<!tpu.dma_semaphore, #tpu.memory_space<semaphore_mem>>, %arg19: memref<!tpu.dma_semaphore, #tpu.memory_space<semaphore_mem>>, %arg20: memref<!tpu.dma_semaphore, #tpu.memory_space<semaphore_mem>>, %arg21: memref<!tpu.dma_semaphore, #tpu.memory_space<semaphore_mem>>) attributes {dimension_semantics = [#tpu.dimension_semantics<core_parallel>, #tpu.dimension_semantics<subcore_parallel>], iteration_bounds = array<i64: 2, 16>, scalar_prefetch = 0 : i64, scratch_operands = 13 : i64, tpu.core_type = #tpu.core_type<sc_vector_subcore>, window_params = [{transform_indices = #map}, {transform_indices = #map}, {transform_indices = #map1}, {transform_indices = #map}, {transform_indices = #map1}, {transform_indices = #map}, {transform_indices = #map}]} {
    %mul3A = arith.constant 2 : i32
    %mul3A_0 = arith.muli %arg1, %mul3A : i32
    %add3A = arith.addi %mul3A_0, %arg0 : i32
    %mul3A_1 = arith.constant 512 : i32
    %mul3A_2 = arith.muli %add3A, %mul3A_1 : i32
    %dma_start3A = tpu.memref_slice %arg2[%mul3A_2] : memref<16384xi32, #tpu.memory_space<hbm>> -> memref<512xi32, #tpu.memory_space<hbm>>
    %dma_start3A_3 = tpu.memref_slice %arg2[%mul3A_2] : memref<16384xi32, #tpu.memory_space<hbm>> -> memref<512xi32, #tpu.memory_space<hbm>>
    tpu.enqueue_dma source(%dma_start3A_3 : memref<512xi32, #tpu.memory_space<hbm>>) target(%arg9 : memref<512xi32, #tpu.memory_space<vmem>>) target_semaphore(%arg18 : memref<!tpu.dma_semaphore, #tpu.memory_space<semaphore_mem>>)
    %dma_start3A_4 = tpu.memref_slice %arg3[%mul3A_2] : memref<16384xi32, #tpu.memory_space<hbm>> -> memref<512xi32, #tpu.memory_space<hbm>>
    %dma_start3A_5 = tpu.memref_slice %arg3[%mul3A_2] : memref<16384xi32, #tpu.memory_space<hbm>> -> memref<512xi32, #tpu.memory_space<hbm>>
    tpu.enqueue_dma source(%dma_start3A_5 : memref<512xi32, #tpu.memory_space<hbm>>) target(%arg10 : memref<512xi32, #tpu.memory_space<vmem>>) target_semaphore(%arg19 : memref<!tpu.dma_semaphore, #tpu.memory_space<semaphore_mem>>)
    %dma_start3A_6 = arith.constant 0 : i32
    %dma_start3A_7 = tpu.memref_slice %arg17[%dma_start3A_6] : memref<16xf32, #tpu.memory_space<vmem>> -> memref<1xf32, #tpu.memory_space<vmem>>
    %dma_start3A_8 = arith.constant 0 : i32
    %dma_start3A_9 = tpu.memref_slice %arg17[%dma_start3A_8] : memref<16xf32, #tpu.memory_space<vmem>> -> memref<1xf32, #tpu.memory_space<vmem>>
    tpu.enqueue_dma source(%arg7 : memref<1xf32, #tpu.memory_space<hbm>>) target(%dma_start3A_9 : memref<1xf32, #tpu.memory_space<vmem>>) target_semaphore(%arg20 : memref<!tpu.dma_semaphore, #tpu.memory_space<semaphore_mem>>)
    %dma_wait3A = tpu.memref_slice %arg2[%mul3A_2] : memref<16384xi32, #tpu.memory_space<hbm>> -> memref<512xi32, #tpu.memory_space<hbm>>
    %dma_wait3A_10 = tpu.memref_slice %arg2[%mul3A_2] : memref<16384xi32, #tpu.memory_space<hbm>> -> memref<512xi32, #tpu.memory_space<hbm>>
    tpu.wait_dma2 semaphore(%arg18 : memref<!tpu.dma_semaphore, #tpu.memory_space<semaphore_mem>>) src(%dma_wait3A_10 : memref<512xi32, #tpu.memory_space<hbm>>) dst(%arg9 : memref<512xi32, #tpu.memory_space<vmem>>)
    %dma_wait3A_11 = tpu.memref_slice %arg3[%mul3A_2] : memref<16384xi32, #tpu.memory_space<hbm>> -> memref<512xi32, #tpu.memory_space<hbm>>
    %dma_wait3A_12 = tpu.memref_slice %arg3[%mul3A_2] : memref<16384xi32, #tpu.memory_space<hbm>> -> memref<512xi32, #tpu.memory_space<hbm>>
    tpu.wait_dma2 semaphore(%arg19 : memref<!tpu.dma_semaphore, #tpu.memory_space<semaphore_mem>>) src(%dma_wait3A_12 : memref<512xi32, #tpu.memory_space<hbm>>) dst(%arg10 : memref<512xi32, #tpu.memory_space<vmem>>)
    %iota3A = tpu.iota {dimensions = array<i32: 0>} : vector<16xi32>
    %scan3A = arith.constant 0 : i32
    %scan3A_13 = arith.constant 0 : i32
    %scan3A_14 = arith.constant 32 : i32
    %scan3A_15 = arith.addi %scan3A_13, %scan3A_14 : i32
    %scan3A_16 = arith.constant 1 : i32
    %scan3A_17 = scf.for %scan3A_671 = %scan3A_13 to %scan3A_15 step %scan3A_16 iter_args(%scan3A_672 = %scan3A) -> (i32)  : i32 {
      %mul3A_673 = arith.constant 16 : i32
      %mul3A_674 = arith.muli %scan3A_671, %mul3A_673 : i32
      %get3A_675 = arith.index_cast %mul3A_674 : i32 to index
      %get3A_676 = tpu.vector_load %arg10[%get3A_675] {strides = array<i32>} : memref<512xi32, #tpu.memory_space<vmem>>, vector<16xi32>,
      %add3A_677 = arith.constant 100000 : i32
      %add3A_678 = vector.broadcast %add3A_677 : i32 to vector<16xi32>
      %add3A_679 = arith.addi %get3A_676, %add3A_678 : vector<16xi32>
      %mul3A_680 = arith.constant 16 : i32
      %mul3A_681 = arith.muli %scan3A_671, %mul3A_680 : i32
      %swap3A = arith.index_cast %mul3A_681 : i32 to index
      %swap3A_682 = tpu.vector_load %arg11[%swap3A] {strides = array<i32>} : memref<512xi32, #tpu.memory_space<vmem>>, vector<16xi32>,
      tpu.vector_store %arg11[%swap3A], %add3A_679 {strides = array<i32>} : memref<512xi32, #tpu.memory_space<vmem>>, vector<16xi32>,
      %scan3A_683 = arith.constant 0 : i32
      scf.yield %scan3A_683 : i32
    }
    %scan3A_18 = arith.constant 32 : i32
    %dma_start3A_19 = arith.constant 0 : i32
    %dma_start3A_20 = arith.constant 0 : i32
    %dma_start3A_21 = arith.constant 0 : i32
    %dma_start3A_22 = tpu.memref_slice %arg12[%dma_start3A_19, %dma_start3A_20, %dma_start3A_21] : memref<4x64x128xf32, #tpu.memory_space<vmem>> -> memref<1x64x128xf32, #tpu.memory_space<vmem>>
    %dma_start3A_23 = tpu.memref_squeeze %dma_start3A_22 : memref<1x64x128xf32, #tpu.memory_space<vmem>> -> memref<64x128xf32, #tpu.memory_space<vmem>>
    %dma_start3A_24 = arith.constant 0 : i32
    %dma_start3A_25 = tpu.memref_slice %arg9[%dma_start3A_24] : memref<512xi32, #tpu.memory_space<vmem>> -> memref<64xi32, #tpu.memory_space<vmem>>
    %dma_start3A_26 = arith.constant 0 : i32
    %dma_start3A_27 = arith.constant 0 : i32
    %dma_start3A_28 = tpu.memref_slice %arg4[%dma_start3A_26, %dma_start3A_27] : memref<100000x128xf32, #tpu.memory_space<hbm>> -> memref<100000x128xf32, #tpu.memory_space<hbm>>
    tpu.enqueue_indirect_dma source(%dma_start3A_28 : memref<100000x128xf32, #tpu.memory_space<hbm>>) target(%dma_start3A_23 : memref<64x128xf32, #tpu.memory_space<vmem>>) offsets(%dma_start3A_25 : memref<64xi32, #tpu.memory_space<vmem>>) semaphore(%arg18 : memref<!tpu.dma_semaphore, #tpu.memory_space<semaphore_mem>>)
    %dma_start3A_29 = arith.constant 0 : i32
    %dma_start3A_30 = arith.constant 0 : i32
    %dma_start3A_31 = arith.constant 0 : i32
    %dma_start3A_32 = tpu.memref_slice %arg13[%dma_start3A_29, %dma_start3A_30, %dma_start3A_31] : memref<4x64x128xf32, #tpu.memory_space<vmem>> -> memref<1x64x128xf32, #tpu.memory_space<vmem>>
    %dma_start3A_33 = tpu.memref_squeeze %dma_start3A_32 : memref<1x64x128xf32, #tpu.memory_space<vmem>> -> memref<64x128xf32, #tpu.memory_space<vmem>>
    %dma_start3A_34 = arith.constant 0 : i32
    %dma_start3A_35 = tpu.memref_slice %arg10[%dma_start3A_34] : memref<512xi32, #tpu.memory_space<vmem>> -> memref<64xi32, #tpu.memory_space<vmem>>
    %dma_start3A_36 = arith.constant 0 : i32
    %dma_start3A_37 = arith.constant 0 : i32
    %dma_start3A_38 = tpu.memref_slice %arg6[%dma_start3A_36, %dma_start3A_37] : memref<100000x128xf32, #tpu.memory_space<hbm>> -> memref<100000x128xf32, #tpu.memory_space<hbm>>
    tpu.enqueue_indirect_dma source(%dma_start3A_38 : memref<100000x128xf32, #tpu.memory_space<hbm>>) target(%dma_start3A_33 : memref<64x128xf32, #tpu.memory_space<vmem>>) offsets(%dma_start3A_35 : memref<64xi32, #tpu.memory_space<vmem>>) semaphore(%arg18 : memref<!tpu.dma_semaphore, #tpu.memory_space<semaphore_mem>>)
    %dma_start3A_39 = arith.constant 0 : i32
    %dma_start3A_40 = arith.constant 0 : i32
    %dma_start3A_41 = tpu.memref_slice %arg14[%dma_start3A_39, %dma_start3A_40] : memref<4x64xf32, #tpu.memory_space<vmem>> -> memref<1x64xf32, #tpu.memory_space<vmem>>
    %dma_start3A_42 = tpu.memref_squeeze %dma_start3A_41 : memref<1x64xf32, #tpu.memory_space<vmem>> -> memref<64xf32, #tpu.memory_space<vmem>>
    %dma_start3A_43 = arith.constant 0 : i32
    %dma_start3A_44 = tpu.memref_slice %arg9[%dma_start3A_43] : memref<512xi32, #tpu.memory_space<vmem>> -> memref<64xi32, #tpu.memory_space<vmem>>
    %dma_start3A_45 = arith.constant 0 : i32
    %dma_start3A_46 = tpu.memref_slice %arg5[%dma_start3A_45] : memref<200000xf32, #tpu.memory_space<hbm>> -> memref<200000xf32, #tpu.memory_space<hbm>>
    tpu.enqueue_indirect_dma source(%dma_start3A_46 : memref<200000xf32, #tpu.memory_space<hbm>>) target(%dma_start3A_42 : memref<64xf32, #tpu.memory_space<vmem>>) offsets(%dma_start3A_44 : memref<64xi32, #tpu.memory_space<vmem>>) semaphore(%arg18 : memref<!tpu.dma_semaphore, #tpu.memory_space<semaphore_mem>>)
    %dma_start3A_47 = arith.constant 0 : i32
    %dma_start3A_48 = arith.constant 0 : i32
    %dma_start3A_49 = tpu.memref_slice %arg15[%dma_start3A_47, %dma_start3A_48] : memref<4x64xf32, #tpu.memory_space<vmem>> -> memref<1x64xf32, #tpu.memory_space<vmem>>
    %dma_start3A_50 = tpu.memref_squeeze %dma_start3A_49 : memref<1x64xf32, #tpu.memory_space<vmem>> -> memref<64xf32, #tpu.memory_space<vmem>>
    %dma_start3A_51 = arith.constant 0 : i32
    %dma_start3A_52 = tpu.memref_slice %arg11[%dma_start3A_51] : memref<512xi32, #tpu.memory_space<vmem>> -> memref<64xi32, #tpu.memory_space<vmem>>
    %dma_start3A_53 = arith.constant 0 : i32
    %dma_start3A_54 = tpu.memref_slice %arg5[%dma_start3A_53] : memref<200000xf32, #tpu.memory_space<hbm>> -> memref<200000xf32, #tpu.memory_space<hbm>>
    tpu.enqueue_indirect_dma source(%dma_start3A_54 : memref<200000xf32, #tpu.memory_space<hbm>>) target(%dma_start3A_50 : memref<64xf32, #tpu.memory_space<vmem>>) offsets(%dma_start3A_52 : memref<64xi32, #tpu.memory_space<vmem>>) semaphore(%arg18 : memref<!tpu.dma_semaphore, #tpu.memory_space<semaphore_mem>>)
    %dma_start3A_55 = arith.constant 1 : i32
    %dma_start3A_56 = arith.constant 0 : i32
    %dma_start3A_57 = arith.constant 0 : i32
    %dma_start3A_58 = tpu.memref_slice %arg12[%dma_start3A_55, %dma_start3A_56, %dma_start3A_57] : memref<4x64x128xf32, #tpu.memory_space<vmem>> -> memref<1x64x128xf32, #tpu.memory_space<vmem>>
    %dma_start3A_59 = tpu.memref_squeeze %dma_start3A_58 : memref<1x64x128xf32, #tpu.memory_space<vmem>> -> memref<64x128xf32, #tpu.memory_space<vmem>>
    %dma_start3A_60 = arith.constant 64 : i32
    %dma_start3A_61 = tpu.memref_slice %arg9[%dma_start3A_60] : memref<512xi32, #tpu.memory_space<vmem>> -> memref<64xi32, #tpu.memory_space<vmem>>
    %dma_start3A_62 = arith.constant 0 : i32
    %dma_start3A_63 = arith.constant 0 : i32
    %dma_start3A_64 = tpu.memref_slice %arg4[%dma_start3A_62, %dma_start3A_63] : memref<100000x128xf32, #tpu.memory_space<hbm>> -> memref<100000x128xf32, #tpu.memory_space<hbm>>
    tpu.enqueue_indirect_dma source(%dma_start3A_64 : memref<100000x128xf32, #tpu.memory_space<hbm>>) target(%dma_start3A_59 : memref<64x128xf32, #tpu.memory_space<vmem>>) offsets(%dma_start3A_61 : memref<64xi32, #tpu.memory_space<vmem>>) semaphore(%arg19 : memref<!tpu.dma_semaphore, #tpu.memory_space<semaphore_mem>>)
    %dma_start3A_65 = arith.constant 1 : i32
    %dma_start3A_66 = arith.constant 0 : i32
    %dma_start3A_67 = arith.constant 0 : i32
    %dma_start3A_68 = tpu.memref_slice %arg13[%dma_start3A_65, %dma_start3A_66, %dma_start3A_67] : memref<4x64x128xf32, #tpu.memory_space<vmem>> -> memref<1x64x128xf32, #tpu.memory_space<vmem>>
    %dma_start3A_69 = tpu.memref_squeeze %dma_start3A_68 : memref<1x64x128xf32, #tpu.memory_space<vmem>> -> memref<64x128xf32, #tpu.memory_space<vmem>>
    %dma_start3A_70 = arith.constant 64 : i32
    %dma_start3A_71 = tpu.memref_slice %arg10[%dma_start3A_70] : memref<512xi32, #tpu.memory_space<vmem>> -> memref<64xi32, #tpu.memory_space<vmem>>
    %dma_start3A_72 = arith.constant 0 : i32
    %dma_start3A_73 = arith.constant 0 : i32
    %dma_start3A_74 = tpu.memref_slice %arg6[%dma_start3A_72, %dma_start3A_73] : memref<100000x128xf32, #tpu.memory_space<hbm>> -> memref<100000x128xf32, #tpu.memory_space<hbm>>
    tpu.enqueue_indirect_dma source(%dma_start3A_74 : memref<100000x128xf32, #tpu.memory_space<hbm>>) target(%dma_start3A_69 : memref<64x128xf32, #tpu.memory_space<vmem>>) offsets(%dma_start3A_71 : memref<64xi32, #tpu.memory_space<vmem>>) semaphore(%arg19 : memref<!tpu.dma_semaphore, #tpu.memory_space<semaphore_mem>>)
    %dma_start3A_75 = arith.constant 1 : i32
    %dma_start3A_76 = arith.constant 0 : i32
    %dma_start3A_77 = tpu.memref_slice %arg14[%dma_start3A_75, %dma_start3A_76] : memref<4x64xf32, #tpu.memory_space<vmem>> -> memref<1x64xf32, #tpu.memory_space<vmem>>
    %dma_start3A_78 = tpu.memref_squeeze %dma_start3A_77 : memref<1x64xf32, #tpu.memory_space<vmem>> -> memref<64xf32, #tpu.memory_space<vmem>>
    %dma_start3A_79 = arith.constant 64 : i32
    %dma_start3A_80 = tpu.memref_slice %arg9[%dma_start3A_79] : memref<512xi32, #tpu.memory_space<vmem>> -> memref<64xi32, #tpu.memory_space<vmem>>
    %dma_start3A_81 = arith.constant 0 : i32
    %dma_start3A_82 = tpu.memref_slice %arg5[%dma_start3A_81] : memref<200000xf32, #tpu.memory_space<hbm>> -> memref<200000xf32, #tpu.memory_space<hbm>>
    tpu.enqueue_indirect_dma source(%dma_start3A_82 : memref<200000xf32, #tpu.memory_space<hbm>>) target(%dma_start3A_78 : memref<64xf32, #tpu.memory_space<vmem>>) offsets(%dma_start3A_80 : memref<64xi32, #tpu.memory_space<vmem>>) semaphore(%arg19 : memref<!tpu.dma_semaphore, #tpu.memory_space<semaphore_mem>>)
    %dma_start3A_83 = arith.constant 1 : i32
    %dma_start3A_84 = arith.constant 0 : i32
    %dma_start3A_85 = tpu.memref_slice %arg15[%dma_start3A_83, %dma_start3A_84] : memref<4x64xf32, #tpu.memory_space<vmem>> -> memref<1x64xf32, #tpu.memory_space<vmem>>
    %dma_start3A_86 = tpu.memref_squeeze %dma_start3A_85 : memref<1x64xf32, #tpu.memory_space<vmem>> -> memref<64xf32, #tpu.memory_space<vmem>>
    %dma_start3A_87 = arith.constant 64 : i32
    %dma_start3A_88 = tpu.memref_slice %arg11[%dma_start3A_87] : memref<512xi32, #tpu.memory_space<vmem>> -> memref<64xi32, #tpu.memory_space<vmem>>
    %dma_start3A_89 = arith.constant 0 : i32
    %dma_start3A_90 = tpu.memref_slice %arg5[%dma_start3A_89] : memref<200000xf32, #tpu.memory_space<hbm>> -> memref<200000xf32, #tpu.memory_space<hbm>>
    tpu.enqueue_indirect_dma source(%dma_start3A_90 : memref<200000xf32, #tpu.memory_space<hbm>>) target(%dma_start3A_86 : memref<64xf32, #tpu.memory_space<vmem>>) offsets(%dma_start3A_88 : memref<64xi32, #tpu.memory_space<vmem>>) semaphore(%arg19 : memref<!tpu.dma_semaphore, #tpu.memory_space<semaphore_mem>>)
    %dma_start3A_91 = arith.constant 2 : i32
    %dma_start3A_92 = arith.constant 0 : i32
    %dma_start3A_93 = arith.constant 0 : i32
    %dma_start3A_94 = tpu.memref_slice %arg12[%dma_start3A_91, %dma_start3A_92, %dma_start3A_93] : memref<4x64x128xf32, #tpu.memory_space<vmem>> -> memref<1x64x128xf32, #tpu.memory_space<vmem>>
    %dma_start3A_95 = tpu.memref_squeeze %dma_start3A_94 : memref<1x64x128xf32, #tpu.memory_space<vmem>> -> memref<64x128xf32, #tpu.memory_space<vmem>>
    %dma_start3A_96 = arith.constant 128 : i32
    %dma_start3A_97 = tpu.memref_slice %arg9[%dma_start3A_96] : memref<512xi32, #tpu.memory_space<vmem>> -> memref<64xi32, #tpu.memory_space<vmem>>
    %dma_start3A_98 = arith.constant 0 : i32
    %dma_start3A_99 = arith.constant 0 : i32
    %dma_start3A_100 = tpu.memref_slice %arg4[%dma_start3A_98, %dma_start3A_99] : memref<100000x128xf32, #tpu.memory_space<hbm>> -> memref<100000x128xf32, #tpu.memory_space<hbm>>
    tpu.enqueue_indirect_dma source(%dma_start3A_100 : memref<100000x128xf32, #tpu.memory_space<hbm>>) target(%dma_start3A_95 : memref<64x128xf32, #tpu.memory_space<vmem>>) offsets(%dma_start3A_97 : memref<64xi32, #tpu.memory_space<vmem>>) semaphore(%arg20 : memref<!tpu.dma_semaphore, #tpu.memory_space<semaphore_mem>>)
    %dma_start3A_101 = arith.constant 2 : i32
    %dma_start3A_102 = arith.constant 0 : i32
    %dma_start3A_103 = arith.constant 0 : i32
    %dma_start3A_104 = tpu.memref_slice %arg13[%dma_start3A_101, %dma_start3A_102, %dma_start3A_103] : memref<4x64x128xf32, #tpu.memory_space<vmem>> -> memref<1x64x128xf32, #tpu.memory_space<vmem>>
    %dma_start3A_105 = tpu.memref_squeeze %dma_start3A_104 : memref<1x64x128xf32, #tpu.memory_space<vmem>> -> memref<64x128xf32, #tpu.memory_space<vmem>>
    %dma_start3A_106 = arith.constant 128 : i32
    %dma_start3A_107 = tpu.memref_slice %arg10[%dma_start3A_106] : memref<512xi32, #tpu.memory_space<vmem>> -> memref<64xi32, #tpu.memory_space<vmem>>
    %dma_start3A_108 = arith.constant 0 : i32
    %dma_start3A_109 = arith.constant 0 : i32
    %dma_start3A_110 = tpu.memref_slice %arg6[%dma_start3A_108, %dma_start3A_109] : memref<100000x128xf32, #tpu.memory_space<hbm>> -> memref<100000x128xf32, #tpu.memory_space<hbm>>
    tpu.enqueue_indirect_dma source(%dma_start3A_110 : memref<100000x128xf32, #tpu.memory_space<hbm>>) target(%dma_start3A_105 : memref<64x128xf32, #tpu.memory_space<vmem>>) offsets(%dma_start3A_107 : memref<64xi32, #tpu.memory_space<vmem>>) semaphore(%arg20 : memref<!tpu.dma_semaphore, #tpu.memory_space<semaphore_mem>>)
    %dma_start3A_111 = arith.constant 2 : i32
    %dma_start3A_112 = arith.constant 0 : i32
    %dma_start3A_113 = tpu.memref_slice %arg14[%dma_start3A_111, %dma_start3A_112] : memref<4x64xf32, #tpu.memory_space<vmem>> -> memref<1x64xf32, #tpu.memory_space<vmem>>
    %dma_start3A_114 = tpu.memref_squeeze %dma_start3A_113 : memref<1x64xf32, #tpu.memory_space<vmem>> -> memref<64xf32, #tpu.memory_space<vmem>>
    %dma_start3A_115 = arith.constant 128 : i32
    %dma_start3A_116 = tpu.memref_slice %arg9[%dma_start3A_115] : memref<512xi32, #tpu.memory_space<vmem>> -> memref<64xi32, #tpu.memory_space<vmem>>
    %dma_start3A_117 = arith.constant 0 : i32
    %dma_start3A_118 = tpu.memref_slice %arg5[%dma_start3A_117] : memref<200000xf32, #tpu.memory_space<hbm>> -> memref<200000xf32, #tpu.memory_space<hbm>>
    tpu.enqueue_indirect_dma source(%dma_start3A_118 : memref<200000xf32, #tpu.memory_space<hbm>>) target(%dma_start3A_114 : memref<64xf32, #tpu.memory_space<vmem>>) offsets(%dma_start3A_116 : memref<64xi32, #tpu.memory_space<vmem>>) semaphore(%arg20 : memref<!tpu.dma_semaphore, #tpu.memory_space<semaphore_mem>>)
    %dma_start3A_119 = arith.constant 2 : i32
    %dma_start3A_120 = arith.constant 0 : i32
    %dma_start3A_121 = tpu.memref_slice %arg15[%dma_start3A_119, %dma_start3A_120] : memref<4x64xf32, #tpu.memory_space<vmem>> -> memref<1x64xf32, #tpu.memory_space<vmem>>
    %dma_start3A_122 = tpu.memref_squeeze %dma_start3A_121 : memref<1x64xf32, #tpu.memory_space<vmem>> -> memref<64xf32, #tpu.memory_space<vmem>>
    %dma_start3A_123 = arith.constant 128 : i32
    %dma_start3A_124 = tpu.memref_slice %arg11[%dma_start3A_123] : memref<512xi32, #tpu.memory_space<vmem>> -> memref<64xi32, #tpu.memory_space<vmem>>
    %dma_start3A_125 = arith.constant 0 : i32
    %dma_start3A_126 = tpu.memref_slice %arg5[%dma_start3A_125] : memref<200000xf32, #tpu.memory_space<hbm>> -> memref<200000xf32, #tpu.memory_space<hbm>>
    tpu.enqueue_indirect_dma source(%dma_start3A_126 : memref<200000xf32, #tpu.memory_space<hbm>>) target(%dma_start3A_122 : memref<64xf32, #tpu.memory_space<vmem>>) offsets(%dma_start3A_124 : memref<64xi32, #tpu.memory_space<vmem>>) semaphore(%arg20 : memref<!tpu.dma_semaphore, #tpu.memory_space<semaphore_mem>>)
    %dma_wait3A_127 = arith.constant 0 : i32
    %dma_wait3A_128 = tpu.memref_slice %arg17[%dma_wait3A_127] : memref<16xf32, #tpu.memory_space<vmem>> -> memref<1xf32, #tpu.memory_space<vmem>>
    %dma_wait3A_129 = arith.constant 0 : i32
    %dma_wait3A_130 = tpu.memref_slice %arg17[%dma_wait3A_129] : memref<16xf32, #tpu.memory_space<vmem>> -> memref<1xf32, #tpu.memory_space<vmem>>
    tpu.wait_dma2 semaphore(%arg20 : memref<!tpu.dma_semaphore, #tpu.memory_space<semaphore_mem>>) src(%arg7 : memref<1xf32, #tpu.memory_space<hbm>>) dst(%dma_wait3A_130 : memref<1xf32, #tpu.memory_space<vmem>>)
    %get3A = arith.constant 0 : index
    %get3A_131 = tpu.vector_load %arg17[%get3A] {strides = array<i32>} : memref<16xf32, #tpu.memory_space<vmem>>, vector<16xf32>,
    %slice3A = vector.extract_strided_slice %get3A_131 {offsets = [0], sizes = [1], strides = [1]} : vector<16xf32> to vector<1xf32>
    %squeeze3A = vector.extract %slice3A[0] : f32 from vector<1xf32>
    %dma_start3A_132 = arith.constant 3 : i32
    %dma_start3A_133 = arith.constant 0 : i32
    %dma_start3A_134 = arith.constant 0 : i32
    %dma_start3A_135 = tpu.memref_slice %arg12[%dma_start3A_132, %dma_start3A_133, %dma_start3A_134] : memref<4x64x128xf32, #tpu.memory_space<vmem>> -> memref<1x64x128xf32, #tpu.memory_space<vmem>>
    %dma_start3A_136 = tpu.memref_squeeze %dma_start3A_135 : memref<1x64x128xf32, #tpu.memory_space<vmem>> -> memref<64x128xf32, #tpu.memory_space<vmem>>
    %dma_start3A_137 = arith.constant 192 : i32
    %dma_start3A_138 = tpu.memref_slice %arg9[%dma_start3A_137] : memref<512xi32, #tpu.memory_space<vmem>> -> memref<64xi32, #tpu.memory_space<vmem>>
    %dma_start3A_139 = arith.constant 0 : i32
    %dma_start3A_140 = arith.constant 0 : i32
    %dma_start3A_141 = tpu.memref_slice %arg4[%dma_start3A_139, %dma_start3A_140] : memref<100000x128xf32, #tpu.memory_space<hbm>> -> memref<100000x128xf32, #tpu.memory_space<hbm>>
    tpu.enqueue_indirect_dma source(%dma_start3A_141 : memref<100000x128xf32, #tpu.memory_space<hbm>>) target(%dma_start3A_136 : memref<64x128xf32, #tpu.memory_space<vmem>>) offsets(%dma_start3A_138 : memref<64xi32, #tpu.memory_space<vmem>>) semaphore(%arg21 : memref<!tpu.dma_semaphore, #tpu.memory_space<semaphore_mem>>)
    %dma_start3A_142 = arith.constant 3 : i32
    %dma_start3A_143 = arith.constant 0 : i32
    %dma_start3A_144 = arith.constant 0 : i32
    %dma_start3A_145 = tpu.memref_slice %arg13[%dma_start3A_142, %dma_start3A_143, %dma_start3A_144] : memref<4x64x128xf32, #tpu.memory_space<vmem>> -> memref<1x64x128xf32, #tpu.memory_space<vmem>>
    %dma_start3A_146 = tpu.memref_squeeze %dma_start3A_145 : memref<1x64x128xf32, #tpu.memory_space<vmem>> -> memref<64x128xf32, #tpu.memory_space<vmem>>
    %dma_start3A_147 = arith.constant 192 : i32
    %dma_start3A_148 = tpu.memref_slice %arg10[%dma_start3A_147] : memref<512xi32, #tpu.memory_space<vmem>> -> memref<64xi32, #tpu.memory_space<vmem>>
    %dma_start3A_149 = arith.constant 0 : i32
    %dma_start3A_150 = arith.constant 0 : i32
    %dma_start3A_151 = tpu.memref_slice %arg6[%dma_start3A_149, %dma_start3A_150] : memref<100000x128xf32, #tpu.memory_space<hbm>> -> memref<100000x128xf32, #tpu.memory_space<hbm>>
    tpu.enqueue_indirect_dma source(%dma_start3A_151 : memref<100000x128xf32, #tpu.memory_space<hbm>>) target(%dma_start3A_146 : memref<64x128xf32, #tpu.memory_space<vmem>>) offsets(%dma_start3A_148 : memref<64xi32, #tpu.memory_space<vmem>>) semaphore(%arg21 : memref<!tpu.dma_semaphore, #tpu.memory_space<semaphore_mem>>)
    %dma_start3A_152 = arith.constant 3 : i32
    %dma_start3A_153 = arith.constant 0 : i32
    %dma_start3A_154 = tpu.memref_slice %arg14[%dma_start3A_152, %dma_start3A_153] : memref<4x64xf32, #tpu.memory_space<vmem>> -> memref<1x64xf32, #tpu.memory_space<vmem>>
    %dma_start3A_155 = tpu.memref_squeeze %dma_start3A_154 : memref<1x64xf32, #tpu.memory_space<vmem>> -> memref<64xf32, #tpu.memory_space<vmem>>
    %dma_start3A_156 = arith.constant 192 : i32
    %dma_start3A_157 = tpu.memref_slice %arg9[%dma_start3A_156] : memref<512xi32, #tpu.memory_space<vmem>> -> memref<64xi32, #tpu.memory_space<vmem>>
    %dma_start3A_158 = arith.constant 0 : i32
    %dma_start3A_159 = tpu.memref_slice %arg5[%dma_start3A_158] : memref<200000xf32, #tpu.memory_space<hbm>> -> memref<200000xf32, #tpu.memory_space<hbm>>
    tpu.enqueue_indirect_dma source(%dma_start3A_159 : memref<200000xf32, #tpu.memory_space<hbm>>) target(%dma_start3A_155 : memref<64xf32, #tpu.memory_space<vmem>>) offsets(%dma_start3A_157 : memref<64xi32, #tpu.memory_space<vmem>>) semaphore(%arg21 : memref<!tpu.dma_semaphore, #tpu.memory_space<semaphore_mem>>)
    %dma_start3A_160 = arith.constant 3 : i32
    %dma_start3A_161 = arith.constant 0 : i32
    %dma_start3A_162 = tpu.memref_slice %arg15[%dma_start3A_160, %dma_start3A_161] : memref<4x64xf32, #tpu.memory_space<vmem>> -> memref<1x64xf32, #tpu.memory_space<vmem>>
    %dma_start3A_163 = tpu.memref_squeeze %dma_start3A_162 : memref<1x64xf32, #tpu.memory_space<vmem>> -> memref<64xf32, #tpu.memory_space<vmem>>
    %dma_start3A_164 = arith.constant 192 : i32
    %dma_start3A_165 = tpu.memref_slice %arg11[%dma_start3A_164] : memref<512xi32, #tpu.memory_space<vmem>> -> memref<64xi32, #tpu.memory_space<vmem>>
    %dma_start3A_166 = arith.constant 0 : i32
    %dma_start3A_167 = tpu.memref_slice %arg5[%dma_start3A_166] : memref<200000xf32, #tpu.memory_space<hbm>> -> memref<200000xf32, #tpu.memory_space<hbm>>
    tpu.enqueue_indirect_dma source(%dma_start3A_167 : memref<200000xf32, #tpu.memory_space<hbm>>) target(%dma_start3A_163 : memref<64xf32, #tpu.memory_space<vmem>>) offsets(%dma_start3A_165 : memref<64xi32, #tpu.memory_space<vmem>>) semaphore(%arg21 : memref<!tpu.dma_semaphore, #tpu.memory_space<semaphore_mem>>)
    %dma_wait3A_168 = arith.constant 0 : i32
    %dma_wait3A_169 = arith.constant 0 : i32
    %dma_wait3A_170 = arith.constant 0 : i32
    %dma_wait3A_171 = tpu.memref_slice %arg12[%dma_wait3A_168, %dma_wait3A_169, %dma_wait3A_170] : memref<4x64x128xf32, #tpu.memory_space<vmem>> -> memref<1x64x128xf32, #tpu.memory_space<vmem>>
    %dma_wait3A_172 = tpu.memref_squeeze %dma_wait3A_171 : memref<1x64x128xf32, #tpu.memory_space<vmem>> -> memref<64x128xf32, #tpu.memory_space<vmem>>
    %dma_wait3A_173 = arith.constant 0 : i32
    %dma_wait3A_174 = tpu.memref_slice %arg9[%dma_wait3A_173] : memref<512xi32, #tpu.memory_space<vmem>> -> memref<64xi32, #tpu.memory_space<vmem>>
    %dma_wait3A_175 = arith.constant 0 : i32
    %dma_wait3A_176 = arith.constant 0 : i32
    %dma_wait3A_177 = tpu.memref_slice %arg4[%dma_wait3A_175, %dma_wait3A_176] : memref<100000x128xf32, #tpu.memory_space<hbm>> -> memref<100000x128xf32, #tpu.memory_space<hbm>>
    tpu.wait_indirect_dma semaphore(%arg18 : memref<!tpu.dma_semaphore, #tpu.memory_space<semaphore_mem>>) src(%dma_wait3A_177 : memref<100000x128xf32, #tpu.memory_space<hbm>>) dst(%dma_wait3A_172 : memref<64x128xf32, #tpu.memory_space<vmem>>)
    %dma_wait3A_178 = arith.constant 0 : i32
    %dma_wait3A_179 = arith.constant 0 : i32
    %dma_wait3A_180 = arith.constant 0 : i32
    %dma_wait3A_181 = tpu.memref_slice %arg13[%dma_wait3A_178, %dma_wait3A_179, %dma_wait3A_180] : memref<4x64x128xf32, #tpu.memory_space<vmem>> -> memref<1x64x128xf32, #tpu.memory_space<vmem>>
    %dma_wait3A_182 = tpu.memref_squeeze %dma_wait3A_181 : memref<1x64x128xf32, #tpu.memory_space<vmem>> -> memref<64x128xf32, #tpu.memory_space<vmem>>
    %dma_wait3A_183 = arith.constant 0 : i32
    %dma_wait3A_184 = tpu.memref_slice %arg10[%dma_wait3A_183] : memref<512xi32, #tpu.memory_space<vmem>> -> memref<64xi32, #tpu.memory_space<vmem>>
    %dma_wait3A_185 = arith.constant 0 : i32
    %dma_wait3A_186 = arith.constant 0 : i32
    %dma_wait3A_187 = tpu.memref_slice %arg6[%dma_wait3A_185, %dma_wait3A_186] : memref<100000x128xf32, #tpu.memory_space<hbm>> -> memref<100000x128xf32, #tpu.memory_space<hbm>>
    tpu.wait_indirect_dma semaphore(%arg18 : memref<!tpu.dma_semaphore, #tpu.memory_space<semaphore_mem>>) src(%dma_wait3A_187 : memref<100000x128xf32, #tpu.memory_space<hbm>>) dst(%dma_wait3A_182 : memref<64x128xf32, #tpu.memory_space<vmem>>)
    %dma_wait3A_188 = arith.constant 0 : i32
    %dma_wait3A_189 = arith.constant 0 : i32
    %dma_wait3A_190 = tpu.memref_slice %arg14[%dma_wait3A_188, %dma_wait3A_189] : memref<4x64xf32, #tpu.memory_space<vmem>> -> memref<1x64xf32, #tpu.memory_space<vmem>>
    %dma_wait3A_191 = tpu.memref_squeeze %dma_wait3A_190 : memref<1x64xf32, #tpu.memory_space<vmem>> -> memref<64xf32, #tpu.memory_space<vmem>>
    %dma_wait3A_192 = arith.constant 0 : i32
    %dma_wait3A_193 = tpu.memref_slice %arg9[%dma_wait3A_192] : memref<512xi32, #tpu.memory_space<vmem>> -> memref<64xi32, #tpu.memory_space<vmem>>
    %dma_wait3A_194 = arith.constant 0 : i32
    %dma_wait3A_195 = tpu.memref_slice %arg5[%dma_wait3A_194] : memref<200000xf32, #tpu.memory_space<hbm>> -> memref<200000xf32, #tpu.memory_space<hbm>>
    tpu.wait_indirect_dma semaphore(%arg18 : memref<!tpu.dma_semaphore, #tpu.memory_space<semaphore_mem>>) src(%dma_wait3A_195 : memref<200000xf32, #tpu.memory_space<hbm>>) dst(%dma_wait3A_191 : memref<64xf32, #tpu.memory_space<vmem>>)
    %dma_wait3A_196 = arith.constant 0 : i32
    %dma_wait3A_197 = arith.constant 0 : i32
    %dma_wait3A_198 = tpu.memref_slice %arg15[%dma_wait3A_196, %dma_wait3A_197] : memref<4x64xf32, #tpu.memory_space<vmem>> -> memref<1x64xf32, #tpu.memory_space<vmem>>
    %dma_wait3A_199 = tpu.memref_squeeze %dma_wait3A_198 : memref<1x64xf32, #tpu.memory_space<vmem>> -> memref<64xf32, #tpu.memory_space<vmem>>
    %dma_wait3A_200 = arith.constant 0 : i32
    %dma_wait3A_201 = tpu.memref_slice %arg11[%dma_wait3A_200] : memref<512xi32, #tpu.memory_space<vmem>> -> memref<64xi32, #tpu.memory_space<vmem>>
    %dma_wait3A_202 = arith.constant 0 : i32
    %dma_wait3A_203 = tpu.memref_slice %arg5[%dma_wait3A_202] : memref<200000xf32, #tpu.memory_space<hbm>> -> memref<200000xf32, #tpu.memory_space<hbm>>
    tpu.wait_indirect_dma semaphore(%arg18 : memref<!tpu.dma_semaphore, #tpu.memory_space<semaphore_mem>>) src(%dma_wait3A_203 : memref<200000xf32, #tpu.memory_space<hbm>>) dst(%dma_wait3A_199 : memref<64xf32, #tpu.memory_space<vmem>>)
    %parallel_loop3A = arith.constant 0 : i32
    %parallel_loop3A_204 = arith.constant 64 : i32
    %parallel_loop3A_205 = arith.constant 16 : i32
    %parallel_loop3A_206 = arith.constant 0 : i32
    %parallel_loop3A_207 = arith.constant 0 : i32
    %parallel_loop3A_208 = arith.constant 0 : i32
    %parallel_loop3A_209 = arith.constant 0 : i32
    %parallel_loop3A_210 = arith.constant 0 : i32
    %parallel_loop3A_211 = scf.for %parallel_loop3A_671 = %parallel_loop3A to %parallel_loop3A_204 step %parallel_loop3A_205 iter_args(%parallel_loop3A_672 = %parallel_loop3A_210) -> (i32)  : i32 {
      %parallel_loop3A_673 = vector.broadcast %parallel_loop3A_671 : i32 to vector<16xi32>
      %parallel_loop3A_674 = arith.addi %iota3A, %parallel_loop3A_673 : vector<16xi32>
      %parallel_loop3A_675 = arith.constant 0.000000e+00 : f32
      %parallel_loop3A_676 = vector.broadcast %parallel_loop3A_675 : f32 to vector<16xf32>
      %parallel_loop3A_677 = arith.constant 0.000000e+00 : f32
      %parallel_loop3A_678 = vector.broadcast %parallel_loop3A_677 : f32 to vector<16xf32>
      %parallel_loop3A_679 = arith.constant 0.000000e+00 : f32
      %parallel_loop3A_680 = vector.broadcast %parallel_loop3A_679 : f32 to vector<16xf32>
      %parallel_loop3A_681 = arith.constant 0.000000e+00 : f32
      %parallel_loop3A_682 = vector.broadcast %parallel_loop3A_681 : f32 to vector<16xf32>
      %parallel_loop3A_683 = arith.constant 0.000000e+00 : f32
      %parallel_loop3A_684 = vector.broadcast %parallel_loop3A_683 : f32 to vector<16xf32>
      %parallel_loop3A_685 = arith.constant 0.000000e+00 : f32
      %parallel_loop3A_686 = vector.broadcast %parallel_loop3A_685 : f32 to vector<16xf32>
      %parallel_loop3A_687 = arith.constant 0.000000e+00 : f32
      %parallel_loop3A_688 = vector.broadcast %parallel_loop3A_687 : f32 to vector<16xf32>
      %parallel_loop3A_689 = arith.constant 0.000000e+00 : f32
      %parallel_loop3A_690 = vector.broadcast %parallel_loop3A_689 : f32 to vector<16xf32>
      %parallel_loop3A_691 = arith.constant 0 : i32
      %parallel_loop3A_692 = arith.constant 8 : i32
      %parallel_loop3A_693 = arith.addi %parallel_loop3A_691, %parallel_loop3A_692 : i32
      %parallel_loop3A_694 = arith.constant 1 : i32
      %parallel_loop3A_695:9 = scf.for %scan3A_722 = %parallel_loop3A_691 to %parallel_loop3A_693 step %parallel_loop3A_694 iter_args(%scan3A_723 = %iota3A, %scan3A_724 = %parallel_loop3A_676, %scan3A_725 = %parallel_loop3A_678, %scan3A_726 = %parallel_loop3A_680, %scan3A_727 = %parallel_loop3A_682, %scan3A_728 = %parallel_loop3A_684, %scan3A_729 = %parallel_loop3A_686, %scan3A_730 = %parallel_loop3A_688, %scan3A_731 = %parallel_loop3A_690) -> (vector<16xi32>, vector<16xf32>, vector<16xf32>, vector<16xf32>, vector<16xf32>, vector<16xf32>, vector<16xf32>, vector<16xf32>, vector<16xf32>)  : i32 {
        %parallel_loop3A_732 = arith.constant 0 : i32
        %parallel_loop3A_733 = arith.constant 0 : i32
        %parallel_loop3A_734 = tpu.memref_slice %arg12[%parallel_loop3A_206, %parallel_loop3A_732, %parallel_loop3A_733] : memref<4x64x128xf32, #tpu.memory_space<vmem>> -> memref<1x64x128xf32, #tpu.memory_space<vmem>>
        %parallel_loop3A_735 = tpu.memref_squeeze %parallel_loop3A_734 : memref<1x64x128xf32, #tpu.memory_space<vmem>> -> memref<64x128xf32, #tpu.memory_space<vmem>>
        %parallel_loop3A_736 = tpu.vector_load_idx %parallel_loop3A_735[%parallel_loop3A_674, %scan3A_723] : memref<64x128xf32, #tpu.memory_space<vmem>>[vector<16xi32>, vector<16xi32>], vector<16xf32>,
        %parallel_loop3A_737 = arith.constant 0 : i32
        %parallel_loop3A_738 = arith.constant 0 : i32
        %parallel_loop3A_739 = tpu.memref_slice %arg13[%parallel_loop3A_207, %parallel_loop3A_737, %parallel_loop3A_738] : memref<4x64x128xf32, #tpu.memory_space<vmem>> -> memref<1x64x128xf32, #tpu.memory_space<vmem>>
        %parallel_loop3A_740 = tpu.memref_squeeze %parallel_loop3A_739 : memref<1x64x128xf32, #tpu.memory_space<vmem>> -> memref<64x128xf32, #tpu.memory_space<vmem>>
        %parallel_loop3A_741 = tpu.vector_load_idx %parallel_loop3A_740[%parallel_loop3A_674, %scan3A_723] : memref<64x128xf32, #tpu.memory_space<vmem>>[vector<16xi32>, vector<16xi32>], vector<16xf32>,
        %parallel_loop3A_742 = arith.mulf %parallel_loop3A_736, %parallel_loop3A_741 : vector<16xf32>
        %parallel_loop3A_743 = arith.addf %scan3A_724, %parallel_loop3A_742 : vector<16xf32>
        %parallel_loop3A_744 = arith.constant 1 : i32
        %parallel_loop3A_745 = vector.broadcast %parallel_loop3A_744 : i32 to vector<16xi32>
        %parallel_loop3A_746 = arith.addi %scan3A_723, %parallel_loop3A_745 : vector<16xi32>
        %parallel_loop3A_747 = arith.constant 127 : i32
        %parallel_loop3A_748 = vector.broadcast %parallel_loop3A_747 : i32 to vector<16xi32>
        %parallel_loop3A_749 = arith.andi %parallel_loop3A_746, %parallel_loop3A_748 : vector<16xi32>
        %parallel_loop3A_750 = arith.constant 0 : i32
        %parallel_loop3A_751 = arith.constant 0 : i32
        %parallel_loop3A_752 = tpu.memref_slice %arg12[%parallel_loop3A_206, %parallel_loop3A_750, %parallel_loop3A_751] : memref<4x64x128xf32, #tpu.memory_space<vmem>> -> memref<1x64x128xf32, #tpu.memory_space<vmem>>
        %parallel_loop3A_753 = tpu.memref_squeeze %parallel_loop3A_752 : memref<1x64x128xf32, #tpu.memory_space<vmem>> -> memref<64x128xf32, #tpu.memory_space<vmem>>
        %parallel_loop3A_754 = tpu.vector_load_idx %parallel_loop3A_753[%parallel_loop3A_674, %parallel_loop3A_749] : memref<64x128xf32, #tpu.memory_space<vmem>>[vector<16xi32>, vector<16xi32>], vector<16xf32>,
        %parallel_loop3A_755 = arith.constant 0 : i32
        %parallel_loop3A_756 = arith.constant 0 : i32
        %parallel_loop3A_757 = tpu.memref_slice %arg13[%parallel_loop3A_207, %parallel_loop3A_755, %parallel_loop3A_756] : memref<4x64x128xf32, #tpu.memory_space<vmem>> -> memref<1x64x128xf32, #tpu.memory_space<vmem>>
        %parallel_loop3A_758 = tpu.memref_squeeze %parallel_loop3A_757 : memref<1x64x128xf32, #tpu.memory_space<vmem>> -> memref<64x128xf32, #tpu.memory_space<vmem>>
        %parallel_loop3A_759 = tpu.vector_load_idx %parallel_loop3A_758[%parallel_loop3A_674, %parallel_loop3A_749] : memref<64x128xf32, #tpu.memory_space<vmem>>[vector<16xi32>, vector<16xi32>], vector<16xf32>,
        %parallel_loop3A_760 = arith.mulf %parallel_loop3A_754, %parallel_loop3A_759 : vector<16xf32>
        %parallel_loop3A_761 = arith.addf %scan3A_725, %parallel_loop3A_760 : vector<16xf32>
        %parallel_loop3A_762 = arith.constant 1 : i32
        %parallel_loop3A_763 = vector.broadcast %parallel_loop3A_762 : i32 to vector<16xi32>
        %parallel_loop3A_764 = arith.addi %parallel_loop3A_749, %parallel_loop3A_763 : vector<16xi32>
        %parallel_loop3A_765 = arith.constant 127 : i32
        %parallel_loop3A_766 = vector.broadcast %parallel_loop3A_765 : i32 to vector<16xi32>
        %parallel_loop3A_767 = arith.andi %parallel_loop3A_764, %parallel_loop3A_766 : vector<16xi32>
        %parallel_loop3A_768 = arith.constant 0 : i32
        %parallel_loop3A_769 = arith.constant 0 : i32
        %parallel_loop3A_770 = tpu.memref_slice %arg12[%parallel_loop3A_206, %parallel_loop3A_768, %parallel_loop3A_769] : memref<4x64x128xf32, #tpu.memory_space<vmem>> -> memref<1x64x128xf32, #tpu.memory_space<vmem>>
        %parallel_loop3A_771 = tpu.memref_squeeze %parallel_loop3A_770 : memref<1x64x128xf32, #tpu.memory_space<vmem>> -> memref<64x128xf32, #tpu.memory_space<vmem>>
        %parallel_loop3A_772 = tpu.vector_load_idx %parallel_loop3A_771[%parallel_loop3A_674, %parallel_loop3A_767] : memref<64x128xf32, #tpu.memory_space<vmem>>[vector<16xi32>, vector<16xi32>], vector<16xf32>,
        %parallel_loop3A_773 = arith.constant 0 : i32
        %parallel_loop3A_774 = arith.constant 0 : i32
        %parallel_loop3A_775 = tpu.memref_slice %arg13[%parallel_loop3A_207, %parallel_loop3A_773, %parallel_loop3A_774] : memref<4x64x128xf32, #tpu.memory_space<vmem>> -> memref<1x64x128xf32, #tpu.memory_space<vmem>>
        %parallel_loop3A_776 = tpu.memref_squeeze %parallel_loop3A_775 : memref<1x64x128xf32, #tpu.memory_space<vmem>> -> memref<64x128xf32, #tpu.memory_space<vmem>>
        %parallel_loop3A_777 = tpu.vector_load_idx %parallel_loop3A_776[%parallel_loop3A_674, %parallel_loop3A_767] : memref<64x128xf32, #tpu.memory_space<vmem>>[vector<16xi32>, vector<16xi32>], vector<16xf32>,
        %parallel_loop3A_778 = arith.mulf %parallel_loop3A_772, %parallel_loop3A_777 : vector<16xf32>
        %parallel_loop3A_779 = arith.addf %scan3A_726, %parallel_loop3A_778 : vector<16xf32>
        %parallel_loop3A_780 = arith.constant 1 : i32
        %parallel_loop3A_781 = vector.broadcast %parallel_loop3A_780 : i32 to vector<16xi32>
        %parallel_loop3A_782 = arith.addi %parallel_loop3A_767, %parallel_loop3A_781 : vector<16xi32>
        %parallel_loop3A_783 = arith.constant 127 : i32
        %parallel_loop3A_784 = vector.broadcast %parallel_loop3A_783 : i32 to vector<16xi32>
        %parallel_loop3A_785 = arith.andi %parallel_loop3A_782, %parallel_loop3A_784 : vector<16xi32>
        %parallel_loop3A_786 = arith.constant 0 : i32
        %parallel_loop3A_787 = arith.constant 0 : i32
        %parallel_loop3A_788 = tpu.memref_slice %arg12[%parallel_loop3A_206, %parallel_loop3A_786, %parallel_loop3A_787] : memref<4x64x128xf32, #tpu.memory_space<vmem>> -> memref<1x64x128xf32, #tpu.memory_space<vmem>>
        %parallel_loop3A_789 = tpu.memref_squeeze %parallel_loop3A_788 : memref<1x64x128xf32, #tpu.memory_space<vmem>> -> memref<64x128xf32, #tpu.memory_space<vmem>>
        %parallel_loop3A_790 = tpu.vector_load_idx %parallel_loop3A_789[%parallel_loop3A_674, %parallel_loop3A_785] : memref<64x128xf32, #tpu.memory_space<vmem>>[vector<16xi32>, vector<16xi32>], vector<16xf32>,
        %parallel_loop3A_791 = arith.constant 0 : i32
        %parallel_loop3A_792 = arith.constant 0 : i32
        %parallel_loop3A_793 = tpu.memref_slice %arg13[%parallel_loop3A_207, %parallel_loop3A_791, %parallel_loop3A_792] : memref<4x64x128xf32, #tpu.memory_space<vmem>> -> memref<1x64x128xf32, #tpu.memory_space<vmem>>
        %parallel_loop3A_794 = tpu.memref_squeeze %parallel_loop3A_793 : memref<1x64x128xf32, #tpu.memory_space<vmem>> -> memref<64x128xf32, #tpu.memory_space<vmem>>
        %parallel_loop3A_795 = tpu.vector_load_idx %parallel_loop3A_794[%parallel_loop3A_674, %parallel_loop3A_785] : memref<64x128xf32, #tpu.memory_space<vmem>>[vector<16xi32>, vector<16xi32>], vector<16xf32>,
        %parallel_loop3A_796 = arith.mulf %parallel_loop3A_790, %parallel_loop3A_795 : vector<16xf32>
        %parallel_loop3A_797 = arith.addf %scan3A_727, %parallel_loop3A_796 : vector<16xf32>
        %parallel_loop3A_798 = arith.constant 1 : i32
        %parallel_loop3A_799 = vector.broadcast %parallel_loop3A_798 : i32 to vector<16xi32>
        %parallel_loop3A_800 = arith.addi %parallel_loop3A_785, %parallel_loop3A_799 : vector<16xi32>
        %parallel_loop3A_801 = arith.constant 127 : i32
        %parallel_loop3A_802 = vector.broadcast %parallel_loop3A_801 : i32 to vector<16xi32>
        %parallel_loop3A_803 = arith.andi %parallel_loop3A_800, %parallel_loop3A_802 : vector<16xi32>
        %parallel_loop3A_804 = arith.constant 0 : i32
        %parallel_loop3A_805 = arith.constant 0 : i32
        %parallel_loop3A_806 = tpu.memref_slice %arg12[%parallel_loop3A_206, %parallel_loop3A_804, %parallel_loop3A_805] : memref<4x64x128xf32, #tpu.memory_space<vmem>> -> memref<1x64x128xf32, #tpu.memory_space<vmem>>
        %parallel_loop3A_807 = tpu.memref_squeeze %parallel_loop3A_806 : memref<1x64x128xf32, #tpu.memory_space<vmem>> -> memref<64x128xf32, #tpu.memory_space<vmem>>
        %parallel_loop3A_808 = tpu.vector_load_idx %parallel_loop3A_807[%parallel_loop3A_674, %parallel_loop3A_803] : memref<64x128xf32, #tpu.memory_space<vmem>>[vector<16xi32>, vector<16xi32>], vector<16xf32>,
        %parallel_loop3A_809 = arith.constant 0 : i32
        %parallel_loop3A_810 = arith.constant 0 : i32
        %parallel_loop3A_811 = tpu.memref_slice %arg13[%parallel_loop3A_207, %parallel_loop3A_809, %parallel_loop3A_810] : memref<4x64x128xf32, #tpu.memory_space<vmem>> -> memref<1x64x128xf32, #tpu.memory_space<vmem>>
        %parallel_loop3A_812 = tpu.memref_squeeze %parallel_loop3A_811 : memref<1x64x128xf32, #tpu.memory_space<vmem>> -> memref<64x128xf32, #tpu.memory_space<vmem>>
        %parallel_loop3A_813 = tpu.vector_load_idx %parallel_loop3A_812[%parallel_loop3A_674, %parallel_loop3A_803] : memref<64x128xf32, #tpu.memory_space<vmem>>[vector<16xi32>, vector<16xi32>], vector<16xf32>,
        %parallel_loop3A_814 = arith.mulf %parallel_loop3A_808, %parallel_loop3A_813 : vector<16xf32>
        %parallel_loop3A_815 = arith.addf %scan3A_728, %parallel_loop3A_814 : vector<16xf32>
        %parallel_loop3A_816 = arith.constant 1 : i32
        %parallel_loop3A_817 = vector.broadcast %parallel_loop3A_816 : i32 to vector<16xi32>
        %parallel_loop3A_818 = arith.addi %parallel_loop3A_803, %parallel_loop3A_817 : vector<16xi32>
        %parallel_loop3A_819 = arith.constant 127 : i32
        %parallel_loop3A_820 = vector.broadcast %parallel_loop3A_819 : i32 to vector<16xi32>
        %parallel_loop3A_821 = arith.andi %parallel_loop3A_818, %parallel_loop3A_820 : vector<16xi32>
        %parallel_loop3A_822 = arith.constant 0 : i32
        %parallel_loop3A_823 = arith.constant 0 : i32
        %parallel_loop3A_824 = tpu.memref_slice %arg12[%parallel_loop3A_206, %parallel_loop3A_822, %parallel_loop3A_823] : memref<4x64x128xf32, #tpu.memory_space<vmem>> -> memref<1x64x128xf32, #tpu.memory_space<vmem>>
        %parallel_loop3A_825 = tpu.memref_squeeze %parallel_loop3A_824 : memref<1x64x128xf32, #tpu.memory_space<vmem>> -> memref<64x128xf32, #tpu.memory_space<vmem>>
        %parallel_loop3A_826 = tpu.vector_load_idx %parallel_loop3A_825[%parallel_loop3A_674, %parallel_loop3A_821] : memref<64x128xf32, #tpu.memory_space<vmem>>[vector<16xi32>, vector<16xi32>], vector<16xf32>,
        %parallel_loop3A_827 = arith.constant 0 : i32
        %parallel_loop3A_828 = arith.constant 0 : i32
        %parallel_loop3A_829 = tpu.memref_slice %arg13[%parallel_loop3A_207, %parallel_loop3A_827, %parallel_loop3A_828] : memref<4x64x128xf32, #tpu.memory_space<vmem>> -> memref<1x64x128xf32, #tpu.memory_space<vmem>>
        %parallel_loop3A_830 = tpu.memref_squeeze %parallel_loop3A_829 : memref<1x64x128xf32, #tpu.memory_space<vmem>> -> memref<64x128xf32, #tpu.memory_space<vmem>>
        %parallel_loop3A_831 = tpu.vector_load_idx %parallel_loop3A_830[%parallel_loop3A_674, %parallel_loop3A_821] : memref<64x128xf32, #tpu.memory_space<vmem>>[vector<16xi32>, vector<16xi32>], vector<16xf32>,
        %parallel_loop3A_832 = arith.mulf %parallel_loop3A_826, %parallel_loop3A_831 : vector<16xf32>
        %parallel_loop3A_833 = arith.addf %scan3A_729, %parallel_loop3A_832 : vector<16xf32>
        %parallel_loop3A_834 = arith.constant 1 : i32
        %parallel_loop3A_835 = vector.broadcast %parallel_loop3A_834 : i32 to vector<16xi32>
        %parallel_loop3A_836 = arith.addi %parallel_loop3A_821, %parallel_loop3A_835 : vector<16xi32>
        %parallel_loop3A_837 = arith.constant 127 : i32
        %parallel_loop3A_838 = vector.broadcast %parallel_loop3A_837 : i32 to vector<16xi32>
        %parallel_loop3A_839 = arith.andi %parallel_loop3A_836, %parallel_loop3A_838 : vector<16xi32>
        %parallel_loop3A_840 = arith.constant 0 : i32
        %parallel_loop3A_841 = arith.constant 0 : i32
        %parallel_loop3A_842 = tpu.memref_slice %arg12[%parallel_loop3A_206, %parallel_loop3A_840, %parallel_loop3A_841] : memref<4x64x128xf32, #tpu.memory_space<vmem>> -> memref<1x64x128xf32, #tpu.memory_space<vmem>>
        %parallel_loop3A_843 = tpu.memref_squeeze %parallel_loop3A_842 : memref<1x64x128xf32, #tpu.memory_space<vmem>> -> memref<64x128xf32, #tpu.memory_space<vmem>>
        %parallel_loop3A_844 = tpu.vector_load_idx %parallel_loop3A_843[%parallel_loop3A_674, %parallel_loop3A_839] : memref<64x128xf32, #tpu.memory_space<vmem>>[vector<16xi32>, vector<16xi32>], vector<16xf32>,
        %parallel_loop3A_845 = arith.constant 0 : i32
        %parallel_loop3A_846 = arith.constant 0 : i32
        %parallel_loop3A_847 = tpu.memref_slice %arg13[%parallel_loop3A_207, %parallel_loop3A_845, %parallel_loop3A_846] : memref<4x64x128xf32, #tpu.memory_space<vmem>> -> memref<1x64x128xf32, #tpu.memory_space<vmem>>
        %parallel_loop3A_848 = tpu.memref_squeeze %parallel_loop3A_847 : memref<1x64x128xf32, #tpu.memory_space<vmem>> -> memref<64x128xf32, #tpu.memory_space<vmem>>
        %parallel_loop3A_849 = tpu.vector_load_idx %parallel_loop3A_848[%parallel_loop3A_674, %parallel_loop3A_839] : memref<64x128xf32, #tpu.memory_space<vmem>>[vector<16xi32>, vector<16xi32>], vector<16xf32>,
        %parallel_loop3A_850 = arith.mulf %parallel_loop3A_844, %parallel_loop3A_849 : vector<16xf32>
        %parallel_loop3A_851 = arith.addf %scan3A_730, %parallel_loop3A_850 : vector<16xf32>
        %parallel_loop3A_852 = arith.constant 1 : i32
        %parallel_loop3A_853 = vector.broadcast %parallel_loop3A_852 : i32 to vector<16xi32>
        %parallel_loop3A_854 = arith.addi %parallel_loop3A_839, %parallel_loop3A_853 : vector<16xi32>
        %parallel_loop3A_855 = arith.constant 127 : i32
        %parallel_loop3A_856 = vector.broadcast %parallel_loop3A_855 : i32 to vector<16xi32>
        %parallel_loop3A_857 = arith.andi %parallel_loop3A_854, %parallel_loop3A_856 : vector<16xi32>
        %parallel_loop3A_858 = arith.constant 0 : i32
        %parallel_loop3A_859 = arith.constant 0 : i32
        %parallel_loop3A_860 = tpu.memref_slice %arg12[%parallel_loop3A_206, %parallel_loop3A_858, %parallel_loop3A_859] : memref<4x64x128xf32, #tpu.memory_space<vmem>> -> memref<1x64x128xf32, #tpu.memory_space<vmem>>
        %parallel_loop3A_861 = tpu.memref_squeeze %parallel_loop3A_860 : memref<1x64x128xf32, #tpu.memory_space<vmem>> -> memref<64x128xf32, #tpu.memory_space<vmem>>
        %parallel_loop3A_862 = tpu.vector_load_idx %parallel_loop3A_861[%parallel_loop3A_674, %parallel_loop3A_857] : memref<64x128xf32, #tpu.memory_space<vmem>>[vector<16xi32>, vector<16xi32>], vector<16xf32>,
        %parallel_loop3A_863 = arith.constant 0 : i32
        %parallel_loop3A_864 = arith.constant 0 : i32
        %parallel_loop3A_865 = tpu.memref_slice %arg13[%parallel_loop3A_207, %parallel_loop3A_863, %parallel_loop3A_864] : memref<4x64x128xf32, #tpu.memory_space<vmem>> -> memref<1x64x128xf32, #tpu.memory_space<vmem>>
        %parallel_loop3A_866 = tpu.memref_squeeze %parallel_loop3A_865 : memref<1x64x128xf32, #tpu.memory_space<vmem>> -> memref<64x128xf32, #tpu.memory_space<vmem>>
        %parallel_loop3A_867 = tpu.vector_load_idx %parallel_loop3A_866[%parallel_loop3A_674, %parallel_loop3A_857] : memref<64x128xf32, #tpu.memory_space<vmem>>[vector<16xi32>, vector<16xi32>], vector<16xf32>,
        %parallel_loop3A_868 = arith.mulf %parallel_loop3A_862, %parallel_loop3A_867 : vector<16xf32>
        %parallel_loop3A_869 = arith.addf %scan3A_731, %parallel_loop3A_868 : vector<16xf32>
        %parallel_loop3A_870 = arith.constant 1 : i32
        %parallel_loop3A_871 = vector.broadcast %parallel_loop3A_870 : i32 to vector<16xi32>
        %parallel_loop3A_872 = arith.addi %parallel_loop3A_857, %parallel_loop3A_871 : vector<16xi32>
        %parallel_loop3A_873 = arith.constant 127 : i32
        %parallel_loop3A_874 = vector.broadcast %parallel_loop3A_873 : i32 to vector<16xi32>
        %parallel_loop3A_875 = arith.andi %parallel_loop3A_872, %parallel_loop3A_874 : vector<16xi32>
        %parallel_loop3A_876 = arith.constant 0 : i32
        %parallel_loop3A_877 = arith.constant 0 : i32
        %parallel_loop3A_878 = tpu.memref_slice %arg12[%parallel_loop3A_206, %parallel_loop3A_876, %parallel_loop3A_877] : memref<4x64x128xf32, #tpu.memory_space<vmem>> -> memref<1x64x128xf32, #tpu.memory_space<vmem>>
        %parallel_loop3A_879 = tpu.memref_squeeze %parallel_loop3A_878 : memref<1x64x128xf32, #tpu.memory_space<vmem>> -> memref<64x128xf32, #tpu.memory_space<vmem>>
        %parallel_loop3A_880 = tpu.vector_load_idx %parallel_loop3A_879[%parallel_loop3A_674, %parallel_loop3A_875] : memref<64x128xf32, #tpu.memory_space<vmem>>[vector<16xi32>, vector<16xi32>], vector<16xf32>,
        %parallel_loop3A_881 = arith.constant 0 : i32
        %parallel_loop3A_882 = arith.constant 0 : i32
        %parallel_loop3A_883 = tpu.memref_slice %arg13[%parallel_loop3A_207, %parallel_loop3A_881, %parallel_loop3A_882] : memref<4x64x128xf32, #tpu.memory_space<vmem>> -> memref<1x64x128xf32, #tpu.memory_space<vmem>>
        %parallel_loop3A_884 = tpu.memref_squeeze %parallel_loop3A_883 : memref<1x64x128xf32, #tpu.memory_space<vmem>> -> memref<64x128xf32, #tpu.memory_space<vmem>>
        %parallel_loop3A_885 = tpu.vector_load_idx %parallel_loop3A_884[%parallel_loop3A_674, %parallel_loop3A_875] : memref<64x128xf32, #tpu.memory_space<vmem>>[vector<16xi32>, vector<16xi32>], vector<16xf32>,
        %parallel_loop3A_886 = arith.mulf %parallel_loop3A_880, %parallel_loop3A_885 : vector<16xf32>
        %parallel_loop3A_887 = arith.addf %parallel_loop3A_743, %parallel_loop3A_886 : vector<16xf32>
        %parallel_loop3A_888 = arith.constant 1 : i32
        %parallel_loop3A_889 = vector.broadcast %parallel_loop3A_888 : i32 to vector<16xi32>
        %parallel_loop3A_890 = arith.addi %parallel_loop3A_875, %parallel_loop3A_889 : vector<16xi32>
        %parallel_loop3A_891 = arith.constant 127 : i32
        %parallel_loop3A_892 = vector.broadcast %parallel_loop3A_891 : i32 to vector<16xi32>
        %parallel_loop3A_893 = arith.andi %parallel_loop3A_890, %parallel_loop3A_892 : vector<16xi32>
        %parallel_loop3A_894 = arith.constant 0 : i32
        %parallel_loop3A_895 = arith.constant 0 : i32
        %parallel_loop3A_896 = tpu.memref_slice %arg12[%parallel_loop3A_206, %parallel_loop3A_894, %parallel_loop3A_895] : memref<4x64x128xf32, #tpu.memory_space<vmem>> -> memref<1x64x128xf32, #tpu.memory_space<vmem>>
        %parallel_loop3A_897 = tpu.memref_squeeze %parallel_loop3A_896 : memref<1x64x128xf32, #tpu.memory_space<vmem>> -> memref<64x128xf32, #tpu.memory_space<vmem>>
        %parallel_loop3A_898 = tpu.vector_load_idx %parallel_loop3A_897[%parallel_loop3A_674, %parallel_loop3A_893] : memref<64x128xf32, #tpu.memory_space<vmem>>[vector<16xi32>, vector<16xi32>], vector<16xf32>,
        %parallel_loop3A_899 = arith.constant 0 : i32
        %parallel_loop3A_900 = arith.constant 0 : i32
        %parallel_loop3A_901 = tpu.memref_slice %arg13[%parallel_loop3A_207, %parallel_loop3A_899, %parallel_loop3A_900] : memref<4x64x128xf32, #tpu.memory_space<vmem>> -> memref<1x64x128xf32, #tpu.memory_space<vmem>>
        %parallel_loop3A_902 = tpu.memref_squeeze %parallel_loop3A_901 : memref<1x64x128xf32, #tpu.memory_space<vmem>> -> memref<64x128xf32, #tpu.memory_space<vmem>>
        %parallel_loop3A_903 = tpu.vector_load_idx %parallel_loop3A_902[%parallel_loop3A_674, %parallel_loop3A_893] : memref<64x128xf32, #tpu.memory_space<vmem>>[vector<16xi32>, vector<16xi32>], vector<16xf32>,
        %parallel_loop3A_904 = arith.mulf %parallel_loop3A_898, %parallel_loop3A_903 : vector<16xf32>
        %parallel_loop3A_905 = arith.addf %parallel_loop3A_761, %parallel_loop3A_904 : vector<16xf32>
        %parallel_loop3A_906 = arith.constant 1 : i32
        %parallel_loop3A_907 = vector.broadcast %parallel_loop3A_906 : i32 to vector<16xi32>
        %parallel_loop3A_908 = arith.addi %parallel_loop3A_893, %parallel_loop3A_907 : vector<16xi32>
        %parallel_loop3A_909 = arith.constant 127 : i32
        %parallel_loop3A_910 = vector.broadcast %parallel_loop3A_909 : i32 to vector<16xi32>
        %parallel_loop3A_911 = arith.andi %parallel_loop3A_908, %parallel_loop3A_910 : vector<16xi32>
        %parallel_loop3A_912 = arith.constant 0 : i32
        %parallel_loop3A_913 = arith.constant 0 : i32
        %parallel_loop3A_914 = tpu.memref_slice %arg12[%parallel_loop3A_206, %parallel_loop3A_912, %parallel_loop3A_913] : memref<4x64x128xf32, #tpu.memory_space<vmem>> -> memref<1x64x128xf32, #tpu.memory_space<vmem>>
        %parallel_loop3A_915 = tpu.memref_squeeze %parallel_loop3A_914 : memref<1x64x128xf32, #tpu.memory_space<vmem>> -> memref<64x128xf32, #tpu.memory_space<vmem>>
        %parallel_loop3A_916 = tpu.vector_load_idx %parallel_loop3A_915[%parallel_loop3A_674, %parallel_loop3A_911] : memref<64x128xf32, #tpu.memory_space<vmem>>[vector<16xi32>, vector<16xi32>], vector<16xf32>,
        %parallel_loop3A_917 = arith.constant 0 : i32
        %parallel_loop3A_918 = arith.constant 0 : i32
        %parallel_loop3A_919 = tpu.memref_slice %arg13[%parallel_loop3A_207, %parallel_loop3A_917, %parallel_loop3A_918] : memref<4x64x128xf32, #tpu.memory_space<vmem>> -> memref<1x64x128xf32, #tpu.memory_space<vmem>>
        %parallel_loop3A_920 = tpu.memref_squeeze %parallel_loop3A_919 : memref<1x64x128xf32, #tpu.memory_space<vmem>> -> memref<64x128xf32, #tpu.memory_space<vmem>>
        %parallel_loop3A_921 = tpu.vector_load_idx %parallel_loop3A_920[%parallel_loop3A_674, %parallel_loop3A_911] : memref<64x128xf32, #tpu.memory_space<vmem>>[vector<16xi32>, vector<16xi32>], vector<16xf32>,
        %parallel_loop3A_922 = arith.mulf %parallel_loop3A_916, %parallel_loop3A_921 : vector<16xf32>
        %parallel_loop3A_923 = arith.addf %parallel_loop3A_779, %parallel_loop3A_922 : vector<16xf32>
        %parallel_loop3A_924 = arith.constant 1 : i32
        %parallel_loop3A_925 = vector.broadcast %parallel_loop3A_924 : i32 to vector<16xi32>
        %parallel_loop3A_926 = arith.addi %parallel_loop3A_911, %parallel_loop3A_925 : vector<16xi32>
        %parallel_loop3A_927 = arith.constant 127 : i32
        %parallel_loop3A_928 = vector.broadcast %parallel_loop3A_927 : i32 to vector<16xi32>
        %parallel_loop3A_929 = arith.andi %parallel_loop3A_926, %parallel_loop3A_928 : vector<16xi32>
        %parallel_loop3A_930 = arith.constant 0 : i32
        %parallel_loop3A_931 = arith.constant 0 : i32
        %parallel_loop3A_932 = tpu.memref_slice %arg12[%parallel_loop3A_206, %parallel_loop3A_930, %parallel_loop3A_931] : memref<4x64x128xf32, #tpu.memory_space<vmem>> -> memref<1x64x128xf32, #tpu.memory_space<vmem>>
        %parallel_loop3A_933 = tpu.memref_squeeze %parallel_loop3A_932 : memref<1x64x128xf32, #tpu.memory_space<vmem>> -> memref<64x128xf32, #tpu.memory_space<vmem>>
        %parallel_loop3A_934 = tpu.vector_load_idx %parallel_loop3A_933[%parallel_loop3A_674, %parallel_loop3A_929] : memref<64x128xf32, #tpu.memory_space<vmem>>[vector<16xi32>, vector<16xi32>], vector<16xf32>,
        %parallel_loop3A_935 = arith.constant 0 : i32
        %parallel_loop3A_936 = arith.constant 0 : i32
        %parallel_loop3A_937 = tpu.memref_slice %arg13[%parallel_loop3A_207, %parallel_loop3A_935, %parallel_loop3A_936] : memref<4x64x128xf32, #tpu.memory_space<vmem>> -> memref<1x64x128xf32, #tpu.memory_space<vmem>>
        %parallel_loop3A_938 = tpu.memref_squeeze %parallel_loop3A_937 : memref<1x64x128xf32, #tpu.memory_space<vmem>> -> memref<64x128xf32, #tpu.memory_space<vmem>>
        %parallel_loop3A_939 = tpu.vector_load_idx %parallel_loop3A_938[%parallel_loop3A_674, %parallel_loop3A_929] : memref<64x128xf32, #tpu.memory_space<vmem>>[vector<16xi32>, vector<16xi32>], vector<16xf32>,
        %parallel_loop3A_940 = arith.mulf %parallel_loop3A_934, %parallel_loop3A_939 : vector<16xf32>
        %parallel_loop3A_941 = arith.addf %parallel_loop3A_797, %parallel_loop3A_940 : vector<16xf32>
        %parallel_loop3A_942 = arith.constant 1 : i32
        %parallel_loop3A_943 = vector.broadcast %parallel_loop3A_942 : i32 to vector<16xi32>
        %parallel_loop3A_944 = arith.addi %parallel_loop3A_929, %parallel_loop3A_943 : vector<16xi32>
        %parallel_loop3A_945 = arith.constant 127 : i32
        %parallel_loop3A_946 = vector.broadcast %parallel_loop3A_945 : i32 to vector<16xi32>
        %parallel_loop3A_947 = arith.andi %parallel_loop3A_944, %parallel_loop3A_946 : vector<16xi32>
        %parallel_loop3A_948 = arith.constant 0 : i32
        %parallel_loop3A_949 = arith.constant 0 : i32
        %parallel_loop3A_950 = tpu.memref_slice %arg12[%parallel_loop3A_206, %parallel_loop3A_948, %parallel_loop3A_949] : memref<4x64x128xf32, #tpu.memory_space<vmem>> -> memref<1x64x128xf32, #tpu.memory_space<vmem>>
        %parallel_loop3A_951 = tpu.memref_squeeze %parallel_loop3A_950 : memref<1x64x128xf32, #tpu.memory_space<vmem>> -> memref<64x128xf32, #tpu.memory_space<vmem>>
        %parallel_loop3A_952 = tpu.vector_load_idx %parallel_loop3A_951[%parallel_loop3A_674, %parallel_loop3A_947] : memref<64x128xf32, #tpu.memory_space<vmem>>[vector<16xi32>, vector<16xi32>], vector<16xf32>,
        %parallel_loop3A_953 = arith.constant 0 : i32
        %parallel_loop3A_954 = arith.constant 0 : i32
        %parallel_loop3A_955 = tpu.memref_slice %arg13[%parallel_loop3A_207, %parallel_loop3A_953, %parallel_loop3A_954] : memref<4x64x128xf32, #tpu.memory_space<vmem>> -> memref<1x64x128xf32, #tpu.memory_space<vmem>>
        %parallel_loop3A_956 = tpu.memref_squeeze %parallel_loop3A_955 : memref<1x64x128xf32, #tpu.memory_space<vmem>> -> memref<64x128xf32, #tpu.memory_space<vmem>>
        %parallel_loop3A_957 = tpu.vector_load_idx %parallel_loop3A_956[%parallel_loop3A_674, %parallel_loop3A_947] : memref<64x128xf32, #tpu.memory_space<vmem>>[vector<16xi32>, vector<16xi32>], vector<16xf32>,
        %parallel_loop3A_958 = arith.mulf %parallel_loop3A_952, %parallel_loop3A_957 : vector<16xf32>
        %parallel_loop3A_959 = arith.addf %parallel_loop3A_815, %parallel_loop3A_958 : vector<16xf32>
        %parallel_loop3A_960 = arith.constant 1 : i32
        %parallel_loop3A_961 = vector.broadcast %parallel_loop3A_960 : i32 to vector<16xi32>
        %parallel_loop3A_962 = arith.addi %parallel_loop3A_947, %parallel_loop3A_961 : vector<16xi32>
        %parallel_loop3A_963 = arith.constant 127 : i32
        %parallel_loop3A_964 = vector.broadcast %parallel_loop3A_963 : i32 to vector<16xi32>
        %parallel_loop3A_965 = arith.andi %parallel_loop3A_962, %parallel_loop3A_964 : vector<16xi32>
        %parallel_loop3A_966 = arith.constant 0 : i32
        %parallel_loop3A_967 = arith.constant 0 : i32
        %parallel_loop3A_968 = tpu.memref_slice %arg12[%parallel_loop3A_206, %parallel_loop3A_966, %parallel_loop3A_967] : memref<4x64x128xf32, #tpu.memory_space<vmem>> -> memref<1x64x128xf32, #tpu.memory_space<vmem>>
        %parallel_loop3A_969 = tpu.memref_squeeze %parallel_loop3A_968 : memref<1x64x128xf32, #tpu.memory_space<vmem>> -> memref<64x128xf32, #tpu.memory_space<vmem>>
        %parallel_loop3A_970 = tpu.vector_load_idx %parallel_loop3A_969[%parallel_loop3A_674, %parallel_loop3A_965] : memref<64x128xf32, #tpu.memory_space<vmem>>[vector<16xi32>, vector<16xi32>], vector<16xf32>,
        %parallel_loop3A_971 = arith.constant 0 : i32
        %parallel_loop3A_972 = arith.constant 0 : i32
        %parallel_loop3A_973 = tpu.memref_slice %arg13[%parallel_loop3A_207, %parallel_loop3A_971, %parallel_loop3A_972] : memref<4x64x128xf32, #tpu.memory_space<vmem>> -> memref<1x64x128xf32, #tpu.memory_space<vmem>>
        %parallel_loop3A_974 = tpu.memref_squeeze %parallel_loop3A_973 : memref<1x64x128xf32, #tpu.memory_space<vmem>> -> memref<64x128xf32, #tpu.memory_space<vmem>>
        %parallel_loop3A_975 = tpu.vector_load_idx %parallel_loop3A_974[%parallel_loop3A_674, %parallel_loop3A_965] : memref<64x128xf32, #tpu.memory_space<vmem>>[vector<16xi32>, vector<16xi32>], vector<16xf32>,
        %parallel_loop3A_976 = arith.mulf %parallel_loop3A_970, %parallel_loop3A_975 : vector<16xf32>
        %parallel_loop3A_977 = arith.addf %parallel_loop3A_833, %parallel_loop3A_976 : vector<16xf32>
        %parallel_loop3A_978 = arith.constant 1 : i32
        %parallel_loop3A_979 = vector.broadcast %parallel_loop3A_978 : i32 to vector<16xi32>
        %parallel_loop3A_980 = arith.addi %parallel_loop3A_965, %parallel_loop3A_979 : vector<16xi32>
        %parallel_loop3A_981 = arith.constant 127 : i32
        %parallel_loop3A_982 = vector.broadcast %parallel_loop3A_981 : i32 to vector<16xi32>
        %parallel_loop3A_983 = arith.andi %parallel_loop3A_980, %parallel_loop3A_982 : vector<16xi32>
        %parallel_loop3A_984 = arith.constant 0 : i32
        %parallel_loop3A_985 = arith.constant 0 : i32
        %parallel_loop3A_986 = tpu.memref_slice %arg12[%parallel_loop3A_206, %parallel_loop3A_984, %parallel_loop3A_985] : memref<4x64x128xf32, #tpu.memory_space<vmem>> -> memref<1x64x128xf32, #tpu.memory_space<vmem>>
        %parallel_loop3A_987 = tpu.memref_squeeze %parallel_loop3A_986 : memref<1x64x128xf32, #tpu.memory_space<vmem>> -> memref<64x128xf32, #tpu.memory_space<vmem>>
        %parallel_loop3A_988 = tpu.vector_load_idx %parallel_loop3A_987[%parallel_loop3A_674, %parallel_loop3A_983] : memref<64x128xf32, #tpu.memory_space<vmem>>[vector<16xi32>, vector<16xi32>], vector<16xf32>,
        %parallel_loop3A_989 = arith.constant 0 : i32
        %parallel_loop3A_990 = arith.constant 0 : i32
        %parallel_loop3A_991 = tpu.memref_slice %arg13[%parallel_loop3A_207, %parallel_loop3A_989, %parallel_loop3A_990] : memref<4x64x128xf32, #tpu.memory_space<vmem>> -> memref<1x64x128xf32, #tpu.memory_space<vmem>>
        %parallel_loop3A_992 = tpu.memref_squeeze %parallel_loop3A_991 : memref<1x64x128xf32, #tpu.memory_space<vmem>> -> memref<64x128xf32, #tpu.memory_space<vmem>>
        %parallel_loop3A_993 = tpu.vector_load_idx %parallel_loop3A_992[%parallel_loop3A_674, %parallel_loop3A_983] : memref<64x128xf32, #tpu.memory_space<vmem>>[vector<16xi32>, vector<16xi32>], vector<16xf32>,
        %parallel_loop3A_994 = arith.mulf %parallel_loop3A_988, %parallel_loop3A_993 : vector<16xf32>
        %parallel_loop3A_995 = arith.addf %parallel_loop3A_851, %parallel_loop3A_994 : vector<16xf32>
        %parallel_loop3A_996 = arith.constant 1 : i32
        %parallel_loop3A_997 = vector.broadcast %parallel_loop3A_996 : i32 to vector<16xi32>
        %parallel_loop3A_998 = arith.addi %parallel_loop3A_983, %parallel_loop3A_997 : vector<16xi32>
        %parallel_loop3A_999 = arith.constant 127 : i32
        %parallel_loop3A_1000 = vector.broadcast %parallel_loop3A_999 : i32 to vector<16xi32>
        %parallel_loop3A_1001 = arith.andi %parallel_loop3A_998, %parallel_loop3A_1000 : vector<16xi32>
        %parallel_loop3A_1002 = arith.constant 0 : i32
        %parallel_loop3A_1003 = arith.constant 0 : i32
        %parallel_loop3A_1004 = tpu.memref_slice %arg12[%parallel_loop3A_206, %parallel_loop3A_1002, %parallel_loop3A_1003] : memref<4x64x128xf32, #tpu.memory_space<vmem>> -> memref<1x64x128xf32, #tpu.memory_space<vmem>>
        %parallel_loop3A_1005 = tpu.memref_squeeze %parallel_loop3A_1004 : memref<1x64x128xf32, #tpu.memory_space<vmem>> -> memref<64x128xf32, #tpu.memory_space<vmem>>
        %parallel_loop3A_1006 = tpu.vector_load_idx %parallel_loop3A_1005[%parallel_loop3A_674, %parallel_loop3A_1001] : memref<64x128xf32, #tpu.memory_space<vmem>>[vector<16xi32>, vector<16xi32>], vector<16xf32>,
        %parallel_loop3A_1007 = arith.constant 0 : i32
        %parallel_loop3A_1008 = arith.constant 0 : i32
        %parallel_loop3A_1009 = tpu.memref_slice %arg13[%parallel_loop3A_207, %parallel_loop3A_1007, %parallel_loop3A_1008] : memref<4x64x128xf32, #tpu.memory_space<vmem>> -> memref<1x64x128xf32, #tpu.memory_space<vmem>>
        %parallel_loop3A_1010 = tpu.memref_squeeze %parallel_loop3A_1009 : memref<1x64x128xf32, #tpu.memory_space<vmem>> -> memref<64x128xf32, #tpu.memory_space<vmem>>
        %parallel_loop3A_1011 = tpu.vector_load_idx %parallel_loop3A_1010[%parallel_loop3A_674, %parallel_loop3A_1001] : memref<64x128xf32, #tpu.memory_space<vmem>>[vector<16xi32>, vector<16xi32>], vector<16xf32>,
        %parallel_loop3A_1012 = arith.mulf %parallel_loop3A_1006, %parallel_loop3A_1011 : vector<16xf32>
        %parallel_loop3A_1013 = arith.addf %parallel_loop3A_869, %parallel_loop3A_1012 : vector<16xf32>
        %parallel_loop3A_1014 = arith.constant 1 : i32
        %parallel_loop3A_1015 = vector.broadcast %parallel_loop3A_1014 : i32 to vector<16xi32>
        %parallel_loop3A_1016 = arith.addi %parallel_loop3A_1001, %parallel_loop3A_1015 : vector<16xi32>
        %parallel_loop3A_1017 = arith.constant 127 : i32
        %parallel_loop3A_1018 = vector.broadcast %parallel_loop3A_1017 : i32 to vector<16xi32>
        %parallel_loop3A_1019 = arith.andi %parallel_loop3A_1016, %parallel_loop3A_1018 : vector<16xi32>
        scf.yield %parallel_loop3A_1019, %parallel_loop3A_887, %parallel_loop3A_905, %parallel_loop3A_923, %parallel_loop3A_941, %parallel_loop3A_959, %parallel_loop3A_977, %parallel_loop3A_995, %parallel_loop3A_1013 : vector<16xi32>, vector<16xf32>, vector<16xf32>, vector<16xf32>, vector<16xf32>, vector<16xf32>, vector<16xf32>, vector<16xf32>, vector<16xf32>
      }
      %parallel_loop3A_696 = arith.constant 8 : i32
      %parallel_loop3A_697 = arith.addf %parallel_loop3A_695#1, %parallel_loop3A_695#2 : vector<16xf32>
      %parallel_loop3A_698 = arith.addf %parallel_loop3A_695#3, %parallel_loop3A_695#4 : vector<16xf32>
      %parallel_loop3A_699 = arith.addf %parallel_loop3A_697, %parallel_loop3A_698 : vector<16xf32>
      %parallel_loop3A_700 = arith.addf %parallel_loop3A_695#5, %parallel_loop3A_695#6 : vector<16xf32>
      %parallel_loop3A_701 = arith.addf %parallel_loop3A_695#7, %parallel_loop3A_695#8 : vector<16xf32>
      %parallel_loop3A_702 = arith.addf %parallel_loop3A_700, %parallel_loop3A_701 : vector<16xf32>
      %parallel_loop3A_703 = arith.constant 0 : i32
      %parallel_loop3A_704 = tpu.memref_slice %arg14[%parallel_loop3A_208, %parallel_loop3A_703] : memref<4x64xf32, #tpu.memory_space<vmem>> -> memref<1x64xf32, #tpu.memory_space<vmem>>
      %parallel_loop3A_705 = tpu.memref_squeeze %parallel_loop3A_704 : memref<1x64xf32, #tpu.memory_space<vmem>> -> memref<64xf32, #tpu.memory_space<vmem>>
      %parallel_loop3A_706 = arith.index_cast %parallel_loop3A_671 : i32 to index
      %parallel_loop3A_707 = tpu.vector_load %parallel_loop3A_705[%parallel_loop3A_706] {strides = array<i32>} : memref<64xf32, #tpu.memory_space<vmem>>, vector<16xf32>,
      %parallel_loop3A_708 = arith.constant 0 : i32
      %parallel_loop3A_709 = tpu.memref_slice %arg15[%parallel_loop3A_209, %parallel_loop3A_708] : memref<4x64xf32, #tpu.memory_space<vmem>> -> memref<1x64xf32, #tpu.memory_space<vmem>>
      %parallel_loop3A_710 = tpu.memref_squeeze %parallel_loop3A_709 : memref<1x64xf32, #tpu.memory_space<vmem>> -> memref<64xf32, #tpu.memory_space<vmem>>
      %parallel_loop3A_711 = arith.index_cast %parallel_loop3A_671 : i32 to index
      %parallel_loop3A_712 = tpu.vector_load %parallel_loop3A_710[%parallel_loop3A_711] {strides = array<i32>} : memref<64xf32, #tpu.memory_space<vmem>>, vector<16xf32>,
      %parallel_loop3A_713 = arith.addf %parallel_loop3A_707, %parallel_loop3A_712 : vector<16xf32>
      %parallel_loop3A_714 = vector.broadcast %squeeze3A : f32 to vector<16xf32>
      %parallel_loop3A_715 = arith.addf %parallel_loop3A_713, %parallel_loop3A_714 : vector<16xf32>
      %parallel_loop3A_716 = arith.addf %parallel_loop3A_699, %parallel_loop3A_702 : vector<16xf32>
      %parallel_loop3A_717 = arith.addf %parallel_loop3A_715, %parallel_loop3A_716 : vector<16xf32>
      %parallel_loop3A_718 = arith.constant 0 : i32
      %parallel_loop3A_719 = arith.addi %parallel_loop3A_718, %parallel_loop3A_671 : i32
      %parallel_loop3A_720 = arith.index_cast %parallel_loop3A_719 : i32 to index
      %parallel_loop3A_721 = tpu.vector_load %arg16[%parallel_loop3A_720] {strides = array<i32>} : memref<512xf32, #tpu.memory_space<vmem>>, vector<16xf32>,
      tpu.vector_store %arg16[%parallel_loop3A_720], %parallel_loop3A_717 {strides = array<i32>} : memref<512xf32, #tpu.memory_space<vmem>>, vector<16xf32>,
      scf.yield %parallel_loop3A_672 : i32
    } {sc.loop_unroll_factor = 1 : i64, sc.parallel_access}
    %dma_start3A_212 = arith.constant 0 : i32
    %dma_start3A_213 = arith.constant 0 : i32
    %dma_start3A_214 = arith.constant 0 : i32
    %dma_start3A_215 = tpu.memref_slice %arg12[%dma_start3A_212, %dma_start3A_213, %dma_start3A_214] : memref<4x64x128xf32, #tpu.memory_space<vmem>> -> memref<1x64x128xf32, #tpu.memory_space<vmem>>
    %dma_start3A_216 = tpu.memref_squeeze %dma_start3A_215 : memref<1x64x128xf32, #tpu.memory_space<vmem>> -> memref<64x128xf32, #tpu.memory_space<vmem>>
    %dma_start3A_217 = arith.constant 256 : i32
    %dma_start3A_218 = tpu.memref_slice %arg9[%dma_start3A_217] : memref<512xi32, #tpu.memory_space<vmem>> -> memref<64xi32, #tpu.memory_space<vmem>>
    %dma_start3A_219 = arith.constant 0 : i32
    %dma_start3A_220 = arith.constant 0 : i32
    %dma_start3A_221 = tpu.memref_slice %arg4[%dma_start3A_219, %dma_start3A_220] : memref<100000x128xf32, #tpu.memory_space<hbm>> -> memref<100000x128xf32, #tpu.memory_space<hbm>>
    tpu.enqueue_indirect_dma source(%dma_start3A_221 : memref<100000x128xf32, #tpu.memory_space<hbm>>) target(%dma_start3A_216 : memref<64x128xf32, #tpu.memory_space<vmem>>) offsets(%dma_start3A_218 : memref<64xi32, #tpu.memory_space<vmem>>) semaphore(%arg18 : memref<!tpu.dma_semaphore, #tpu.memory_space<semaphore_mem>>)
    %dma_start3A_222 = arith.constant 0 : i32
    %dma_start3A_223 = arith.constant 0 : i32
    %dma_start3A_224 = arith.constant 0 : i32
    %dma_start3A_225 = tpu.memref_slice %arg13[%dma_start3A_222, %dma_start3A_223, %dma_start3A_224] : memref<4x64x128xf32, #tpu.memory_space<vmem>> -> memref<1x64x128xf32, #tpu.memory_space<vmem>>
    %dma_start3A_226 = tpu.memref_squeeze %dma_start3A_225 : memref<1x64x128xf32, #tpu.memory_space<vmem>> -> memref<64x128xf32, #tpu.memory_space<vmem>>
    %dma_start3A_227 = arith.constant 256 : i32
    %dma_start3A_228 = tpu.memref_slice %arg10[%dma_start3A_227] : memref<512xi32, #tpu.memory_space<vmem>> -> memref<64xi32, #tpu.memory_space<vmem>>
    %dma_start3A_229 = arith.constant 0 : i32
    %dma_start3A_230 = arith.constant 0 : i32
    %dma_start3A_231 = tpu.memref_slice %arg6[%dma_start3A_229, %dma_start3A_230] : memref<100000x128xf32, #tpu.memory_space<hbm>> -> memref<100000x128xf32, #tpu.memory_space<hbm>>
    tpu.enqueue_indirect_dma source(%dma_start3A_231 : memref<100000x128xf32, #tpu.memory_space<hbm>>) target(%dma_start3A_226 : memref<64x128xf32, #tpu.memory_space<vmem>>) offsets(%dma_start3A_228 : memref<64xi32, #tpu.memory_space<vmem>>) semaphore(%arg18 : memref<!tpu.dma_semaphore, #tpu.memory_space<semaphore_mem>>)
    %dma_start3A_232 = arith.constant 0 : i32
    %dma_start3A_233 = arith.constant 0 : i32
    %dma_start3A_234 = tpu.memref_slice %arg14[%dma_start3A_232, %dma_start3A_233] : memref<4x64xf32, #tpu.memory_space<vmem>> -> memref<1x64xf32, #tpu.memory_space<vmem>>
    %dma_start3A_235 = tpu.memref_squeeze %dma_start3A_234 : memref<1x64xf32, #tpu.memory_space<vmem>> -> memref<64xf32, #tpu.memory_space<vmem>>
    %dma_start3A_236 = arith.constant 256 : i32
    %dma_start3A_237 = tpu.memref_slice %arg9[%dma_start3A_236] : memref<512xi32, #tpu.memory_space<vmem>> -> memref<64xi32, #tpu.memory_space<vmem>>
    %dma_start3A_238 = arith.constant 0 : i32
    %dma_start3A_239 = tpu.memref_slice %arg5[%dma_start3A_238] : memref<200000xf32, #tpu.memory_space<hbm>> -> memref<200000xf32, #tpu.memory_space<hbm>>
    tpu.enqueue_indirect_dma source(%dma_start3A_239 : memref<200000xf32, #tpu.memory_space<hbm>>) target(%dma_start3A_235 : memref<64xf32, #tpu.memory_space<vmem>>) offsets(%dma_start3A_237 : memref<64xi32, #tpu.memory_space<vmem>>) semaphore(%arg18 : memref<!tpu.dma_semaphore, #tpu.memory_space<semaphore_mem>>)
    %dma_start3A_240 = arith.constant 0 : i32
    %dma_start3A_241 = arith.constant 0 : i32
    %dma_start3A_242 = tpu.memref_slice %arg15[%dma_start3A_240, %dma_start3A_241] : memref<4x64xf32, #tpu.memory_space<vmem>> -> memref<1x64xf32, #tpu.memory_space<vmem>>
    %dma_start3A_243 = tpu.memref_squeeze %dma_start3A_242 : memref<1x64xf32, #tpu.memory_space<vmem>> -> memref<64xf32, #tpu.memory_space<vmem>>
    %dma_start3A_244 = arith.constant 256 : i32
    %dma_start3A_245 = tpu.memref_slice %arg11[%dma_start3A_244] : memref<512xi32, #tpu.memory_space<vmem>> -> memref<64xi32, #tpu.memory_space<vmem>>
    %dma_start3A_246 = arith.constant 0 : i32
    %dma_start3A_247 = tpu.memref_slice %arg5[%dma_start3A_246] : memref<200000xf32, #tpu.memory_space<hbm>> -> memref<200000xf32, #tpu.memory_space<hbm>>
    tpu.enqueue_indirect_dma source(%dma_start3A_247 : memref<200000xf32, #tpu.memory_space<hbm>>) target(%dma_start3A_243 : memref<64xf32, #tpu.memory_space<vmem>>) offsets(%dma_start3A_245 : memref<64xi32, #tpu.memory_space<vmem>>) semaphore(%arg18 : memref<!tpu.dma_semaphore, #tpu.memory_space<semaphore_mem>>)
    %dma_wait3A_248 = arith.constant 1 : i32
    %dma_wait3A_249 = arith.constant 0 : i32
    %dma_wait3A_250 = arith.constant 0 : i32
    %dma_wait3A_251 = tpu.memref_slice %arg12[%dma_wait3A_248, %dma_wait3A_249, %dma_wait3A_250] : memref<4x64x128xf32, #tpu.memory_space<vmem>> -> memref<1x64x128xf32, #tpu.memory_space<vmem>>
    %dma_wait3A_252 = tpu.memref_squeeze %dma_wait3A_251 : memref<1x64x128xf32, #tpu.memory_space<vmem>> -> memref<64x128xf32, #tpu.memory_space<vmem>>
    %dma_wait3A_253 = arith.constant 64 : i32
    %dma_wait3A_254 = tpu.memref_slice %arg9[%dma_wait3A_253] : memref<512xi32, #tpu.memory_space<vmem>> -> memref<64xi32, #tpu.memory_space<vmem>>
    %dma_wait3A_255 = arith.constant 0 : i32
    %dma_wait3A_256 = arith.constant 0 : i32
    %dma_wait3A_257 = tpu.memref_slice %arg4[%dma_wait3A_255, %dma_wait3A_256] : memref<100000x128xf32, #tpu.memory_space<hbm>> -> memref<100000x128xf32, #tpu.memory_space<hbm>>
    tpu.wait_indirect_dma semaphore(%arg19 : memref<!tpu.dma_semaphore, #tpu.memory_space<semaphore_mem>>) src(%dma_wait3A_257 : memref<100000x128xf32, #tpu.memory_space<hbm>>) dst(%dma_wait3A_252 : memref<64x128xf32, #tpu.memory_space<vmem>>)
    %dma_wait3A_258 = arith.constant 1 : i32
    %dma_wait3A_259 = arith.constant 0 : i32
    %dma_wait3A_260 = arith.constant 0 : i32
    %dma_wait3A_261 = tpu.memref_slice %arg13[%dma_wait3A_258, %dma_wait3A_259, %dma_wait3A_260] : memref<4x64x128xf32, #tpu.memory_space<vmem>> -> memref<1x64x128xf32, #tpu.memory_space<vmem>>
    %dma_wait3A_262 = tpu.memref_squeeze %dma_wait3A_261 : memref<1x64x128xf32, #tpu.memory_space<vmem>> -> memref<64x128xf32, #tpu.memory_space<vmem>>
    %dma_wait3A_263 = arith.constant 64 : i32
    %dma_wait3A_264 = tpu.memref_slice %arg10[%dma_wait3A_263] : memref<512xi32, #tpu.memory_space<vmem>> -> memref<64xi32, #tpu.memory_space<vmem>>
    %dma_wait3A_265 = arith.constant 0 : i32
    %dma_wait3A_266 = arith.constant 0 : i32
    %dma_wait3A_267 = tpu.memref_slice %arg6[%dma_wait3A_265, %dma_wait3A_266] : memref<100000x128xf32, #tpu.memory_space<hbm>> -> memref<100000x128xf32, #tpu.memory_space<hbm>>
    tpu.wait_indirect_dma semaphore(%arg19 : memref<!tpu.dma_semaphore, #tpu.memory_space<semaphore_mem>>) src(%dma_wait3A_267 : memref<100000x128xf32, #tpu.memory_space<hbm>>) dst(%dma_wait3A_262 : memref<64x128xf32, #tpu.memory_space<vmem>>)
    %dma_wait3A_268 = arith.constant 1 : i32
    %dma_wait3A_269 = arith.constant 0 : i32
    %dma_wait3A_270 = tpu.memref_slice %arg14[%dma_wait3A_268, %dma_wait3A_269] : memref<4x64xf32, #tpu.memory_space<vmem>> -> memref<1x64xf32, #tpu.memory_space<vmem>>
    %dma_wait3A_271 = tpu.memref_squeeze %dma_wait3A_270 : memref<1x64xf32, #tpu.memory_space<vmem>> -> memref<64xf32, #tpu.memory_space<vmem>>
    %dma_wait3A_272 = arith.constant 64 : i32
    %dma_wait3A_273 = tpu.memref_slice %arg9[%dma_wait3A_272] : memref<512xi32, #tpu.memory_space<vmem>> -> memref<64xi32, #tpu.memory_space<vmem>>
    %dma_wait3A_274 = arith.constant 0 : i32
    %dma_wait3A_275 = tpu.memref_slice %arg5[%dma_wait3A_274] : memref<200000xf32, #tpu.memory_space<hbm>> -> memref<200000xf32, #tpu.memory_space<hbm>>
    tpu.wait_indirect_dma semaphore(%arg19 : memref<!tpu.dma_semaphore, #tpu.memory_space<semaphore_mem>>) src(%dma_wait3A_275 : memref<200000xf32, #tpu.memory_space<hbm>>) dst(%dma_wait3A_271 : memref<64xf32, #tpu.memory_space<vmem>>)
    %dma_wait3A_276 = arith.constant 1 : i32
    %dma_wait3A_277 = arith.constant 0 : i32
    %dma_wait3A_278 = tpu.memref_slice %arg15[%dma_wait3A_276, %dma_wait3A_277] : memref<4x64xf32, #tpu.memory_space<vmem>> -> memref<1x64xf32, #tpu.memory_space<vmem>>
    %dma_wait3A_279 = tpu.memref_squeeze %dma_wait3A_278 : memref<1x64xf32, #tpu.memory_space<vmem>> -> memref<64xf32, #tpu.memory_space<vmem>>
    %dma_wait3A_280 = arith.constant 64 : i32
    %dma_wait3A_281 = tpu.memref_slice %arg11[%dma_wait3A_280] : memref<512xi32, #tpu.memory_space<vmem>> -> memref<64xi32, #tpu.memory_space<vmem>>
    %dma_wait3A_282 = arith.constant 0 : i32
    %dma_wait3A_283 = tpu.memref_slice %arg5[%dma_wait3A_282] : memref<200000xf32, #tpu.memory_space<hbm>> -> memref<200000xf32, #tpu.memory_space<hbm>>
    tpu.wait_indirect_dma semaphore(%arg19 : memref<!tpu.dma_semaphore, #tpu.memory_space<semaphore_mem>>) src(%dma_wait3A_283 : memref<200000xf32, #tpu.memory_space<hbm>>) dst(%dma_wait3A_279 : memref<64xf32, #tpu.memory_space<vmem>>)
    %parallel_loop3A_284 = arith.constant 0 : i32
    %parallel_loop3A_285 = arith.constant 64 : i32
    %parallel_loop3A_286 = arith.constant 16 : i32
    %parallel_loop3A_287 = arith.constant 1 : i32
    %parallel_loop3A_288 = arith.constant 1 : i32
    %parallel_loop3A_289 = arith.constant 1 : i32
    %parallel_loop3A_290 = arith.constant 1 : i32
    %parallel_loop3A_291 = arith.constant 0 : i32
    %parallel_loop3A_292 = scf.for %parallel_loop3A_671 = %parallel_loop3A_284 to %parallel_loop3A_285 step %parallel_loop3A_286 iter_args(%parallel_loop3A_672 = %parallel_loop3A_291) -> (i32)  : i32 {
      %parallel_loop3A_673 = vector.broadcast %parallel_loop3A_671 : i32 to vector<16xi32>
      %parallel_loop3A_674 = arith.addi %iota3A, %parallel_loop3A_673 : vector<16xi32>
      %parallel_loop3A_675 = arith.constant 0.000000e+00 : f32
      %parallel_loop3A_676 = vector.broadcast %parallel_loop3A_675 : f32 to vector<16xf32>
      %parallel_loop3A_677 = arith.constant 0.000000e+00 : f32
      %parallel_loop3A_678 = vector.broadcast %parallel_loop3A_677 : f32 to vector<16xf32>
      %parallel_loop3A_679 = arith.constant 0.000000e+00 : f32
      %parallel_loop3A_680 = vector.broadcast %parallel_loop3A_679 : f32 to vector<16xf32>
      %parallel_loop3A_681 = arith.constant 0.000000e+00 : f32
      %parallel_loop3A_682 = vector.broadcast %parallel_loop3A_681 : f32 to vector<16xf32>
      %parallel_loop3A_683 = arith.constant 0.000000e+00 : f32
      %parallel_loop3A_684 = vector.broadcast %parallel_loop3A_683 : f32 to vector<16xf32>
      %parallel_loop3A_685 = arith.constant 0.000000e+00 : f32
      %parallel_loop3A_686 = vector.broadcast %parallel_loop3A_685 : f32 to vector<16xf32>
      %parallel_loop3A_687 = arith.constant 0.000000e+00 : f32
      %parallel_loop3A_688 = vector.broadcast %parallel_loop3A_687 : f32 to vector<16xf32>
      %parallel_loop3A_689 = arith.constant 0.000000e+00 : f32
      %parallel_loop3A_690 = vector.broadcast %parallel_loop3A_689 : f32 to vector<16xf32>
      %parallel_loop3A_691 = arith.constant 0 : i32
      %parallel_loop3A_692 = arith.constant 8 : i32
      %parallel_loop3A_693 = arith.addi %parallel_loop3A_691, %parallel_loop3A_692 : i32
      %parallel_loop3A_694 = arith.constant 1 : i32
      %parallel_loop3A_695:9 = scf.for %scan3A_722 = %parallel_loop3A_691 to %parallel_loop3A_693 step %parallel_loop3A_694 iter_args(%scan3A_723 = %iota3A, %scan3A_724 = %parallel_loop3A_676, %scan3A_725 = %parallel_loop3A_678, %scan3A_726 = %parallel_loop3A_680, %scan3A_727 = %parallel_loop3A_682, %scan3A_728 = %parallel_loop3A_684, %scan3A_729 = %parallel_loop3A_686, %scan3A_730 = %parallel_loop3A_688, %scan3A_731 = %parallel_loop3A_690) -> (vector<16xi32>, vector<16xf32>, vector<16xf32>, vector<16xf32>, vector<16xf32>, vector<16xf32>, vector<16xf32>, vector<16xf32>, vector<16xf32>)  : i32 {
        %parallel_loop3A_732 = arith.constant 0 : i32
        %parallel_loop3A_733 = arith.constant 0 : i32
        %parallel_loop3A_734 = tpu.memref_slice %arg12[%parallel_loop3A_287, %parallel_loop3A_732, %parallel_loop3A_733] : memref<4x64x128xf32, #tpu.memory_space<vmem>> -> memref<1x64x128xf32, #tpu.memory_space<vmem>>
        %parallel_loop3A_735 = tpu.memref_squeeze %parallel_loop3A_734 : memref<1x64x128xf32, #tpu.memory_space<vmem>> -> memref<64x128xf32, #tpu.memory_space<vmem>>
        %parallel_loop3A_736 = tpu.vector_load_idx %parallel_loop3A_735[%parallel_loop3A_674, %scan3A_723] : memref<64x128xf32, #tpu.memory_space<vmem>>[vector<16xi32>, vector<16xi32>], vector<16xf32>,
        %parallel_loop3A_737 = arith.constant 0 : i32
        %parallel_loop3A_738 = arith.constant 0 : i32
        %parallel_loop3A_739 = tpu.memref_slice %arg13[%parallel_loop3A_288, %parallel_loop3A_737, %parallel_loop3A_738] : memref<4x64x128xf32, #tpu.memory_space<vmem>> -> memref<1x64x128xf32, #tpu.memory_space<vmem>>
        %parallel_loop3A_740 = tpu.memref_squeeze %parallel_loop3A_739 : memref<1x64x128xf32, #tpu.memory_space<vmem>> -> memref<64x128xf32, #tpu.memory_space<vmem>>
        %parallel_loop3A_741 = tpu.vector_load_idx %parallel_loop3A_740[%parallel_loop3A_674, %scan3A_723] : memref<64x128xf32, #tpu.memory_space<vmem>>[vector<16xi32>, vector<16xi32>], vector<16xf32>,
        %parallel_loop3A_742 = arith.mulf %parallel_loop3A_736, %parallel_loop3A_741 : vector<16xf32>
        %parallel_loop3A_743 = arith.addf %scan3A_724, %parallel_loop3A_742 : vector<16xf32>
        %parallel_loop3A_744 = arith.constant 1 : i32
        %parallel_loop3A_745 = vector.broadcast %parallel_loop3A_744 : i32 to vector<16xi32>
        %parallel_loop3A_746 = arith.addi %scan3A_723, %parallel_loop3A_745 : vector<16xi32>
        %parallel_loop3A_747 = arith.constant 127 : i32
        %parallel_loop3A_748 = vector.broadcast %parallel_loop3A_747 : i32 to vector<16xi32>
        %parallel_loop3A_749 = arith.andi %parallel_loop3A_746, %parallel_loop3A_748 : vector<16xi32>
        %parallel_loop3A_750 = arith.constant 0 : i32
        %parallel_loop3A_751 = arith.constant 0 : i32
        %parallel_loop3A_752 = tpu.memref_slice %arg12[%parallel_loop3A_287, %parallel_loop3A_750, %parallel_loop3A_751] : memref<4x64x128xf32, #tpu.memory_space<vmem>> -> memref<1x64x128xf32, #tpu.memory_space<vmem>>
        %parallel_loop3A_753 = tpu.memref_squeeze %parallel_loop3A_752 : memref<1x64x128xf32, #tpu.memory_space<vmem>> -> memref<64x128xf32, #tpu.memory_space<vmem>>
        %parallel_loop3A_754 = tpu.vector_load_idx %parallel_loop3A_753[%parallel_loop3A_674, %parallel_loop3A_749] : memref<64x128xf32, #tpu.memory_space<vmem>>[vector<16xi32>, vector<16xi32>], vector<16xf32>,
        %parallel_loop3A_755 = arith.constant 0 : i32
        %parallel_loop3A_756 = arith.constant 0 : i32
        %parallel_loop3A_757 = tpu.memref_slice %arg13[%parallel_loop3A_288, %parallel_loop3A_755, %parallel_loop3A_756] : memref<4x64x128xf32, #tpu.memory_space<vmem>> -> memref<1x64x128xf32, #tpu.memory_space<vmem>>
        %parallel_loop3A_758 = tpu.memref_squeeze %parallel_loop3A_757 : memref<1x64x128xf32, #tpu.memory_space<vmem>> -> memref<64x128xf32, #tpu.memory_space<vmem>>
        %parallel_loop3A_759 = tpu.vector_load_idx %parallel_loop3A_758[%parallel_loop3A_674, %parallel_loop3A_749] : memref<64x128xf32, #tpu.memory_space<vmem>>[vector<16xi32>, vector<16xi32>], vector<16xf32>,
        %parallel_loop3A_760 = arith.mulf %parallel_loop3A_754, %parallel_loop3A_759 : vector<16xf32>
        %parallel_loop3A_761 = arith.addf %scan3A_725, %parallel_loop3A_760 : vector<16xf32>
        %parallel_loop3A_762 = arith.constant 1 : i32
        %parallel_loop3A_763 = vector.broadcast %parallel_loop3A_762 : i32 to vector<16xi32>
        %parallel_loop3A_764 = arith.addi %parallel_loop3A_749, %parallel_loop3A_763 : vector<16xi32>
        %parallel_loop3A_765 = arith.constant 127 : i32
        %parallel_loop3A_766 = vector.broadcast %parallel_loop3A_765 : i32 to vector<16xi32>
        %parallel_loop3A_767 = arith.andi %parallel_loop3A_764, %parallel_loop3A_766 : vector<16xi32>
        %parallel_loop3A_768 = arith.constant 0 : i32
        %parallel_loop3A_769 = arith.constant 0 : i32
        %parallel_loop3A_770 = tpu.memref_slice %arg12[%parallel_loop3A_287, %parallel_loop3A_768, %parallel_loop3A_769] : memref<4x64x128xf32, #tpu.memory_space<vmem>> -> memref<1x64x128xf32, #tpu.memory_space<vmem>>
        %parallel_loop3A_771 = tpu.memref_squeeze %parallel_loop3A_770 : memref<1x64x128xf32, #tpu.memory_space<vmem>> -> memref<64x128xf32, #tpu.memory_space<vmem>>
        %parallel_loop3A_772 = tpu.vector_load_idx %parallel_loop3A_771[%parallel_loop3A_674, %parallel_loop3A_767] : memref<64x128xf32, #tpu.memory_space<vmem>>[vector<16xi32>, vector<16xi32>], vector<16xf32>,
        %parallel_loop3A_773 = arith.constant 0 : i32
        %parallel_loop3A_774 = arith.constant 0 : i32
        %parallel_loop3A_775 = tpu.memref_slice %arg13[%parallel_loop3A_288, %parallel_loop3A_773, %parallel_loop3A_774] : memref<4x64x128xf32, #tpu.memory_space<vmem>> -> memref<1x64x128xf32, #tpu.memory_space<vmem>>
        %parallel_loop3A_776 = tpu.memref_squeeze %parallel_loop3A_775 : memref<1x64x128xf32, #tpu.memory_space<vmem>> -> memref<64x128xf32, #tpu.memory_space<vmem>>
        %parallel_loop3A_777 = tpu.vector_load_idx %parallel_loop3A_776[%parallel_loop3A_674, %parallel_loop3A_767] : memref<64x128xf32, #tpu.memory_space<vmem>>[vector<16xi32>, vector<16xi32>], vector<16xf32>,
        %parallel_loop3A_778 = arith.mulf %parallel_loop3A_772, %parallel_loop3A_777 : vector<16xf32>
        %parallel_loop3A_779 = arith.addf %scan3A_726, %parallel_loop3A_778 : vector<16xf32>
        %parallel_loop3A_780 = arith.constant 1 : i32
        %parallel_loop3A_781 = vector.broadcast %parallel_loop3A_780 : i32 to vector<16xi32>
        %parallel_loop3A_782 = arith.addi %parallel_loop3A_767, %parallel_loop3A_781 : vector<16xi32>
        %parallel_loop3A_783 = arith.constant 127 : i32
        %parallel_loop3A_784 = vector.broadcast %parallel_loop3A_783 : i32 to vector<16xi32>
        %parallel_loop3A_785 = arith.andi %parallel_loop3A_782, %parallel_loop3A_784 : vector<16xi32>
        %parallel_loop3A_786 = arith.constant 0 : i32
        %parallel_loop3A_787 = arith.constant 0 : i32
        %parallel_loop3A_788 = tpu.memref_slice %arg12[%parallel_loop3A_287, %parallel_loop3A_786, %parallel_loop3A_787] : memref<4x64x128xf32, #tpu.memory_space<vmem>> -> memref<1x64x128xf32, #tpu.memory_space<vmem>>
        %parallel_loop3A_789 = tpu.memref_squeeze %parallel_loop3A_788 : memref<1x64x128xf32, #tpu.memory_space<vmem>> -> memref<64x128xf32, #tpu.memory_space<vmem>>
        %parallel_loop3A_790 = tpu.vector_load_idx %parallel_loop3A_789[%parallel_loop3A_674, %parallel_loop3A_785] : memref<64x128xf32, #tpu.memory_space<vmem>>[vector<16xi32>, vector<16xi32>], vector<16xf32>,
        %parallel_loop3A_791 = arith.constant 0 : i32
        %parallel_loop3A_792 = arith.constant 0 : i32
        %parallel_loop3A_793 = tpu.memref_slice %arg13[%parallel_loop3A_288, %parallel_loop3A_791, %parallel_loop3A_792] : memref<4x64x128xf32, #tpu.memory_space<vmem>> -> memref<1x64x128xf32, #tpu.memory_space<vmem>>
        %parallel_loop3A_794 = tpu.memref_squeeze %parallel_loop3A_793 : memref<1x64x128xf32, #tpu.memory_space<vmem>> -> memref<64x128xf32, #tpu.memory_space<vmem>>
        %parallel_loop3A_795 = tpu.vector_load_idx %parallel_loop3A_794[%parallel_loop3A_674, %parallel_loop3A_785] : memref<64x128xf32, #tpu.memory_space<vmem>>[vector<16xi32>, vector<16xi32>], vector<16xf32>,
        %parallel_loop3A_796 = arith.mulf %parallel_loop3A_790, %parallel_loop3A_795 : vector<16xf32>
        %parallel_loop3A_797 = arith.addf %scan3A_727, %parallel_loop3A_796 : vector<16xf32>
        %parallel_loop3A_798 = arith.constant 1 : i32
        %parallel_loop3A_799 = vector.broadcast %parallel_loop3A_798 : i32 to vector<16xi32>
        %parallel_loop3A_800 = arith.addi %parallel_loop3A_785, %parallel_loop3A_799 : vector<16xi32>
        %parallel_loop3A_801 = arith.constant 127 : i32
        %parallel_loop3A_802 = vector.broadcast %parallel_loop3A_801 : i32 to vector<16xi32>
        %parallel_loop3A_803 = arith.andi %parallel_loop3A_800, %parallel_loop3A_802 : vector<16xi32>
        %parallel_loop3A_804 = arith.constant 0 : i32
        %parallel_loop3A_805 = arith.constant 0 : i32
        %parallel_loop3A_806 = tpu.memref_slice %arg12[%parallel_loop3A_287, %parallel_loop3A_804, %parallel_loop3A_805] : memref<4x64x128xf32, #tpu.memory_space<vmem>> -> memref<1x64x128xf32, #tpu.memory_space<vmem>>
        %parallel_loop3A_807 = tpu.memref_squeeze %parallel_loop3A_806 : memref<1x64x128xf32, #tpu.memory_space<vmem>> -> memref<64x128xf32, #tpu.memory_space<vmem>>
        %parallel_loop3A_808 = tpu.vector_load_idx %parallel_loop3A_807[%parallel_loop3A_674, %parallel_loop3A_803] : memref<64x128xf32, #tpu.memory_space<vmem>>[vector<16xi32>, vector<16xi32>], vector<16xf32>,
        %parallel_loop3A_809 = arith.constant 0 : i32
        %parallel_loop3A_810 = arith.constant 0 : i32
        %parallel_loop3A_811 = tpu.memref_slice %arg13[%parallel_loop3A_288, %parallel_loop3A_809, %parallel_loop3A_810] : memref<4x64x128xf32, #tpu.memory_space<vmem>> -> memref<1x64x128xf32, #tpu.memory_space<vmem>>
        %parallel_loop3A_812 = tpu.memref_squeeze %parallel_loop3A_811 : memref<1x64x128xf32, #tpu.memory_space<vmem>> -> memref<64x128xf32, #tpu.memory_space<vmem>>
        %parallel_loop3A_813 = tpu.vector_load_idx %parallel_loop3A_812[%parallel_loop3A_674, %parallel_loop3A_803] : memref<64x128xf32, #tpu.memory_space<vmem>>[vector<16xi32>, vector<16xi32>], vector<16xf32>,
        %parallel_loop3A_814 = arith.mulf %parallel_loop3A_808, %parallel_loop3A_813 : vector<16xf32>
        %parallel_loop3A_815 = arith.addf %scan3A_728, %parallel_loop3A_814 : vector<16xf32>
        %parallel_loop3A_816 = arith.constant 1 : i32
        %parallel_loop3A_817 = vector.broadcast %parallel_loop3A_816 : i32 to vector<16xi32>
        %parallel_loop3A_818 = arith.addi %parallel_loop3A_803, %parallel_loop3A_817 : vector<16xi32>
        %parallel_loop3A_819 = arith.constant 127 : i32
        %parallel_loop3A_820 = vector.broadcast %parallel_loop3A_819 : i32 to vector<16xi32>
        %parallel_loop3A_821 = arith.andi %parallel_loop3A_818, %parallel_loop3A_820 : vector<16xi32>
        %parallel_loop3A_822 = arith.constant 0 : i32
        %parallel_loop3A_823 = arith.constant 0 : i32
        %parallel_loop3A_824 = tpu.memref_slice %arg12[%parallel_loop3A_287, %parallel_loop3A_822, %parallel_loop3A_823] : memref<4x64x128xf32, #tpu.memory_space<vmem>> -> memref<1x64x128xf32, #tpu.memory_space<vmem>>
        %parallel_loop3A_825 = tpu.memref_squeeze %parallel_loop3A_824 : memref<1x64x128xf32, #tpu.memory_space<vmem>> -> memref<64x128xf32, #tpu.memory_space<vmem>>
        %parallel_loop3A_826 = tpu.vector_load_idx %parallel_loop3A_825[%parallel_loop3A_674, %parallel_loop3A_821] : memref<64x128xf32, #tpu.memory_space<vmem>>[vector<16xi32>, vector<16xi32>], vector<16xf32>,
        %parallel_loop3A_827 = arith.constant 0 : i32
        %parallel_loop3A_828 = arith.constant 0 : i32
        %parallel_loop3A_829 = tpu.memref_slice %arg13[%parallel_loop3A_288, %parallel_loop3A_827, %parallel_loop3A_828] : memref<4x64x128xf32, #tpu.memory_space<vmem>> -> memref<1x64x128xf32, #tpu.memory_space<vmem>>
        %parallel_loop3A_830 = tpu.memref_squeeze %parallel_loop3A_829 : memref<1x64x128xf32, #tpu.memory_space<vmem>> -> memref<64x128xf32, #tpu.memory_space<vmem>>
        %parallel_loop3A_831 = tpu.vector_load_idx %parallel_loop3A_830[%parallel_loop3A_674, %parallel_loop3A_821] : memref<64x128xf32, #tpu.memory_space<vmem>>[vector<16xi32>, vector<16xi32>], vector<16xf32>,
        %parallel_loop3A_832 = arith.mulf %parallel_loop3A_826, %parallel_loop3A_831 : vector<16xf32>
        %parallel_loop3A_833 = arith.addf %scan3A_729, %parallel_loop3A_832 : vector<16xf32>
        %parallel_loop3A_834 = arith.constant 1 : i32
        %parallel_loop3A_835 = vector.broadcast %parallel_loop3A_834 : i32 to vector<16xi32>
        %parallel_loop3A_836 = arith.addi %parallel_loop3A_821, %parallel_loop3A_835 : vector<16xi32>
        %parallel_loop3A_837 = arith.constant 127 : i32
        %parallel_loop3A_838 = vector.broadcast %parallel_loop3A_837 : i32 to vector<16xi32>
        %parallel_loop3A_839 = arith.andi %parallel_loop3A_836, %parallel_loop3A_838 : vector<16xi32>
        %parallel_loop3A_840 = arith.constant 0 : i32
        %parallel_loop3A_841 = arith.constant 0 : i32
        %parallel_loop3A_842 = tpu.memref_slice %arg12[%parallel_loop3A_287, %parallel_loop3A_840, %parallel_loop3A_841] : memref<4x64x128xf32, #tpu.memory_space<vmem>> -> memref<1x64x128xf32, #tpu.memory_space<vmem>>
        %parallel_loop3A_843 = tpu.memref_squeeze %parallel_loop3A_842 : memref<1x64x128xf32, #tpu.memory_space<vmem>> -> memref<64x128xf32, #tpu.memory_space<vmem>>
        %parallel_loop3A_844 = tpu.vector_load_idx %parallel_loop3A_843[%parallel_loop3A_674, %parallel_loop3A_839] : memref<64x128xf32, #tpu.memory_space<vmem>>[vector<16xi32>, vector<16xi32>], vector<16xf32>,
        %parallel_loop3A_845 = arith.constant 0 : i32
        %parallel_loop3A_846 = arith.constant 0 : i32
        %parallel_loop3A_847 = tpu.memref_slice %arg13[%parallel_loop3A_288, %parallel_loop3A_845, %parallel_loop3A_846] : memref<4x64x128xf32, #tpu.memory_space<vmem>> -> memref<1x64x128xf32, #tpu.memory_space<vmem>>
        %parallel_loop3A_848 = tpu.memref_squeeze %parallel_loop3A_847 : memref<1x64x128xf32, #tpu.memory_space<vmem>> -> memref<64x128xf32, #tpu.memory_space<vmem>>
        %parallel_loop3A_849 = tpu.vector_load_idx %parallel_loop3A_848[%parallel_loop3A_674, %parallel_loop3A_839] : memref<64x128xf32, #tpu.memory_space<vmem>>[vector<16xi32>, vector<16xi32>], vector<16xf32>,
        %parallel_loop3A_850 = arith.mulf %parallel_loop3A_844, %parallel_loop3A_849 : vector<16xf32>
        %parallel_loop3A_851 = arith.addf %scan3A_730, %parallel_loop3A_850 : vector<16xf32>
        %parallel_loop3A_852 = arith.constant 1 : i32
        %parallel_loop3A_853 = vector.broadcast %parallel_loop3A_852 : i32 to vector<16xi32>
        %parallel_loop3A_854 = arith.addi %parallel_loop3A_839, %parallel_loop3A_853 : vector<16xi32>
        %parallel_loop3A_855 = arith.constant 127 : i32
        %parallel_loop3A_856 = vector.broadcast %parallel_loop3A_855 : i32 to vector<16xi32>
        %parallel_loop3A_857 = arith.andi %parallel_loop3A_854, %parallel_loop3A_856 : vector<16xi32>
        %parallel_loop3A_858 = arith.constant 0 : i32
        %parallel_loop3A_859 = arith.constant 0 : i32
        %parallel_loop3A_860 = tpu.memref_slice %arg12[%parallel_loop3A_287, %parallel_loop3A_858, %parallel_loop3A_859] : memref<4x64x128xf32, #tpu.memory_space<vmem>> -> memref<1x64x128xf32, #tpu.memory_space<vmem>>
        %parallel_loop3A_861 = tpu.memref_squeeze %parallel_loop3A_860 : memref<1x64x128xf32, #tpu.memory_space<vmem>> -> memref<64x128xf32, #tpu.memory_space<vmem>>
        %parallel_loop3A_862 = tpu.vector_load_idx %parallel_loop3A_861[%parallel_loop3A_674, %parallel_loop3A_857] : memref<64x128xf32, #tpu.memory_space<vmem>>[vector<16xi32>, vector<16xi32>], vector<16xf32>,
        %parallel_loop3A_863 = arith.constant 0 : i32
        %parallel_loop3A_864 = arith.constant 0 : i32
        %parallel_loop3A_865 = tpu.memref_slice %arg13[%parallel_loop3A_288, %parallel_loop3A_863, %parallel_loop3A_864] : memref<4x64x128xf32, #tpu.memory_space<vmem>> -> memref<1x64x128xf32, #tpu.memory_space<vmem>>
        %parallel_loop3A_866 = tpu.memref_squeeze %parallel_loop3A_865 : memref<1x64x128xf32, #tpu.memory_space<vmem>> -> memref<64x128xf32, #tpu.memory_space<vmem>>
        %parallel_loop3A_867 = tpu.vector_load_idx %parallel_loop3A_866[%parallel_loop3A_674, %parallel_loop3A_857] : memref<64x128xf32, #tpu.memory_space<vmem>>[vector<16xi32>, vector<16xi32>], vector<16xf32>,
        %parallel_loop3A_868 = arith.mulf %parallel_loop3A_862, %parallel_loop3A_867 : vector<16xf32>
        %parallel_loop3A_869 = arith.addf %scan3A_731, %parallel_loop3A_868 : vector<16xf32>
        %parallel_loop3A_870 = arith.constant 1 : i32
        %parallel_loop3A_871 = vector.broadcast %parallel_loop3A_870 : i32 to vector<16xi32>
        %parallel_loop3A_872 = arith.addi %parallel_loop3A_857, %parallel_loop3A_871 : vector<16xi32>
        %parallel_loop3A_873 = arith.constant 127 : i32
        %parallel_loop3A_874 = vector.broadcast %parallel_loop3A_873 : i32 to vector<16xi32>
        %parallel_loop3A_875 = arith.andi %parallel_loop3A_872, %parallel_loop3A_874 : vector<16xi32>
        %parallel_loop3A_876 = arith.constant 0 : i32
        %parallel_loop3A_877 = arith.constant 0 : i32
        %parallel_loop3A_878 = tpu.memref_slice %arg12[%parallel_loop3A_287, %parallel_loop3A_876, %parallel_loop3A_877] : memref<4x64x128xf32, #tpu.memory_space<vmem>> -> memref<1x64x128xf32, #tpu.memory_space<vmem>>
        %parallel_loop3A_879 = tpu.memref_squeeze %parallel_loop3A_878 : memref<1x64x128xf32, #tpu.memory_space<vmem>> -> memref<64x128xf32, #tpu.memory_space<vmem>>
        %parallel_loop3A_880 = tpu.vector_load_idx %parallel_loop3A_879[%parallel_loop3A_674, %parallel_loop3A_875] : memref<64x128xf32, #tpu.memory_space<vmem>>[vector<16xi32>, vector<16xi32>], vector<16xf32>,
        %parallel_loop3A_881 = arith.constant 0 : i32
        %parallel_loop3A_882 = arith.constant 0 : i32
        %parallel_loop3A_883 = tpu.memref_slice %arg13[%parallel_loop3A_288, %parallel_loop3A_881, %parallel_loop3A_882] : memref<4x64x128xf32, #tpu.memory_space<vmem>> -> memref<1x64x128xf32, #tpu.memory_space<vmem>>
        %parallel_loop3A_884 = tpu.memref_squeeze %parallel_loop3A_883 : memref<1x64x128xf32, #tpu.memory_space<vmem>> -> memref<64x128xf32, #tpu.memory_space<vmem>>
        %parallel_loop3A_885 = tpu.vector_load_idx %parallel_loop3A_884[%parallel_loop3A_674, %parallel_loop3A_875] : memref<64x128xf32, #tpu.memory_space<vmem>>[vector<16xi32>, vector<16xi32>], vector<16xf32>,
        %parallel_loop3A_886 = arith.mulf %parallel_loop3A_880, %parallel_loop3A_885 : vector<16xf32>
        %parallel_loop3A_887 = arith.addf %parallel_loop3A_743, %parallel_loop3A_886 : vector<16xf32>
        %parallel_loop3A_888 = arith.constant 1 : i32
        %parallel_loop3A_889 = vector.broadcast %parallel_loop3A_888 : i32 to vector<16xi32>
        %parallel_loop3A_890 = arith.addi %parallel_loop3A_875, %parallel_loop3A_889 : vector<16xi32>
        %parallel_loop3A_891 = arith.constant 127 : i32
        %parallel_loop3A_892 = vector.broadcast %parallel_loop3A_891 : i32 to vector<16xi32>
        %parallel_loop3A_893 = arith.andi %parallel_loop3A_890, %parallel_loop3A_892 : vector<16xi32>
        %parallel_loop3A_894 = arith.constant 0 : i32
        %parallel_loop3A_895 = arith.constant 0 : i32
        %parallel_loop3A_896 = tpu.memref_slice %arg12[%parallel_loop3A_287, %parallel_loop3A_894, %parallel_loop3A_895] : memref<4x64x128xf32, #tpu.memory_space<vmem>> -> memref<1x64x128xf32, #tpu.memory_space<vmem>>
        %parallel_loop3A_897 = tpu.memref_squeeze %parallel_loop3A_896 : memref<1x64x128xf32, #tpu.memory_space<vmem>> -> memref<64x128xf32, #tpu.memory_space<vmem>>
        %parallel_loop3A_898 = tpu.vector_load_idx %parallel_loop3A_897[%parallel_loop3A_674, %parallel_loop3A_893] : memref<64x128xf32, #tpu.memory_space<vmem>>[vector<16xi32>, vector<16xi32>], vector<16xf32>,
        %parallel_loop3A_899 = arith.constant 0 : i32
        %parallel_loop3A_900 = arith.constant 0 : i32
        %parallel_loop3A_901 = tpu.memref_slice %arg13[%parallel_loop3A_288, %parallel_loop3A_899, %parallel_loop3A_900] : memref<4x64x128xf32, #tpu.memory_space<vmem>> -> memref<1x64x128xf32, #tpu.memory_space<vmem>>
        %parallel_loop3A_902 = tpu.memref_squeeze %parallel_loop3A_901 : memref<1x64x128xf32, #tpu.memory_space<vmem>> -> memref<64x128xf32, #tpu.memory_space<vmem>>
        %parallel_loop3A_903 = tpu.vector_load_idx %parallel_loop3A_902[%parallel_loop3A_674, %parallel_loop3A_893] : memref<64x128xf32, #tpu.memory_space<vmem>>[vector<16xi32>, vector<16xi32>], vector<16xf32>,
        %parallel_loop3A_904 = arith.mulf %parallel_loop3A_898, %parallel_loop3A_903 : vector<16xf32>
        %parallel_loop3A_905 = arith.addf %parallel_loop3A_761, %parallel_loop3A_904 : vector<16xf32>
        %parallel_loop3A_906 = arith.constant 1 : i32
        %parallel_loop3A_907 = vector.broadcast %parallel_loop3A_906 : i32 to vector<16xi32>
        %parallel_loop3A_908 = arith.addi %parallel_loop3A_893, %parallel_loop3A_907 : vector<16xi32>
        %parallel_loop3A_909 = arith.constant 127 : i32
        %parallel_loop3A_910 = vector.broadcast %parallel_loop3A_909 : i32 to vector<16xi32>
        %parallel_loop3A_911 = arith.andi %parallel_loop3A_908, %parallel_loop3A_910 : vector<16xi32>
        %parallel_loop3A_912 = arith.constant 0 : i32
        %parallel_loop3A_913 = arith.constant 0 : i32
        %parallel_loop3A_914 = tpu.memref_slice %arg12[%parallel_loop3A_287, %parallel_loop3A_912, %parallel_loop3A_913] : memref<4x64x128xf32, #tpu.memory_space<vmem>> -> memref<1x64x128xf32, #tpu.memory_space<vmem>>
        %parallel_loop3A_915 = tpu.memref_squeeze %parallel_loop3A_914 : memref<1x64x128xf32, #tpu.memory_space<vmem>> -> memref<64x128xf32, #tpu.memory_space<vmem>>
        %parallel_loop3A_916 = tpu.vector_load_idx %parallel_loop3A_915[%parallel_loop3A_674, %parallel_loop3A_911] : memref<64x128xf32, #tpu.memory_space<vmem>>[vector<16xi32>, vector<16xi32>], vector<16xf32>,
        %parallel_loop3A_917 = arith.constant 0 : i32
        %parallel_loop3A_918 = arith.constant 0 : i32
        %parallel_loop3A_919 = tpu.memref_slice %arg13[%parallel_loop3A_288, %parallel_loop3A_917, %parallel_loop3A_918] : memref<4x64x128xf32, #tpu.memory_space<vmem>> -> memref<1x64x128xf32, #tpu.memory_space<vmem>>
        %parallel_loop3A_920 = tpu.memref_squeeze %parallel_loop3A_919 : memref<1x64x128xf32, #tpu.memory_space<vmem>> -> memref<64x128xf32, #tpu.memory_space<vmem>>
        %parallel_loop3A_921 = tpu.vector_load_idx %parallel_loop3A_920[%parallel_loop3A_674, %parallel_loop3A_911] : memref<64x128xf32, #tpu.memory_space<vmem>>[vector<16xi32>, vector<16xi32>], vector<16xf32>,
        %parallel_loop3A_922 = arith.mulf %parallel_loop3A_916, %parallel_loop3A_921 : vector<16xf32>
        %parallel_loop3A_923 = arith.addf %parallel_loop3A_779, %parallel_loop3A_922 : vector<16xf32>
        %parallel_loop3A_924 = arith.constant 1 : i32
        %parallel_loop3A_925 = vector.broadcast %parallel_loop3A_924 : i32 to vector<16xi32>
        %parallel_loop3A_926 = arith.addi %parallel_loop3A_911, %parallel_loop3A_925 : vector<16xi32>
        %parallel_loop3A_927 = arith.constant 127 : i32
        %parallel_loop3A_928 = vector.broadcast %parallel_loop3A_927 : i32 to vector<16xi32>
        %parallel_loop3A_929 = arith.andi %parallel_loop3A_926, %parallel_loop3A_928 : vector<16xi32>
        %parallel_loop3A_930 = arith.constant 0 : i32
        %parallel_loop3A_931 = arith.constant 0 : i32
        %parallel_loop3A_932 = tpu.memref_slice %arg12[%parallel_loop3A_287, %parallel_loop3A_930, %parallel_loop3A_931] : memref<4x64x128xf32, #tpu.memory_space<vmem>> -> memref<1x64x128xf32, #tpu.memory_space<vmem>>
        %parallel_loop3A_933 = tpu.memref_squeeze %parallel_loop3A_932 : memref<1x64x128xf32, #tpu.memory_space<vmem>> -> memref<64x128xf32, #tpu.memory_space<vmem>>
        %parallel_loop3A_934 = tpu.vector_load_idx %parallel_loop3A_933[%parallel_loop3A_674, %parallel_loop3A_929] : memref<64x128xf32, #tpu.memory_space<vmem>>[vector<16xi32>, vector<16xi32>], vector<16xf32>,
        %parallel_loop3A_935 = arith.constant 0 : i32
        %parallel_loop3A_936 = arith.constant 0 : i32
        %parallel_loop3A_937 = tpu.memref_slice %arg13[%parallel_loop3A_288, %parallel_loop3A_935, %parallel_loop3A_936] : memref<4x64x128xf32, #tpu.memory_space<vmem>> -> memref<1x64x128xf32, #tpu.memory_space<vmem>>
        %parallel_loop3A_938 = tpu.memref_squeeze %parallel_loop3A_937 : memref<1x64x128xf32, #tpu.memory_space<vmem>> -> memref<64x128xf32, #tpu.memory_space<vmem>>
        %parallel_loop3A_939 = tpu.vector_load_idx %parallel_loop3A_938[%parallel_loop3A_674, %parallel_loop3A_929] : memref<64x128xf32, #tpu.memory_space<vmem>>[vector<16xi32>, vector<16xi32>], vector<16xf32>,
        %parallel_loop3A_940 = arith.mulf %parallel_loop3A_934, %parallel_loop3A_939 : vector<16xf32>
        %parallel_loop3A_941 = arith.addf %parallel_loop3A_797, %parallel_loop3A_940 : vector<16xf32>
        %parallel_loop3A_942 = arith.constant 1 : i32
        %parallel_loop3A_943 = vector.broadcast %parallel_loop3A_942 : i32 to vector<16xi32>
        %parallel_loop3A_944 = arith.addi %parallel_loop3A_929, %parallel_loop3A_943 : vector<16xi32>
        %parallel_loop3A_945 = arith.constant 127 : i32
        %parallel_loop3A_946 = vector.broadcast %parallel_loop3A_945 : i32 to vector<16xi32>
        %parallel_loop3A_947 = arith.andi %parallel_loop3A_944, %parallel_loop3A_946 : vector<16xi32>
        %parallel_loop3A_948 = arith.constant 0 : i32
        %parallel_loop3A_949 = arith.constant 0 : i32
        %parallel_loop3A_950 = tpu.memref_slice %arg12[%parallel_loop3A_287, %parallel_loop3A_948, %parallel_loop3A_949] : memref<4x64x128xf32, #tpu.memory_space<vmem>> -> memref<1x64x128xf32, #tpu.memory_space<vmem>>
        %parallel_loop3A_951 = tpu.memref_squeeze %parallel_loop3A_950 : memref<1x64x128xf32, #tpu.memory_space<vmem>> -> memref<64x128xf32, #tpu.memory_space<vmem>>
        %parallel_loop3A_952 = tpu.vector_load_idx %parallel_loop3A_951[%parallel_loop3A_674, %parallel_loop3A_947] : memref<64x128xf32, #tpu.memory_space<vmem>>[vector<16xi32>, vector<16xi32>], vector<16xf32>,
        %parallel_loop3A_953 = arith.constant 0 : i32
        %parallel_loop3A_954 = arith.constant 0 : i32
        %parallel_loop3A_955 = tpu.memref_slice %arg13[%parallel_loop3A_288, %parallel_loop3A_953, %parallel_loop3A_954] : memref<4x64x128xf32, #tpu.memory_space<vmem>> -> memref<1x64x128xf32, #tpu.memory_space<vmem>>
        %parallel_loop3A_956 = tpu.memref_squeeze %parallel_loop3A_955 : memref<1x64x128xf32, #tpu.memory_space<vmem>> -> memref<64x128xf32, #tpu.memory_space<vmem>>
        %parallel_loop3A_957 = tpu.vector_load_idx %parallel_loop3A_956[%parallel_loop3A_674, %parallel_loop3A_947] : memref<64x128xf32, #tpu.memory_space<vmem>>[vector<16xi32>, vector<16xi32>], vector<16xf32>,
        %parallel_loop3A_958 = arith.mulf %parallel_loop3A_952, %parallel_loop3A_957 : vector<16xf32>
        %parallel_loop3A_959 = arith.addf %parallel_loop3A_815, %parallel_loop3A_958 : vector<16xf32>
        %parallel_loop3A_960 = arith.constant 1 : i32
        %parallel_loop3A_961 = vector.broadcast %parallel_loop3A_960 : i32 to vector<16xi32>
        %parallel_loop3A_962 = arith.addi %parallel_loop3A_947, %parallel_loop3A_961 : vector<16xi32>
        %parallel_loop3A_963 = arith.constant 127 : i32
        %parallel_loop3A_964 = vector.broadcast %parallel_loop3A_963 : i32 to vector<16xi32>
        %parallel_loop3A_965 = arith.andi %parallel_loop3A_962, %parallel_loop3A_964 : vector<16xi32>
        %parallel_loop3A_966 = arith.constant 0 : i32
        %parallel_loop3A_967 = arith.constant 0 : i32
        %parallel_loop3A_968 = tpu.memref_slice %arg12[%parallel_loop3A_287, %parallel_loop3A_966, %parallel_loop3A_967] : memref<4x64x128xf32, #tpu.memory_space<vmem>> -> memref<1x64x128xf32, #tpu.memory_space<vmem>>
        %parallel_loop3A_969 = tpu.memref_squeeze %parallel_loop3A_968 : memref<1x64x128xf32, #tpu.memory_space<vmem>> -> memref<64x128xf32, #tpu.memory_space<vmem>>
        %parallel_loop3A_970 = tpu.vector_load_idx %parallel_loop3A_969[%parallel_loop3A_674, %parallel_loop3A_965] : memref<64x128xf32, #tpu.memory_space<vmem>>[vector<16xi32>, vector<16xi32>], vector<16xf32>,
        %parallel_loop3A_971 = arith.constant 0 : i32
        %parallel_loop3A_972 = arith.constant 0 : i32
        %parallel_loop3A_973 = tpu.memref_slice %arg13[%parallel_loop3A_288, %parallel_loop3A_971, %parallel_loop3A_972] : memref<4x64x128xf32, #tpu.memory_space<vmem>> -> memref<1x64x128xf32, #tpu.memory_space<vmem>>
        %parallel_loop3A_974 = tpu.memref_squeeze %parallel_loop3A_973 : memref<1x64x128xf32, #tpu.memory_space<vmem>> -> memref<64x128xf32, #tpu.memory_space<vmem>>
        %parallel_loop3A_975 = tpu.vector_load_idx %parallel_loop3A_974[%parallel_loop3A_674, %parallel_loop3A_965] : memref<64x128xf32, #tpu.memory_space<vmem>>[vector<16xi32>, vector<16xi32>], vector<16xf32>,
        %parallel_loop3A_976 = arith.mulf %parallel_loop3A_970, %parallel_loop3A_975 : vector<16xf32>
        %parallel_loop3A_977 = arith.addf %parallel_loop3A_833, %parallel_loop3A_976 : vector<16xf32>
        %parallel_loop3A_978 = arith.constant 1 : i32
        %parallel_loop3A_979 = vector.broadcast %parallel_loop3A_978 : i32 to vector<16xi32>
        %parallel_loop3A_980 = arith.addi %parallel_loop3A_965, %parallel_loop3A_979 : vector<16xi32>
        %parallel_loop3A_981 = arith.constant 127 : i32
        %parallel_loop3A_982 = vector.broadcast %parallel_loop3A_981 : i32 to vector<16xi32>
        %parallel_loop3A_983 = arith.andi %parallel_loop3A_980, %parallel_loop3A_982 : vector<16xi32>
        %parallel_loop3A_984 = arith.constant 0 : i32
        %parallel_loop3A_985 = arith.constant 0 : i32
        %parallel_loop3A_986 = tpu.memref_slice %arg12[%parallel_loop3A_287, %parallel_loop3A_984, %parallel_loop3A_985] : memref<4x64x128xf32, #tpu.memory_space<vmem>> -> memref<1x64x128xf32, #tpu.memory_space<vmem>>
        %parallel_loop3A_987 = tpu.memref_squeeze %parallel_loop3A_986 : memref<1x64x128xf32, #tpu.memory_space<vmem>> -> memref<64x128xf32, #tpu.memory_space<vmem>>
        %parallel_loop3A_988 = tpu.vector_load_idx %parallel_loop3A_987[%parallel_loop3A_674, %parallel_loop3A_983] : memref<64x128xf32, #tpu.memory_space<vmem>>[vector<16xi32>, vector<16xi32>], vector<16xf32>,
        %parallel_loop3A_989 = arith.constant 0 : i32
        %parallel_loop3A_990 = arith.constant 0 : i32
        %parallel_loop3A_991 = tpu.memref_slice %arg13[%parallel_loop3A_288, %parallel_loop3A_989, %parallel_loop3A_990] : memref<4x64x128xf32, #tpu.memory_space<vmem>> -> memref<1x64x128xf32, #tpu.memory_space<vmem>>
        %parallel_loop3A_992 = tpu.memref_squeeze %parallel_loop3A_991 : memref<1x64x128xf32, #tpu.memory_space<vmem>> -> memref<64x128xf32, #tpu.memory_space<vmem>>
        %parallel_loop3A_993 = tpu.vector_load_idx %parallel_loop3A_992[%parallel_loop3A_674, %parallel_loop3A_983] : memref<64x128xf32, #tpu.memory_space<vmem>>[vector<16xi32>, vector<16xi32>], vector<16xf32>,
        %parallel_loop3A_994 = arith.mulf %parallel_loop3A_988, %parallel_loop3A_993 : vector<16xf32>
        %parallel_loop3A_995 = arith.addf %parallel_loop3A_851, %parallel_loop3A_994 : vector<16xf32>
        %parallel_loop3A_996 = arith.constant 1 : i32
        %parallel_loop3A_997 = vector.broadcast %parallel_loop3A_996 : i32 to vector<16xi32>
        %parallel_loop3A_998 = arith.addi %parallel_loop3A_983, %parallel_loop3A_997 : vector<16xi32>
        %parallel_loop3A_999 = arith.constant 127 : i32
        %parallel_loop3A_1000 = vector.broadcast %parallel_loop3A_999 : i32 to vector<16xi32>
        %parallel_loop3A_1001 = arith.andi %parallel_loop3A_998, %parallel_loop3A_1000 : vector<16xi32>
        %parallel_loop3A_1002 = arith.constant 0 : i32
        %parallel_loop3A_1003 = arith.constant 0 : i32
        %parallel_loop3A_1004 = tpu.memref_slice %arg12[%parallel_loop3A_287, %parallel_loop3A_1002, %parallel_loop3A_1003] : memref<4x64x128xf32, #tpu.memory_space<vmem>> -> memref<1x64x128xf32, #tpu.memory_space<vmem>>
        %parallel_loop3A_1005 = tpu.memref_squeeze %parallel_loop3A_1004 : memref<1x64x128xf32, #tpu.memory_space<vmem>> -> memref<64x128xf32, #tpu.memory_space<vmem>>
        %parallel_loop3A_1006 = tpu.vector_load_idx %parallel_loop3A_1005[%parallel_loop3A_674, %parallel_loop3A_1001] : memref<64x128xf32, #tpu.memory_space<vmem>>[vector<16xi32>, vector<16xi32>], vector<16xf32>,
        %parallel_loop3A_1007 = arith.constant 0 : i32
        %parallel_loop3A_1008 = arith.constant 0 : i32
        %parallel_loop3A_1009 = tpu.memref_slice %arg13[%parallel_loop3A_288, %parallel_loop3A_1007, %parallel_loop3A_1008] : memref<4x64x128xf32, #tpu.memory_space<vmem>> -> memref<1x64x128xf32, #tpu.memory_space<vmem>>
        %parallel_loop3A_1010 = tpu.memref_squeeze %parallel_loop3A_1009 : memref<1x64x128xf32, #tpu.memory_space<vmem>> -> memref<64x128xf32, #tpu.memory_space<vmem>>
        %parallel_loop3A_1011 = tpu.vector_load_idx %parallel_loop3A_1010[%parallel_loop3A_674, %parallel_loop3A_1001] : memref<64x128xf32, #tpu.memory_space<vmem>>[vector<16xi32>, vector<16xi32>], vector<16xf32>,
        %parallel_loop3A_1012 = arith.mulf %parallel_loop3A_1006, %parallel_loop3A_1011 : vector<16xf32>
        %parallel_loop3A_1013 = arith.addf %parallel_loop3A_869, %parallel_loop3A_1012 : vector<16xf32>
        %parallel_loop3A_1014 = arith.constant 1 : i32
        %parallel_loop3A_1015 = vector.broadcast %parallel_loop3A_1014 : i32 to vector<16xi32>
        %parallel_loop3A_1016 = arith.addi %parallel_loop3A_1001, %parallel_loop3A_1015 : vector<16xi32>
        %parallel_loop3A_1017 = arith.constant 127 : i32
        %parallel_loop3A_1018 = vector.broadcast %parallel_loop3A_1017 : i32 to vector<16xi32>
        %parallel_loop3A_1019 = arith.andi %parallel_loop3A_1016, %parallel_loop3A_1018 : vector<16xi32>
        scf.yield %parallel_loop3A_1019, %parallel_loop3A_887, %parallel_loop3A_905, %parallel_loop3A_923, %parallel_loop3A_941, %parallel_loop3A_959, %parallel_loop3A_977, %parallel_loop3A_995, %parallel_loop3A_1013 : vector<16xi32>, vector<16xf32>, vector<16xf32>, vector<16xf32>, vector<16xf32>, vector<16xf32>, vector<16xf32>, vector<16xf32>, vector<16xf32>
      }
      %parallel_loop3A_696 = arith.constant 8 : i32
      %parallel_loop3A_697 = arith.addf %parallel_loop3A_695#1, %parallel_loop3A_695#2 : vector<16xf32>
      %parallel_loop3A_698 = arith.addf %parallel_loop3A_695#3, %parallel_loop3A_695#4 : vector<16xf32>
      %parallel_loop3A_699 = arith.addf %parallel_loop3A_697, %parallel_loop3A_698 : vector<16xf32>
      %parallel_loop3A_700 = arith.addf %parallel_loop3A_695#5, %parallel_loop3A_695#6 : vector<16xf32>
      %parallel_loop3A_701 = arith.addf %parallel_loop3A_695#7, %parallel_loop3A_695#8 : vector<16xf32>
      %parallel_loop3A_702 = arith.addf %parallel_loop3A_700, %parallel_loop3A_701 : vector<16xf32>
      %parallel_loop3A_703 = arith.constant 0 : i32
      %parallel_loop3A_704 = tpu.memref_slice %arg14[%parallel_loop3A_289, %parallel_loop3A_703] : memref<4x64xf32, #tpu.memory_space<vmem>> -> memref<1x64xf32, #tpu.memory_space<vmem>>
      %parallel_loop3A_705 = tpu.memref_squeeze %parallel_loop3A_704 : memref<1x64xf32, #tpu.memory_space<vmem>> -> memref<64xf32, #tpu.memory_space<vmem>>
      %parallel_loop3A_706 = arith.index_cast %parallel_loop3A_671 : i32 to index
      %parallel_loop3A_707 = tpu.vector_load %parallel_loop3A_705[%parallel_loop3A_706] {strides = array<i32>} : memref<64xf32, #tpu.memory_space<vmem>>, vector<16xf32>,
      %parallel_loop3A_708 = arith.constant 0 : i32
      %parallel_loop3A_709 = tpu.memref_slice %arg15[%parallel_loop3A_290, %parallel_loop3A_708] : memref<4x64xf32, #tpu.memory_space<vmem>> -> memref<1x64xf32, #tpu.memory_space<vmem>>
      %parallel_loop3A_710 = tpu.memref_squeeze %parallel_loop3A_709 : memref<1x64xf32, #tpu.memory_space<vmem>> -> memref<64xf32, #tpu.memory_space<vmem>>
      %parallel_loop3A_711 = arith.index_cast %parallel_loop3A_671 : i32 to index
      %parallel_loop3A_712 = tpu.vector_load %parallel_loop3A_710[%parallel_loop3A_711] {strides = array<i32>} : memref<64xf32, #tpu.memory_space<vmem>>, vector<16xf32>,
      %parallel_loop3A_713 = arith.addf %parallel_loop3A_707, %parallel_loop3A_712 : vector<16xf32>
      %parallel_loop3A_714 = vector.broadcast %squeeze3A : f32 to vector<16xf32>
      %parallel_loop3A_715 = arith.addf %parallel_loop3A_713, %parallel_loop3A_714 : vector<16xf32>
      %parallel_loop3A_716 = arith.addf %parallel_loop3A_699, %parallel_loop3A_702 : vector<16xf32>
      %parallel_loop3A_717 = arith.addf %parallel_loop3A_715, %parallel_loop3A_716 : vector<16xf32>
      %parallel_loop3A_718 = arith.constant 64 : i32
      %parallel_loop3A_719 = arith.addi %parallel_loop3A_718, %parallel_loop3A_671 : i32
      %parallel_loop3A_720 = arith.index_cast %parallel_loop3A_719 : i32 to index
      %parallel_loop3A_721 = tpu.vector_load %arg16[%parallel_loop3A_720] {strides = array<i32>} : memref<512xf32, #tpu.memory_space<vmem>>, vector<16xf32>,
      tpu.vector_store %arg16[%parallel_loop3A_720], %parallel_loop3A_717 {strides = array<i32>} : memref<512xf32, #tpu.memory_space<vmem>>, vector<16xf32>,
      scf.yield %parallel_loop3A_672 : i32
    } {sc.loop_unroll_factor = 1 : i64, sc.parallel_access}
    %dma_start3A_293 = arith.constant 1 : i32
    %dma_start3A_294 = arith.constant 0 : i32
    %dma_start3A_295 = arith.constant 0 : i32
    %dma_start3A_296 = tpu.memref_slice %arg12[%dma_start3A_293, %dma_start3A_294, %dma_start3A_295] : memref<4x64x128xf32, #tpu.memory_space<vmem>> -> memref<1x64x128xf32, #tpu.memory_space<vmem>>
    %dma_start3A_297 = tpu.memref_squeeze %dma_start3A_296 : memref<1x64x128xf32, #tpu.memory_space<vmem>> -> memref<64x128xf32, #tpu.memory_space<vmem>>
    %dma_start3A_298 = arith.constant 320 : i32
    %dma_start3A_299 = tpu.memref_slice %arg9[%dma_start3A_298] : memref<512xi32, #tpu.memory_space<vmem>> -> memref<64xi32, #tpu.memory_space<vmem>>
    %dma_start3A_300 = arith.constant 0 : i32
    %dma_start3A_301 = arith.constant 0 : i32
    %dma_start3A_302 = tpu.memref_slice %arg4[%dma_start3A_300, %dma_start3A_301] : memref<100000x128xf32, #tpu.memory_space<hbm>> -> memref<100000x128xf32, #tpu.memory_space<hbm>>
    tpu.enqueue_indirect_dma source(%dma_start3A_302 : memref<100000x128xf32, #tpu.memory_space<hbm>>) target(%dma_start3A_297 : memref<64x128xf32, #tpu.memory_space<vmem>>) offsets(%dma_start3A_299 : memref<64xi32, #tpu.memory_space<vmem>>) semaphore(%arg19 : memref<!tpu.dma_semaphore, #tpu.memory_space<semaphore_mem>>)
    %dma_start3A_303 = arith.constant 1 : i32
    %dma_start3A_304 = arith.constant 0 : i32
    %dma_start3A_305 = arith.constant 0 : i32
    %dma_start3A_306 = tpu.memref_slice %arg13[%dma_start3A_303, %dma_start3A_304, %dma_start3A_305] : memref<4x64x128xf32, #tpu.memory_space<vmem>> -> memref<1x64x128xf32, #tpu.memory_space<vmem>>
    %dma_start3A_307 = tpu.memref_squeeze %dma_start3A_306 : memref<1x64x128xf32, #tpu.memory_space<vmem>> -> memref<64x128xf32, #tpu.memory_space<vmem>>
    %dma_start3A_308 = arith.constant 320 : i32
    %dma_start3A_309 = tpu.memref_slice %arg10[%dma_start3A_308] : memref<512xi32, #tpu.memory_space<vmem>> -> memref<64xi32, #tpu.memory_space<vmem>>
    %dma_start3A_310 = arith.constant 0 : i32
    %dma_start3A_311 = arith.constant 0 : i32
    %dma_start3A_312 = tpu.memref_slice %arg6[%dma_start3A_310, %dma_start3A_311] : memref<100000x128xf32, #tpu.memory_space<hbm>> -> memref<100000x128xf32, #tpu.memory_space<hbm>>
    tpu.enqueue_indirect_dma source(%dma_start3A_312 : memref<100000x128xf32, #tpu.memory_space<hbm>>) target(%dma_start3A_307 : memref<64x128xf32, #tpu.memory_space<vmem>>) offsets(%dma_start3A_309 : memref<64xi32, #tpu.memory_space<vmem>>) semaphore(%arg19 : memref<!tpu.dma_semaphore, #tpu.memory_space<semaphore_mem>>)
    %dma_start3A_313 = arith.constant 1 : i32
    %dma_start3A_314 = arith.constant 0 : i32
    %dma_start3A_315 = tpu.memref_slice %arg14[%dma_start3A_313, %dma_start3A_314] : memref<4x64xf32, #tpu.memory_space<vmem>> -> memref<1x64xf32, #tpu.memory_space<vmem>>
    %dma_start3A_316 = tpu.memref_squeeze %dma_start3A_315 : memref<1x64xf32, #tpu.memory_space<vmem>> -> memref<64xf32, #tpu.memory_space<vmem>>
    %dma_start3A_317 = arith.constant 320 : i32
    %dma_start3A_318 = tpu.memref_slice %arg9[%dma_start3A_317] : memref<512xi32, #tpu.memory_space<vmem>> -> memref<64xi32, #tpu.memory_space<vmem>>
    %dma_start3A_319 = arith.constant 0 : i32
    %dma_start3A_320 = tpu.memref_slice %arg5[%dma_start3A_319] : memref<200000xf32, #tpu.memory_space<hbm>> -> memref<200000xf32, #tpu.memory_space<hbm>>
    tpu.enqueue_indirect_dma source(%dma_start3A_320 : memref<200000xf32, #tpu.memory_space<hbm>>) target(%dma_start3A_316 : memref<64xf32, #tpu.memory_space<vmem>>) offsets(%dma_start3A_318 : memref<64xi32, #tpu.memory_space<vmem>>) semaphore(%arg19 : memref<!tpu.dma_semaphore, #tpu.memory_space<semaphore_mem>>)
    %dma_start3A_321 = arith.constant 1 : i32
    %dma_start3A_322 = arith.constant 0 : i32
    %dma_start3A_323 = tpu.memref_slice %arg15[%dma_start3A_321, %dma_start3A_322] : memref<4x64xf32, #tpu.memory_space<vmem>> -> memref<1x64xf32, #tpu.memory_space<vmem>>
    %dma_start3A_324 = tpu.memref_squeeze %dma_start3A_323 : memref<1x64xf32, #tpu.memory_space<vmem>> -> memref<64xf32, #tpu.memory_space<vmem>>
    %dma_start3A_325 = arith.constant 320 : i32
    %dma_start3A_326 = tpu.memref_slice %arg11[%dma_start3A_325] : memref<512xi32, #tpu.memory_space<vmem>> -> memref<64xi32, #tpu.memory_space<vmem>>
    %dma_start3A_327 = arith.constant 0 : i32
    %dma_start3A_328 = tpu.memref_slice %arg5[%dma_start3A_327] : memref<200000xf32, #tpu.memory_space<hbm>> -> memref<200000xf32, #tpu.memory_space<hbm>>
    tpu.enqueue_indirect_dma source(%dma_start3A_328 : memref<200000xf32, #tpu.memory_space<hbm>>) target(%dma_start3A_324 : memref<64xf32, #tpu.memory_space<vmem>>) offsets(%dma_start3A_326 : memref<64xi32, #tpu.memory_space<vmem>>) semaphore(%arg19 : memref<!tpu.dma_semaphore, #tpu.memory_space<semaphore_mem>>)
    %dma_wait3A_329 = arith.constant 2 : i32
    %dma_wait3A_330 = arith.constant 0 : i32
    %dma_wait3A_331 = arith.constant 0 : i32
    %dma_wait3A_332 = tpu.memref_slice %arg12[%dma_wait3A_329, %dma_wait3A_330, %dma_wait3A_331] : memref<4x64x128xf32, #tpu.memory_space<vmem>> -> memref<1x64x128xf32, #tpu.memory_space<vmem>>
    %dma_wait3A_333 = tpu.memref_squeeze %dma_wait3A_332 : memref<1x64x128xf32, #tpu.memory_space<vmem>> -> memref<64x128xf32, #tpu.memory_space<vmem>>
    %dma_wait3A_334 = arith.constant 128 : i32
    %dma_wait3A_335 = tpu.memref_slice %arg9[%dma_wait3A_334] : memref<512xi32, #tpu.memory_space<vmem>> -> memref<64xi32, #tpu.memory_space<vmem>>
    %dma_wait3A_336 = arith.constant 0 : i32
    %dma_wait3A_337 = arith.constant 0 : i32
    %dma_wait3A_338 = tpu.memref_slice %arg4[%dma_wait3A_336, %dma_wait3A_337] : memref<100000x128xf32, #tpu.memory_space<hbm>> -> memref<100000x128xf32, #tpu.memory_space<hbm>>
    tpu.wait_indirect_dma semaphore(%arg20 : memref<!tpu.dma_semaphore, #tpu.memory_space<semaphore_mem>>) src(%dma_wait3A_338 : memref<100000x128xf32, #tpu.memory_space<hbm>>) dst(%dma_wait3A_333 : memref<64x128xf32, #tpu.memory_space<vmem>>)
    %dma_wait3A_339 = arith.constant 2 : i32
    %dma_wait3A_340 = arith.constant 0 : i32
    %dma_wait3A_341 = arith.constant 0 : i32
    %dma_wait3A_342 = tpu.memref_slice %arg13[%dma_wait3A_339, %dma_wait3A_340, %dma_wait3A_341] : memref<4x64x128xf32, #tpu.memory_space<vmem>> -> memref<1x64x128xf32, #tpu.memory_space<vmem>>
    %dma_wait3A_343 = tpu.memref_squeeze %dma_wait3A_342 : memref<1x64x128xf32, #tpu.memory_space<vmem>> -> memref<64x128xf32, #tpu.memory_space<vmem>>
    %dma_wait3A_344 = arith.constant 128 : i32
    %dma_wait3A_345 = tpu.memref_slice %arg10[%dma_wait3A_344] : memref<512xi32, #tpu.memory_space<vmem>> -> memref<64xi32, #tpu.memory_space<vmem>>
    %dma_wait3A_346 = arith.constant 0 : i32
    %dma_wait3A_347 = arith.constant 0 : i32
    %dma_wait3A_348 = tpu.memref_slice %arg6[%dma_wait3A_346, %dma_wait3A_347] : memref<100000x128xf32, #tpu.memory_space<hbm>> -> memref<100000x128xf32, #tpu.memory_space<hbm>>
    tpu.wait_indirect_dma semaphore(%arg20 : memref<!tpu.dma_semaphore, #tpu.memory_space<semaphore_mem>>) src(%dma_wait3A_348 : memref<100000x128xf32, #tpu.memory_space<hbm>>) dst(%dma_wait3A_343 : memref<64x128xf32, #tpu.memory_space<vmem>>)
    %dma_wait3A_349 = arith.constant 2 : i32
    %dma_wait3A_350 = arith.constant 0 : i32
    %dma_wait3A_351 = tpu.memref_slice %arg14[%dma_wait3A_349, %dma_wait3A_350] : memref<4x64xf32, #tpu.memory_space<vmem>> -> memref<1x64xf32, #tpu.memory_space<vmem>>
    %dma_wait3A_352 = tpu.memref_squeeze %dma_wait3A_351 : memref<1x64xf32, #tpu.memory_space<vmem>> -> memref<64xf32, #tpu.memory_space<vmem>>
    %dma_wait3A_353 = arith.constant 128 : i32
    %dma_wait3A_354 = tpu.memref_slice %arg9[%dma_wait3A_353] : memref<512xi32, #tpu.memory_space<vmem>> -> memref<64xi32, #tpu.memory_space<vmem>>
    %dma_wait3A_355 = arith.constant 0 : i32
    %dma_wait3A_356 = tpu.memref_slice %arg5[%dma_wait3A_355] : memref<200000xf32, #tpu.memory_space<hbm>> -> memref<200000xf32, #tpu.memory_space<hbm>>
    tpu.wait_indirect_dma semaphore(%arg20 : memref<!tpu.dma_semaphore, #tpu.memory_space<semaphore_mem>>) src(%dma_wait3A_356 : memref<200000xf32, #tpu.memory_space<hbm>>) dst(%dma_wait3A_352 : memref<64xf32, #tpu.memory_space<vmem>>)
    %dma_wait3A_357 = arith.constant 2 : i32
    %dma_wait3A_358 = arith.constant 0 : i32
    %dma_wait3A_359 = tpu.memref_slice %arg15[%dma_wait3A_357, %dma_wait3A_358] : memref<4x64xf32, #tpu.memory_space<vmem>> -> memref<1x64xf32, #tpu.memory_space<vmem>>
    %dma_wait3A_360 = tpu.memref_squeeze %dma_wait3A_359 : memref<1x64xf32, #tpu.memory_space<vmem>> -> memref<64xf32, #tpu.memory_space<vmem>>
    %dma_wait3A_361 = arith.constant 128 : i32
    %dma_wait3A_362 = tpu.memref_slice %arg11[%dma_wait3A_361] : memref<512xi32, #tpu.memory_space<vmem>> -> memref<64xi32, #tpu.memory_space<vmem>>
    %dma_wait3A_363 = arith.constant 0 : i32
    %dma_wait3A_364 = tpu.memref_slice %arg5[%dma_wait3A_363] : memref<200000xf32, #tpu.memory_space<hbm>> -> memref<200000xf32, #tpu.memory_space<hbm>>
    tpu.wait_indirect_dma semaphore(%arg20 : memref<!tpu.dma_semaphore, #tpu.memory_space<semaphore_mem>>) src(%dma_wait3A_364 : memref<200000xf32, #tpu.memory_space<hbm>>) dst(%dma_wait3A_360 : memref<64xf32, #tpu.memory_space<vmem>>)
    %parallel_loop3A_365 = arith.constant 0 : i32
    %parallel_loop3A_366 = arith.constant 64 : i32
    %parallel_loop3A_367 = arith.constant 16 : i32
    %parallel_loop3A_368 = arith.constant 2 : i32
    %parallel_loop3A_369 = arith.constant 2 : i32
    %parallel_loop3A_370 = arith.constant 2 : i32
    %parallel_loop3A_371 = arith.constant 2 : i32
    %parallel_loop3A_372 = arith.constant 0 : i32
    %parallel_loop3A_373 = scf.for %parallel_loop3A_671 = %parallel_loop3A_365 to %parallel_loop3A_366 step %parallel_loop3A_367 iter_args(%parallel_loop3A_672 = %parallel_loop3A_372) -> (i32)  : i32 {
      %parallel_loop3A_673 = vector.broadcast %parallel_loop3A_671 : i32 to vector<16xi32>
      %parallel_loop3A_674 = arith.addi %iota3A, %parallel_loop3A_673 : vector<16xi32>
      %parallel_loop3A_675 = arith.constant 0.000000e+00 : f32
      %parallel_loop3A_676 = vector.broadcast %parallel_loop3A_675 : f32 to vector<16xf32>
      %parallel_loop3A_677 = arith.constant 0.000000e+00 : f32
      %parallel_loop3A_678 = vector.broadcast %parallel_loop3A_677 : f32 to vector<16xf32>
      %parallel_loop3A_679 = arith.constant 0.000000e+00 : f32
      %parallel_loop3A_680 = vector.broadcast %parallel_loop3A_679 : f32 to vector<16xf32>
      %parallel_loop3A_681 = arith.constant 0.000000e+00 : f32
      %parallel_loop3A_682 = vector.broadcast %parallel_loop3A_681 : f32 to vector<16xf32>
      %parallel_loop3A_683 = arith.constant 0.000000e+00 : f32
      %parallel_loop3A_684 = vector.broadcast %parallel_loop3A_683 : f32 to vector<16xf32>
      %parallel_loop3A_685 = arith.constant 0.000000e+00 : f32
      %parallel_loop3A_686 = vector.broadcast %parallel_loop3A_685 : f32 to vector<16xf32>
      %parallel_loop3A_687 = arith.constant 0.000000e+00 : f32
      %parallel_loop3A_688 = vector.broadcast %parallel_loop3A_687 : f32 to vector<16xf32>
      %parallel_loop3A_689 = arith.constant 0.000000e+00 : f32
      %parallel_loop3A_690 = vector.broadcast %parallel_loop3A_689 : f32 to vector<16xf32>
      %parallel_loop3A_691 = arith.constant 0 : i32
      %parallel_loop3A_692 = arith.constant 8 : i32
      %parallel_loop3A_693 = arith.addi %parallel_loop3A_691, %parallel_loop3A_692 : i32
      %parallel_loop3A_694 = arith.constant 1 : i32
      %parallel_loop3A_695:9 = scf.for %scan3A_722 = %parallel_loop3A_691 to %parallel_loop3A_693 step %parallel_loop3A_694 iter_args(%scan3A_723 = %iota3A, %scan3A_724 = %parallel_loop3A_676, %scan3A_725 = %parallel_loop3A_678, %scan3A_726 = %parallel_loop3A_680, %scan3A_727 = %parallel_loop3A_682, %scan3A_728 = %parallel_loop3A_684, %scan3A_729 = %parallel_loop3A_686, %scan3A_730 = %parallel_loop3A_688, %scan3A_731 = %parallel_loop3A_690) -> (vector<16xi32>, vector<16xf32>, vector<16xf32>, vector<16xf32>, vector<16xf32>, vector<16xf32>, vector<16xf32>, vector<16xf32>, vector<16xf32>)  : i32 {
        %parallel_loop3A_732 = arith.constant 0 : i32
        %parallel_loop3A_733 = arith.constant 0 : i32
        %parallel_loop3A_734 = tpu.memref_slice %arg12[%parallel_loop3A_368, %parallel_loop3A_732, %parallel_loop3A_733] : memref<4x64x128xf32, #tpu.memory_space<vmem>> -> memref<1x64x128xf32, #tpu.memory_space<vmem>>
        %parallel_loop3A_735 = tpu.memref_squeeze %parallel_loop3A_734 : memref<1x64x128xf32, #tpu.memory_space<vmem>> -> memref<64x128xf32, #tpu.memory_space<vmem>>
        %parallel_loop3A_736 = tpu.vector_load_idx %parallel_loop3A_735[%parallel_loop3A_674, %scan3A_723] : memref<64x128xf32, #tpu.memory_space<vmem>>[vector<16xi32>, vector<16xi32>], vector<16xf32>,
        %parallel_loop3A_737 = arith.constant 0 : i32
        %parallel_loop3A_738 = arith.constant 0 : i32
        %parallel_loop3A_739 = tpu.memref_slice %arg13[%parallel_loop3A_369, %parallel_loop3A_737, %parallel_loop3A_738] : memref<4x64x128xf32, #tpu.memory_space<vmem>> -> memref<1x64x128xf32, #tpu.memory_space<vmem>>
        %parallel_loop3A_740 = tpu.memref_squeeze %parallel_loop3A_739 : memref<1x64x128xf32, #tpu.memory_space<vmem>> -> memref<64x128xf32, #tpu.memory_space<vmem>>
        %parallel_loop3A_741 = tpu.vector_load_idx %parallel_loop3A_740[%parallel_loop3A_674, %scan3A_723] : memref<64x128xf32, #tpu.memory_space<vmem>>[vector<16xi32>, vector<16xi32>], vector<16xf32>,
        %parallel_loop3A_742 = arith.mulf %parallel_loop3A_736, %parallel_loop3A_741 : vector<16xf32>
        %parallel_loop3A_743 = arith.addf %scan3A_724, %parallel_loop3A_742 : vector<16xf32>
        %parallel_loop3A_744 = arith.constant 1 : i32
        %parallel_loop3A_745 = vector.broadcast %parallel_loop3A_744 : i32 to vector<16xi32>
        %parallel_loop3A_746 = arith.addi %scan3A_723, %parallel_loop3A_745 : vector<16xi32>
        %parallel_loop3A_747 = arith.constant 127 : i32
        %parallel_loop3A_748 = vector.broadcast %parallel_loop3A_747 : i32 to vector<16xi32>
        %parallel_loop3A_749 = arith.andi %parallel_loop3A_746, %parallel_loop3A_748 : vector<16xi32>
        %parallel_loop3A_750 = arith.constant 0 : i32
        %parallel_loop3A_751 = arith.constant 0 : i32
        %parallel_loop3A_752 = tpu.memref_slice %arg12[%parallel_loop3A_368, %parallel_loop3A_750, %parallel_loop3A_751] : memref<4x64x128xf32, #tpu.memory_space<vmem>> -> memref<1x64x128xf32, #tpu.memory_space<vmem>>
        %parallel_loop3A_753 = tpu.memref_squeeze %parallel_loop3A_752 : memref<1x64x128xf32, #tpu.memory_space<vmem>> -> memref<64x128xf32, #tpu.memory_space<vmem>>
        %parallel_loop3A_754 = tpu.vector_load_idx %parallel_loop3A_753[%parallel_loop3A_674, %parallel_loop3A_749] : memref<64x128xf32, #tpu.memory_space<vmem>>[vector<16xi32>, vector<16xi32>], vector<16xf32>,
        %parallel_loop3A_755 = arith.constant 0 : i32
        %parallel_loop3A_756 = arith.constant 0 : i32
        %parallel_loop3A_757 = tpu.memref_slice %arg13[%parallel_loop3A_369, %parallel_loop3A_755, %parallel_loop3A_756] : memref<4x64x128xf32, #tpu.memory_space<vmem>> -> memref<1x64x128xf32, #tpu.memory_space<vmem>>
        %parallel_loop3A_758 = tpu.memref_squeeze %parallel_loop3A_757 : memref<1x64x128xf32, #tpu.memory_space<vmem>> -> memref<64x128xf32, #tpu.memory_space<vmem>>
        %parallel_loop3A_759 = tpu.vector_load_idx %parallel_loop3A_758[%parallel_loop3A_674, %parallel_loop3A_749] : memref<64x128xf32, #tpu.memory_space<vmem>>[vector<16xi32>, vector<16xi32>], vector<16xf32>,
        %parallel_loop3A_760 = arith.mulf %parallel_loop3A_754, %parallel_loop3A_759 : vector<16xf32>
        %parallel_loop3A_761 = arith.addf %scan3A_725, %parallel_loop3A_760 : vector<16xf32>
        %parallel_loop3A_762 = arith.constant 1 : i32
        %parallel_loop3A_763 = vector.broadcast %parallel_loop3A_762 : i32 to vector<16xi32>
        %parallel_loop3A_764 = arith.addi %parallel_loop3A_749, %parallel_loop3A_763 : vector<16xi32>
        %parallel_loop3A_765 = arith.constant 127 : i32
        %parallel_loop3A_766 = vector.broadcast %parallel_loop3A_765 : i32 to vector<16xi32>
        %parallel_loop3A_767 = arith.andi %parallel_loop3A_764, %parallel_loop3A_766 : vector<16xi32>
        %parallel_loop3A_768 = arith.constant 0 : i32
        %parallel_loop3A_769 = arith.constant 0 : i32
        %parallel_loop3A_770 = tpu.memref_slice %arg12[%parallel_loop3A_368, %parallel_loop3A_768, %parallel_loop3A_769] : memref<4x64x128xf32, #tpu.memory_space<vmem>> -> memref<1x64x128xf32, #tpu.memory_space<vmem>>
        %parallel_loop3A_771 = tpu.memref_squeeze %parallel_loop3A_770 : memref<1x64x128xf32, #tpu.memory_space<vmem>> -> memref<64x128xf32, #tpu.memory_space<vmem>>
        %parallel_loop3A_772 = tpu.vector_load_idx %parallel_loop3A_771[%parallel_loop3A_674, %parallel_loop3A_767] : memref<64x128xf32, #tpu.memory_space<vmem>>[vector<16xi32>, vector<16xi32>], vector<16xf32>,
        %parallel_loop3A_773 = arith.constant 0 : i32
        %parallel_loop3A_774 = arith.constant 0 : i32
        %parallel_loop3A_775 = tpu.memref_slice %arg13[%parallel_loop3A_369, %parallel_loop3A_773, %parallel_loop3A_774] : memref<4x64x128xf32, #tpu.memory_space<vmem>> -> memref<1x64x128xf32, #tpu.memory_space<vmem>>
        %parallel_loop3A_776 = tpu.memref_squeeze %parallel_loop3A_775 : memref<1x64x128xf32, #tpu.memory_space<vmem>> -> memref<64x128xf32, #tpu.memory_space<vmem>>
        %parallel_loop3A_777 = tpu.vector_load_idx %parallel_loop3A_776[%parallel_loop3A_674, %parallel_loop3A_767] : memref<64x128xf32, #tpu.memory_space<vmem>>[vector<16xi32>, vector<16xi32>], vector<16xf32>,
        %parallel_loop3A_778 = arith.mulf %parallel_loop3A_772, %parallel_loop3A_777 : vector<16xf32>
        %parallel_loop3A_779 = arith.addf %scan3A_726, %parallel_loop3A_778 : vector<16xf32>
        %parallel_loop3A_780 = arith.constant 1 : i32
        %parallel_loop3A_781 = vector.broadcast %parallel_loop3A_780 : i32 to vector<16xi32>
        %parallel_loop3A_782 = arith.addi %parallel_loop3A_767, %parallel_loop3A_781 : vector<16xi32>
        %parallel_loop3A_783 = arith.constant 127 : i32
        %parallel_loop3A_784 = vector.broadcast %parallel_loop3A_783 : i32 to vector<16xi32>
        %parallel_loop3A_785 = arith.andi %parallel_loop3A_782, %parallel_loop3A_784 : vector<16xi32>
        %parallel_loop3A_786 = arith.constant 0 : i32
        %parallel_loop3A_787 = arith.constant 0 : i32
        %parallel_loop3A_788 = tpu.memref_slice %arg12[%parallel_loop3A_368, %parallel_loop3A_786, %parallel_loop3A_787] : memref<4x64x128xf32, #tpu.memory_space<vmem>> -> memref<1x64x128xf32, #tpu.memory_space<vmem>>
        %parallel_loop3A_789 = tpu.memref_squeeze %parallel_loop3A_788 : memref<1x64x128xf32, #tpu.memory_space<vmem>> -> memref<64x128xf32, #tpu.memory_space<vmem>>
        %parallel_loop3A_790 = tpu.vector_load_idx %parallel_loop3A_789[%parallel_loop3A_674, %parallel_loop3A_785] : memref<64x128xf32, #tpu.memory_space<vmem>>[vector<16xi32>, vector<16xi32>], vector<16xf32>,
        %parallel_loop3A_791 = arith.constant 0 : i32
        %parallel_loop3A_792 = arith.constant 0 : i32
        %parallel_loop3A_793 = tpu.memref_slice %arg13[%parallel_loop3A_369, %parallel_loop3A_791, %parallel_loop3A_792] : memref<4x64x128xf32, #tpu.memory_space<vmem>> -> memref<1x64x128xf32, #tpu.memory_space<vmem>>
        %parallel_loop3A_794 = tpu.memref_squeeze %parallel_loop3A_793 : memref<1x64x128xf32, #tpu.memory_space<vmem>> -> memref<64x128xf32, #tpu.memory_space<vmem>>
        %parallel_loop3A_795 = tpu.vector_load_idx %parallel_loop3A_794[%parallel_loop3A_674, %parallel_loop3A_785] : memref<64x128xf32, #tpu.memory_space<vmem>>[vector<16xi32>, vector<16xi32>], vector<16xf32>,
        %parallel_loop3A_796 = arith.mulf %parallel_loop3A_790, %parallel_loop3A_795 : vector<16xf32>
        %parallel_loop3A_797 = arith.addf %scan3A_727, %parallel_loop3A_796 : vector<16xf32>
        %parallel_loop3A_798 = arith.constant 1 : i32
        %parallel_loop3A_799 = vector.broadcast %parallel_loop3A_798 : i32 to vector<16xi32>
        %parallel_loop3A_800 = arith.addi %parallel_loop3A_785, %parallel_loop3A_799 : vector<16xi32>
        %parallel_loop3A_801 = arith.constant 127 : i32
        %parallel_loop3A_802 = vector.broadcast %parallel_loop3A_801 : i32 to vector<16xi32>
        %parallel_loop3A_803 = arith.andi %parallel_loop3A_800, %parallel_loop3A_802 : vector<16xi32>
        %parallel_loop3A_804 = arith.constant 0 : i32
        %parallel_loop3A_805 = arith.constant 0 : i32
        %parallel_loop3A_806 = tpu.memref_slice %arg12[%parallel_loop3A_368, %parallel_loop3A_804, %parallel_loop3A_805] : memref<4x64x128xf32, #tpu.memory_space<vmem>> -> memref<1x64x128xf32, #tpu.memory_space<vmem>>
        %parallel_loop3A_807 = tpu.memref_squeeze %parallel_loop3A_806 : memref<1x64x128xf32, #tpu.memory_space<vmem>> -> memref<64x128xf32, #tpu.memory_space<vmem>>
        %parallel_loop3A_808 = tpu.vector_load_idx %parallel_loop3A_807[%parallel_loop3A_674, %parallel_loop3A_803] : memref<64x128xf32, #tpu.memory_space<vmem>>[vector<16xi32>, vector<16xi32>], vector<16xf32>,
        %parallel_loop3A_809 = arith.constant 0 : i32
        %parallel_loop3A_810 = arith.constant 0 : i32
        %parallel_loop3A_811 = tpu.memref_slice %arg13[%parallel_loop3A_369, %parallel_loop3A_809, %parallel_loop3A_810] : memref<4x64x128xf32, #tpu.memory_space<vmem>> -> memref<1x64x128xf32, #tpu.memory_space<vmem>>
        %parallel_loop3A_812 = tpu.memref_squeeze %parallel_loop3A_811 : memref<1x64x128xf32, #tpu.memory_space<vmem>> -> memref<64x128xf32, #tpu.memory_space<vmem>>
        %parallel_loop3A_813 = tpu.vector_load_idx %parallel_loop3A_812[%parallel_loop3A_674, %parallel_loop3A_803] : memref<64x128xf32, #tpu.memory_space<vmem>>[vector<16xi32>, vector<16xi32>], vector<16xf32>,
        %parallel_loop3A_814 = arith.mulf %parallel_loop3A_808, %parallel_loop3A_813 : vector<16xf32>
        %parallel_loop3A_815 = arith.addf %scan3A_728, %parallel_loop3A_814 : vector<16xf32>
        %parallel_loop3A_816 = arith.constant 1 : i32
        %parallel_loop3A_817 = vector.broadcast %parallel_loop3A_816 : i32 to vector<16xi32>
        %parallel_loop3A_818 = arith.addi %parallel_loop3A_803, %parallel_loop3A_817 : vector<16xi32>
        %parallel_loop3A_819 = arith.constant 127 : i32
        %parallel_loop3A_820 = vector.broadcast %parallel_loop3A_819 : i32 to vector<16xi32>
        %parallel_loop3A_821 = arith.andi %parallel_loop3A_818, %parallel_loop3A_820 : vector<16xi32>
        %parallel_loop3A_822 = arith.constant 0 : i32
        %parallel_loop3A_823 = arith.constant 0 : i32
        %parallel_loop3A_824 = tpu.memref_slice %arg12[%parallel_loop3A_368, %parallel_loop3A_822, %parallel_loop3A_823] : memref<4x64x128xf32, #tpu.memory_space<vmem>> -> memref<1x64x128xf32, #tpu.memory_space<vmem>>
        %parallel_loop3A_825 = tpu.memref_squeeze %parallel_loop3A_824 : memref<1x64x128xf32, #tpu.memory_space<vmem>> -> memref<64x128xf32, #tpu.memory_space<vmem>>
        %parallel_loop3A_826 = tpu.vector_load_idx %parallel_loop3A_825[%parallel_loop3A_674, %parallel_loop3A_821] : memref<64x128xf32, #tpu.memory_space<vmem>>[vector<16xi32>, vector<16xi32>], vector<16xf32>,
        %parallel_loop3A_827 = arith.constant 0 : i32
        %parallel_loop3A_828 = arith.constant 0 : i32
        %parallel_loop3A_829 = tpu.memref_slice %arg13[%parallel_loop3A_369, %parallel_loop3A_827, %parallel_loop3A_828] : memref<4x64x128xf32, #tpu.memory_space<vmem>> -> memref<1x64x128xf32, #tpu.memory_space<vmem>>
        %parallel_loop3A_830 = tpu.memref_squeeze %parallel_loop3A_829 : memref<1x64x128xf32, #tpu.memory_space<vmem>> -> memref<64x128xf32, #tpu.memory_space<vmem>>
        %parallel_loop3A_831 = tpu.vector_load_idx %parallel_loop3A_830[%parallel_loop3A_674, %parallel_loop3A_821] : memref<64x128xf32, #tpu.memory_space<vmem>>[vector<16xi32>, vector<16xi32>], vector<16xf32>,
        %parallel_loop3A_832 = arith.mulf %parallel_loop3A_826, %parallel_loop3A_831 : vector<16xf32>
        %parallel_loop3A_833 = arith.addf %scan3A_729, %parallel_loop3A_832 : vector<16xf32>
        %parallel_loop3A_834 = arith.constant 1 : i32
        %parallel_loop3A_835 = vector.broadcast %parallel_loop3A_834 : i32 to vector<16xi32>
        %parallel_loop3A_836 = arith.addi %parallel_loop3A_821, %parallel_loop3A_835 : vector<16xi32>
        %parallel_loop3A_837 = arith.constant 127 : i32
        %parallel_loop3A_838 = vector.broadcast %parallel_loop3A_837 : i32 to vector<16xi32>
        %parallel_loop3A_839 = arith.andi %parallel_loop3A_836, %parallel_loop3A_838 : vector<16xi32>
        %parallel_loop3A_840 = arith.constant 0 : i32
        %parallel_loop3A_841 = arith.constant 0 : i32
        %parallel_loop3A_842 = tpu.memref_slice %arg12[%parallel_loop3A_368, %parallel_loop3A_840, %parallel_loop3A_841] : memref<4x64x128xf32, #tpu.memory_space<vmem>> -> memref<1x64x128xf32, #tpu.memory_space<vmem>>
        %parallel_loop3A_843 = tpu.memref_squeeze %parallel_loop3A_842 : memref<1x64x128xf32, #tpu.memory_space<vmem>> -> memref<64x128xf32, #tpu.memory_space<vmem>>
        %parallel_loop3A_844 = tpu.vector_load_idx %parallel_loop3A_843[%parallel_loop3A_674, %parallel_loop3A_839] : memref<64x128xf32, #tpu.memory_space<vmem>>[vector<16xi32>, vector<16xi32>], vector<16xf32>,
        %parallel_loop3A_845 = arith.constant 0 : i32
        %parallel_loop3A_846 = arith.constant 0 : i32
        %parallel_loop3A_847 = tpu.memref_slice %arg13[%parallel_loop3A_369, %parallel_loop3A_845, %parallel_loop3A_846] : memref<4x64x128xf32, #tpu.memory_space<vmem>> -> memref<1x64x128xf32, #tpu.memory_space<vmem>>
        %parallel_loop3A_848 = tpu.memref_squeeze %parallel_loop3A_847 : memref<1x64x128xf32, #tpu.memory_space<vmem>> -> memref<64x128xf32, #tpu.memory_space<vmem>>
        %parallel_loop3A_849 = tpu.vector_load_idx %parallel_loop3A_848[%parallel_loop3A_674, %parallel_loop3A_839] : memref<64x128xf32, #tpu.memory_space<vmem>>[vector<16xi32>, vector<16xi32>], vector<16xf32>,
        %parallel_loop3A_850 = arith.mulf %parallel_loop3A_844, %parallel_loop3A_849 : vector<16xf32>
        %parallel_loop3A_851 = arith.addf %scan3A_730, %parallel_loop3A_850 : vector<16xf32>
        %parallel_loop3A_852 = arith.constant 1 : i32
        %parallel_loop3A_853 = vector.broadcast %parallel_loop3A_852 : i32 to vector<16xi32>
        %parallel_loop3A_854 = arith.addi %parallel_loop3A_839, %parallel_loop3A_853 : vector<16xi32>
        %parallel_loop3A_855 = arith.constant 127 : i32
        %parallel_loop3A_856 = vector.broadcast %parallel_loop3A_855 : i32 to vector<16xi32>
        %parallel_loop3A_857 = arith.andi %parallel_loop3A_854, %parallel_loop3A_856 : vector<16xi32>
        %parallel_loop3A_858 = arith.constant 0 : i32
        %parallel_loop3A_859 = arith.constant 0 : i32
        %parallel_loop3A_860 = tpu.memref_slice %arg12[%parallel_loop3A_368, %parallel_loop3A_858, %parallel_loop3A_859] : memref<4x64x128xf32, #tpu.memory_space<vmem>> -> memref<1x64x128xf32, #tpu.memory_space<vmem>>
        %parallel_loop3A_861 = tpu.memref_squeeze %parallel_loop3A_860 : memref<1x64x128xf32, #tpu.memory_space<vmem>> -> memref<64x128xf32, #tpu.memory_space<vmem>>
        %parallel_loop3A_862 = tpu.vector_load_idx %parallel_loop3A_861[%parallel_loop3A_674, %parallel_loop3A_857] : memref<64x128xf32, #tpu.memory_space<vmem>>[vector<16xi32>, vector<16xi32>], vector<16xf32>,
        %parallel_loop3A_863 = arith.constant 0 : i32
        %parallel_loop3A_864 = arith.constant 0 : i32
        %parallel_loop3A_865 = tpu.memref_slice %arg13[%parallel_loop3A_369, %parallel_loop3A_863, %parallel_loop3A_864] : memref<4x64x128xf32, #tpu.memory_space<vmem>> -> memref<1x64x128xf32, #tpu.memory_space<vmem>>
        %parallel_loop3A_866 = tpu.memref_squeeze %parallel_loop3A_865 : memref<1x64x128xf32, #tpu.memory_space<vmem>> -> memref<64x128xf32, #tpu.memory_space<vmem>>
        %parallel_loop3A_867 = tpu.vector_load_idx %parallel_loop3A_866[%parallel_loop3A_674, %parallel_loop3A_857] : memref<64x128xf32, #tpu.memory_space<vmem>>[vector<16xi32>, vector<16xi32>], vector<16xf32>,
        %parallel_loop3A_868 = arith.mulf %parallel_loop3A_862, %parallel_loop3A_867 : vector<16xf32>
        %parallel_loop3A_869 = arith.addf %scan3A_731, %parallel_loop3A_868 : vector<16xf32>
        %parallel_loop3A_870 = arith.constant 1 : i32
        %parallel_loop3A_871 = vector.broadcast %parallel_loop3A_870 : i32 to vector<16xi32>
        %parallel_loop3A_872 = arith.addi %parallel_loop3A_857, %parallel_loop3A_871 : vector<16xi32>
        %parallel_loop3A_873 = arith.constant 127 : i32
        %parallel_loop3A_874 = vector.broadcast %parallel_loop3A_873 : i32 to vector<16xi32>
        %parallel_loop3A_875 = arith.andi %parallel_loop3A_872, %parallel_loop3A_874 : vector<16xi32>
        %parallel_loop3A_876 = arith.constant 0 : i32
        %parallel_loop3A_877 = arith.constant 0 : i32
        %parallel_loop3A_878 = tpu.memref_slice %arg12[%parallel_loop3A_368, %parallel_loop3A_876, %parallel_loop3A_877] : memref<4x64x128xf32, #tpu.memory_space<vmem>> -> memref<1x64x128xf32, #tpu.memory_space<vmem>>
        %parallel_loop3A_879 = tpu.memref_squeeze %parallel_loop3A_878 : memref<1x64x128xf32, #tpu.memory_space<vmem>> -> memref<64x128xf32, #tpu.memory_space<vmem>>
        %parallel_loop3A_880 = tpu.vector_load_idx %parallel_loop3A_879[%parallel_loop3A_674, %parallel_loop3A_875] : memref<64x128xf32, #tpu.memory_space<vmem>>[vector<16xi32>, vector<16xi32>], vector<16xf32>,
        %parallel_loop3A_881 = arith.constant 0 : i32
        %parallel_loop3A_882 = arith.constant 0 : i32
        %parallel_loop3A_883 = tpu.memref_slice %arg13[%parallel_loop3A_369, %parallel_loop3A_881, %parallel_loop3A_882] : memref<4x64x128xf32, #tpu.memory_space<vmem>> -> memref<1x64x128xf32, #tpu.memory_space<vmem>>
        %parallel_loop3A_884 = tpu.memref_squeeze %parallel_loop3A_883 : memref<1x64x128xf32, #tpu.memory_space<vmem>> -> memref<64x128xf32, #tpu.memory_space<vmem>>
        %parallel_loop3A_885 = tpu.vector_load_idx %parallel_loop3A_884[%parallel_loop3A_674, %parallel_loop3A_875] : memref<64x128xf32, #tpu.memory_space<vmem>>[vector<16xi32>, vector<16xi32>], vector<16xf32>,
        %parallel_loop3A_886 = arith.mulf %parallel_loop3A_880, %parallel_loop3A_885 : vector<16xf32>
        %parallel_loop3A_887 = arith.addf %parallel_loop3A_743, %parallel_loop3A_886 : vector<16xf32>
        %parallel_loop3A_888 = arith.constant 1 : i32
        %parallel_loop3A_889 = vector.broadcast %parallel_loop3A_888 : i32 to vector<16xi32>
        %parallel_loop3A_890 = arith.addi %parallel_loop3A_875, %parallel_loop3A_889 : vector<16xi32>
        %parallel_loop3A_891 = arith.constant 127 : i32
        %parallel_loop3A_892 = vector.broadcast %parallel_loop3A_891 : i32 to vector<16xi32>
        %parallel_loop3A_893 = arith.andi %parallel_loop3A_890, %parallel_loop3A_892 : vector<16xi32>
        %parallel_loop3A_894 = arith.constant 0 : i32
        %parallel_loop3A_895 = arith.constant 0 : i32
        %parallel_loop3A_896 = tpu.memref_slice %arg12[%parallel_loop3A_368, %parallel_loop3A_894, %parallel_loop3A_895] : memref<4x64x128xf32, #tpu.memory_space<vmem>> -> memref<1x64x128xf32, #tpu.memory_space<vmem>>
        %parallel_loop3A_897 = tpu.memref_squeeze %parallel_loop3A_896 : memref<1x64x128xf32, #tpu.memory_space<vmem>> -> memref<64x128xf32, #tpu.memory_space<vmem>>
        %parallel_loop3A_898 = tpu.vector_load_idx %parallel_loop3A_897[%parallel_loop3A_674, %parallel_loop3A_893] : memref<64x128xf32, #tpu.memory_space<vmem>>[vector<16xi32>, vector<16xi32>], vector<16xf32>,
        %parallel_loop3A_899 = arith.constant 0 : i32
        %parallel_loop3A_900 = arith.constant 0 : i32
        %parallel_loop3A_901 = tpu.memref_slice %arg13[%parallel_loop3A_369, %parallel_loop3A_899, %parallel_loop3A_900] : memref<4x64x128xf32, #tpu.memory_space<vmem>> -> memref<1x64x128xf32, #tpu.memory_space<vmem>>
        %parallel_loop3A_902 = tpu.memref_squeeze %parallel_loop3A_901 : memref<1x64x128xf32, #tpu.memory_space<vmem>> -> memref<64x128xf32, #tpu.memory_space<vmem>>
        %parallel_loop3A_903 = tpu.vector_load_idx %parallel_loop3A_902[%parallel_loop3A_674, %parallel_loop3A_893] : memref<64x128xf32, #tpu.memory_space<vmem>>[vector<16xi32>, vector<16xi32>], vector<16xf32>,
        %parallel_loop3A_904 = arith.mulf %parallel_loop3A_898, %parallel_loop3A_903 : vector<16xf32>
        %parallel_loop3A_905 = arith.addf %parallel_loop3A_761, %parallel_loop3A_904 : vector<16xf32>
        %parallel_loop3A_906 = arith.constant 1 : i32
        %parallel_loop3A_907 = vector.broadcast %parallel_loop3A_906 : i32 to vector<16xi32>
        %parallel_loop3A_908 = arith.addi %parallel_loop3A_893, %parallel_loop3A_907 : vector<16xi32>
        %parallel_loop3A_909 = arith.constant 127 : i32
        %parallel_loop3A_910 = vector.broadcast %parallel_loop3A_909 : i32 to vector<16xi32>
        %parallel_loop3A_911 = arith.andi %parallel_loop3A_908, %parallel_loop3A_910 : vector<16xi32>
        %parallel_loop3A_912 = arith.constant 0 : i32
        %parallel_loop3A_913 = arith.constant 0 : i32
        %parallel_loop3A_914 = tpu.memref_slice %arg12[%parallel_loop3A_368, %parallel_loop3A_912, %parallel_loop3A_913] : memref<4x64x128xf32, #tpu.memory_space<vmem>> -> memref<1x64x128xf32, #tpu.memory_space<vmem>>
        %parallel_loop3A_915 = tpu.memref_squeeze %parallel_loop3A_914 : memref<1x64x128xf32, #tpu.memory_space<vmem>> -> memref<64x128xf32, #tpu.memory_space<vmem>>
        %parallel_loop3A_916 = tpu.vector_load_idx %parallel_loop3A_915[%parallel_loop3A_674, %parallel_loop3A_911] : memref<64x128xf32, #tpu.memory_space<vmem>>[vector<16xi32>, vector<16xi32>], vector<16xf32>,
        %parallel_loop3A_917 = arith.constant 0 : i32
        %parallel_loop3A_918 = arith.constant 0 : i32
        %parallel_loop3A_919 = tpu.memref_slice %arg13[%parallel_loop3A_369, %parallel_loop3A_917, %parallel_loop3A_918] : memref<4x64x128xf32, #tpu.memory_space<vmem>> -> memref<1x64x128xf32, #tpu.memory_space<vmem>>
        %parallel_loop3A_920 = tpu.memref_squeeze %parallel_loop3A_919 : memref<1x64x128xf32, #tpu.memory_space<vmem>> -> memref<64x128xf32, #tpu.memory_space<vmem>>
        %parallel_loop3A_921 = tpu.vector_load_idx %parallel_loop3A_920[%parallel_loop3A_674, %parallel_loop3A_911] : memref<64x128xf32, #tpu.memory_space<vmem>>[vector<16xi32>, vector<16xi32>], vector<16xf32>,
        %parallel_loop3A_922 = arith.mulf %parallel_loop3A_916, %parallel_loop3A_921 : vector<16xf32>
        %parallel_loop3A_923 = arith.addf %parallel_loop3A_779, %parallel_loop3A_922 : vector<16xf32>
        %parallel_loop3A_924 = arith.constant 1 : i32
        %parallel_loop3A_925 = vector.broadcast %parallel_loop3A_924 : i32 to vector<16xi32>
        %parallel_loop3A_926 = arith.addi %parallel_loop3A_911, %parallel_loop3A_925 : vector<16xi32>
        %parallel_loop3A_927 = arith.constant 127 : i32
        %parallel_loop3A_928 = vector.broadcast %parallel_loop3A_927 : i32 to vector<16xi32>
        %parallel_loop3A_929 = arith.andi %parallel_loop3A_926, %parallel_loop3A_928 : vector<16xi32>
        %parallel_loop3A_930 = arith.constant 0 : i32
        %parallel_loop3A_931 = arith.constant 0 : i32
        %parallel_loop3A_932 = tpu.memref_slice %arg12[%parallel_loop3A_368, %parallel_loop3A_930, %parallel_loop3A_931] : memref<4x64x128xf32, #tpu.memory_space<vmem>> -> memref<1x64x128xf32, #tpu.memory_space<vmem>>
        %parallel_loop3A_933 = tpu.memref_squeeze %parallel_loop3A_932 : memref<1x64x128xf32, #tpu.memory_space<vmem>> -> memref<64x128xf32, #tpu.memory_space<vmem>>
        %parallel_loop3A_934 = tpu.vector_load_idx %parallel_loop3A_933[%parallel_loop3A_674, %parallel_loop3A_929] : memref<64x128xf32, #tpu.memory_space<vmem>>[vector<16xi32>, vector<16xi32>], vector<16xf32>,
        %parallel_loop3A_935 = arith.constant 0 : i32
        %parallel_loop3A_936 = arith.constant 0 : i32
        %parallel_loop3A_937 = tpu.memref_slice %arg13[%parallel_loop3A_369, %parallel_loop3A_935, %parallel_loop3A_936] : memref<4x64x128xf32, #tpu.memory_space<vmem>> -> memref<1x64x128xf32, #tpu.memory_space<vmem>>
        %parallel_loop3A_938 = tpu.memref_squeeze %parallel_loop3A_937 : memref<1x64x128xf32, #tpu.memory_space<vmem>> -> memref<64x128xf32, #tpu.memory_space<vmem>>
        %parallel_loop3A_939 = tpu.vector_load_idx %parallel_loop3A_938[%parallel_loop3A_674, %parallel_loop3A_929] : memref<64x128xf32, #tpu.memory_space<vmem>>[vector<16xi32>, vector<16xi32>], vector<16xf32>,
        %parallel_loop3A_940 = arith.mulf %parallel_loop3A_934, %parallel_loop3A_939 : vector<16xf32>
        %parallel_loop3A_941 = arith.addf %parallel_loop3A_797, %parallel_loop3A_940 : vector<16xf32>
        %parallel_loop3A_942 = arith.constant 1 : i32
        %parallel_loop3A_943 = vector.broadcast %parallel_loop3A_942 : i32 to vector<16xi32>
        %parallel_loop3A_944 = arith.addi %parallel_loop3A_929, %parallel_loop3A_943 : vector<16xi32>
        %parallel_loop3A_945 = arith.constant 127 : i32
        %parallel_loop3A_946 = vector.broadcast %parallel_loop3A_945 : i32 to vector<16xi32>
        %parallel_loop3A_947 = arith.andi %parallel_loop3A_944, %parallel_loop3A_946 : vector<16xi32>
        %parallel_loop3A_948 = arith.constant 0 : i32
        %parallel_loop3A_949 = arith.constant 0 : i32
        %parallel_loop3A_950 = tpu.memref_slice %arg12[%parallel_loop3A_368, %parallel_loop3A_948, %parallel_loop3A_949] : memref<4x64x128xf32, #tpu.memory_space<vmem>> -> memref<1x64x128xf32, #tpu.memory_space<vmem>>
        %parallel_loop3A_951 = tpu.memref_squeeze %parallel_loop3A_950 : memref<1x64x128xf32, #tpu.memory_space<vmem>> -> memref<64x128xf32, #tpu.memory_space<vmem>>
        %parallel_loop3A_952 = tpu.vector_load_idx %parallel_loop3A_951[%parallel_loop3A_674, %parallel_loop3A_947] : memref<64x128xf32, #tpu.memory_space<vmem>>[vector<16xi32>, vector<16xi32>], vector<16xf32>,
        %parallel_loop3A_953 = arith.constant 0 : i32
        %parallel_loop3A_954 = arith.constant 0 : i32
        %parallel_loop3A_955 = tpu.memref_slice %arg13[%parallel_loop3A_369, %parallel_loop3A_953, %parallel_loop3A_954] : memref<4x64x128xf32, #tpu.memory_space<vmem>> -> memref<1x64x128xf32, #tpu.memory_space<vmem>>
        %parallel_loop3A_956 = tpu.memref_squeeze %parallel_loop3A_955 : memref<1x64x128xf32, #tpu.memory_space<vmem>> -> memref<64x128xf32, #tpu.memory_space<vmem>>
        %parallel_loop3A_957 = tpu.vector_load_idx %parallel_loop3A_956[%parallel_loop3A_674, %parallel_loop3A_947] : memref<64x128xf32, #tpu.memory_space<vmem>>[vector<16xi32>, vector<16xi32>], vector<16xf32>,
        %parallel_loop3A_958 = arith.mulf %parallel_loop3A_952, %parallel_loop3A_957 : vector<16xf32>
        %parallel_loop3A_959 = arith.addf %parallel_loop3A_815, %parallel_loop3A_958 : vector<16xf32>
        %parallel_loop3A_960 = arith.constant 1 : i32
        %parallel_loop3A_961 = vector.broadcast %parallel_loop3A_960 : i32 to vector<16xi32>
        %parallel_loop3A_962 = arith.addi %parallel_loop3A_947, %parallel_loop3A_961 : vector<16xi32>
        %parallel_loop3A_963 = arith.constant 127 : i32
        %parallel_loop3A_964 = vector.broadcast %parallel_loop3A_963 : i32 to vector<16xi32>
        %parallel_loop3A_965 = arith.andi %parallel_loop3A_962, %parallel_loop3A_964 : vector<16xi32>
        %parallel_loop3A_966 = arith.constant 0 : i32
        %parallel_loop3A_967 = arith.constant 0 : i32
        %parallel_loop3A_968 = tpu.memref_slice %arg12[%parallel_loop3A_368, %parallel_loop3A_966, %parallel_loop3A_967] : memref<4x64x128xf32, #tpu.memory_space<vmem>> -> memref<1x64x128xf32, #tpu.memory_space<vmem>>
        %parallel_loop3A_969 = tpu.memref_squeeze %parallel_loop3A_968 : memref<1x64x128xf32, #tpu.memory_space<vmem>> -> memref<64x128xf32, #tpu.memory_space<vmem>>
        %parallel_loop3A_970 = tpu.vector_load_idx %parallel_loop3A_969[%parallel_loop3A_674, %parallel_loop3A_965] : memref<64x128xf32, #tpu.memory_space<vmem>>[vector<16xi32>, vector<16xi32>], vector<16xf32>,
        %parallel_loop3A_971 = arith.constant 0 : i32
        %parallel_loop3A_972 = arith.constant 0 : i32
        %parallel_loop3A_973 = tpu.memref_slice %arg13[%parallel_loop3A_369, %parallel_loop3A_971, %parallel_loop3A_972] : memref<4x64x128xf32, #tpu.memory_space<vmem>> -> memref<1x64x128xf32, #tpu.memory_space<vmem>>
        %parallel_loop3A_974 = tpu.memref_squeeze %parallel_loop3A_973 : memref<1x64x128xf32, #tpu.memory_space<vmem>> -> memref<64x128xf32, #tpu.memory_space<vmem>>
        %parallel_loop3A_975 = tpu.vector_load_idx %parallel_loop3A_974[%parallel_loop3A_674, %parallel_loop3A_965] : memref<64x128xf32, #tpu.memory_space<vmem>>[vector<16xi32>, vector<16xi32>], vector<16xf32>,
        %parallel_loop3A_976 = arith.mulf %parallel_loop3A_970, %parallel_loop3A_975 : vector<16xf32>
        %parallel_loop3A_977 = arith.addf %parallel_loop3A_833, %parallel_loop3A_976 : vector<16xf32>
        %parallel_loop3A_978 = arith.constant 1 : i32
        %parallel_loop3A_979 = vector.broadcast %parallel_loop3A_978 : i32 to vector<16xi32>
        %parallel_loop3A_980 = arith.addi %parallel_loop3A_965, %parallel_loop3A_979 : vector<16xi32>
        %parallel_loop3A_981 = arith.constant 127 : i32
        %parallel_loop3A_982 = vector.broadcast %parallel_loop3A_981 : i32 to vector<16xi32>
        %parallel_loop3A_983 = arith.andi %parallel_loop3A_980, %parallel_loop3A_982 : vector<16xi32>
        %parallel_loop3A_984 = arith.constant 0 : i32
        %parallel_loop3A_985 = arith.constant 0 : i32
        %parallel_loop3A_986 = tpu.memref_slice %arg12[%parallel_loop3A_368, %parallel_loop3A_984, %parallel_loop3A_985] : memref<4x64x128xf32, #tpu.memory_space<vmem>> -> memref<1x64x128xf32, #tpu.memory_space<vmem>>
        %parallel_loop3A_987 = tpu.memref_squeeze %parallel_loop3A_986 : memref<1x64x128xf32, #tpu.memory_space<vmem>> -> memref<64x128xf32, #tpu.memory_space<vmem>>
        %parallel_loop3A_988 = tpu.vector_load_idx %parallel_loop3A_987[%parallel_loop3A_674, %parallel_loop3A_983] : memref<64x128xf32, #tpu.memory_space<vmem>>[vector<16xi32>, vector<16xi32>], vector<16xf32>,
        %parallel_loop3A_989 = arith.constant 0 : i32
        %parallel_loop3A_990 = arith.constant 0 : i32
        %parallel_loop3A_991 = tpu.memref_slice %arg13[%parallel_loop3A_369, %parallel_loop3A_989, %parallel_loop3A_990] : memref<4x64x128xf32, #tpu.memory_space<vmem>> -> memref<1x64x128xf32, #tpu.memory_space<vmem>>
        %parallel_loop3A_992 = tpu.memref_squeeze %parallel_loop3A_991 : memref<1x64x128xf32, #tpu.memory_space<vmem>> -> memref<64x128xf32, #tpu.memory_space<vmem>>
        %parallel_loop3A_993 = tpu.vector_load_idx %parallel_loop3A_992[%parallel_loop3A_674, %parallel_loop3A_983] : memref<64x128xf32, #tpu.memory_space<vmem>>[vector<16xi32>, vector<16xi32>], vector<16xf32>,
        %parallel_loop3A_994 = arith.mulf %parallel_loop3A_988, %parallel_loop3A_993 : vector<16xf32>
        %parallel_loop3A_995 = arith.addf %parallel_loop3A_851, %parallel_loop3A_994 : vector<16xf32>
        %parallel_loop3A_996 = arith.constant 1 : i32
        %parallel_loop3A_997 = vector.broadcast %parallel_loop3A_996 : i32 to vector<16xi32>
        %parallel_loop3A_998 = arith.addi %parallel_loop3A_983, %parallel_loop3A_997 : vector<16xi32>
        %parallel_loop3A_999 = arith.constant 127 : i32
        %parallel_loop3A_1000 = vector.broadcast %parallel_loop3A_999 : i32 to vector<16xi32>
        %parallel_loop3A_1001 = arith.andi %parallel_loop3A_998, %parallel_loop3A_1000 : vector<16xi32>
        %parallel_loop3A_1002 = arith.constant 0 : i32
        %parallel_loop3A_1003 = arith.constant 0 : i32
        %parallel_loop3A_1004 = tpu.memref_slice %arg12[%parallel_loop3A_368, %parallel_loop3A_1002, %parallel_loop3A_1003] : memref<4x64x128xf32, #tpu.memory_space<vmem>> -> memref<1x64x128xf32, #tpu.memory_space<vmem>>
        %parallel_loop3A_1005 = tpu.memref_squeeze %parallel_loop3A_1004 : memref<1x64x128xf32, #tpu.memory_space<vmem>> -> memref<64x128xf32, #tpu.memory_space<vmem>>
        %parallel_loop3A_1006 = tpu.vector_load_idx %parallel_loop3A_1005[%parallel_loop3A_674, %parallel_loop3A_1001] : memref<64x128xf32, #tpu.memory_space<vmem>>[vector<16xi32>, vector<16xi32>], vector<16xf32>,
        %parallel_loop3A_1007 = arith.constant 0 : i32
        %parallel_loop3A_1008 = arith.constant 0 : i32
        %parallel_loop3A_1009 = tpu.memref_slice %arg13[%parallel_loop3A_369, %parallel_loop3A_1007, %parallel_loop3A_1008] : memref<4x64x128xf32, #tpu.memory_space<vmem>> -> memref<1x64x128xf32, #tpu.memory_space<vmem>>
        %parallel_loop3A_1010 = tpu.memref_squeeze %parallel_loop3A_1009 : memref<1x64x128xf32, #tpu.memory_space<vmem>> -> memref<64x128xf32, #tpu.memory_space<vmem>>
        %parallel_loop3A_1011 = tpu.vector_load_idx %parallel_loop3A_1010[%parallel_loop3A_674, %parallel_loop3A_1001] : memref<64x128xf32, #tpu.memory_space<vmem>>[vector<16xi32>, vector<16xi32>], vector<16xf32>,
        %parallel_loop3A_1012 = arith.mulf %parallel_loop3A_1006, %parallel_loop3A_1011 : vector<16xf32>
        %parallel_loop3A_1013 = arith.addf %parallel_loop3A_869, %parallel_loop3A_1012 : vector<16xf32>
        %parallel_loop3A_1014 = arith.constant 1 : i32
        %parallel_loop3A_1015 = vector.broadcast %parallel_loop3A_1014 : i32 to vector<16xi32>
        %parallel_loop3A_1016 = arith.addi %parallel_loop3A_1001, %parallel_loop3A_1015 : vector<16xi32>
        %parallel_loop3A_1017 = arith.constant 127 : i32
        %parallel_loop3A_1018 = vector.broadcast %parallel_loop3A_1017 : i32 to vector<16xi32>
        %parallel_loop3A_1019 = arith.andi %parallel_loop3A_1016, %parallel_loop3A_1018 : vector<16xi32>
        scf.yield %parallel_loop3A_1019, %parallel_loop3A_887, %parallel_loop3A_905, %parallel_loop3A_923, %parallel_loop3A_941, %parallel_loop3A_959, %parallel_loop3A_977, %parallel_loop3A_995, %parallel_loop3A_1013 : vector<16xi32>, vector<16xf32>, vector<16xf32>, vector<16xf32>, vector<16xf32>, vector<16xf32>, vector<16xf32>, vector<16xf32>, vector<16xf32>
      }
      %parallel_loop3A_696 = arith.constant 8 : i32
      %parallel_loop3A_697 = arith.addf %parallel_loop3A_695#1, %parallel_loop3A_695#2 : vector<16xf32>
      %parallel_loop3A_698 = arith.addf %parallel_loop3A_695#3, %parallel_loop3A_695#4 : vector<16xf32>
      %parallel_loop3A_699 = arith.addf %parallel_loop3A_697, %parallel_loop3A_698 : vector<16xf32>
      %parallel_loop3A_700 = arith.addf %parallel_loop3A_695#5, %parallel_loop3A_695#6 : vector<16xf32>
      %parallel_loop3A_701 = arith.addf %parallel_loop3A_695#7, %parallel_loop3A_695#8 : vector<16xf32>
      %parallel_loop3A_702 = arith.addf %parallel_loop3A_700, %parallel_loop3A_701 : vector<16xf32>
      %parallel_loop3A_703 = arith.constant 0 : i32
      %parallel_loop3A_704 = tpu.memref_slice %arg14[%parallel_loop3A_370, %parallel_loop3A_703] : memref<4x64xf32, #tpu.memory_space<vmem>> -> memref<1x64xf32, #tpu.memory_space<vmem>>
      %parallel_loop3A_705 = tpu.memref_squeeze %parallel_loop3A_704 : memref<1x64xf32, #tpu.memory_space<vmem>> -> memref<64xf32, #tpu.memory_space<vmem>>
      %parallel_loop3A_706 = arith.index_cast %parallel_loop3A_671 : i32 to index
      %parallel_loop3A_707 = tpu.vector_load %parallel_loop3A_705[%parallel_loop3A_706] {strides = array<i32>} : memref<64xf32, #tpu.memory_space<vmem>>, vector<16xf32>,
      %parallel_loop3A_708 = arith.constant 0 : i32
      %parallel_loop3A_709 = tpu.memref_slice %arg15[%parallel_loop3A_371, %parallel_loop3A_708] : memref<4x64xf32, #tpu.memory_space<vmem>> -> memref<1x64xf32, #tpu.memory_space<vmem>>
      %parallel_loop3A_710 = tpu.memref_squeeze %parallel_loop3A_709 : memref<1x64xf32, #tpu.memory_space<vmem>> -> memref<64xf32, #tpu.memory_space<vmem>>
      %parallel_loop3A_711 = arith.index_cast %parallel_loop3A_671 : i32 to index
      %parallel_loop3A_712 = tpu.vector_load %parallel_loop3A_710[%parallel_loop3A_711] {strides = array<i32>} : memref<64xf32, #tpu.memory_space<vmem>>, vector<16xf32>,
      %parallel_loop3A_713 = arith.addf %parallel_loop3A_707, %parallel_loop3A_712 : vector<16xf32>
      %parallel_loop3A_714 = vector.broadcast %squeeze3A : f32 to vector<16xf32>
      %parallel_loop3A_715 = arith.addf %parallel_loop3A_713, %parallel_loop3A_714 : vector<16xf32>
      %parallel_loop3A_716 = arith.addf %parallel_loop3A_699, %parallel_loop3A_702 : vector<16xf32>
      %parallel_loop3A_717 = arith.addf %parallel_loop3A_715, %parallel_loop3A_716 : vector<16xf32>
      %parallel_loop3A_718 = arith.constant 128 : i32
      %parallel_loop3A_719 = arith.addi %parallel_loop3A_718, %parallel_loop3A_671 : i32
      %parallel_loop3A_720 = arith.index_cast %parallel_loop3A_719 : i32 to index
      %parallel_loop3A_721 = tpu.vector_load %arg16[%parallel_loop3A_720] {strides = array<i32>} : memref<512xf32, #tpu.memory_space<vmem>>, vector<16xf32>,
      tpu.vector_store %arg16[%parallel_loop3A_720], %parallel_loop3A_717 {strides = array<i32>} : memref<512xf32, #tpu.memory_space<vmem>>, vector<16xf32>,
      scf.yield %parallel_loop3A_672 : i32
    } {sc.loop_unroll_factor = 1 : i64, sc.parallel_access}
    %dma_start3A_374 = arith.constant 2 : i32
    %dma_start3A_375 = arith.constant 0 : i32
    %dma_start3A_376 = arith.constant 0 : i32
    %dma_start3A_377 = tpu.memref_slice %arg12[%dma_start3A_374, %dma_start3A_375, %dma_start3A_376] : memref<4x64x128xf32, #tpu.memory_space<vmem>> -> memref<1x64x128xf32, #tpu.memory_space<vmem>>
    %dma_start3A_378 = tpu.memref_squeeze %dma_start3A_377 : memref<1x64x128xf32, #tpu.memory_space<vmem>> -> memref<64x128xf32, #tpu.memory_space<vmem>>
    %dma_start3A_379 = arith.constant 384 : i32
    %dma_start3A_380 = tpu.memref_slice %arg9[%dma_start3A_379] : memref<512xi32, #tpu.memory_space<vmem>> -> memref<64xi32, #tpu.memory_space<vmem>>
    %dma_start3A_381 = arith.constant 0 : i32
    %dma_start3A_382 = arith.constant 0 : i32
    %dma_start3A_383 = tpu.memref_slice %arg4[%dma_start3A_381, %dma_start3A_382] : memref<100000x128xf32, #tpu.memory_space<hbm>> -> memref<100000x128xf32, #tpu.memory_space<hbm>>
    tpu.enqueue_indirect_dma source(%dma_start3A_383 : memref<100000x128xf32, #tpu.memory_space<hbm>>) target(%dma_start3A_378 : memref<64x128xf32, #tpu.memory_space<vmem>>) offsets(%dma_start3A_380 : memref<64xi32, #tpu.memory_space<vmem>>) semaphore(%arg20 : memref<!tpu.dma_semaphore, #tpu.memory_space<semaphore_mem>>)
    %dma_start3A_384 = arith.constant 2 : i32
    %dma_start3A_385 = arith.constant 0 : i32
    %dma_start3A_386 = arith.constant 0 : i32
    %dma_start3A_387 = tpu.memref_slice %arg13[%dma_start3A_384, %dma_start3A_385, %dma_start3A_386] : memref<4x64x128xf32, #tpu.memory_space<vmem>> -> memref<1x64x128xf32, #tpu.memory_space<vmem>>
    %dma_start3A_388 = tpu.memref_squeeze %dma_start3A_387 : memref<1x64x128xf32, #tpu.memory_space<vmem>> -> memref<64x128xf32, #tpu.memory_space<vmem>>
    %dma_start3A_389 = arith.constant 384 : i32
    %dma_start3A_390 = tpu.memref_slice %arg10[%dma_start3A_389] : memref<512xi32, #tpu.memory_space<vmem>> -> memref<64xi32, #tpu.memory_space<vmem>>
    %dma_start3A_391 = arith.constant 0 : i32
    %dma_start3A_392 = arith.constant 0 : i32
    %dma_start3A_393 = tpu.memref_slice %arg6[%dma_start3A_391, %dma_start3A_392] : memref<100000x128xf32, #tpu.memory_space<hbm>> -> memref<100000x128xf32, #tpu.memory_space<hbm>>
    tpu.enqueue_indirect_dma source(%dma_start3A_393 : memref<100000x128xf32, #tpu.memory_space<hbm>>) target(%dma_start3A_388 : memref<64x128xf32, #tpu.memory_space<vmem>>) offsets(%dma_start3A_390 : memref<64xi32, #tpu.memory_space<vmem>>) semaphore(%arg20 : memref<!tpu.dma_semaphore, #tpu.memory_space<semaphore_mem>>)
    %dma_start3A_394 = arith.constant 2 : i32
    %dma_start3A_395 = arith.constant 0 : i32
    %dma_start3A_396 = tpu.memref_slice %arg14[%dma_start3A_394, %dma_start3A_395] : memref<4x64xf32, #tpu.memory_space<vmem>> -> memref<1x64xf32, #tpu.memory_space<vmem>>
    %dma_start3A_397 = tpu.memref_squeeze %dma_start3A_396 : memref<1x64xf32, #tpu.memory_space<vmem>> -> memref<64xf32, #tpu.memory_space<vmem>>
    %dma_start3A_398 = arith.constant 384 : i32
    %dma_start3A_399 = tpu.memref_slice %arg9[%dma_start3A_398] : memref<512xi32, #tpu.memory_space<vmem>> -> memref<64xi32, #tpu.memory_space<vmem>>
    %dma_start3A_400 = arith.constant 0 : i32
    %dma_start3A_401 = tpu.memref_slice %arg5[%dma_start3A_400] : memref<200000xf32, #tpu.memory_space<hbm>> -> memref<200000xf32, #tpu.memory_space<hbm>>
    tpu.enqueue_indirect_dma source(%dma_start3A_401 : memref<200000xf32, #tpu.memory_space<hbm>>) target(%dma_start3A_397 : memref<64xf32, #tpu.memory_space<vmem>>) offsets(%dma_start3A_399 : memref<64xi32, #tpu.memory_space<vmem>>) semaphore(%arg20 : memref<!tpu.dma_semaphore, #tpu.memory_space<semaphore_mem>>)
    %dma_start3A_402 = arith.constant 2 : i32
    %dma_start3A_403 = arith.constant 0 : i32
    %dma_start3A_404 = tpu.memref_slice %arg15[%dma_start3A_402, %dma_start3A_403] : memref<4x64xf32, #tpu.memory_space<vmem>> -> memref<1x64xf32, #tpu.memory_space<vmem>>
    %dma_start3A_405 = tpu.memref_squeeze %dma_start3A_404 : memref<1x64xf32, #tpu.memory_space<vmem>> -> memref<64xf32, #tpu.memory_space<vmem>>
    %dma_start3A_406 = arith.constant 384 : i32
    %dma_start3A_407 = tpu.memref_slice %arg11[%dma_start3A_406] : memref<512xi32, #tpu.memory_space<vmem>> -> memref<64xi32, #tpu.memory_space<vmem>>
    %dma_start3A_408 = arith.constant 0 : i32
    %dma_start3A_409 = tpu.memref_slice %arg5[%dma_start3A_408] : memref<200000xf32, #tpu.memory_space<hbm>> -> memref<200000xf32, #tpu.memory_space<hbm>>
    tpu.enqueue_indirect_dma source(%dma_start3A_409 : memref<200000xf32, #tpu.memory_space<hbm>>) target(%dma_start3A_405 : memref<64xf32, #tpu.memory_space<vmem>>) offsets(%dma_start3A_407 : memref<64xi32, #tpu.memory_space<vmem>>) semaphore(%arg20 : memref<!tpu.dma_semaphore, #tpu.memory_space<semaphore_mem>>)
    %dma_wait3A_410 = arith.constant 3 : i32
    %dma_wait3A_411 = arith.constant 0 : i32
    %dma_wait3A_412 = arith.constant 0 : i32
    %dma_wait3A_413 = tpu.memref_slice %arg12[%dma_wait3A_410, %dma_wait3A_411, %dma_wait3A_412] : memref<4x64x128xf32, #tpu.memory_space<vmem>> -> memref<1x64x128xf32, #tpu.memory_space<vmem>>
    %dma_wait3A_414 = tpu.memref_squeeze %dma_wait3A_413 : memref<1x64x128xf32, #tpu.memory_space<vmem>> -> memref<64x128xf32, #tpu.memory_space<vmem>>
    %dma_wait3A_415 = arith.constant 192 : i32
    %dma_wait3A_416 = tpu.memref_slice %arg9[%dma_wait3A_415] : memref<512xi32, #tpu.memory_space<vmem>> -> memref<64xi32, #tpu.memory_space<vmem>>
    %dma_wait3A_417 = arith.constant 0 : i32
    %dma_wait3A_418 = arith.constant 0 : i32
    %dma_wait3A_419 = tpu.memref_slice %arg4[%dma_wait3A_417, %dma_wait3A_418] : memref<100000x128xf32, #tpu.memory_space<hbm>> -> memref<100000x128xf32, #tpu.memory_space<hbm>>
    tpu.wait_indirect_dma semaphore(%arg21 : memref<!tpu.dma_semaphore, #tpu.memory_space<semaphore_mem>>) src(%dma_wait3A_419 : memref<100000x128xf32, #tpu.memory_space<hbm>>) dst(%dma_wait3A_414 : memref<64x128xf32, #tpu.memory_space<vmem>>)
    %dma_wait3A_420 = arith.constant 3 : i32
    %dma_wait3A_421 = arith.constant 0 : i32
    %dma_wait3A_422 = arith.constant 0 : i32
    %dma_wait3A_423 = tpu.memref_slice %arg13[%dma_wait3A_420, %dma_wait3A_421, %dma_wait3A_422] : memref<4x64x128xf32, #tpu.memory_space<vmem>> -> memref<1x64x128xf32, #tpu.memory_space<vmem>>
    %dma_wait3A_424 = tpu.memref_squeeze %dma_wait3A_423 : memref<1x64x128xf32, #tpu.memory_space<vmem>> -> memref<64x128xf32, #tpu.memory_space<vmem>>
    %dma_wait3A_425 = arith.constant 192 : i32
    %dma_wait3A_426 = tpu.memref_slice %arg10[%dma_wait3A_425] : memref<512xi32, #tpu.memory_space<vmem>> -> memref<64xi32, #tpu.memory_space<vmem>>
    %dma_wait3A_427 = arith.constant 0 : i32
    %dma_wait3A_428 = arith.constant 0 : i32
    %dma_wait3A_429 = tpu.memref_slice %arg6[%dma_wait3A_427, %dma_wait3A_428] : memref<100000x128xf32, #tpu.memory_space<hbm>> -> memref<100000x128xf32, #tpu.memory_space<hbm>>
    tpu.wait_indirect_dma semaphore(%arg21 : memref<!tpu.dma_semaphore, #tpu.memory_space<semaphore_mem>>) src(%dma_wait3A_429 : memref<100000x128xf32, #tpu.memory_space<hbm>>) dst(%dma_wait3A_424 : memref<64x128xf32, #tpu.memory_space<vmem>>)
    %dma_wait3A_430 = arith.constant 3 : i32
    %dma_wait3A_431 = arith.constant 0 : i32
    %dma_wait3A_432 = tpu.memref_slice %arg14[%dma_wait3A_430, %dma_wait3A_431] : memref<4x64xf32, #tpu.memory_space<vmem>> -> memref<1x64xf32, #tpu.memory_space<vmem>>
    %dma_wait3A_433 = tpu.memref_squeeze %dma_wait3A_432 : memref<1x64xf32, #tpu.memory_space<vmem>> -> memref<64xf32, #tpu.memory_space<vmem>>
    %dma_wait3A_434 = arith.constant 192 : i32
    %dma_wait3A_435 = tpu.memref_slice %arg9[%dma_wait3A_434] : memref<512xi32, #tpu.memory_space<vmem>> -> memref<64xi32, #tpu.memory_space<vmem>>
    %dma_wait3A_436 = arith.constant 0 : i32
    %dma_wait3A_437 = tpu.memref_slice %arg5[%dma_wait3A_436] : memref<200000xf32, #tpu.memory_space<hbm>> -> memref<200000xf32, #tpu.memory_space<hbm>>
    tpu.wait_indirect_dma semaphore(%arg21 : memref<!tpu.dma_semaphore, #tpu.memory_space<semaphore_mem>>) src(%dma_wait3A_437 : memref<200000xf32, #tpu.memory_space<hbm>>) dst(%dma_wait3A_433 : memref<64xf32, #tpu.memory_space<vmem>>)
    %dma_wait3A_438 = arith.constant 3 : i32
    %dma_wait3A_439 = arith.constant 0 : i32
    %dma_wait3A_440 = tpu.memref_slice %arg15[%dma_wait3A_438, %dma_wait3A_439] : memref<4x64xf32, #tpu.memory_space<vmem>> -> memref<1x64xf32, #tpu.memory_space<vmem>>
    %dma_wait3A_441 = tpu.memref_squeeze %dma_wait3A_440 : memref<1x64xf32, #tpu.memory_space<vmem>> -> memref<64xf32, #tpu.memory_space<vmem>>
    %dma_wait3A_442 = arith.constant 192 : i32
    %dma_wait3A_443 = tpu.memref_slice %arg11[%dma_wait3A_442] : memref<512xi32, #tpu.memory_space<vmem>> -> memref<64xi32, #tpu.memory_space<vmem>>
    %dma_wait3A_444 = arith.constant 0 : i32
    %dma_wait3A_445 = tpu.memref_slice %arg5[%dma_wait3A_444] : memref<200000xf32, #tpu.memory_space<hbm>> -> memref<200000xf32, #tpu.memory_space<hbm>>
    tpu.wait_indirect_dma semaphore(%arg21 : memref<!tpu.dma_semaphore, #tpu.memory_space<semaphore_mem>>) src(%dma_wait3A_445 : memref<200000xf32, #tpu.memory_space<hbm>>) dst(%dma_wait3A_441 : memref<64xf32, #tpu.memory_space<vmem>>)
    %parallel_loop3A_446 = arith.constant 0 : i32
    %parallel_loop3A_447 = arith.constant 64 : i32
    %parallel_loop3A_448 = arith.constant 16 : i32
    %parallel_loop3A_449 = arith.constant 3 : i32
    %parallel_loop3A_450 = arith.constant 3 : i32
    %parallel_loop3A_451 = arith.constant 3 : i32
    %parallel_loop3A_452 = arith.constant 3 : i32
    %parallel_loop3A_453 = arith.constant 0 : i32
    %parallel_loop3A_454 = scf.for %parallel_loop3A_671 = %parallel_loop3A_446 to %parallel_loop3A_447 step %parallel_loop3A_448 iter_args(%parallel_loop3A_672 = %parallel_loop3A_453) -> (i32)  : i32 {
      %parallel_loop3A_673 = vector.broadcast %parallel_loop3A_671 : i32 to vector<16xi32>
      %parallel_loop3A_674 = arith.addi %iota3A, %parallel_loop3A_673 : vector<16xi32>
      %parallel_loop3A_675 = arith.constant 0.000000e+00 : f32
      %parallel_loop3A_676 = vector.broadcast %parallel_loop3A_675 : f32 to vector<16xf32>
      %parallel_loop3A_677 = arith.constant 0.000000e+00 : f32
      %parallel_loop3A_678 = vector.broadcast %parallel_loop3A_677 : f32 to vector<16xf32>
      %parallel_loop3A_679 = arith.constant 0.000000e+00 : f32
      %parallel_loop3A_680 = vector.broadcast %parallel_loop3A_679 : f32 to vector<16xf32>
      %parallel_loop3A_681 = arith.constant 0.000000e+00 : f32
      %parallel_loop3A_682 = vector.broadcast %parallel_loop3A_681 : f32 to vector<16xf32>
      %parallel_loop3A_683 = arith.constant 0.000000e+00 : f32
      %parallel_loop3A_684 = vector.broadcast %parallel_loop3A_683 : f32 to vector<16xf32>
      %parallel_loop3A_685 = arith.constant 0.000000e+00 : f32
      %parallel_loop3A_686 = vector.broadcast %parallel_loop3A_685 : f32 to vector<16xf32>
      %parallel_loop3A_687 = arith.constant 0.000000e+00 : f32
      %parallel_loop3A_688 = vector.broadcast %parallel_loop3A_687 : f32 to vector<16xf32>
      %parallel_loop3A_689 = arith.constant 0.000000e+00 : f32
      %parallel_loop3A_690 = vector.broadcast %parallel_loop3A_689 : f32 to vector<16xf32>
      %parallel_loop3A_691 = arith.constant 0 : i32
      %parallel_loop3A_692 = arith.constant 8 : i32
      %parallel_loop3A_693 = arith.addi %parallel_loop3A_691, %parallel_loop3A_692 : i32
      %parallel_loop3A_694 = arith.constant 1 : i32
      %parallel_loop3A_695:9 = scf.for %scan3A_722 = %parallel_loop3A_691 to %parallel_loop3A_693 step %parallel_loop3A_694 iter_args(%scan3A_723 = %iota3A, %scan3A_724 = %parallel_loop3A_676, %scan3A_725 = %parallel_loop3A_678, %scan3A_726 = %parallel_loop3A_680, %scan3A_727 = %parallel_loop3A_682, %scan3A_728 = %parallel_loop3A_684, %scan3A_729 = %parallel_loop3A_686, %scan3A_730 = %parallel_loop3A_688, %scan3A_731 = %parallel_loop3A_690) -> (vector<16xi32>, vector<16xf32>, vector<16xf32>, vector<16xf32>, vector<16xf32>, vector<16xf32>, vector<16xf32>, vector<16xf32>, vector<16xf32>)  : i32 {
        %parallel_loop3A_732 = arith.constant 0 : i32
        %parallel_loop3A_733 = arith.constant 0 : i32
        %parallel_loop3A_734 = tpu.memref_slice %arg12[%parallel_loop3A_449, %parallel_loop3A_732, %parallel_loop3A_733] : memref<4x64x128xf32, #tpu.memory_space<vmem>> -> memref<1x64x128xf32, #tpu.memory_space<vmem>>
        %parallel_loop3A_735 = tpu.memref_squeeze %parallel_loop3A_734 : memref<1x64x128xf32, #tpu.memory_space<vmem>> -> memref<64x128xf32, #tpu.memory_space<vmem>>
        %parallel_loop3A_736 = tpu.vector_load_idx %parallel_loop3A_735[%parallel_loop3A_674, %scan3A_723] : memref<64x128xf32, #tpu.memory_space<vmem>>[vector<16xi32>, vector<16xi32>], vector<16xf32>,
        %parallel_loop3A_737 = arith.constant 0 : i32
        %parallel_loop3A_738 = arith.constant 0 : i32
        %parallel_loop3A_739 = tpu.memref_slice %arg13[%parallel_loop3A_450, %parallel_loop3A_737, %parallel_loop3A_738] : memref<4x64x128xf32, #tpu.memory_space<vmem>> -> memref<1x64x128xf32, #tpu.memory_space<vmem>>
        %parallel_loop3A_740 = tpu.memref_squeeze %parallel_loop3A_739 : memref<1x64x128xf32, #tpu.memory_space<vmem>> -> memref<64x128xf32, #tpu.memory_space<vmem>>
        %parallel_loop3A_741 = tpu.vector_load_idx %parallel_loop3A_740[%parallel_loop3A_674, %scan3A_723] : memref<64x128xf32, #tpu.memory_space<vmem>>[vector<16xi32>, vector<16xi32>], vector<16xf32>,
        %parallel_loop3A_742 = arith.mulf %parallel_loop3A_736, %parallel_loop3A_741 : vector<16xf32>
        %parallel_loop3A_743 = arith.addf %scan3A_724, %parallel_loop3A_742 : vector<16xf32>
        %parallel_loop3A_744 = arith.constant 1 : i32
        %parallel_loop3A_745 = vector.broadcast %parallel_loop3A_744 : i32 to vector<16xi32>
        %parallel_loop3A_746 = arith.addi %scan3A_723, %parallel_loop3A_745 : vector<16xi32>
        %parallel_loop3A_747 = arith.constant 127 : i32
        %parallel_loop3A_748 = vector.broadcast %parallel_loop3A_747 : i32 to vector<16xi32>
        %parallel_loop3A_749 = arith.andi %parallel_loop3A_746, %parallel_loop3A_748 : vector<16xi32>
        %parallel_loop3A_750 = arith.constant 0 : i32
        %parallel_loop3A_751 = arith.constant 0 : i32
        %parallel_loop3A_752 = tpu.memref_slice %arg12[%parallel_loop3A_449, %parallel_loop3A_750, %parallel_loop3A_751] : memref<4x64x128xf32, #tpu.memory_space<vmem>> -> memref<1x64x128xf32, #tpu.memory_space<vmem>>
        %parallel_loop3A_753 = tpu.memref_squeeze %parallel_loop3A_752 : memref<1x64x128xf32, #tpu.memory_space<vmem>> -> memref<64x128xf32, #tpu.memory_space<vmem>>
        %parallel_loop3A_754 = tpu.vector_load_idx %parallel_loop3A_753[%parallel_loop3A_674, %parallel_loop3A_749] : memref<64x128xf32, #tpu.memory_space<vmem>>[vector<16xi32>, vector<16xi32>], vector<16xf32>,
        %parallel_loop3A_755 = arith.constant 0 : i32
        %parallel_loop3A_756 = arith.constant 0 : i32
        %parallel_loop3A_757 = tpu.memref_slice %arg13[%parallel_loop3A_450, %parallel_loop3A_755, %parallel_loop3A_756] : memref<4x64x128xf32, #tpu.memory_space<vmem>> -> memref<1x64x128xf32, #tpu.memory_space<vmem>>
        %parallel_loop3A_758 = tpu.memref_squeeze %parallel_loop3A_757 : memref<1x64x128xf32, #tpu.memory_space<vmem>> -> memref<64x128xf32, #tpu.memory_space<vmem>>
        %parallel_loop3A_759 = tpu.vector_load_idx %parallel_loop3A_758[%parallel_loop3A_674, %parallel_loop3A_749] : memref<64x128xf32, #tpu.memory_space<vmem>>[vector<16xi32>, vector<16xi32>], vector<16xf32>,
        %parallel_loop3A_760 = arith.mulf %parallel_loop3A_754, %parallel_loop3A_759 : vector<16xf32>
        %parallel_loop3A_761 = arith.addf %scan3A_725, %parallel_loop3A_760 : vector<16xf32>
        %parallel_loop3A_762 = arith.constant 1 : i32
        %parallel_loop3A_763 = vector.broadcast %parallel_loop3A_762 : i32 to vector<16xi32>
        %parallel_loop3A_764 = arith.addi %parallel_loop3A_749, %parallel_loop3A_763 : vector<16xi32>
        %parallel_loop3A_765 = arith.constant 127 : i32
        %parallel_loop3A_766 = vector.broadcast %parallel_loop3A_765 : i32 to vector<16xi32>
        %parallel_loop3A_767 = arith.andi %parallel_loop3A_764, %parallel_loop3A_766 : vector<16xi32>
        %parallel_loop3A_768 = arith.constant 0 : i32
        %parallel_loop3A_769 = arith.constant 0 : i32
        %parallel_loop3A_770 = tpu.memref_slice %arg12[%parallel_loop3A_449, %parallel_loop3A_768, %parallel_loop3A_769] : memref<4x64x128xf32, #tpu.memory_space<vmem>> -> memref<1x64x128xf32, #tpu.memory_space<vmem>>
        %parallel_loop3A_771 = tpu.memref_squeeze %parallel_loop3A_770 : memref<1x64x128xf32, #tpu.memory_space<vmem>> -> memref<64x128xf32, #tpu.memory_space<vmem>>
        %parallel_loop3A_772 = tpu.vector_load_idx %parallel_loop3A_771[%parallel_loop3A_674, %parallel_loop3A_767] : memref<64x128xf32, #tpu.memory_space<vmem>>[vector<16xi32>, vector<16xi32>], vector<16xf32>,
        %parallel_loop3A_773 = arith.constant 0 : i32
        %parallel_loop3A_774 = arith.constant 0 : i32
        %parallel_loop3A_775 = tpu.memref_slice %arg13[%parallel_loop3A_450, %parallel_loop3A_773, %parallel_loop3A_774] : memref<4x64x128xf32, #tpu.memory_space<vmem>> -> memref<1x64x128xf32, #tpu.memory_space<vmem>>
        %parallel_loop3A_776 = tpu.memref_squeeze %parallel_loop3A_775 : memref<1x64x128xf32, #tpu.memory_space<vmem>> -> memref<64x128xf32, #tpu.memory_space<vmem>>
        %parallel_loop3A_777 = tpu.vector_load_idx %parallel_loop3A_776[%parallel_loop3A_674, %parallel_loop3A_767] : memref<64x128xf32, #tpu.memory_space<vmem>>[vector<16xi32>, vector<16xi32>], vector<16xf32>,
        %parallel_loop3A_778 = arith.mulf %parallel_loop3A_772, %parallel_loop3A_777 : vector<16xf32>
        %parallel_loop3A_779 = arith.addf %scan3A_726, %parallel_loop3A_778 : vector<16xf32>
        %parallel_loop3A_780 = arith.constant 1 : i32
        %parallel_loop3A_781 = vector.broadcast %parallel_loop3A_780 : i32 to vector<16xi32>
        %parallel_loop3A_782 = arith.addi %parallel_loop3A_767, %parallel_loop3A_781 : vector<16xi32>
        %parallel_loop3A_783 = arith.constant 127 : i32
        %parallel_loop3A_784 = vector.broadcast %parallel_loop3A_783 : i32 to vector<16xi32>
        %parallel_loop3A_785 = arith.andi %parallel_loop3A_782, %parallel_loop3A_784 : vector<16xi32>
        %parallel_loop3A_786 = arith.constant 0 : i32
        %parallel_loop3A_787 = arith.constant 0 : i32
        %parallel_loop3A_788 = tpu.memref_slice %arg12[%parallel_loop3A_449, %parallel_loop3A_786, %parallel_loop3A_787] : memref<4x64x128xf32, #tpu.memory_space<vmem>> -> memref<1x64x128xf32, #tpu.memory_space<vmem>>
        %parallel_loop3A_789 = tpu.memref_squeeze %parallel_loop3A_788 : memref<1x64x128xf32, #tpu.memory_space<vmem>> -> memref<64x128xf32, #tpu.memory_space<vmem>>
        %parallel_loop3A_790 = tpu.vector_load_idx %parallel_loop3A_789[%parallel_loop3A_674, %parallel_loop3A_785] : memref<64x128xf32, #tpu.memory_space<vmem>>[vector<16xi32>, vector<16xi32>], vector<16xf32>,
        %parallel_loop3A_791 = arith.constant 0 : i32
        %parallel_loop3A_792 = arith.constant 0 : i32
        %parallel_loop3A_793 = tpu.memref_slice %arg13[%parallel_loop3A_450, %parallel_loop3A_791, %parallel_loop3A_792] : memref<4x64x128xf32, #tpu.memory_space<vmem>> -> memref<1x64x128xf32, #tpu.memory_space<vmem>>
        %parallel_loop3A_794 = tpu.memref_squeeze %parallel_loop3A_793 : memref<1x64x128xf32, #tpu.memory_space<vmem>> -> memref<64x128xf32, #tpu.memory_space<vmem>>
        %parallel_loop3A_795 = tpu.vector_load_idx %parallel_loop3A_794[%parallel_loop3A_674, %parallel_loop3A_785] : memref<64x128xf32, #tpu.memory_space<vmem>>[vector<16xi32>, vector<16xi32>], vector<16xf32>,
        %parallel_loop3A_796 = arith.mulf %parallel_loop3A_790, %parallel_loop3A_795 : vector<16xf32>
        %parallel_loop3A_797 = arith.addf %scan3A_727, %parallel_loop3A_796 : vector<16xf32>
        %parallel_loop3A_798 = arith.constant 1 : i32
        %parallel_loop3A_799 = vector.broadcast %parallel_loop3A_798 : i32 to vector<16xi32>
        %parallel_loop3A_800 = arith.addi %parallel_loop3A_785, %parallel_loop3A_799 : vector<16xi32>
        %parallel_loop3A_801 = arith.constant 127 : i32
        %parallel_loop3A_802 = vector.broadcast %parallel_loop3A_801 : i32 to vector<16xi32>
        %parallel_loop3A_803 = arith.andi %parallel_loop3A_800, %parallel_loop3A_802 : vector<16xi32>
        %parallel_loop3A_804 = arith.constant 0 : i32
        %parallel_loop3A_805 = arith.constant 0 : i32
        %parallel_loop3A_806 = tpu.memref_slice %arg12[%parallel_loop3A_449, %parallel_loop3A_804, %parallel_loop3A_805] : memref<4x64x128xf32, #tpu.memory_space<vmem>> -> memref<1x64x128xf32, #tpu.memory_space<vmem>>
        %parallel_loop3A_807 = tpu.memref_squeeze %parallel_loop3A_806 : memref<1x64x128xf32, #tpu.memory_space<vmem>> -> memref<64x128xf32, #tpu.memory_space<vmem>>
        %parallel_loop3A_808 = tpu.vector_load_idx %parallel_loop3A_807[%parallel_loop3A_674, %parallel_loop3A_803] : memref<64x128xf32, #tpu.memory_space<vmem>>[vector<16xi32>, vector<16xi32>], vector<16xf32>,
        %parallel_loop3A_809 = arith.constant 0 : i32
        %parallel_loop3A_810 = arith.constant 0 : i32
        %parallel_loop3A_811 = tpu.memref_slice %arg13[%parallel_loop3A_450, %parallel_loop3A_809, %parallel_loop3A_810] : memref<4x64x128xf32, #tpu.memory_space<vmem>> -> memref<1x64x128xf32, #tpu.memory_space<vmem>>
        %parallel_loop3A_812 = tpu.memref_squeeze %parallel_loop3A_811 : memref<1x64x128xf32, #tpu.memory_space<vmem>> -> memref<64x128xf32, #tpu.memory_space<vmem>>
        %parallel_loop3A_813 = tpu.vector_load_idx %parallel_loop3A_812[%parallel_loop3A_674, %parallel_loop3A_803] : memref<64x128xf32, #tpu.memory_space<vmem>>[vector<16xi32>, vector<16xi32>], vector<16xf32>,
        %parallel_loop3A_814 = arith.mulf %parallel_loop3A_808, %parallel_loop3A_813 : vector<16xf32>
        %parallel_loop3A_815 = arith.addf %scan3A_728, %parallel_loop3A_814 : vector<16xf32>
        %parallel_loop3A_816 = arith.constant 1 : i32
        %parallel_loop3A_817 = vector.broadcast %parallel_loop3A_816 : i32 to vector<16xi32>
        %parallel_loop3A_818 = arith.addi %parallel_loop3A_803, %parallel_loop3A_817 : vector<16xi32>
        %parallel_loop3A_819 = arith.constant 127 : i32
        %parallel_loop3A_820 = vector.broadcast %parallel_loop3A_819 : i32 to vector<16xi32>
        %parallel_loop3A_821 = arith.andi %parallel_loop3A_818, %parallel_loop3A_820 : vector<16xi32>
        %parallel_loop3A_822 = arith.constant 0 : i32
        %parallel_loop3A_823 = arith.constant 0 : i32
        %parallel_loop3A_824 = tpu.memref_slice %arg12[%parallel_loop3A_449, %parallel_loop3A_822, %parallel_loop3A_823] : memref<4x64x128xf32, #tpu.memory_space<vmem>> -> memref<1x64x128xf32, #tpu.memory_space<vmem>>
        %parallel_loop3A_825 = tpu.memref_squeeze %parallel_loop3A_824 : memref<1x64x128xf32, #tpu.memory_space<vmem>> -> memref<64x128xf32, #tpu.memory_space<vmem>>
        %parallel_loop3A_826 = tpu.vector_load_idx %parallel_loop3A_825[%parallel_loop3A_674, %parallel_loop3A_821] : memref<64x128xf32, #tpu.memory_space<vmem>>[vector<16xi32>, vector<16xi32>], vector<16xf32>,
        %parallel_loop3A_827 = arith.constant 0 : i32
        %parallel_loop3A_828 = arith.constant 0 : i32
        %parallel_loop3A_829 = tpu.memref_slice %arg13[%parallel_loop3A_450, %parallel_loop3A_827, %parallel_loop3A_828] : memref<4x64x128xf32, #tpu.memory_space<vmem>> -> memref<1x64x128xf32, #tpu.memory_space<vmem>>
        %parallel_loop3A_830 = tpu.memref_squeeze %parallel_loop3A_829 : memref<1x64x128xf32, #tpu.memory_space<vmem>> -> memref<64x128xf32, #tpu.memory_space<vmem>>
        %parallel_loop3A_831 = tpu.vector_load_idx %parallel_loop3A_830[%parallel_loop3A_674, %parallel_loop3A_821] : memref<64x128xf32, #tpu.memory_space<vmem>>[vector<16xi32>, vector<16xi32>], vector<16xf32>,
        %parallel_loop3A_832 = arith.mulf %parallel_loop3A_826, %parallel_loop3A_831 : vector<16xf32>
        %parallel_loop3A_833 = arith.addf %scan3A_729, %parallel_loop3A_832 : vector<16xf32>
        %parallel_loop3A_834 = arith.constant 1 : i32
        %parallel_loop3A_835 = vector.broadcast %parallel_loop3A_834 : i32 to vector<16xi32>
        %parallel_loop3A_836 = arith.addi %parallel_loop3A_821, %parallel_loop3A_835 : vector<16xi32>
        %parallel_loop3A_837 = arith.constant 127 : i32
        %parallel_loop3A_838 = vector.broadcast %parallel_loop3A_837 : i32 to vector<16xi32>
        %parallel_loop3A_839 = arith.andi %parallel_loop3A_836, %parallel_loop3A_838 : vector<16xi32>
        %parallel_loop3A_840 = arith.constant 0 : i32
        %parallel_loop3A_841 = arith.constant 0 : i32
        %parallel_loop3A_842 = tpu.memref_slice %arg12[%parallel_loop3A_449, %parallel_loop3A_840, %parallel_loop3A_841] : memref<4x64x128xf32, #tpu.memory_space<vmem>> -> memref<1x64x128xf32, #tpu.memory_space<vmem>>
        %parallel_loop3A_843 = tpu.memref_squeeze %parallel_loop3A_842 : memref<1x64x128xf32, #tpu.memory_space<vmem>> -> memref<64x128xf32, #tpu.memory_space<vmem>>
        %parallel_loop3A_844 = tpu.vector_load_idx %parallel_loop3A_843[%parallel_loop3A_674, %parallel_loop3A_839] : memref<64x128xf32, #tpu.memory_space<vmem>>[vector<16xi32>, vector<16xi32>], vector<16xf32>,
        %parallel_loop3A_845 = arith.constant 0 : i32
        %parallel_loop3A_846 = arith.constant 0 : i32
        %parallel_loop3A_847 = tpu.memref_slice %arg13[%parallel_loop3A_450, %parallel_loop3A_845, %parallel_loop3A_846] : memref<4x64x128xf32, #tpu.memory_space<vmem>> -> memref<1x64x128xf32, #tpu.memory_space<vmem>>
        %parallel_loop3A_848 = tpu.memref_squeeze %parallel_loop3A_847 : memref<1x64x128xf32, #tpu.memory_space<vmem>> -> memref<64x128xf32, #tpu.memory_space<vmem>>
        %parallel_loop3A_849 = tpu.vector_load_idx %parallel_loop3A_848[%parallel_loop3A_674, %parallel_loop3A_839] : memref<64x128xf32, #tpu.memory_space<vmem>>[vector<16xi32>, vector<16xi32>], vector<16xf32>,
        %parallel_loop3A_850 = arith.mulf %parallel_loop3A_844, %parallel_loop3A_849 : vector<16xf32>
        %parallel_loop3A_851 = arith.addf %scan3A_730, %parallel_loop3A_850 : vector<16xf32>
        %parallel_loop3A_852 = arith.constant 1 : i32
        %parallel_loop3A_853 = vector.broadcast %parallel_loop3A_852 : i32 to vector<16xi32>
        %parallel_loop3A_854 = arith.addi %parallel_loop3A_839, %parallel_loop3A_853 : vector<16xi32>
        %parallel_loop3A_855 = arith.constant 127 : i32
        %parallel_loop3A_856 = vector.broadcast %parallel_loop3A_855 : i32 to vector<16xi32>
        %parallel_loop3A_857 = arith.andi %parallel_loop3A_854, %parallel_loop3A_856 : vector<16xi32>
        %parallel_loop3A_858 = arith.constant 0 : i32
        %parallel_loop3A_859 = arith.constant 0 : i32
        %parallel_loop3A_860 = tpu.memref_slice %arg12[%parallel_loop3A_449, %parallel_loop3A_858, %parallel_loop3A_859] : memref<4x64x128xf32, #tpu.memory_space<vmem>> -> memref<1x64x128xf32, #tpu.memory_space<vmem>>
        %parallel_loop3A_861 = tpu.memref_squeeze %parallel_loop3A_860 : memref<1x64x128xf32, #tpu.memory_space<vmem>> -> memref<64x128xf32, #tpu.memory_space<vmem>>
        %parallel_loop3A_862 = tpu.vector_load_idx %parallel_loop3A_861[%parallel_loop3A_674, %parallel_loop3A_857] : memref<64x128xf32, #tpu.memory_space<vmem>>[vector<16xi32>, vector<16xi32>], vector<16xf32>,
        %parallel_loop3A_863 = arith.constant 0 : i32
        %parallel_loop3A_864 = arith.constant 0 : i32
        %parallel_loop3A_865 = tpu.memref_slice %arg13[%parallel_loop3A_450, %parallel_loop3A_863, %parallel_loop3A_864] : memref<4x64x128xf32, #tpu.memory_space<vmem>> -> memref<1x64x128xf32, #tpu.memory_space<vmem>>
        %parallel_loop3A_866 = tpu.memref_squeeze %parallel_loop3A_865 : memref<1x64x128xf32, #tpu.memory_space<vmem>> -> memref<64x128xf32, #tpu.memory_space<vmem>>
        %parallel_loop3A_867 = tpu.vector_load_idx %parallel_loop3A_866[%parallel_loop3A_674, %parallel_loop3A_857] : memref<64x128xf32, #tpu.memory_space<vmem>>[vector<16xi32>, vector<16xi32>], vector<16xf32>,
        %parallel_loop3A_868 = arith.mulf %parallel_loop3A_862, %parallel_loop3A_867 : vector<16xf32>
        %parallel_loop3A_869 = arith.addf %scan3A_731, %parallel_loop3A_868 : vector<16xf32>
        %parallel_loop3A_870 = arith.constant 1 : i32
        %parallel_loop3A_871 = vector.broadcast %parallel_loop3A_870 : i32 to vector<16xi32>
        %parallel_loop3A_872 = arith.addi %parallel_loop3A_857, %parallel_loop3A_871 : vector<16xi32>
        %parallel_loop3A_873 = arith.constant 127 : i32
        %parallel_loop3A_874 = vector.broadcast %parallel_loop3A_873 : i32 to vector<16xi32>
        %parallel_loop3A_875 = arith.andi %parallel_loop3A_872, %parallel_loop3A_874 : vector<16xi32>
        %parallel_loop3A_876 = arith.constant 0 : i32
        %parallel_loop3A_877 = arith.constant 0 : i32
        %parallel_loop3A_878 = tpu.memref_slice %arg12[%parallel_loop3A_449, %parallel_loop3A_876, %parallel_loop3A_877] : memref<4x64x128xf32, #tpu.memory_space<vmem>> -> memref<1x64x128xf32, #tpu.memory_space<vmem>>
        %parallel_loop3A_879 = tpu.memref_squeeze %parallel_loop3A_878 : memref<1x64x128xf32, #tpu.memory_space<vmem>> -> memref<64x128xf32, #tpu.memory_space<vmem>>
        %parallel_loop3A_880 = tpu.vector_load_idx %parallel_loop3A_879[%parallel_loop3A_674, %parallel_loop3A_875] : memref<64x128xf32, #tpu.memory_space<vmem>>[vector<16xi32>, vector<16xi32>], vector<16xf32>,
        %parallel_loop3A_881 = arith.constant 0 : i32
        %parallel_loop3A_882 = arith.constant 0 : i32
        %parallel_loop3A_883 = tpu.memref_slice %arg13[%parallel_loop3A_450, %parallel_loop3A_881, %parallel_loop3A_882] : memref<4x64x128xf32, #tpu.memory_space<vmem>> -> memref<1x64x128xf32, #tpu.memory_space<vmem>>
        %parallel_loop3A_884 = tpu.memref_squeeze %parallel_loop3A_883 : memref<1x64x128xf32, #tpu.memory_space<vmem>> -> memref<64x128xf32, #tpu.memory_space<vmem>>
        %parallel_loop3A_885 = tpu.vector_load_idx %parallel_loop3A_884[%parallel_loop3A_674, %parallel_loop3A_875] : memref<64x128xf32, #tpu.memory_space<vmem>>[vector<16xi32>, vector<16xi32>], vector<16xf32>,
        %parallel_loop3A_886 = arith.mulf %parallel_loop3A_880, %parallel_loop3A_885 : vector<16xf32>
        %parallel_loop3A_887 = arith.addf %parallel_loop3A_743, %parallel_loop3A_886 : vector<16xf32>
        %parallel_loop3A_888 = arith.constant 1 : i32
        %parallel_loop3A_889 = vector.broadcast %parallel_loop3A_888 : i32 to vector<16xi32>
        %parallel_loop3A_890 = arith.addi %parallel_loop3A_875, %parallel_loop3A_889 : vector<16xi32>
        %parallel_loop3A_891 = arith.constant 127 : i32
        %parallel_loop3A_892 = vector.broadcast %parallel_loop3A_891 : i32 to vector<16xi32>
        %parallel_loop3A_893 = arith.andi %parallel_loop3A_890, %parallel_loop3A_892 : vector<16xi32>
        %parallel_loop3A_894 = arith.constant 0 : i32
        %parallel_loop3A_895 = arith.constant 0 : i32
        %parallel_loop3A_896 = tpu.memref_slice %arg12[%parallel_loop3A_449, %parallel_loop3A_894, %parallel_loop3A_895] : memref<4x64x128xf32, #tpu.memory_space<vmem>> -> memref<1x64x128xf32, #tpu.memory_space<vmem>>
        %parallel_loop3A_897 = tpu.memref_squeeze %parallel_loop3A_896 : memref<1x64x128xf32, #tpu.memory_space<vmem>> -> memref<64x128xf32, #tpu.memory_space<vmem>>
        %parallel_loop3A_898 = tpu.vector_load_idx %parallel_loop3A_897[%parallel_loop3A_674, %parallel_loop3A_893] : memref<64x128xf32, #tpu.memory_space<vmem>>[vector<16xi32>, vector<16xi32>], vector<16xf32>,
        %parallel_loop3A_899 = arith.constant 0 : i32
        %parallel_loop3A_900 = arith.constant 0 : i32
        %parallel_loop3A_901 = tpu.memref_slice %arg13[%parallel_loop3A_450, %parallel_loop3A_899, %parallel_loop3A_900] : memref<4x64x128xf32, #tpu.memory_space<vmem>> -> memref<1x64x128xf32, #tpu.memory_space<vmem>>
        %parallel_loop3A_902 = tpu.memref_squeeze %parallel_loop3A_901 : memref<1x64x128xf32, #tpu.memory_space<vmem>> -> memref<64x128xf32, #tpu.memory_space<vmem>>
        %parallel_loop3A_903 = tpu.vector_load_idx %parallel_loop3A_902[%parallel_loop3A_674, %parallel_loop3A_893] : memref<64x128xf32, #tpu.memory_space<vmem>>[vector<16xi32>, vector<16xi32>], vector<16xf32>,
        %parallel_loop3A_904 = arith.mulf %parallel_loop3A_898, %parallel_loop3A_903 : vector<16xf32>
        %parallel_loop3A_905 = arith.addf %parallel_loop3A_761, %parallel_loop3A_904 : vector<16xf32>
        %parallel_loop3A_906 = arith.constant 1 : i32
        %parallel_loop3A_907 = vector.broadcast %parallel_loop3A_906 : i32 to vector<16xi32>
        %parallel_loop3A_908 = arith.addi %parallel_loop3A_893, %parallel_loop3A_907 : vector<16xi32>
        %parallel_loop3A_909 = arith.constant 127 : i32
        %parallel_loop3A_910 = vector.broadcast %parallel_loop3A_909 : i32 to vector<16xi32>
        %parallel_loop3A_911 = arith.andi %parallel_loop3A_908, %parallel_loop3A_910 : vector<16xi32>
        %parallel_loop3A_912 = arith.constant 0 : i32
        %parallel_loop3A_913 = arith.constant 0 : i32
        %parallel_loop3A_914 = tpu.memref_slice %arg12[%parallel_loop3A_449, %parallel_loop3A_912, %parallel_loop3A_913] : memref<4x64x128xf32, #tpu.memory_space<vmem>> -> memref<1x64x128xf32, #tpu.memory_space<vmem>>
        %parallel_loop3A_915 = tpu.memref_squeeze %parallel_loop3A_914 : memref<1x64x128xf32, #tpu.memory_space<vmem>> -> memref<64x128xf32, #tpu.memory_space<vmem>>
        %parallel_loop3A_916 = tpu.vector_load_idx %parallel_loop3A_915[%parallel_loop3A_674, %parallel_loop3A_911] : memref<64x128xf32, #tpu.memory_space<vmem>>[vector<16xi32>, vector<16xi32>], vector<16xf32>,
        %parallel_loop3A_917 = arith.constant 0 : i32
        %parallel_loop3A_918 = arith.constant 0 : i32
        %parallel_loop3A_919 = tpu.memref_slice %arg13[%parallel_loop3A_450, %parallel_loop3A_917, %parallel_loop3A_918] : memref<4x64x128xf32, #tpu.memory_space<vmem>> -> memref<1x64x128xf32, #tpu.memory_space<vmem>>
        %parallel_loop3A_920 = tpu.memref_squeeze %parallel_loop3A_919 : memref<1x64x128xf32, #tpu.memory_space<vmem>> -> memref<64x128xf32, #tpu.memory_space<vmem>>
        %parallel_loop3A_921 = tpu.vector_load_idx %parallel_loop3A_920[%parallel_loop3A_674, %parallel_loop3A_911] : memref<64x128xf32, #tpu.memory_space<vmem>>[vector<16xi32>, vector<16xi32>], vector<16xf32>,
        %parallel_loop3A_922 = arith.mulf %parallel_loop3A_916, %parallel_loop3A_921 : vector<16xf32>
        %parallel_loop3A_923 = arith.addf %parallel_loop3A_779, %parallel_loop3A_922 : vector<16xf32>
        %parallel_loop3A_924 = arith.constant 1 : i32
        %parallel_loop3A_925 = vector.broadcast %parallel_loop3A_924 : i32 to vector<16xi32>
        %parallel_loop3A_926 = arith.addi %parallel_loop3A_911, %parallel_loop3A_925 : vector<16xi32>
        %parallel_loop3A_927 = arith.constant 127 : i32
        %parallel_loop3A_928 = vector.broadcast %parallel_loop3A_927 : i32 to vector<16xi32>
        %parallel_loop3A_929 = arith.andi %parallel_loop3A_926, %parallel_loop3A_928 : vector<16xi32>
        %parallel_loop3A_930 = arith.constant 0 : i32
        %parallel_loop3A_931 = arith.constant 0 : i32
        %parallel_loop3A_932 = tpu.memref_slice %arg12[%parallel_loop3A_449, %parallel_loop3A_930, %parallel_loop3A_931] : memref<4x64x128xf32, #tpu.memory_space<vmem>> -> memref<1x64x128xf32, #tpu.memory_space<vmem>>
        %parallel_loop3A_933 = tpu.memref_squeeze %parallel_loop3A_932 : memref<1x64x128xf32, #tpu.memory_space<vmem>> -> memref<64x128xf32, #tpu.memory_space<vmem>>
        %parallel_loop3A_934 = tpu.vector_load_idx %parallel_loop3A_933[%parallel_loop3A_674, %parallel_loop3A_929] : memref<64x128xf32, #tpu.memory_space<vmem>>[vector<16xi32>, vector<16xi32>], vector<16xf32>,
        %parallel_loop3A_935 = arith.constant 0 : i32
        %parallel_loop3A_936 = arith.constant 0 : i32
        %parallel_loop3A_937 = tpu.memref_slice %arg13[%parallel_loop3A_450, %parallel_loop3A_935, %parallel_loop3A_936] : memref<4x64x128xf32, #tpu.memory_space<vmem>> -> memref<1x64x128xf32, #tpu.memory_space<vmem>>
        %parallel_loop3A_938 = tpu.memref_squeeze %parallel_loop3A_937 : memref<1x64x128xf32, #tpu.memory_space<vmem>> -> memref<64x128xf32, #tpu.memory_space<vmem>>
        %parallel_loop3A_939 = tpu.vector_load_idx %parallel_loop3A_938[%parallel_loop3A_674, %parallel_loop3A_929] : memref<64x128xf32, #tpu.memory_space<vmem>>[vector<16xi32>, vector<16xi32>], vector<16xf32>,
        %parallel_loop3A_940 = arith.mulf %parallel_loop3A_934, %parallel_loop3A_939 : vector<16xf32>
        %parallel_loop3A_941 = arith.addf %parallel_loop3A_797, %parallel_loop3A_940 : vector<16xf32>
        %parallel_loop3A_942 = arith.constant 1 : i32
        %parallel_loop3A_943 = vector.broadcast %parallel_loop3A_942 : i32 to vector<16xi32>
        %parallel_loop3A_944 = arith.addi %parallel_loop3A_929, %parallel_loop3A_943 : vector<16xi32>
        %parallel_loop3A_945 = arith.constant 127 : i32
        %parallel_loop3A_946 = vector.broadcast %parallel_loop3A_945 : i32 to vector<16xi32>
        %parallel_loop3A_947 = arith.andi %parallel_loop3A_944, %parallel_loop3A_946 : vector<16xi32>
        %parallel_loop3A_948 = arith.constant 0 : i32
        %parallel_loop3A_949 = arith.constant 0 : i32
        %parallel_loop3A_950 = tpu.memref_slice %arg12[%parallel_loop3A_449, %parallel_loop3A_948, %parallel_loop3A_949] : memref<4x64x128xf32, #tpu.memory_space<vmem>> -> memref<1x64x128xf32, #tpu.memory_space<vmem>>
        %parallel_loop3A_951 = tpu.memref_squeeze %parallel_loop3A_950 : memref<1x64x128xf32, #tpu.memory_space<vmem>> -> memref<64x128xf32, #tpu.memory_space<vmem>>
        %parallel_loop3A_952 = tpu.vector_load_idx %parallel_loop3A_951[%parallel_loop3A_674, %parallel_loop3A_947] : memref<64x128xf32, #tpu.memory_space<vmem>>[vector<16xi32>, vector<16xi32>], vector<16xf32>,
        %parallel_loop3A_953 = arith.constant 0 : i32
        %parallel_loop3A_954 = arith.constant 0 : i32
        %parallel_loop3A_955 = tpu.memref_slice %arg13[%parallel_loop3A_450, %parallel_loop3A_953, %parallel_loop3A_954] : memref<4x64x128xf32, #tpu.memory_space<vmem>> -> memref<1x64x128xf32, #tpu.memory_space<vmem>>
        %parallel_loop3A_956 = tpu.memref_squeeze %parallel_loop3A_955 : memref<1x64x128xf32, #tpu.memory_space<vmem>> -> memref<64x128xf32, #tpu.memory_space<vmem>>
        %parallel_loop3A_957 = tpu.vector_load_idx %parallel_loop3A_956[%parallel_loop3A_674, %parallel_loop3A_947] : memref<64x128xf32, #tpu.memory_space<vmem>>[vector<16xi32>, vector<16xi32>], vector<16xf32>,
        %parallel_loop3A_958 = arith.mulf %parallel_loop3A_952, %parallel_loop3A_957 : vector<16xf32>
        %parallel_loop3A_959 = arith.addf %parallel_loop3A_815, %parallel_loop3A_958 : vector<16xf32>
        %parallel_loop3A_960 = arith.constant 1 : i32
        %parallel_loop3A_961 = vector.broadcast %parallel_loop3A_960 : i32 to vector<16xi32>
        %parallel_loop3A_962 = arith.addi %parallel_loop3A_947, %parallel_loop3A_961 : vector<16xi32>
        %parallel_loop3A_963 = arith.constant 127 : i32
        %parallel_loop3A_964 = vector.broadcast %parallel_loop3A_963 : i32 to vector<16xi32>
        %parallel_loop3A_965 = arith.andi %parallel_loop3A_962, %parallel_loop3A_964 : vector<16xi32>
        %parallel_loop3A_966 = arith.constant 0 : i32
        %parallel_loop3A_967 = arith.constant 0 : i32
        %parallel_loop3A_968 = tpu.memref_slice %arg12[%parallel_loop3A_449, %parallel_loop3A_966, %parallel_loop3A_967] : memref<4x64x128xf32, #tpu.memory_space<vmem>> -> memref<1x64x128xf32, #tpu.memory_space<vmem>>
        %parallel_loop3A_969 = tpu.memref_squeeze %parallel_loop3A_968 : memref<1x64x128xf32, #tpu.memory_space<vmem>> -> memref<64x128xf32, #tpu.memory_space<vmem>>
        %parallel_loop3A_970 = tpu.vector_load_idx %parallel_loop3A_969[%parallel_loop3A_674, %parallel_loop3A_965] : memref<64x128xf32, #tpu.memory_space<vmem>>[vector<16xi32>, vector<16xi32>], vector<16xf32>,
        %parallel_loop3A_971 = arith.constant 0 : i32
        %parallel_loop3A_972 = arith.constant 0 : i32
        %parallel_loop3A_973 = tpu.memref_slice %arg13[%parallel_loop3A_450, %parallel_loop3A_971, %parallel_loop3A_972] : memref<4x64x128xf32, #tpu.memory_space<vmem>> -> memref<1x64x128xf32, #tpu.memory_space<vmem>>
        %parallel_loop3A_974 = tpu.memref_squeeze %parallel_loop3A_973 : memref<1x64x128xf32, #tpu.memory_space<vmem>> -> memref<64x128xf32, #tpu.memory_space<vmem>>
        %parallel_loop3A_975 = tpu.vector_load_idx %parallel_loop3A_974[%parallel_loop3A_674, %parallel_loop3A_965] : memref<64x128xf32, #tpu.memory_space<vmem>>[vector<16xi32>, vector<16xi32>], vector<16xf32>,
        %parallel_loop3A_976 = arith.mulf %parallel_loop3A_970, %parallel_loop3A_975 : vector<16xf32>
        %parallel_loop3A_977 = arith.addf %parallel_loop3A_833, %parallel_loop3A_976 : vector<16xf32>
        %parallel_loop3A_978 = arith.constant 1 : i32
        %parallel_loop3A_979 = vector.broadcast %parallel_loop3A_978 : i32 to vector<16xi32>
        %parallel_loop3A_980 = arith.addi %parallel_loop3A_965, %parallel_loop3A_979 : vector<16xi32>
        %parallel_loop3A_981 = arith.constant 127 : i32
        %parallel_loop3A_982 = vector.broadcast %parallel_loop3A_981 : i32 to vector<16xi32>
        %parallel_loop3A_983 = arith.andi %parallel_loop3A_980, %parallel_loop3A_982 : vector<16xi32>
        %parallel_loop3A_984 = arith.constant 0 : i32
        %parallel_loop3A_985 = arith.constant 0 : i32
        %parallel_loop3A_986 = tpu.memref_slice %arg12[%parallel_loop3A_449, %parallel_loop3A_984, %parallel_loop3A_985] : memref<4x64x128xf32, #tpu.memory_space<vmem>> -> memref<1x64x128xf32, #tpu.memory_space<vmem>>
        %parallel_loop3A_987 = tpu.memref_squeeze %parallel_loop3A_986 : memref<1x64x128xf32, #tpu.memory_space<vmem>> -> memref<64x128xf32, #tpu.memory_space<vmem>>
        %parallel_loop3A_988 = tpu.vector_load_idx %parallel_loop3A_987[%parallel_loop3A_674, %parallel_loop3A_983] : memref<64x128xf32, #tpu.memory_space<vmem>>[vector<16xi32>, vector<16xi32>], vector<16xf32>,
        %parallel_loop3A_989 = arith.constant 0 : i32
        %parallel_loop3A_990 = arith.constant 0 : i32
        %parallel_loop3A_991 = tpu.memref_slice %arg13[%parallel_loop3A_450, %parallel_loop3A_989, %parallel_loop3A_990] : memref<4x64x128xf32, #tpu.memory_space<vmem>> -> memref<1x64x128xf32, #tpu.memory_space<vmem>>
        %parallel_loop3A_992 = tpu.memref_squeeze %parallel_loop3A_991 : memref<1x64x128xf32, #tpu.memory_space<vmem>> -> memref<64x128xf32, #tpu.memory_space<vmem>>
        %parallel_loop3A_993 = tpu.vector_load_idx %parallel_loop3A_992[%parallel_loop3A_674, %parallel_loop3A_983] : memref<64x128xf32, #tpu.memory_space<vmem>>[vector<16xi32>, vector<16xi32>], vector<16xf32>,
        %parallel_loop3A_994 = arith.mulf %parallel_loop3A_988, %parallel_loop3A_993 : vector<16xf32>
        %parallel_loop3A_995 = arith.addf %parallel_loop3A_851, %parallel_loop3A_994 : vector<16xf32>
        %parallel_loop3A_996 = arith.constant 1 : i32
        %parallel_loop3A_997 = vector.broadcast %parallel_loop3A_996 : i32 to vector<16xi32>
        %parallel_loop3A_998 = arith.addi %parallel_loop3A_983, %parallel_loop3A_997 : vector<16xi32>
        %parallel_loop3A_999 = arith.constant 127 : i32
        %parallel_loop3A_1000 = vector.broadcast %parallel_loop3A_999 : i32 to vector<16xi32>
        %parallel_loop3A_1001 = arith.andi %parallel_loop3A_998, %parallel_loop3A_1000 : vector<16xi32>
        %parallel_loop3A_1002 = arith.constant 0 : i32
        %parallel_loop3A_1003 = arith.constant 0 : i32
        %parallel_loop3A_1004 = tpu.memref_slice %arg12[%parallel_loop3A_449, %parallel_loop3A_1002, %parallel_loop3A_1003] : memref<4x64x128xf32, #tpu.memory_space<vmem>> -> memref<1x64x128xf32, #tpu.memory_space<vmem>>
        %parallel_loop3A_1005 = tpu.memref_squeeze %parallel_loop3A_1004 : memref<1x64x128xf32, #tpu.memory_space<vmem>> -> memref<64x128xf32, #tpu.memory_space<vmem>>
        %parallel_loop3A_1006 = tpu.vector_load_idx %parallel_loop3A_1005[%parallel_loop3A_674, %parallel_loop3A_1001] : memref<64x128xf32, #tpu.memory_space<vmem>>[vector<16xi32>, vector<16xi32>], vector<16xf32>,
        %parallel_loop3A_1007 = arith.constant 0 : i32
        %parallel_loop3A_1008 = arith.constant 0 : i32
        %parallel_loop3A_1009 = tpu.memref_slice %arg13[%parallel_loop3A_450, %parallel_loop3A_1007, %parallel_loop3A_1008] : memref<4x64x128xf32, #tpu.memory_space<vmem>> -> memref<1x64x128xf32, #tpu.memory_space<vmem>>
        %parallel_loop3A_1010 = tpu.memref_squeeze %parallel_loop3A_1009 : memref<1x64x128xf32, #tpu.memory_space<vmem>> -> memref<64x128xf32, #tpu.memory_space<vmem>>
        %parallel_loop3A_1011 = tpu.vector_load_idx %parallel_loop3A_1010[%parallel_loop3A_674, %parallel_loop3A_1001] : memref<64x128xf32, #tpu.memory_space<vmem>>[vector<16xi32>, vector<16xi32>], vector<16xf32>,
        %parallel_loop3A_1012 = arith.mulf %parallel_loop3A_1006, %parallel_loop3A_1011 : vector<16xf32>
        %parallel_loop3A_1013 = arith.addf %parallel_loop3A_869, %parallel_loop3A_1012 : vector<16xf32>
        %parallel_loop3A_1014 = arith.constant 1 : i32
        %parallel_loop3A_1015 = vector.broadcast %parallel_loop3A_1014 : i32 to vector<16xi32>
        %parallel_loop3A_1016 = arith.addi %parallel_loop3A_1001, %parallel_loop3A_1015 : vector<16xi32>
        %parallel_loop3A_1017 = arith.constant 127 : i32
        %parallel_loop3A_1018 = vector.broadcast %parallel_loop3A_1017 : i32 to vector<16xi32>
        %parallel_loop3A_1019 = arith.andi %parallel_loop3A_1016, %parallel_loop3A_1018 : vector<16xi32>
        scf.yield %parallel_loop3A_1019, %parallel_loop3A_887, %parallel_loop3A_905, %parallel_loop3A_923, %parallel_loop3A_941, %parallel_loop3A_959, %parallel_loop3A_977, %parallel_loop3A_995, %parallel_loop3A_1013 : vector<16xi32>, vector<16xf32>, vector<16xf32>, vector<16xf32>, vector<16xf32>, vector<16xf32>, vector<16xf32>, vector<16xf32>, vector<16xf32>
      }
      %parallel_loop3A_696 = arith.constant 8 : i32
      %parallel_loop3A_697 = arith.addf %parallel_loop3A_695#1, %parallel_loop3A_695#2 : vector<16xf32>
      %parallel_loop3A_698 = arith.addf %parallel_loop3A_695#3, %parallel_loop3A_695#4 : vector<16xf32>
      %parallel_loop3A_699 = arith.addf %parallel_loop3A_697, %parallel_loop3A_698 : vector<16xf32>
      %parallel_loop3A_700 = arith.addf %parallel_loop3A_695#5, %parallel_loop3A_695#6 : vector<16xf32>
      %parallel_loop3A_701 = arith.addf %parallel_loop3A_695#7, %parallel_loop3A_695#8 : vector<16xf32>
      %parallel_loop3A_702 = arith.addf %parallel_loop3A_700, %parallel_loop3A_701 : vector<16xf32>
      %parallel_loop3A_703 = arith.constant 0 : i32
      %parallel_loop3A_704 = tpu.memref_slice %arg14[%parallel_loop3A_451, %parallel_loop3A_703] : memref<4x64xf32, #tpu.memory_space<vmem>> -> memref<1x64xf32, #tpu.memory_space<vmem>>
      %parallel_loop3A_705 = tpu.memref_squeeze %parallel_loop3A_704 : memref<1x64xf32, #tpu.memory_space<vmem>> -> memref<64xf32, #tpu.memory_space<vmem>>
      %parallel_loop3A_706 = arith.index_cast %parallel_loop3A_671 : i32 to index
      %parallel_loop3A_707 = tpu.vector_load %parallel_loop3A_705[%parallel_loop3A_706] {strides = array<i32>} : memref<64xf32, #tpu.memory_space<vmem>>, vector<16xf32>,
      %parallel_loop3A_708 = arith.constant 0 : i32
      %parallel_loop3A_709 = tpu.memref_slice %arg15[%parallel_loop3A_452, %parallel_loop3A_708] : memref<4x64xf32, #tpu.memory_space<vmem>> -> memref<1x64xf32, #tpu.memory_space<vmem>>
      %parallel_loop3A_710 = tpu.memref_squeeze %parallel_loop3A_709 : memref<1x64xf32, #tpu.memory_space<vmem>> -> memref<64xf32, #tpu.memory_space<vmem>>
      %parallel_loop3A_711 = arith.index_cast %parallel_loop3A_671 : i32 to index
      %parallel_loop3A_712 = tpu.vector_load %parallel_loop3A_710[%parallel_loop3A_711] {strides = array<i32>} : memref<64xf32, #tpu.memory_space<vmem>>, vector<16xf32>,
      %parallel_loop3A_713 = arith.addf %parallel_loop3A_707, %parallel_loop3A_712 : vector<16xf32>
      %parallel_loop3A_714 = vector.broadcast %squeeze3A : f32 to vector<16xf32>
      %parallel_loop3A_715 = arith.addf %parallel_loop3A_713, %parallel_loop3A_714 : vector<16xf32>
      %parallel_loop3A_716 = arith.addf %parallel_loop3A_699, %parallel_loop3A_702 : vector<16xf32>
      %parallel_loop3A_717 = arith.addf %parallel_loop3A_715, %parallel_loop3A_716 : vector<16xf32>
      %parallel_loop3A_718 = arith.constant 192 : i32
      %parallel_loop3A_719 = arith.addi %parallel_loop3A_718, %parallel_loop3A_671 : i32
      %parallel_loop3A_720 = arith.index_cast %parallel_loop3A_719 : i32 to index
      %parallel_loop3A_721 = tpu.vector_load %arg16[%parallel_loop3A_720] {strides = array<i32>} : memref<512xf32, #tpu.memory_space<vmem>>, vector<16xf32>,
      tpu.vector_store %arg16[%parallel_loop3A_720], %parallel_loop3A_717 {strides = array<i32>} : memref<512xf32, #tpu.memory_space<vmem>>, vector<16xf32>,
      scf.yield %parallel_loop3A_672 : i32
    } {sc.loop_unroll_factor = 1 : i64, sc.parallel_access}
    %dma_start3A_455 = arith.constant 3 : i32
    %dma_start3A_456 = arith.constant 0 : i32
    %dma_start3A_457 = arith.constant 0 : i32
    %dma_start3A_458 = tpu.memref_slice %arg12[%dma_start3A_455, %dma_start3A_456, %dma_start3A_457] : memref<4x64x128xf32, #tpu.memory_space<vmem>> -> memref<1x64x128xf32, #tpu.memory_space<vmem>>
    %dma_start3A_459 = tpu.memref_squeeze %dma_start3A_458 : memref<1x64x128xf32, #tpu.memory_space<vmem>> -> memref<64x128xf32, #tpu.memory_space<vmem>>
    %dma_start3A_460 = arith.constant 448 : i32
    %dma_start3A_461 = tpu.memref_slice %arg9[%dma_start3A_460] : memref<512xi32, #tpu.memory_space<vmem>> -> memref<64xi32, #tpu.memory_space<vmem>>
    %dma_start3A_462 = arith.constant 0 : i32
    %dma_start3A_463 = arith.constant 0 : i32
    %dma_start3A_464 = tpu.memref_slice %arg4[%dma_start3A_462, %dma_start3A_463] : memref<100000x128xf32, #tpu.memory_space<hbm>> -> memref<100000x128xf32, #tpu.memory_space<hbm>>
    tpu.enqueue_indirect_dma source(%dma_start3A_464 : memref<100000x128xf32, #tpu.memory_space<hbm>>) target(%dma_start3A_459 : memref<64x128xf32, #tpu.memory_space<vmem>>) offsets(%dma_start3A_461 : memref<64xi32, #tpu.memory_space<vmem>>) semaphore(%arg21 : memref<!tpu.dma_semaphore, #tpu.memory_space<semaphore_mem>>)
    %dma_start3A_465 = arith.constant 3 : i32
    %dma_start3A_466 = arith.constant 0 : i32
    %dma_start3A_467 = arith.constant 0 : i32
    %dma_start3A_468 = tpu.memref_slice %arg13[%dma_start3A_465, %dma_start3A_466, %dma_start3A_467] : memref<4x64x128xf32, #tpu.memory_space<vmem>> -> memref<1x64x128xf32, #tpu.memory_space<vmem>>
    %dma_start3A_469 = tpu.memref_squeeze %dma_start3A_468 : memref<1x64x128xf32, #tpu.memory_space<vmem>> -> memref<64x128xf32, #tpu.memory_space<vmem>>
    %dma_start3A_470 = arith.constant 448 : i32
    %dma_start3A_471 = tpu.memref_slice %arg10[%dma_start3A_470] : memref<512xi32, #tpu.memory_space<vmem>> -> memref<64xi32, #tpu.memory_space<vmem>>
    %dma_start3A_472 = arith.constant 0 : i32
    %dma_start3A_473 = arith.constant 0 : i32
    %dma_start3A_474 = tpu.memref_slice %arg6[%dma_start3A_472, %dma_start3A_473] : memref<100000x128xf32, #tpu.memory_space<hbm>> -> memref<100000x128xf32, #tpu.memory_space<hbm>>
    tpu.enqueue_indirect_dma source(%dma_start3A_474 : memref<100000x128xf32, #tpu.memory_space<hbm>>) target(%dma_start3A_469 : memref<64x128xf32, #tpu.memory_space<vmem>>) offsets(%dma_start3A_471 : memref<64xi32, #tpu.memory_space<vmem>>) semaphore(%arg21 : memref<!tpu.dma_semaphore, #tpu.memory_space<semaphore_mem>>)
    %dma_start3A_475 = arith.constant 3 : i32
    %dma_start3A_476 = arith.constant 0 : i32
    %dma_start3A_477 = tpu.memref_slice %arg14[%dma_start3A_475, %dma_start3A_476] : memref<4x64xf32, #tpu.memory_space<vmem>> -> memref<1x64xf32, #tpu.memory_space<vmem>>
    %dma_start3A_478 = tpu.memref_squeeze %dma_start3A_477 : memref<1x64xf32, #tpu.memory_space<vmem>> -> memref<64xf32, #tpu.memory_space<vmem>>
    %dma_start3A_479 = arith.constant 448 : i32
    %dma_start3A_480 = tpu.memref_slice %arg9[%dma_start3A_479] : memref<512xi32, #tpu.memory_space<vmem>> -> memref<64xi32, #tpu.memory_space<vmem>>
    %dma_start3A_481 = arith.constant 0 : i32
    %dma_start3A_482 = tpu.memref_slice %arg5[%dma_start3A_481] : memref<200000xf32, #tpu.memory_space<hbm>> -> memref<200000xf32, #tpu.memory_space<hbm>>
    tpu.enqueue_indirect_dma source(%dma_start3A_482 : memref<200000xf32, #tpu.memory_space<hbm>>) target(%dma_start3A_478 : memref<64xf32, #tpu.memory_space<vmem>>) offsets(%dma_start3A_480 : memref<64xi32, #tpu.memory_space<vmem>>) semaphore(%arg21 : memref<!tpu.dma_semaphore, #tpu.memory_space<semaphore_mem>>)
    %dma_start3A_483 = arith.constant 3 : i32
    %dma_start3A_484 = arith.constant 0 : i32
    %dma_start3A_485 = tpu.memref_slice %arg15[%dma_start3A_483, %dma_start3A_484] : memref<4x64xf32, #tpu.memory_space<vmem>> -> memref<1x64xf32, #tpu.memory_space<vmem>>
    %dma_start3A_486 = tpu.memref_squeeze %dma_start3A_485 : memref<1x64xf32, #tpu.memory_space<vmem>> -> memref<64xf32, #tpu.memory_space<vmem>>
    %dma_start3A_487 = arith.constant 448 : i32
    %dma_start3A_488 = tpu.memref_slice %arg11[%dma_start3A_487] : memref<512xi32, #tpu.memory_space<vmem>> -> memref<64xi32, #tpu.memory_space<vmem>>
    %dma_start3A_489 = arith.constant 0 : i32
    %dma_start3A_490 = tpu.memref_slice %arg5[%dma_start3A_489] : memref<200000xf32, #tpu.memory_space<hbm>> -> memref<200000xf32, #tpu.memory_space<hbm>>
    tpu.enqueue_indirect_dma source(%dma_start3A_490 : memref<200000xf32, #tpu.memory_space<hbm>>) target(%dma_start3A_486 : memref<64xf32, #tpu.memory_space<vmem>>) offsets(%dma_start3A_488 : memref<64xi32, #tpu.memory_space<vmem>>) semaphore(%arg21 : memref<!tpu.dma_semaphore, #tpu.memory_space<semaphore_mem>>)
    %dma_wait3A_491 = arith.constant 0 : i32
    %dma_wait3A_492 = arith.constant 0 : i32
    %dma_wait3A_493 = arith.constant 0 : i32
    %dma_wait3A_494 = tpu.memref_slice %arg12[%dma_wait3A_491, %dma_wait3A_492, %dma_wait3A_493] : memref<4x64x128xf32, #tpu.memory_space<vmem>> -> memref<1x64x128xf32, #tpu.memory_space<vmem>>
    %dma_wait3A_495 = tpu.memref_squeeze %dma_wait3A_494 : memref<1x64x128xf32, #tpu.memory_space<vmem>> -> memref<64x128xf32, #tpu.memory_space<vmem>>
    %dma_wait3A_496 = arith.constant 256 : i32
    %dma_wait3A_497 = tpu.memref_slice %arg9[%dma_wait3A_496] : memref<512xi32, #tpu.memory_space<vmem>> -> memref<64xi32, #tpu.memory_space<vmem>>
    %dma_wait3A_498 = arith.constant 0 : i32
    %dma_wait3A_499 = arith.constant 0 : i32
    %dma_wait3A_500 = tpu.memref_slice %arg4[%dma_wait3A_498, %dma_wait3A_499] : memref<100000x128xf32, #tpu.memory_space<hbm>> -> memref<100000x128xf32, #tpu.memory_space<hbm>>
    tpu.wait_indirect_dma semaphore(%arg18 : memref<!tpu.dma_semaphore, #tpu.memory_space<semaphore_mem>>) src(%dma_wait3A_500 : memref<100000x128xf32, #tpu.memory_space<hbm>>) dst(%dma_wait3A_495 : memref<64x128xf32, #tpu.memory_space<vmem>>)
    %dma_wait3A_501 = arith.constant 0 : i32
    %dma_wait3A_502 = arith.constant 0 : i32
    %dma_wait3A_503 = arith.constant 0 : i32
    %dma_wait3A_504 = tpu.memref_slice %arg13[%dma_wait3A_501, %dma_wait3A_502, %dma_wait3A_503] : memref<4x64x128xf32, #tpu.memory_space<vmem>> -> memref<1x64x128xf32, #tpu.memory_space<vmem>>
    %dma_wait3A_505 = tpu.memref_squeeze %dma_wait3A_504 : memref<1x64x128xf32, #tpu.memory_space<vmem>> -> memref<64x128xf32, #tpu.memory_space<vmem>>
    %dma_wait3A_506 = arith.constant 256 : i32
    %dma_wait3A_507 = tpu.memref_slice %arg10[%dma_wait3A_506] : memref<512xi32, #tpu.memory_space<vmem>> -> memref<64xi32, #tpu.memory_space<vmem>>
    %dma_wait3A_508 = arith.constant 0 : i32
    %dma_wait3A_509 = arith.constant 0 : i32
    %dma_wait3A_510 = tpu.memref_slice %arg6[%dma_wait3A_508, %dma_wait3A_509] : memref<100000x128xf32, #tpu.memory_space<hbm>> -> memref<100000x128xf32, #tpu.memory_space<hbm>>
    tpu.wait_indirect_dma semaphore(%arg18 : memref<!tpu.dma_semaphore, #tpu.memory_space<semaphore_mem>>) src(%dma_wait3A_510 : memref<100000x128xf32, #tpu.memory_space<hbm>>) dst(%dma_wait3A_505 : memref<64x128xf32, #tpu.memory_space<vmem>>)
    %dma_wait3A_511 = arith.constant 0 : i32
    %dma_wait3A_512 = arith.constant 0 : i32
    %dma_wait3A_513 = tpu.memref_slice %arg14[%dma_wait3A_511, %dma_wait3A_512] : memref<4x64xf32, #tpu.memory_space<vmem>> -> memref<1x64xf32, #tpu.memory_space<vmem>>
    %dma_wait3A_514 = tpu.memref_squeeze %dma_wait3A_513 : memref<1x64xf32, #tpu.memory_space<vmem>> -> memref<64xf32, #tpu.memory_space<vmem>>
    %dma_wait3A_515 = arith.constant 256 : i32
    %dma_wait3A_516 = tpu.memref_slice %arg9[%dma_wait3A_515] : memref<512xi32, #tpu.memory_space<vmem>> -> memref<64xi32, #tpu.memory_space<vmem>>
    %dma_wait3A_517 = arith.constant 0 : i32
    %dma_wait3A_518 = tpu.memref_slice %arg5[%dma_wait3A_517] : memref<200000xf32, #tpu.memory_space<hbm>> -> memref<200000xf32, #tpu.memory_space<hbm>>
    tpu.wait_indirect_dma semaphore(%arg18 : memref<!tpu.dma_semaphore, #tpu.memory_space<semaphore_mem>>) src(%dma_wait3A_518 : memref<200000xf32, #tpu.memory_space<hbm>>) dst(%dma_wait3A_514 : memref<64xf32, #tpu.memory_space<vmem>>)
    %dma_wait3A_519 = arith.constant 0 : i32
    %dma_wait3A_520 = arith.constant 0 : i32
    %dma_wait3A_521 = tpu.memref_slice %arg15[%dma_wait3A_519, %dma_wait3A_520] : memref<4x64xf32, #tpu.memory_space<vmem>> -> memref<1x64xf32, #tpu.memory_space<vmem>>
    %dma_wait3A_522 = tpu.memref_squeeze %dma_wait3A_521 : memref<1x64xf32, #tpu.memory_space<vmem>> -> memref<64xf32, #tpu.memory_space<vmem>>
    %dma_wait3A_523 = arith.constant 256 : i32
    %dma_wait3A_524 = tpu.memref_slice %arg11[%dma_wait3A_523] : memref<512xi32, #tpu.memory_space<vmem>> -> memref<64xi32, #tpu.memory_space<vmem>>
    %dma_wait3A_525 = arith.constant 0 : i32
    %dma_wait3A_526 = tpu.memref_slice %arg5[%dma_wait3A_525] : memref<200000xf32, #tpu.memory_space<hbm>> -> memref<200000xf32, #tpu.memory_space<hbm>>
    tpu.wait_indirect_dma semaphore(%arg18 : memref<!tpu.dma_semaphore, #tpu.memory_space<semaphore_mem>>) src(%dma_wait3A_526 : memref<200000xf32, #tpu.memory_space<hbm>>) dst(%dma_wait3A_522 : memref<64xf32, #tpu.memory_space<vmem>>)
    %parallel_loop3A_527 = arith.constant 0 : i32
    %parallel_loop3A_528 = arith.constant 64 : i32
    %parallel_loop3A_529 = arith.constant 16 : i32
    %parallel_loop3A_530 = arith.constant 0 : i32
    %parallel_loop3A_531 = arith.constant 0 : i32
    %parallel_loop3A_532 = arith.constant 0 : i32
    %parallel_loop3A_533 = arith.constant 0 : i32
    %parallel_loop3A_534 = arith.constant 0 : i32
    %parallel_loop3A_535 = scf.for %parallel_loop3A_671 = %parallel_loop3A_527 to %parallel_loop3A_528 step %parallel_loop3A_529 iter_args(%parallel_loop3A_672 = %parallel_loop3A_534) -> (i32)  : i32 {
      %parallel_loop3A_673 = vector.broadcast %parallel_loop3A_671 : i32 to vector<16xi32>
      %parallel_loop3A_674 = arith.addi %iota3A, %parallel_loop3A_673 : vector<16xi32>
      %parallel_loop3A_675 = arith.constant 0.000000e+00 : f32
      %parallel_loop3A_676 = vector.broadcast %parallel_loop3A_675 : f32 to vector<16xf32>
      %parallel_loop3A_677 = arith.constant 0.000000e+00 : f32
      %parallel_loop3A_678 = vector.broadcast %parallel_loop3A_677 : f32 to vector<16xf32>
      %parallel_loop3A_679 = arith.constant 0.000000e+00 : f32
      %parallel_loop3A_680 = vector.broadcast %parallel_loop3A_679 : f32 to vector<16xf32>
      %parallel_loop3A_681 = arith.constant 0.000000e+00 : f32
      %parallel_loop3A_682 = vector.broadcast %parallel_loop3A_681 : f32 to vector<16xf32>
      %parallel_loop3A_683 = arith.constant 0.000000e+00 : f32
      %parallel_loop3A_684 = vector.broadcast %parallel_loop3A_683 : f32 to vector<16xf32>
      %parallel_loop3A_685 = arith.constant 0.000000e+00 : f32
      %parallel_loop3A_686 = vector.broadcast %parallel_loop3A_685 : f32 to vector<16xf32>
      %parallel_loop3A_687 = arith.constant 0.000000e+00 : f32
      %parallel_loop3A_688 = vector.broadcast %parallel_loop3A_687 : f32 to vector<16xf32>
      %parallel_loop3A_689 = arith.constant 0.000000e+00 : f32
      %parallel_loop3A_690 = vector.broadcast %parallel_loop3A_689 : f32 to vector<16xf32>
      %parallel_loop3A_691 = arith.constant 0 : i32
      %parallel_loop3A_692 = arith.constant 8 : i32
      %parallel_loop3A_693 = arith.addi %parallel_loop3A_691, %parallel_loop3A_692 : i32
      %parallel_loop3A_694 = arith.constant 1 : i32
      %parallel_loop3A_695:9 = scf.for %scan3A_722 = %parallel_loop3A_691 to %parallel_loop3A_693 step %parallel_loop3A_694 iter_args(%scan3A_723 = %iota3A, %scan3A_724 = %parallel_loop3A_676, %scan3A_725 = %parallel_loop3A_678, %scan3A_726 = %parallel_loop3A_680, %scan3A_727 = %parallel_loop3A_682, %scan3A_728 = %parallel_loop3A_684, %scan3A_729 = %parallel_loop3A_686, %scan3A_730 = %parallel_loop3A_688, %scan3A_731 = %parallel_loop3A_690) -> (vector<16xi32>, vector<16xf32>, vector<16xf32>, vector<16xf32>, vector<16xf32>, vector<16xf32>, vector<16xf32>, vector<16xf32>, vector<16xf32>)  : i32 {
        %parallel_loop3A_732 = arith.constant 0 : i32
        %parallel_loop3A_733 = arith.constant 0 : i32
        %parallel_loop3A_734 = tpu.memref_slice %arg12[%parallel_loop3A_530, %parallel_loop3A_732, %parallel_loop3A_733] : memref<4x64x128xf32, #tpu.memory_space<vmem>> -> memref<1x64x128xf32, #tpu.memory_space<vmem>>
        %parallel_loop3A_735 = tpu.memref_squeeze %parallel_loop3A_734 : memref<1x64x128xf32, #tpu.memory_space<vmem>> -> memref<64x128xf32, #tpu.memory_space<vmem>>
        %parallel_loop3A_736 = tpu.vector_load_idx %parallel_loop3A_735[%parallel_loop3A_674, %scan3A_723] : memref<64x128xf32, #tpu.memory_space<vmem>>[vector<16xi32>, vector<16xi32>], vector<16xf32>,
        %parallel_loop3A_737 = arith.constant 0 : i32
        %parallel_loop3A_738 = arith.constant 0 : i32
        %parallel_loop3A_739 = tpu.memref_slice %arg13[%parallel_loop3A_531, %parallel_loop3A_737, %parallel_loop3A_738] : memref<4x64x128xf32, #tpu.memory_space<vmem>> -> memref<1x64x128xf32, #tpu.memory_space<vmem>>
        %parallel_loop3A_740 = tpu.memref_squeeze %parallel_loop3A_739 : memref<1x64x128xf32, #tpu.memory_space<vmem>> -> memref<64x128xf32, #tpu.memory_space<vmem>>
        %parallel_loop3A_741 = tpu.vector_load_idx %parallel_loop3A_740[%parallel_loop3A_674, %scan3A_723] : memref<64x128xf32, #tpu.memory_space<vmem>>[vector<16xi32>, vector<16xi32>], vector<16xf32>,
        %parallel_loop3A_742 = arith.mulf %parallel_loop3A_736, %parallel_loop3A_741 : vector<16xf32>
        %parallel_loop3A_743 = arith.addf %scan3A_724, %parallel_loop3A_742 : vector<16xf32>
        %parallel_loop3A_744 = arith.constant 1 : i32
        %parallel_loop3A_745 = vector.broadcast %parallel_loop3A_744 : i32 to vector<16xi32>
        %parallel_loop3A_746 = arith.addi %scan3A_723, %parallel_loop3A_745 : vector<16xi32>
        %parallel_loop3A_747 = arith.constant 127 : i32
        %parallel_loop3A_748 = vector.broadcast %parallel_loop3A_747 : i32 to vector<16xi32>
        %parallel_loop3A_749 = arith.andi %parallel_loop3A_746, %parallel_loop3A_748 : vector<16xi32>
        %parallel_loop3A_750 = arith.constant 0 : i32
        %parallel_loop3A_751 = arith.constant 0 : i32
        %parallel_loop3A_752 = tpu.memref_slice %arg12[%parallel_loop3A_530, %parallel_loop3A_750, %parallel_loop3A_751] : memref<4x64x128xf32, #tpu.memory_space<vmem>> -> memref<1x64x128xf32, #tpu.memory_space<vmem>>
        %parallel_loop3A_753 = tpu.memref_squeeze %parallel_loop3A_752 : memref<1x64x128xf32, #tpu.memory_space<vmem>> -> memref<64x128xf32, #tpu.memory_space<vmem>>
        %parallel_loop3A_754 = tpu.vector_load_idx %parallel_loop3A_753[%parallel_loop3A_674, %parallel_loop3A_749] : memref<64x128xf32, #tpu.memory_space<vmem>>[vector<16xi32>, vector<16xi32>], vector<16xf32>,
        %parallel_loop3A_755 = arith.constant 0 : i32
        %parallel_loop3A_756 = arith.constant 0 : i32
        %parallel_loop3A_757 = tpu.memref_slice %arg13[%parallel_loop3A_531, %parallel_loop3A_755, %parallel_loop3A_756] : memref<4x64x128xf32, #tpu.memory_space<vmem>> -> memref<1x64x128xf32, #tpu.memory_space<vmem>>
        %parallel_loop3A_758 = tpu.memref_squeeze %parallel_loop3A_757 : memref<1x64x128xf32, #tpu.memory_space<vmem>> -> memref<64x128xf32, #tpu.memory_space<vmem>>
        %parallel_loop3A_759 = tpu.vector_load_idx %parallel_loop3A_758[%parallel_loop3A_674, %parallel_loop3A_749] : memref<64x128xf32, #tpu.memory_space<vmem>>[vector<16xi32>, vector<16xi32>], vector<16xf32>,
        %parallel_loop3A_760 = arith.mulf %parallel_loop3A_754, %parallel_loop3A_759 : vector<16xf32>
        %parallel_loop3A_761 = arith.addf %scan3A_725, %parallel_loop3A_760 : vector<16xf32>
        %parallel_loop3A_762 = arith.constant 1 : i32
        %parallel_loop3A_763 = vector.broadcast %parallel_loop3A_762 : i32 to vector<16xi32>
        %parallel_loop3A_764 = arith.addi %parallel_loop3A_749, %parallel_loop3A_763 : vector<16xi32>
        %parallel_loop3A_765 = arith.constant 127 : i32
        %parallel_loop3A_766 = vector.broadcast %parallel_loop3A_765 : i32 to vector<16xi32>
        %parallel_loop3A_767 = arith.andi %parallel_loop3A_764, %parallel_loop3A_766 : vector<16xi32>
        %parallel_loop3A_768 = arith.constant 0 : i32
        %parallel_loop3A_769 = arith.constant 0 : i32
        %parallel_loop3A_770 = tpu.memref_slice %arg12[%parallel_loop3A_530, %parallel_loop3A_768, %parallel_loop3A_769] : memref<4x64x128xf32, #tpu.memory_space<vmem>> -> memref<1x64x128xf32, #tpu.memory_space<vmem>>
        %parallel_loop3A_771 = tpu.memref_squeeze %parallel_loop3A_770 : memref<1x64x128xf32, #tpu.memory_space<vmem>> -> memref<64x128xf32, #tpu.memory_space<vmem>>
        %parallel_loop3A_772 = tpu.vector_load_idx %parallel_loop3A_771[%parallel_loop3A_674, %parallel_loop3A_767] : memref<64x128xf32, #tpu.memory_space<vmem>>[vector<16xi32>, vector<16xi32>], vector<16xf32>,
        %parallel_loop3A_773 = arith.constant 0 : i32
        %parallel_loop3A_774 = arith.constant 0 : i32
        %parallel_loop3A_775 = tpu.memref_slice %arg13[%parallel_loop3A_531, %parallel_loop3A_773, %parallel_loop3A_774] : memref<4x64x128xf32, #tpu.memory_space<vmem>> -> memref<1x64x128xf32, #tpu.memory_space<vmem>>
        %parallel_loop3A_776 = tpu.memref_squeeze %parallel_loop3A_775 : memref<1x64x128xf32, #tpu.memory_space<vmem>> -> memref<64x128xf32, #tpu.memory_space<vmem>>
        %parallel_loop3A_777 = tpu.vector_load_idx %parallel_loop3A_776[%parallel_loop3A_674, %parallel_loop3A_767] : memref<64x128xf32, #tpu.memory_space<vmem>>[vector<16xi32>, vector<16xi32>], vector<16xf32>,
        %parallel_loop3A_778 = arith.mulf %parallel_loop3A_772, %parallel_loop3A_777 : vector<16xf32>
        %parallel_loop3A_779 = arith.addf %scan3A_726, %parallel_loop3A_778 : vector<16xf32>
        %parallel_loop3A_780 = arith.constant 1 : i32
        %parallel_loop3A_781 = vector.broadcast %parallel_loop3A_780 : i32 to vector<16xi32>
        %parallel_loop3A_782 = arith.addi %parallel_loop3A_767, %parallel_loop3A_781 : vector<16xi32>
        %parallel_loop3A_783 = arith.constant 127 : i32
        %parallel_loop3A_784 = vector.broadcast %parallel_loop3A_783 : i32 to vector<16xi32>
        %parallel_loop3A_785 = arith.andi %parallel_loop3A_782, %parallel_loop3A_784 : vector<16xi32>
        %parallel_loop3A_786 = arith.constant 0 : i32
        %parallel_loop3A_787 = arith.constant 0 : i32
        %parallel_loop3A_788 = tpu.memref_slice %arg12[%parallel_loop3A_530, %parallel_loop3A_786, %parallel_loop3A_787] : memref<4x64x128xf32, #tpu.memory_space<vmem>> -> memref<1x64x128xf32, #tpu.memory_space<vmem>>
        %parallel_loop3A_789 = tpu.memref_squeeze %parallel_loop3A_788 : memref<1x64x128xf32, #tpu.memory_space<vmem>> -> memref<64x128xf32, #tpu.memory_space<vmem>>
        %parallel_loop3A_790 = tpu.vector_load_idx %parallel_loop3A_789[%parallel_loop3A_674, %parallel_loop3A_785] : memref<64x128xf32, #tpu.memory_space<vmem>>[vector<16xi32>, vector<16xi32>], vector<16xf32>,
        %parallel_loop3A_791 = arith.constant 0 : i32
        %parallel_loop3A_792 = arith.constant 0 : i32
        %parallel_loop3A_793 = tpu.memref_slice %arg13[%parallel_loop3A_531, %parallel_loop3A_791, %parallel_loop3A_792] : memref<4x64x128xf32, #tpu.memory_space<vmem>> -> memref<1x64x128xf32, #tpu.memory_space<vmem>>
        %parallel_loop3A_794 = tpu.memref_squeeze %parallel_loop3A_793 : memref<1x64x128xf32, #tpu.memory_space<vmem>> -> memref<64x128xf32, #tpu.memory_space<vmem>>
        %parallel_loop3A_795 = tpu.vector_load_idx %parallel_loop3A_794[%parallel_loop3A_674, %parallel_loop3A_785] : memref<64x128xf32, #tpu.memory_space<vmem>>[vector<16xi32>, vector<16xi32>], vector<16xf32>,
        %parallel_loop3A_796 = arith.mulf %parallel_loop3A_790, %parallel_loop3A_795 : vector<16xf32>
        %parallel_loop3A_797 = arith.addf %scan3A_727, %parallel_loop3A_796 : vector<16xf32>
        %parallel_loop3A_798 = arith.constant 1 : i32
        %parallel_loop3A_799 = vector.broadcast %parallel_loop3A_798 : i32 to vector<16xi32>
        %parallel_loop3A_800 = arith.addi %parallel_loop3A_785, %parallel_loop3A_799 : vector<16xi32>
        %parallel_loop3A_801 = arith.constant 127 : i32
        %parallel_loop3A_802 = vector.broadcast %parallel_loop3A_801 : i32 to vector<16xi32>
        %parallel_loop3A_803 = arith.andi %parallel_loop3A_800, %parallel_loop3A_802 : vector<16xi32>
        %parallel_loop3A_804 = arith.constant 0 : i32
        %parallel_loop3A_805 = arith.constant 0 : i32
        %parallel_loop3A_806 = tpu.memref_slice %arg12[%parallel_loop3A_530, %parallel_loop3A_804, %parallel_loop3A_805] : memref<4x64x128xf32, #tpu.memory_space<vmem>> -> memref<1x64x128xf32, #tpu.memory_space<vmem>>
        %parallel_loop3A_807 = tpu.memref_squeeze %parallel_loop3A_806 : memref<1x64x128xf32, #tpu.memory_space<vmem>> -> memref<64x128xf32, #tpu.memory_space<vmem>>
        %parallel_loop3A_808 = tpu.vector_load_idx %parallel_loop3A_807[%parallel_loop3A_674, %parallel_loop3A_803] : memref<64x128xf32, #tpu.memory_space<vmem>>[vector<16xi32>, vector<16xi32>], vector<16xf32>,
        %parallel_loop3A_809 = arith.constant 0 : i32
        %parallel_loop3A_810 = arith.constant 0 : i32
        %parallel_loop3A_811 = tpu.memref_slice %arg13[%parallel_loop3A_531, %parallel_loop3A_809, %parallel_loop3A_810] : memref<4x64x128xf32, #tpu.memory_space<vmem>> -> memref<1x64x128xf32, #tpu.memory_space<vmem>>
        %parallel_loop3A_812 = tpu.memref_squeeze %parallel_loop3A_811 : memref<1x64x128xf32, #tpu.memory_space<vmem>> -> memref<64x128xf32, #tpu.memory_space<vmem>>
        %parallel_loop3A_813 = tpu.vector_load_idx %parallel_loop3A_812[%parallel_loop3A_674, %parallel_loop3A_803] : memref<64x128xf32, #tpu.memory_space<vmem>>[vector<16xi32>, vector<16xi32>], vector<16xf32>,
        %parallel_loop3A_814 = arith.mulf %parallel_loop3A_808, %parallel_loop3A_813 : vector<16xf32>
        %parallel_loop3A_815 = arith.addf %scan3A_728, %parallel_loop3A_814 : vector<16xf32>
        %parallel_loop3A_816 = arith.constant 1 : i32
        %parallel_loop3A_817 = vector.broadcast %parallel_loop3A_816 : i32 to vector<16xi32>
        %parallel_loop3A_818 = arith.addi %parallel_loop3A_803, %parallel_loop3A_817 : vector<16xi32>
        %parallel_loop3A_819 = arith.constant 127 : i32
        %parallel_loop3A_820 = vector.broadcast %parallel_loop3A_819 : i32 to vector<16xi32>
        %parallel_loop3A_821 = arith.andi %parallel_loop3A_818, %parallel_loop3A_820 : vector<16xi32>
        %parallel_loop3A_822 = arith.constant 0 : i32
        %parallel_loop3A_823 = arith.constant 0 : i32
        %parallel_loop3A_824 = tpu.memref_slice %arg12[%parallel_loop3A_530, %parallel_loop3A_822, %parallel_loop3A_823] : memref<4x64x128xf32, #tpu.memory_space<vmem>> -> memref<1x64x128xf32, #tpu.memory_space<vmem>>
        %parallel_loop3A_825 = tpu.memref_squeeze %parallel_loop3A_824 : memref<1x64x128xf32, #tpu.memory_space<vmem>> -> memref<64x128xf32, #tpu.memory_space<vmem>>
        %parallel_loop3A_826 = tpu.vector_load_idx %parallel_loop3A_825[%parallel_loop3A_674, %parallel_loop3A_821] : memref<64x128xf32, #tpu.memory_space<vmem>>[vector<16xi32>, vector<16xi32>], vector<16xf32>,
        %parallel_loop3A_827 = arith.constant 0 : i32
        %parallel_loop3A_828 = arith.constant 0 : i32
        %parallel_loop3A_829 = tpu.memref_slice %arg13[%parallel_loop3A_531, %parallel_loop3A_827, %parallel_loop3A_828] : memref<4x64x128xf32, #tpu.memory_space<vmem>> -> memref<1x64x128xf32, #tpu.memory_space<vmem>>
        %parallel_loop3A_830 = tpu.memref_squeeze %parallel_loop3A_829 : memref<1x64x128xf32, #tpu.memory_space<vmem>> -> memref<64x128xf32, #tpu.memory_space<vmem>>
        %parallel_loop3A_831 = tpu.vector_load_idx %parallel_loop3A_830[%parallel_loop3A_674, %parallel_loop3A_821] : memref<64x128xf32, #tpu.memory_space<vmem>>[vector<16xi32>, vector<16xi32>], vector<16xf32>,
        %parallel_loop3A_832 = arith.mulf %parallel_loop3A_826, %parallel_loop3A_831 : vector<16xf32>
        %parallel_loop3A_833 = arith.addf %scan3A_729, %parallel_loop3A_832 : vector<16xf32>
        %parallel_loop3A_834 = arith.constant 1 : i32
        %parallel_loop3A_835 = vector.broadcast %parallel_loop3A_834 : i32 to vector<16xi32>
        %parallel_loop3A_836 = arith.addi %parallel_loop3A_821, %parallel_loop3A_835 : vector<16xi32>
        %parallel_loop3A_837 = arith.constant 127 : i32
        %parallel_loop3A_838 = vector.broadcast %parallel_loop3A_837 : i32 to vector<16xi32>
        %parallel_loop3A_839 = arith.andi %parallel_loop3A_836, %parallel_loop3A_838 : vector<16xi32>
        %parallel_loop3A_840 = arith.constant 0 : i32
        %parallel_loop3A_841 = arith.constant 0 : i32
        %parallel_loop3A_842 = tpu.memref_slice %arg12[%parallel_loop3A_530, %parallel_loop3A_840, %parallel_loop3A_841] : memref<4x64x128xf32, #tpu.memory_space<vmem>> -> memref<1x64x128xf32, #tpu.memory_space<vmem>>
        %parallel_loop3A_843 = tpu.memref_squeeze %parallel_loop3A_842 : memref<1x64x128xf32, #tpu.memory_space<vmem>> -> memref<64x128xf32, #tpu.memory_space<vmem>>
        %parallel_loop3A_844 = tpu.vector_load_idx %parallel_loop3A_843[%parallel_loop3A_674, %parallel_loop3A_839] : memref<64x128xf32, #tpu.memory_space<vmem>>[vector<16xi32>, vector<16xi32>], vector<16xf32>,
        %parallel_loop3A_845 = arith.constant 0 : i32
        %parallel_loop3A_846 = arith.constant 0 : i32
        %parallel_loop3A_847 = tpu.memref_slice %arg13[%parallel_loop3A_531, %parallel_loop3A_845, %parallel_loop3A_846] : memref<4x64x128xf32, #tpu.memory_space<vmem>> -> memref<1x64x128xf32, #tpu.memory_space<vmem>>
        %parallel_loop3A_848 = tpu.memref_squeeze %parallel_loop3A_847 : memref<1x64x128xf32, #tpu.memory_space<vmem>> -> memref<64x128xf32, #tpu.memory_space<vmem>>
        %parallel_loop3A_849 = tpu.vector_load_idx %parallel_loop3A_848[%parallel_loop3A_674, %parallel_loop3A_839] : memref<64x128xf32, #tpu.memory_space<vmem>>[vector<16xi32>, vector<16xi32>], vector<16xf32>,
        %parallel_loop3A_850 = arith.mulf %parallel_loop3A_844, %parallel_loop3A_849 : vector<16xf32>
        %parallel_loop3A_851 = arith.addf %scan3A_730, %parallel_loop3A_850 : vector<16xf32>
        %parallel_loop3A_852 = arith.constant 1 : i32
        %parallel_loop3A_853 = vector.broadcast %parallel_loop3A_852 : i32 to vector<16xi32>
        %parallel_loop3A_854 = arith.addi %parallel_loop3A_839, %parallel_loop3A_853 : vector<16xi32>
        %parallel_loop3A_855 = arith.constant 127 : i32
        %parallel_loop3A_856 = vector.broadcast %parallel_loop3A_855 : i32 to vector<16xi32>
        %parallel_loop3A_857 = arith.andi %parallel_loop3A_854, %parallel_loop3A_856 : vector<16xi32>
        %parallel_loop3A_858 = arith.constant 0 : i32
        %parallel_loop3A_859 = arith.constant 0 : i32
        %parallel_loop3A_860 = tpu.memref_slice %arg12[%parallel_loop3A_530, %parallel_loop3A_858, %parallel_loop3A_859] : memref<4x64x128xf32, #tpu.memory_space<vmem>> -> memref<1x64x128xf32, #tpu.memory_space<vmem>>
        %parallel_loop3A_861 = tpu.memref_squeeze %parallel_loop3A_860 : memref<1x64x128xf32, #tpu.memory_space<vmem>> -> memref<64x128xf32, #tpu.memory_space<vmem>>
        %parallel_loop3A_862 = tpu.vector_load_idx %parallel_loop3A_861[%parallel_loop3A_674, %parallel_loop3A_857] : memref<64x128xf32, #tpu.memory_space<vmem>>[vector<16xi32>, vector<16xi32>], vector<16xf32>,
        %parallel_loop3A_863 = arith.constant 0 : i32
        %parallel_loop3A_864 = arith.constant 0 : i32
        %parallel_loop3A_865 = tpu.memref_slice %arg13[%parallel_loop3A_531, %parallel_loop3A_863, %parallel_loop3A_864] : memref<4x64x128xf32, #tpu.memory_space<vmem>> -> memref<1x64x128xf32, #tpu.memory_space<vmem>>
        %parallel_loop3A_866 = tpu.memref_squeeze %parallel_loop3A_865 : memref<1x64x128xf32, #tpu.memory_space<vmem>> -> memref<64x128xf32, #tpu.memory_space<vmem>>
        %parallel_loop3A_867 = tpu.vector_load_idx %parallel_loop3A_866[%parallel_loop3A_674, %parallel_loop3A_857] : memref<64x128xf32, #tpu.memory_space<vmem>>[vector<16xi32>, vector<16xi32>], vector<16xf32>,
        %parallel_loop3A_868 = arith.mulf %parallel_loop3A_862, %parallel_loop3A_867 : vector<16xf32>
        %parallel_loop3A_869 = arith.addf %scan3A_731, %parallel_loop3A_868 : vector<16xf32>
        %parallel_loop3A_870 = arith.constant 1 : i32
        %parallel_loop3A_871 = vector.broadcast %parallel_loop3A_870 : i32 to vector<16xi32>
        %parallel_loop3A_872 = arith.addi %parallel_loop3A_857, %parallel_loop3A_871 : vector<16xi32>
        %parallel_loop3A_873 = arith.constant 127 : i32
        %parallel_loop3A_874 = vector.broadcast %parallel_loop3A_873 : i32 to vector<16xi32>
        %parallel_loop3A_875 = arith.andi %parallel_loop3A_872, %parallel_loop3A_874 : vector<16xi32>
        %parallel_loop3A_876 = arith.constant 0 : i32
        %parallel_loop3A_877 = arith.constant 0 : i32
        %parallel_loop3A_878 = tpu.memref_slice %arg12[%parallel_loop3A_530, %parallel_loop3A_876, %parallel_loop3A_877] : memref<4x64x128xf32, #tpu.memory_space<vmem>> -> memref<1x64x128xf32, #tpu.memory_space<vmem>>
        %parallel_loop3A_879 = tpu.memref_squeeze %parallel_loop3A_878 : memref<1x64x128xf32, #tpu.memory_space<vmem>> -> memref<64x128xf32, #tpu.memory_space<vmem>>
        %parallel_loop3A_880 = tpu.vector_load_idx %parallel_loop3A_879[%parallel_loop3A_674, %parallel_loop3A_875] : memref<64x128xf32, #tpu.memory_space<vmem>>[vector<16xi32>, vector<16xi32>], vector<16xf32>,
        %parallel_loop3A_881 = arith.constant 0 : i32
        %parallel_loop3A_882 = arith.constant 0 : i32
        %parallel_loop3A_883 = tpu.memref_slice %arg13[%parallel_loop3A_531, %parallel_loop3A_881, %parallel_loop3A_882] : memref<4x64x128xf32, #tpu.memory_space<vmem>> -> memref<1x64x128xf32, #tpu.memory_space<vmem>>
        %parallel_loop3A_884 = tpu.memref_squeeze %parallel_loop3A_883 : memref<1x64x128xf32, #tpu.memory_space<vmem>> -> memref<64x128xf32, #tpu.memory_space<vmem>>
        %parallel_loop3A_885 = tpu.vector_load_idx %parallel_loop3A_884[%parallel_loop3A_674, %parallel_loop3A_875] : memref<64x128xf32, #tpu.memory_space<vmem>>[vector<16xi32>, vector<16xi32>], vector<16xf32>,
        %parallel_loop3A_886 = arith.mulf %parallel_loop3A_880, %parallel_loop3A_885 : vector<16xf32>
        %parallel_loop3A_887 = arith.addf %parallel_loop3A_743, %parallel_loop3A_886 : vector<16xf32>
        %parallel_loop3A_888 = arith.constant 1 : i32
        %parallel_loop3A_889 = vector.broadcast %parallel_loop3A_888 : i32 to vector<16xi32>
        %parallel_loop3A_890 = arith.addi %parallel_loop3A_875, %parallel_loop3A_889 : vector<16xi32>
        %parallel_loop3A_891 = arith.constant 127 : i32
        %parallel_loop3A_892 = vector.broadcast %parallel_loop3A_891 : i32 to vector<16xi32>
        %parallel_loop3A_893 = arith.andi %parallel_loop3A_890, %parallel_loop3A_892 : vector<16xi32>
        %parallel_loop3A_894 = arith.constant 0 : i32
        %parallel_loop3A_895 = arith.constant 0 : i32
        %parallel_loop3A_896 = tpu.memref_slice %arg12[%parallel_loop3A_530, %parallel_loop3A_894, %parallel_loop3A_895] : memref<4x64x128xf32, #tpu.memory_space<vmem>> -> memref<1x64x128xf32, #tpu.memory_space<vmem>>
        %parallel_loop3A_897 = tpu.memref_squeeze %parallel_loop3A_896 : memref<1x64x128xf32, #tpu.memory_space<vmem>> -> memref<64x128xf32, #tpu.memory_space<vmem>>
        %parallel_loop3A_898 = tpu.vector_load_idx %parallel_loop3A_897[%parallel_loop3A_674, %parallel_loop3A_893] : memref<64x128xf32, #tpu.memory_space<vmem>>[vector<16xi32>, vector<16xi32>], vector<16xf32>,
        %parallel_loop3A_899 = arith.constant 0 : i32
        %parallel_loop3A_900 = arith.constant 0 : i32
        %parallel_loop3A_901 = tpu.memref_slice %arg13[%parallel_loop3A_531, %parallel_loop3A_899, %parallel_loop3A_900] : memref<4x64x128xf32, #tpu.memory_space<vmem>> -> memref<1x64x128xf32, #tpu.memory_space<vmem>>
        %parallel_loop3A_902 = tpu.memref_squeeze %parallel_loop3A_901 : memref<1x64x128xf32, #tpu.memory_space<vmem>> -> memref<64x128xf32, #tpu.memory_space<vmem>>
        %parallel_loop3A_903 = tpu.vector_load_idx %parallel_loop3A_902[%parallel_loop3A_674, %parallel_loop3A_893] : memref<64x128xf32, #tpu.memory_space<vmem>>[vector<16xi32>, vector<16xi32>], vector<16xf32>,
        %parallel_loop3A_904 = arith.mulf %parallel_loop3A_898, %parallel_loop3A_903 : vector<16xf32>
        %parallel_loop3A_905 = arith.addf %parallel_loop3A_761, %parallel_loop3A_904 : vector<16xf32>
        %parallel_loop3A_906 = arith.constant 1 : i32
        %parallel_loop3A_907 = vector.broadcast %parallel_loop3A_906 : i32 to vector<16xi32>
        %parallel_loop3A_908 = arith.addi %parallel_loop3A_893, %parallel_loop3A_907 : vector<16xi32>
        %parallel_loop3A_909 = arith.constant 127 : i32
        %parallel_loop3A_910 = vector.broadcast %parallel_loop3A_909 : i32 to vector<16xi32>
        %parallel_loop3A_911 = arith.andi %parallel_loop3A_908, %parallel_loop3A_910 : vector<16xi32>
        %parallel_loop3A_912 = arith.constant 0 : i32
        %parallel_loop3A_913 = arith.constant 0 : i32
        %parallel_loop3A_914 = tpu.memref_slice %arg12[%parallel_loop3A_530, %parallel_loop3A_912, %parallel_loop3A_913] : memref<4x64x128xf32, #tpu.memory_space<vmem>> -> memref<1x64x128xf32, #tpu.memory_space<vmem>>
        %parallel_loop3A_915 = tpu.memref_squeeze %parallel_loop3A_914 : memref<1x64x128xf32, #tpu.memory_space<vmem>> -> memref<64x128xf32, #tpu.memory_space<vmem>>
        %parallel_loop3A_916 = tpu.vector_load_idx %parallel_loop3A_915[%parallel_loop3A_674, %parallel_loop3A_911] : memref<64x128xf32, #tpu.memory_space<vmem>>[vector<16xi32>, vector<16xi32>], vector<16xf32>,
        %parallel_loop3A_917 = arith.constant 0 : i32
        %parallel_loop3A_918 = arith.constant 0 : i32
        %parallel_loop3A_919 = tpu.memref_slice %arg13[%parallel_loop3A_531, %parallel_loop3A_917, %parallel_loop3A_918] : memref<4x64x128xf32, #tpu.memory_space<vmem>> -> memref<1x64x128xf32, #tpu.memory_space<vmem>>
        %parallel_loop3A_920 = tpu.memref_squeeze %parallel_loop3A_919 : memref<1x64x128xf32, #tpu.memory_space<vmem>> -> memref<64x128xf32, #tpu.memory_space<vmem>>
        %parallel_loop3A_921 = tpu.vector_load_idx %parallel_loop3A_920[%parallel_loop3A_674, %parallel_loop3A_911] : memref<64x128xf32, #tpu.memory_space<vmem>>[vector<16xi32>, vector<16xi32>], vector<16xf32>,
        %parallel_loop3A_922 = arith.mulf %parallel_loop3A_916, %parallel_loop3A_921 : vector<16xf32>
        %parallel_loop3A_923 = arith.addf %parallel_loop3A_779, %parallel_loop3A_922 : vector<16xf32>
        %parallel_loop3A_924 = arith.constant 1 : i32
        %parallel_loop3A_925 = vector.broadcast %parallel_loop3A_924 : i32 to vector<16xi32>
        %parallel_loop3A_926 = arith.addi %parallel_loop3A_911, %parallel_loop3A_925 : vector<16xi32>
        %parallel_loop3A_927 = arith.constant 127 : i32
        %parallel_loop3A_928 = vector.broadcast %parallel_loop3A_927 : i32 to vector<16xi32>
        %parallel_loop3A_929 = arith.andi %parallel_loop3A_926, %parallel_loop3A_928 : vector<16xi32>
        %parallel_loop3A_930 = arith.constant 0 : i32
        %parallel_loop3A_931 = arith.constant 0 : i32
        %parallel_loop3A_932 = tpu.memref_slice %arg12[%parallel_loop3A_530, %parallel_loop3A_930, %parallel_loop3A_931] : memref<4x64x128xf32, #tpu.memory_space<vmem>> -> memref<1x64x128xf32, #tpu.memory_space<vmem>>
        %parallel_loop3A_933 = tpu.memref_squeeze %parallel_loop3A_932 : memref<1x64x128xf32, #tpu.memory_space<vmem>> -> memref<64x128xf32, #tpu.memory_space<vmem>>
        %parallel_loop3A_934 = tpu.vector_load_idx %parallel_loop3A_933[%parallel_loop3A_674, %parallel_loop3A_929] : memref<64x128xf32, #tpu.memory_space<vmem>>[vector<16xi32>, vector<16xi32>], vector<16xf32>,
        %parallel_loop3A_935 = arith.constant 0 : i32
        %parallel_loop3A_936 = arith.constant 0 : i32
        %parallel_loop3A_937 = tpu.memref_slice %arg13[%parallel_loop3A_531, %parallel_loop3A_935, %parallel_loop3A_936] : memref<4x64x128xf32, #tpu.memory_space<vmem>> -> memref<1x64x128xf32, #tpu.memory_space<vmem>>
        %parallel_loop3A_938 = tpu.memref_squeeze %parallel_loop3A_937 : memref<1x64x128xf32, #tpu.memory_space<vmem>> -> memref<64x128xf32, #tpu.memory_space<vmem>>
        %parallel_loop3A_939 = tpu.vector_load_idx %parallel_loop3A_938[%parallel_loop3A_674, %parallel_loop3A_929] : memref<64x128xf32, #tpu.memory_space<vmem>>[vector<16xi32>, vector<16xi32>], vector<16xf32>,
        %parallel_loop3A_940 = arith.mulf %parallel_loop3A_934, %parallel_loop3A_939 : vector<16xf32>
        %parallel_loop3A_941 = arith.addf %parallel_loop3A_797, %parallel_loop3A_940 : vector<16xf32>
        %parallel_loop3A_942 = arith.constant 1 : i32
        %parallel_loop3A_943 = vector.broadcast %parallel_loop3A_942 : i32 to vector<16xi32>
        %parallel_loop3A_944 = arith.addi %parallel_loop3A_929, %parallel_loop3A_943 : vector<16xi32>
        %parallel_loop3A_945 = arith.constant 127 : i32
        %parallel_loop3A_946 = vector.broadcast %parallel_loop3A_945 : i32 to vector<16xi32>
        %parallel_loop3A_947 = arith.andi %parallel_loop3A_944, %parallel_loop3A_946 : vector<16xi32>
        %parallel_loop3A_948 = arith.constant 0 : i32
        %parallel_loop3A_949 = arith.constant 0 : i32
        %parallel_loop3A_950 = tpu.memref_slice %arg12[%parallel_loop3A_530, %parallel_loop3A_948, %parallel_loop3A_949] : memref<4x64x128xf32, #tpu.memory_space<vmem>> -> memref<1x64x128xf32, #tpu.memory_space<vmem>>
        %parallel_loop3A_951 = tpu.memref_squeeze %parallel_loop3A_950 : memref<1x64x128xf32, #tpu.memory_space<vmem>> -> memref<64x128xf32, #tpu.memory_space<vmem>>
        %parallel_loop3A_952 = tpu.vector_load_idx %parallel_loop3A_951[%parallel_loop3A_674, %parallel_loop3A_947] : memref<64x128xf32, #tpu.memory_space<vmem>>[vector<16xi32>, vector<16xi32>], vector<16xf32>,
        %parallel_loop3A_953 = arith.constant 0 : i32
        %parallel_loop3A_954 = arith.constant 0 : i32
        %parallel_loop3A_955 = tpu.memref_slice %arg13[%parallel_loop3A_531, %parallel_loop3A_953, %parallel_loop3A_954] : memref<4x64x128xf32, #tpu.memory_space<vmem>> -> memref<1x64x128xf32, #tpu.memory_space<vmem>>
        %parallel_loop3A_956 = tpu.memref_squeeze %parallel_loop3A_955 : memref<1x64x128xf32, #tpu.memory_space<vmem>> -> memref<64x128xf32, #tpu.memory_space<vmem>>
        %parallel_loop3A_957 = tpu.vector_load_idx %parallel_loop3A_956[%parallel_loop3A_674, %parallel_loop3A_947] : memref<64x128xf32, #tpu.memory_space<vmem>>[vector<16xi32>, vector<16xi32>], vector<16xf32>,
        %parallel_loop3A_958 = arith.mulf %parallel_loop3A_952, %parallel_loop3A_957 : vector<16xf32>
        %parallel_loop3A_959 = arith.addf %parallel_loop3A_815, %parallel_loop3A_958 : vector<16xf32>
        %parallel_loop3A_960 = arith.constant 1 : i32
        %parallel_loop3A_961 = vector.broadcast %parallel_loop3A_960 : i32 to vector<16xi32>
        %parallel_loop3A_962 = arith.addi %parallel_loop3A_947, %parallel_loop3A_961 : vector<16xi32>
        %parallel_loop3A_963 = arith.constant 127 : i32
        %parallel_loop3A_964 = vector.broadcast %parallel_loop3A_963 : i32 to vector<16xi32>
        %parallel_loop3A_965 = arith.andi %parallel_loop3A_962, %parallel_loop3A_964 : vector<16xi32>
        %parallel_loop3A_966 = arith.constant 0 : i32
        %parallel_loop3A_967 = arith.constant 0 : i32
        %parallel_loop3A_968 = tpu.memref_slice %arg12[%parallel_loop3A_530, %parallel_loop3A_966, %parallel_loop3A_967] : memref<4x64x128xf32, #tpu.memory_space<vmem>> -> memref<1x64x128xf32, #tpu.memory_space<vmem>>
        %parallel_loop3A_969 = tpu.memref_squeeze %parallel_loop3A_968 : memref<1x64x128xf32, #tpu.memory_space<vmem>> -> memref<64x128xf32, #tpu.memory_space<vmem>>
        %parallel_loop3A_970 = tpu.vector_load_idx %parallel_loop3A_969[%parallel_loop3A_674, %parallel_loop3A_965] : memref<64x128xf32, #tpu.memory_space<vmem>>[vector<16xi32>, vector<16xi32>], vector<16xf32>,
        %parallel_loop3A_971 = arith.constant 0 : i32
        %parallel_loop3A_972 = arith.constant 0 : i32
        %parallel_loop3A_973 = tpu.memref_slice %arg13[%parallel_loop3A_531, %parallel_loop3A_971, %parallel_loop3A_972] : memref<4x64x128xf32, #tpu.memory_space<vmem>> -> memref<1x64x128xf32, #tpu.memory_space<vmem>>
        %parallel_loop3A_974 = tpu.memref_squeeze %parallel_loop3A_973 : memref<1x64x128xf32, #tpu.memory_space<vmem>> -> memref<64x128xf32, #tpu.memory_space<vmem>>
        %parallel_loop3A_975 = tpu.vector_load_idx %parallel_loop3A_974[%parallel_loop3A_674, %parallel_loop3A_965] : memref<64x128xf32, #tpu.memory_space<vmem>>[vector<16xi32>, vector<16xi32>], vector<16xf32>,
        %parallel_loop3A_976 = arith.mulf %parallel_loop3A_970, %parallel_loop3A_975 : vector<16xf32>
        %parallel_loop3A_977 = arith.addf %parallel_loop3A_833, %parallel_loop3A_976 : vector<16xf32>
        %parallel_loop3A_978 = arith.constant 1 : i32
        %parallel_loop3A_979 = vector.broadcast %parallel_loop3A_978 : i32 to vector<16xi32>
        %parallel_loop3A_980 = arith.addi %parallel_loop3A_965, %parallel_loop3A_979 : vector<16xi32>
        %parallel_loop3A_981 = arith.constant 127 : i32
        %parallel_loop3A_982 = vector.broadcast %parallel_loop3A_981 : i32 to vector<16xi32>
        %parallel_loop3A_983 = arith.andi %parallel_loop3A_980, %parallel_loop3A_982 : vector<16xi32>
        %parallel_loop3A_984 = arith.constant 0 : i32
        %parallel_loop3A_985 = arith.constant 0 : i32
        %parallel_loop3A_986 = tpu.memref_slice %arg12[%parallel_loop3A_530, %parallel_loop3A_984, %parallel_loop3A_985] : memref<4x64x128xf32, #tpu.memory_space<vmem>> -> memref<1x64x128xf32, #tpu.memory_space<vmem>>
        %parallel_loop3A_987 = tpu.memref_squeeze %parallel_loop3A_986 : memref<1x64x128xf32, #tpu.memory_space<vmem>> -> memref<64x128xf32, #tpu.memory_space<vmem>>
        %parallel_loop3A_988 = tpu.vector_load_idx %parallel_loop3A_987[%parallel_loop3A_674, %parallel_loop3A_983] : memref<64x128xf32, #tpu.memory_space<vmem>>[vector<16xi32>, vector<16xi32>], vector<16xf32>,
        %parallel_loop3A_989 = arith.constant 0 : i32
        %parallel_loop3A_990 = arith.constant 0 : i32
        %parallel_loop3A_991 = tpu.memref_slice %arg13[%parallel_loop3A_531, %parallel_loop3A_989, %parallel_loop3A_990] : memref<4x64x128xf32, #tpu.memory_space<vmem>> -> memref<1x64x128xf32, #tpu.memory_space<vmem>>
        %parallel_loop3A_992 = tpu.memref_squeeze %parallel_loop3A_991 : memref<1x64x128xf32, #tpu.memory_space<vmem>> -> memref<64x128xf32, #tpu.memory_space<vmem>>
        %parallel_loop3A_993 = tpu.vector_load_idx %parallel_loop3A_992[%parallel_loop3A_674, %parallel_loop3A_983] : memref<64x128xf32, #tpu.memory_space<vmem>>[vector<16xi32>, vector<16xi32>], vector<16xf32>,
        %parallel_loop3A_994 = arith.mulf %parallel_loop3A_988, %parallel_loop3A_993 : vector<16xf32>
        %parallel_loop3A_995 = arith.addf %parallel_loop3A_851, %parallel_loop3A_994 : vector<16xf32>
        %parallel_loop3A_996 = arith.constant 1 : i32
        %parallel_loop3A_997 = vector.broadcast %parallel_loop3A_996 : i32 to vector<16xi32>
        %parallel_loop3A_998 = arith.addi %parallel_loop3A_983, %parallel_loop3A_997 : vector<16xi32>
        %parallel_loop3A_999 = arith.constant 127 : i32
        %parallel_loop3A_1000 = vector.broadcast %parallel_loop3A_999 : i32 to vector<16xi32>
        %parallel_loop3A_1001 = arith.andi %parallel_loop3A_998, %parallel_loop3A_1000 : vector<16xi32>
        %parallel_loop3A_1002 = arith.constant 0 : i32
        %parallel_loop3A_1003 = arith.constant 0 : i32
        %parallel_loop3A_1004 = tpu.memref_slice %arg12[%parallel_loop3A_530, %parallel_loop3A_1002, %parallel_loop3A_1003] : memref<4x64x128xf32, #tpu.memory_space<vmem>> -> memref<1x64x128xf32, #tpu.memory_space<vmem>>
        %parallel_loop3A_1005 = tpu.memref_squeeze %parallel_loop3A_1004 : memref<1x64x128xf32, #tpu.memory_space<vmem>> -> memref<64x128xf32, #tpu.memory_space<vmem>>
        %parallel_loop3A_1006 = tpu.vector_load_idx %parallel_loop3A_1005[%parallel_loop3A_674, %parallel_loop3A_1001] : memref<64x128xf32, #tpu.memory_space<vmem>>[vector<16xi32>, vector<16xi32>], vector<16xf32>,
        %parallel_loop3A_1007 = arith.constant 0 : i32
        %parallel_loop3A_1008 = arith.constant 0 : i32
        %parallel_loop3A_1009 = tpu.memref_slice %arg13[%parallel_loop3A_531, %parallel_loop3A_1007, %parallel_loop3A_1008] : memref<4x64x128xf32, #tpu.memory_space<vmem>> -> memref<1x64x128xf32, #tpu.memory_space<vmem>>
        %parallel_loop3A_1010 = tpu.memref_squeeze %parallel_loop3A_1009 : memref<1x64x128xf32, #tpu.memory_space<vmem>> -> memref<64x128xf32, #tpu.memory_space<vmem>>
        %parallel_loop3A_1011 = tpu.vector_load_idx %parallel_loop3A_1010[%parallel_loop3A_674, %parallel_loop3A_1001] : memref<64x128xf32, #tpu.memory_space<vmem>>[vector<16xi32>, vector<16xi32>], vector<16xf32>,
        %parallel_loop3A_1012 = arith.mulf %parallel_loop3A_1006, %parallel_loop3A_1011 : vector<16xf32>
        %parallel_loop3A_1013 = arith.addf %parallel_loop3A_869, %parallel_loop3A_1012 : vector<16xf32>
        %parallel_loop3A_1014 = arith.constant 1 : i32
        %parallel_loop3A_1015 = vector.broadcast %parallel_loop3A_1014 : i32 to vector<16xi32>
        %parallel_loop3A_1016 = arith.addi %parallel_loop3A_1001, %parallel_loop3A_1015 : vector<16xi32>
        %parallel_loop3A_1017 = arith.constant 127 : i32
        %parallel_loop3A_1018 = vector.broadcast %parallel_loop3A_1017 : i32 to vector<16xi32>
        %parallel_loop3A_1019 = arith.andi %parallel_loop3A_1016, %parallel_loop3A_1018 : vector<16xi32>
        scf.yield %parallel_loop3A_1019, %parallel_loop3A_887, %parallel_loop3A_905, %parallel_loop3A_923, %parallel_loop3A_941, %parallel_loop3A_959, %parallel_loop3A_977, %parallel_loop3A_995, %parallel_loop3A_1013 : vector<16xi32>, vector<16xf32>, vector<16xf32>, vector<16xf32>, vector<16xf32>, vector<16xf32>, vector<16xf32>, vector<16xf32>, vector<16xf32>
      }
      %parallel_loop3A_696 = arith.constant 8 : i32
      %parallel_loop3A_697 = arith.addf %parallel_loop3A_695#1, %parallel_loop3A_695#2 : vector<16xf32>
      %parallel_loop3A_698 = arith.addf %parallel_loop3A_695#3, %parallel_loop3A_695#4 : vector<16xf32>
      %parallel_loop3A_699 = arith.addf %parallel_loop3A_697, %parallel_loop3A_698 : vector<16xf32>
      %parallel_loop3A_700 = arith.addf %parallel_loop3A_695#5, %parallel_loop3A_695#6 : vector<16xf32>
      %parallel_loop3A_701 = arith.addf %parallel_loop3A_695#7, %parallel_loop3A_695#8 : vector<16xf32>
      %parallel_loop3A_702 = arith.addf %parallel_loop3A_700, %parallel_loop3A_701 : vector<16xf32>
      %parallel_loop3A_703 = arith.constant 0 : i32
      %parallel_loop3A_704 = tpu.memref_slice %arg14[%parallel_loop3A_532, %parallel_loop3A_703] : memref<4x64xf32, #tpu.memory_space<vmem>> -> memref<1x64xf32, #tpu.memory_space<vmem>>
      %parallel_loop3A_705 = tpu.memref_squeeze %parallel_loop3A_704 : memref<1x64xf32, #tpu.memory_space<vmem>> -> memref<64xf32, #tpu.memory_space<vmem>>
      %parallel_loop3A_706 = arith.index_cast %parallel_loop3A_671 : i32 to index
      %parallel_loop3A_707 = tpu.vector_load %parallel_loop3A_705[%parallel_loop3A_706] {strides = array<i32>} : memref<64xf32, #tpu.memory_space<vmem>>, vector<16xf32>,
      %parallel_loop3A_708 = arith.constant 0 : i32
      %parallel_loop3A_709 = tpu.memref_slice %arg15[%parallel_loop3A_533, %parallel_loop3A_708] : memref<4x64xf32, #tpu.memory_space<vmem>> -> memref<1x64xf32, #tpu.memory_space<vmem>>
      %parallel_loop3A_710 = tpu.memref_squeeze %parallel_loop3A_709 : memref<1x64xf32, #tpu.memory_space<vmem>> -> memref<64xf32, #tpu.memory_space<vmem>>
      %parallel_loop3A_711 = arith.index_cast %parallel_loop3A_671 : i32 to index
      %parallel_loop3A_712 = tpu.vector_load %parallel_loop3A_710[%parallel_loop3A_711] {strides = array<i32>} : memref<64xf32, #tpu.memory_space<vmem>>, vector<16xf32>,
      %parallel_loop3A_713 = arith.addf %parallel_loop3A_707, %parallel_loop3A_712 : vector<16xf32>
      %parallel_loop3A_714 = vector.broadcast %squeeze3A : f32 to vector<16xf32>
      %parallel_loop3A_715 = arith.addf %parallel_loop3A_713, %parallel_loop3A_714 : vector<16xf32>
      %parallel_loop3A_716 = arith.addf %parallel_loop3A_699, %parallel_loop3A_702 : vector<16xf32>
      %parallel_loop3A_717 = arith.addf %parallel_loop3A_715, %parallel_loop3A_716 : vector<16xf32>
      %parallel_loop3A_718 = arith.constant 256 : i32
      %parallel_loop3A_719 = arith.addi %parallel_loop3A_718, %parallel_loop3A_671 : i32
      %parallel_loop3A_720 = arith.index_cast %parallel_loop3A_719 : i32 to index
      %parallel_loop3A_721 = tpu.vector_load %arg16[%parallel_loop3A_720] {strides = array<i32>} : memref<512xf32, #tpu.memory_space<vmem>>, vector<16xf32>,
      tpu.vector_store %arg16[%parallel_loop3A_720], %parallel_loop3A_717 {strides = array<i32>} : memref<512xf32, #tpu.memory_space<vmem>>, vector<16xf32>,
      scf.yield %parallel_loop3A_672 : i32
    } {sc.loop_unroll_factor = 1 : i64, sc.parallel_access}
    %dma_wait3A_536 = arith.constant 1 : i32
    %dma_wait3A_537 = arith.constant 0 : i32
    %dma_wait3A_538 = arith.constant 0 : i32
    %dma_wait3A_539 = tpu.memref_slice %arg12[%dma_wait3A_536, %dma_wait3A_537, %dma_wait3A_538] : memref<4x64x128xf32, #tpu.memory_space<vmem>> -> memref<1x64x128xf32, #tpu.memory_space<vmem>>
    %dma_wait3A_540 = tpu.memref_squeeze %dma_wait3A_539 : memref<1x64x128xf32, #tpu.memory_space<vmem>> -> memref<64x128xf32, #tpu.memory_space<vmem>>
    %dma_wait3A_541 = arith.constant 320 : i32
    %dma_wait3A_542 = tpu.memref_slice %arg9[%dma_wait3A_541] : memref<512xi32, #tpu.memory_space<vmem>> -> memref<64xi32, #tpu.memory_space<vmem>>
    %dma_wait3A_543 = arith.constant 0 : i32
    %dma_wait3A_544 = arith.constant 0 : i32
    %dma_wait3A_545 = tpu.memref_slice %arg4[%dma_wait3A_543, %dma_wait3A_544] : memref<100000x128xf32, #tpu.memory_space<hbm>> -> memref<100000x128xf32, #tpu.memory_space<hbm>>
    tpu.wait_indirect_dma semaphore(%arg19 : memref<!tpu.dma_semaphore, #tpu.memory_space<semaphore_mem>>) src(%dma_wait3A_545 : memref<100000x128xf32, #tpu.memory_space<hbm>>) dst(%dma_wait3A_540 : memref<64x128xf32, #tpu.memory_space<vmem>>)
    %dma_wait3A_546 = arith.constant 1 : i32
    %dma_wait3A_547 = arith.constant 0 : i32
    %dma_wait3A_548 = arith.constant 0 : i32
    %dma_wait3A_549 = tpu.memref_slice %arg13[%dma_wait3A_546, %dma_wait3A_547, %dma_wait3A_548] : memref<4x64x128xf32, #tpu.memory_space<vmem>> -> memref<1x64x128xf32, #tpu.memory_space<vmem>>
    %dma_wait3A_550 = tpu.memref_squeeze %dma_wait3A_549 : memref<1x64x128xf32, #tpu.memory_space<vmem>> -> memref<64x128xf32, #tpu.memory_space<vmem>>
    %dma_wait3A_551 = arith.constant 320 : i32
    %dma_wait3A_552 = tpu.memref_slice %arg10[%dma_wait3A_551] : memref<512xi32, #tpu.memory_space<vmem>> -> memref<64xi32, #tpu.memory_space<vmem>>
    %dma_wait3A_553 = arith.constant 0 : i32
    %dma_wait3A_554 = arith.constant 0 : i32
    %dma_wait3A_555 = tpu.memref_slice %arg6[%dma_wait3A_553, %dma_wait3A_554] : memref<100000x128xf32, #tpu.memory_space<hbm>> -> memref<100000x128xf32, #tpu.memory_space<hbm>>
    tpu.wait_indirect_dma semaphore(%arg19 : memref<!tpu.dma_semaphore, #tpu.memory_space<semaphore_mem>>) src(%dma_wait3A_555 : memref<100000x128xf32, #tpu.memory_space<hbm>>) dst(%dma_wait3A_550 : memref<64x128xf32, #tpu.memory_space<vmem>>)
    %dma_wait3A_556 = arith.constant 1 : i32
    %dma_wait3A_557 = arith.constant 0 : i32
    %dma_wait3A_558 = tpu.memref_slice %arg14[%dma_wait3A_556, %dma_wait3A_557] : memref<4x64xf32, #tpu.memory_space<vmem>> -> memref<1x64xf32, #tpu.memory_space<vmem>>
    %dma_wait3A_559 = tpu.memref_squeeze %dma_wait3A_558 : memref<1x64xf32, #tpu.memory_space<vmem>> -> memref<64xf32, #tpu.memory_space<vmem>>
    %dma_wait3A_560 = arith.constant 320 : i32
    %dma_wait3A_561 = tpu.memref_slice %arg9[%dma_wait3A_560] : memref<512xi32, #tpu.memory_space<vmem>> -> memref<64xi32, #tpu.memory_space<vmem>>
    %dma_wait3A_562 = arith.constant 0 : i32
    %dma_wait3A_563 = tpu.memref_slice %arg5[%dma_wait3A_562] : memref<200000xf32, #tpu.memory_space<hbm>> -> memref<200000xf32, #tpu.memory_space<hbm>>
    tpu.wait_indirect_dma semaphore(%arg19 : memref<!tpu.dma_semaphore, #tpu.memory_space<semaphore_mem>>) src(%dma_wait3A_563 : memref<200000xf32, #tpu.memory_space<hbm>>) dst(%dma_wait3A_559 : memref<64xf32, #tpu.memory_space<vmem>>)
    %dma_wait3A_564 = arith.constant 1 : i32
    %dma_wait3A_565 = arith.constant 0 : i32
    %dma_wait3A_566 = tpu.memref_slice %arg15[%dma_wait3A_564, %dma_wait3A_565] : memref<4x64xf32, #tpu.memory_space<vmem>> -> memref<1x64xf32, #tpu.memory_space<vmem>>
    %dma_wait3A_567 = tpu.memref_squeeze %dma_wait3A_566 : memref<1x64xf32, #tpu.memory_space<vmem>> -> memref<64xf32, #tpu.memory_space<vmem>>
    %dma_wait3A_568 = arith.constant 320 : i32
    %dma_wait3A_569 = tpu.memref_slice %arg11[%dma_wait3A_568] : memref<512xi32, #tpu.memory_space<vmem>> -> memref<64xi32, #tpu.memory_space<vmem>>
    %dma_wait3A_570 = arith.constant 0 : i32
    %dma_wait3A_571 = tpu.memref_slice %arg5[%dma_wait3A_570] : memref<200000xf32, #tpu.memory_space<hbm>> -> memref<200000xf32, #tpu.memory_space<hbm>>
    tpu.wait_indirect_dma semaphore(%arg19 : memref<!tpu.dma_semaphore, #tpu.memory_space<semaphore_mem>>) src(%dma_wait3A_571 : memref<200000xf32, #tpu.memory_space<hbm>>) dst(%dma_wait3A_567 : memref<64xf32, #tpu.memory_space<vmem>>)
    %parallel_loop3A_572 = arith.constant 0 : i32
    %parallel_loop3A_573 = arith.constant 64 : i32
    %parallel_loop3A_574 = arith.constant 16 : i32
    %parallel_loop3A_575 = arith.constant 1 : i32
    %parallel_loop3A_576 = arith.constant 1 : i32
    %parallel_loop3A_577 = arith.constant 1 : i32
    %parallel_loop3A_578 = arith.constant 1 : i32
    %parallel_loop3A_579 = arith.constant 0 : i32
    %parallel_loop3A_580 = scf.for %parallel_loop3A_671 = %parallel_loop3A_572 to %parallel_loop3A_573 step %parallel_loop3A_574 iter_args(%parallel_loop3A_672 = %parallel_loop3A_579) -> (i32)  : i32 {
      %parallel_loop3A_673 = vector.broadcast %parallel_loop3A_671 : i32 to vector<16xi32>
      %parallel_loop3A_674 = arith.addi %iota3A, %parallel_loop3A_673 : vector<16xi32>
      %parallel_loop3A_675 = arith.constant 0.000000e+00 : f32
      %parallel_loop3A_676 = vector.broadcast %parallel_loop3A_675 : f32 to vector<16xf32>
      %parallel_loop3A_677 = arith.constant 0.000000e+00 : f32
      %parallel_loop3A_678 = vector.broadcast %parallel_loop3A_677 : f32 to vector<16xf32>
      %parallel_loop3A_679 = arith.constant 0.000000e+00 : f32
      %parallel_loop3A_680 = vector.broadcast %parallel_loop3A_679 : f32 to vector<16xf32>
      %parallel_loop3A_681 = arith.constant 0.000000e+00 : f32
      %parallel_loop3A_682 = vector.broadcast %parallel_loop3A_681 : f32 to vector<16xf32>
      %parallel_loop3A_683 = arith.constant 0.000000e+00 : f32
      %parallel_loop3A_684 = vector.broadcast %parallel_loop3A_683 : f32 to vector<16xf32>
      %parallel_loop3A_685 = arith.constant 0.000000e+00 : f32
      %parallel_loop3A_686 = vector.broadcast %parallel_loop3A_685 : f32 to vector<16xf32>
      %parallel_loop3A_687 = arith.constant 0.000000e+00 : f32
      %parallel_loop3A_688 = vector.broadcast %parallel_loop3A_687 : f32 to vector<16xf32>
      %parallel_loop3A_689 = arith.constant 0.000000e+00 : f32
      %parallel_loop3A_690 = vector.broadcast %parallel_loop3A_689 : f32 to vector<16xf32>
      %parallel_loop3A_691 = arith.constant 0 : i32
      %parallel_loop3A_692 = arith.constant 8 : i32
      %parallel_loop3A_693 = arith.addi %parallel_loop3A_691, %parallel_loop3A_692 : i32
      %parallel_loop3A_694 = arith.constant 1 : i32
      %parallel_loop3A_695:9 = scf.for %scan3A_722 = %parallel_loop3A_691 to %parallel_loop3A_693 step %parallel_loop3A_694 iter_args(%scan3A_723 = %iota3A, %scan3A_724 = %parallel_loop3A_676, %scan3A_725 = %parallel_loop3A_678, %scan3A_726 = %parallel_loop3A_680, %scan3A_727 = %parallel_loop3A_682, %scan3A_728 = %parallel_loop3A_684, %scan3A_729 = %parallel_loop3A_686, %scan3A_730 = %parallel_loop3A_688, %scan3A_731 = %parallel_loop3A_690) -> (vector<16xi32>, vector<16xf32>, vector<16xf32>, vector<16xf32>, vector<16xf32>, vector<16xf32>, vector<16xf32>, vector<16xf32>, vector<16xf32>)  : i32 {
        %parallel_loop3A_732 = arith.constant 0 : i32
        %parallel_loop3A_733 = arith.constant 0 : i32
        %parallel_loop3A_734 = tpu.memref_slice %arg12[%parallel_loop3A_575, %parallel_loop3A_732, %parallel_loop3A_733] : memref<4x64x128xf32, #tpu.memory_space<vmem>> -> memref<1x64x128xf32, #tpu.memory_space<vmem>>
        %parallel_loop3A_735 = tpu.memref_squeeze %parallel_loop3A_734 : memref<1x64x128xf32, #tpu.memory_space<vmem>> -> memref<64x128xf32, #tpu.memory_space<vmem>>
        %parallel_loop3A_736 = tpu.vector_load_idx %parallel_loop3A_735[%parallel_loop3A_674, %scan3A_723] : memref<64x128xf32, #tpu.memory_space<vmem>>[vector<16xi32>, vector<16xi32>], vector<16xf32>,
        %parallel_loop3A_737 = arith.constant 0 : i32
        %parallel_loop3A_738 = arith.constant 0 : i32
        %parallel_loop3A_739 = tpu.memref_slice %arg13[%parallel_loop3A_576, %parallel_loop3A_737, %parallel_loop3A_738] : memref<4x64x128xf32, #tpu.memory_space<vmem>> -> memref<1x64x128xf32, #tpu.memory_space<vmem>>
        %parallel_loop3A_740 = tpu.memref_squeeze %parallel_loop3A_739 : memref<1x64x128xf32, #tpu.memory_space<vmem>> -> memref<64x128xf32, #tpu.memory_space<vmem>>
        %parallel_loop3A_741 = tpu.vector_load_idx %parallel_loop3A_740[%parallel_loop3A_674, %scan3A_723] : memref<64x128xf32, #tpu.memory_space<vmem>>[vector<16xi32>, vector<16xi32>], vector<16xf32>,
        %parallel_loop3A_742 = arith.mulf %parallel_loop3A_736, %parallel_loop3A_741 : vector<16xf32>
        %parallel_loop3A_743 = arith.addf %scan3A_724, %parallel_loop3A_742 : vector<16xf32>
        %parallel_loop3A_744 = arith.constant 1 : i32
        %parallel_loop3A_745 = vector.broadcast %parallel_loop3A_744 : i32 to vector<16xi32>
        %parallel_loop3A_746 = arith.addi %scan3A_723, %parallel_loop3A_745 : vector<16xi32>
        %parallel_loop3A_747 = arith.constant 127 : i32
        %parallel_loop3A_748 = vector.broadcast %parallel_loop3A_747 : i32 to vector<16xi32>
        %parallel_loop3A_749 = arith.andi %parallel_loop3A_746, %parallel_loop3A_748 : vector<16xi32>
        %parallel_loop3A_750 = arith.constant 0 : i32
        %parallel_loop3A_751 = arith.constant 0 : i32
        %parallel_loop3A_752 = tpu.memref_slice %arg12[%parallel_loop3A_575, %parallel_loop3A_750, %parallel_loop3A_751] : memref<4x64x128xf32, #tpu.memory_space<vmem>> -> memref<1x64x128xf32, #tpu.memory_space<vmem>>
        %parallel_loop3A_753 = tpu.memref_squeeze %parallel_loop3A_752 : memref<1x64x128xf32, #tpu.memory_space<vmem>> -> memref<64x128xf32, #tpu.memory_space<vmem>>
        %parallel_loop3A_754 = tpu.vector_load_idx %parallel_loop3A_753[%parallel_loop3A_674, %parallel_loop3A_749] : memref<64x128xf32, #tpu.memory_space<vmem>>[vector<16xi32>, vector<16xi32>], vector<16xf32>,
        %parallel_loop3A_755 = arith.constant 0 : i32
        %parallel_loop3A_756 = arith.constant 0 : i32
        %parallel_loop3A_757 = tpu.memref_slice %arg13[%parallel_loop3A_576, %parallel_loop3A_755, %parallel_loop3A_756] : memref<4x64x128xf32, #tpu.memory_space<vmem>> -> memref<1x64x128xf32, #tpu.memory_space<vmem>>
        %parallel_loop3A_758 = tpu.memref_squeeze %parallel_loop3A_757 : memref<1x64x128xf32, #tpu.memory_space<vmem>> -> memref<64x128xf32, #tpu.memory_space<vmem>>
        %parallel_loop3A_759 = tpu.vector_load_idx %parallel_loop3A_758[%parallel_loop3A_674, %parallel_loop3A_749] : memref<64x128xf32, #tpu.memory_space<vmem>>[vector<16xi32>, vector<16xi32>], vector<16xf32>,
        %parallel_loop3A_760 = arith.mulf %parallel_loop3A_754, %parallel_loop3A_759 : vector<16xf32>
        %parallel_loop3A_761 = arith.addf %scan3A_725, %parallel_loop3A_760 : vector<16xf32>
        %parallel_loop3A_762 = arith.constant 1 : i32
        %parallel_loop3A_763 = vector.broadcast %parallel_loop3A_762 : i32 to vector<16xi32>
        %parallel_loop3A_764 = arith.addi %parallel_loop3A_749, %parallel_loop3A_763 : vector<16xi32>
        %parallel_loop3A_765 = arith.constant 127 : i32
        %parallel_loop3A_766 = vector.broadcast %parallel_loop3A_765 : i32 to vector<16xi32>
        %parallel_loop3A_767 = arith.andi %parallel_loop3A_764, %parallel_loop3A_766 : vector<16xi32>
        %parallel_loop3A_768 = arith.constant 0 : i32
        %parallel_loop3A_769 = arith.constant 0 : i32
        %parallel_loop3A_770 = tpu.memref_slice %arg12[%parallel_loop3A_575, %parallel_loop3A_768, %parallel_loop3A_769] : memref<4x64x128xf32, #tpu.memory_space<vmem>> -> memref<1x64x128xf32, #tpu.memory_space<vmem>>
        %parallel_loop3A_771 = tpu.memref_squeeze %parallel_loop3A_770 : memref<1x64x128xf32, #tpu.memory_space<vmem>> -> memref<64x128xf32, #tpu.memory_space<vmem>>
        %parallel_loop3A_772 = tpu.vector_load_idx %parallel_loop3A_771[%parallel_loop3A_674, %parallel_loop3A_767] : memref<64x128xf32, #tpu.memory_space<vmem>>[vector<16xi32>, vector<16xi32>], vector<16xf32>,
        %parallel_loop3A_773 = arith.constant 0 : i32
        %parallel_loop3A_774 = arith.constant 0 : i32
        %parallel_loop3A_775 = tpu.memref_slice %arg13[%parallel_loop3A_576, %parallel_loop3A_773, %parallel_loop3A_774] : memref<4x64x128xf32, #tpu.memory_space<vmem>> -> memref<1x64x128xf32, #tpu.memory_space<vmem>>
        %parallel_loop3A_776 = tpu.memref_squeeze %parallel_loop3A_775 : memref<1x64x128xf32, #tpu.memory_space<vmem>> -> memref<64x128xf32, #tpu.memory_space<vmem>>
        %parallel_loop3A_777 = tpu.vector_load_idx %parallel_loop3A_776[%parallel_loop3A_674, %parallel_loop3A_767] : memref<64x128xf32, #tpu.memory_space<vmem>>[vector<16xi32>, vector<16xi32>], vector<16xf32>,
        %parallel_loop3A_778 = arith.mulf %parallel_loop3A_772, %parallel_loop3A_777 : vector<16xf32>
        %parallel_loop3A_779 = arith.addf %scan3A_726, %parallel_loop3A_778 : vector<16xf32>
        %parallel_loop3A_780 = arith.constant 1 : i32
        %parallel_loop3A_781 = vector.broadcast %parallel_loop3A_780 : i32 to vector<16xi32>
        %parallel_loop3A_782 = arith.addi %parallel_loop3A_767, %parallel_loop3A_781 : vector<16xi32>
        %parallel_loop3A_783 = arith.constant 127 : i32
        %parallel_loop3A_784 = vector.broadcast %parallel_loop3A_783 : i32 to vector<16xi32>
        %parallel_loop3A_785 = arith.andi %parallel_loop3A_782, %parallel_loop3A_784 : vector<16xi32>
        %parallel_loop3A_786 = arith.constant 0 : i32
        %parallel_loop3A_787 = arith.constant 0 : i32
        %parallel_loop3A_788 = tpu.memref_slice %arg12[%parallel_loop3A_575, %parallel_loop3A_786, %parallel_loop3A_787] : memref<4x64x128xf32, #tpu.memory_space<vmem>> -> memref<1x64x128xf32, #tpu.memory_space<vmem>>
        %parallel_loop3A_789 = tpu.memref_squeeze %parallel_loop3A_788 : memref<1x64x128xf32, #tpu.memory_space<vmem>> -> memref<64x128xf32, #tpu.memory_space<vmem>>
        %parallel_loop3A_790 = tpu.vector_load_idx %parallel_loop3A_789[%parallel_loop3A_674, %parallel_loop3A_785] : memref<64x128xf32, #tpu.memory_space<vmem>>[vector<16xi32>, vector<16xi32>], vector<16xf32>,
        %parallel_loop3A_791 = arith.constant 0 : i32
        %parallel_loop3A_792 = arith.constant 0 : i32
        %parallel_loop3A_793 = tpu.memref_slice %arg13[%parallel_loop3A_576, %parallel_loop3A_791, %parallel_loop3A_792] : memref<4x64x128xf32, #tpu.memory_space<vmem>> -> memref<1x64x128xf32, #tpu.memory_space<vmem>>
        %parallel_loop3A_794 = tpu.memref_squeeze %parallel_loop3A_793 : memref<1x64x128xf32, #tpu.memory_space<vmem>> -> memref<64x128xf32, #tpu.memory_space<vmem>>
        %parallel_loop3A_795 = tpu.vector_load_idx %parallel_loop3A_794[%parallel_loop3A_674, %parallel_loop3A_785] : memref<64x128xf32, #tpu.memory_space<vmem>>[vector<16xi32>, vector<16xi32>], vector<16xf32>,
        %parallel_loop3A_796 = arith.mulf %parallel_loop3A_790, %parallel_loop3A_795 : vector<16xf32>
        %parallel_loop3A_797 = arith.addf %scan3A_727, %parallel_loop3A_796 : vector<16xf32>
        %parallel_loop3A_798 = arith.constant 1 : i32
        %parallel_loop3A_799 = vector.broadcast %parallel_loop3A_798 : i32 to vector<16xi32>
        %parallel_loop3A_800 = arith.addi %parallel_loop3A_785, %parallel_loop3A_799 : vector<16xi32>
        %parallel_loop3A_801 = arith.constant 127 : i32
        %parallel_loop3A_802 = vector.broadcast %parallel_loop3A_801 : i32 to vector<16xi32>
        %parallel_loop3A_803 = arith.andi %parallel_loop3A_800, %parallel_loop3A_802 : vector<16xi32>
        %parallel_loop3A_804 = arith.constant 0 : i32
        %parallel_loop3A_805 = arith.constant 0 : i32
        %parallel_loop3A_806 = tpu.memref_slice %arg12[%parallel_loop3A_575, %parallel_loop3A_804, %parallel_loop3A_805] : memref<4x64x128xf32, #tpu.memory_space<vmem>> -> memref<1x64x128xf32, #tpu.memory_space<vmem>>
        %parallel_loop3A_807 = tpu.memref_squeeze %parallel_loop3A_806 : memref<1x64x128xf32, #tpu.memory_space<vmem>> -> memref<64x128xf32, #tpu.memory_space<vmem>>
        %parallel_loop3A_808 = tpu.vector_load_idx %parallel_loop3A_807[%parallel_loop3A_674, %parallel_loop3A_803] : memref<64x128xf32, #tpu.memory_space<vmem>>[vector<16xi32>, vector<16xi32>], vector<16xf32>,
        %parallel_loop3A_809 = arith.constant 0 : i32
        %parallel_loop3A_810 = arith.constant 0 : i32
        %parallel_loop3A_811 = tpu.memref_slice %arg13[%parallel_loop3A_576, %parallel_loop3A_809, %parallel_loop3A_810] : memref<4x64x128xf32, #tpu.memory_space<vmem>> -> memref<1x64x128xf32, #tpu.memory_space<vmem>>
        %parallel_loop3A_812 = tpu.memref_squeeze %parallel_loop3A_811 : memref<1x64x128xf32, #tpu.memory_space<vmem>> -> memref<64x128xf32, #tpu.memory_space<vmem>>
        %parallel_loop3A_813 = tpu.vector_load_idx %parallel_loop3A_812[%parallel_loop3A_674, %parallel_loop3A_803] : memref<64x128xf32, #tpu.memory_space<vmem>>[vector<16xi32>, vector<16xi32>], vector<16xf32>,
        %parallel_loop3A_814 = arith.mulf %parallel_loop3A_808, %parallel_loop3A_813 : vector<16xf32>
        %parallel_loop3A_815 = arith.addf %scan3A_728, %parallel_loop3A_814 : vector<16xf32>
        %parallel_loop3A_816 = arith.constant 1 : i32
        %parallel_loop3A_817 = vector.broadcast %parallel_loop3A_816 : i32 to vector<16xi32>
        %parallel_loop3A_818 = arith.addi %parallel_loop3A_803, %parallel_loop3A_817 : vector<16xi32>
        %parallel_loop3A_819 = arith.constant 127 : i32
        %parallel_loop3A_820 = vector.broadcast %parallel_loop3A_819 : i32 to vector<16xi32>
        %parallel_loop3A_821 = arith.andi %parallel_loop3A_818, %parallel_loop3A_820 : vector<16xi32>
        %parallel_loop3A_822 = arith.constant 0 : i32
        %parallel_loop3A_823 = arith.constant 0 : i32
        %parallel_loop3A_824 = tpu.memref_slice %arg12[%parallel_loop3A_575, %parallel_loop3A_822, %parallel_loop3A_823] : memref<4x64x128xf32, #tpu.memory_space<vmem>> -> memref<1x64x128xf32, #tpu.memory_space<vmem>>
        %parallel_loop3A_825 = tpu.memref_squeeze %parallel_loop3A_824 : memref<1x64x128xf32, #tpu.memory_space<vmem>> -> memref<64x128xf32, #tpu.memory_space<vmem>>
        %parallel_loop3A_826 = tpu.vector_load_idx %parallel_loop3A_825[%parallel_loop3A_674, %parallel_loop3A_821] : memref<64x128xf32, #tpu.memory_space<vmem>>[vector<16xi32>, vector<16xi32>], vector<16xf32>,
        %parallel_loop3A_827 = arith.constant 0 : i32
        %parallel_loop3A_828 = arith.constant 0 : i32
        %parallel_loop3A_829 = tpu.memref_slice %arg13[%parallel_loop3A_576, %parallel_loop3A_827, %parallel_loop3A_828] : memref<4x64x128xf32, #tpu.memory_space<vmem>> -> memref<1x64x128xf32, #tpu.memory_space<vmem>>
        %parallel_loop3A_830 = tpu.memref_squeeze %parallel_loop3A_829 : memref<1x64x128xf32, #tpu.memory_space<vmem>> -> memref<64x128xf32, #tpu.memory_space<vmem>>
        %parallel_loop3A_831 = tpu.vector_load_idx %parallel_loop3A_830[%parallel_loop3A_674, %parallel_loop3A_821] : memref<64x128xf32, #tpu.memory_space<vmem>>[vector<16xi32>, vector<16xi32>], vector<16xf32>,
        %parallel_loop3A_832 = arith.mulf %parallel_loop3A_826, %parallel_loop3A_831 : vector<16xf32>
        %parallel_loop3A_833 = arith.addf %scan3A_729, %parallel_loop3A_832 : vector<16xf32>
        %parallel_loop3A_834 = arith.constant 1 : i32
        %parallel_loop3A_835 = vector.broadcast %parallel_loop3A_834 : i32 to vector<16xi32>
        %parallel_loop3A_836 = arith.addi %parallel_loop3A_821, %parallel_loop3A_835 : vector<16xi32>
        %parallel_loop3A_837 = arith.constant 127 : i32
        %parallel_loop3A_838 = vector.broadcast %parallel_loop3A_837 : i32 to vector<16xi32>
        %parallel_loop3A_839 = arith.andi %parallel_loop3A_836, %parallel_loop3A_838 : vector<16xi32>
        %parallel_loop3A_840 = arith.constant 0 : i32
        %parallel_loop3A_841 = arith.constant 0 : i32
        %parallel_loop3A_842 = tpu.memref_slice %arg12[%parallel_loop3A_575, %parallel_loop3A_840, %parallel_loop3A_841] : memref<4x64x128xf32, #tpu.memory_space<vmem>> -> memref<1x64x128xf32, #tpu.memory_space<vmem>>
        %parallel_loop3A_843 = tpu.memref_squeeze %parallel_loop3A_842 : memref<1x64x128xf32, #tpu.memory_space<vmem>> -> memref<64x128xf32, #tpu.memory_space<vmem>>
        %parallel_loop3A_844 = tpu.vector_load_idx %parallel_loop3A_843[%parallel_loop3A_674, %parallel_loop3A_839] : memref<64x128xf32, #tpu.memory_space<vmem>>[vector<16xi32>, vector<16xi32>], vector<16xf32>,
        %parallel_loop3A_845 = arith.constant 0 : i32
        %parallel_loop3A_846 = arith.constant 0 : i32
        %parallel_loop3A_847 = tpu.memref_slice %arg13[%parallel_loop3A_576, %parallel_loop3A_845, %parallel_loop3A_846] : memref<4x64x128xf32, #tpu.memory_space<vmem>> -> memref<1x64x128xf32, #tpu.memory_space<vmem>>
        %parallel_loop3A_848 = tpu.memref_squeeze %parallel_loop3A_847 : memref<1x64x128xf32, #tpu.memory_space<vmem>> -> memref<64x128xf32, #tpu.memory_space<vmem>>
        %parallel_loop3A_849 = tpu.vector_load_idx %parallel_loop3A_848[%parallel_loop3A_674, %parallel_loop3A_839] : memref<64x128xf32, #tpu.memory_space<vmem>>[vector<16xi32>, vector<16xi32>], vector<16xf32>,
        %parallel_loop3A_850 = arith.mulf %parallel_loop3A_844, %parallel_loop3A_849 : vector<16xf32>
        %parallel_loop3A_851 = arith.addf %scan3A_730, %parallel_loop3A_850 : vector<16xf32>
        %parallel_loop3A_852 = arith.constant 1 : i32
        %parallel_loop3A_853 = vector.broadcast %parallel_loop3A_852 : i32 to vector<16xi32>
        %parallel_loop3A_854 = arith.addi %parallel_loop3A_839, %parallel_loop3A_853 : vector<16xi32>
        %parallel_loop3A_855 = arith.constant 127 : i32
        %parallel_loop3A_856 = vector.broadcast %parallel_loop3A_855 : i32 to vector<16xi32>
        %parallel_loop3A_857 = arith.andi %parallel_loop3A_854, %parallel_loop3A_856 : vector<16xi32>
        %parallel_loop3A_858 = arith.constant 0 : i32
        %parallel_loop3A_859 = arith.constant 0 : i32
        %parallel_loop3A_860 = tpu.memref_slice %arg12[%parallel_loop3A_575, %parallel_loop3A_858, %parallel_loop3A_859] : memref<4x64x128xf32, #tpu.memory_space<vmem>> -> memref<1x64x128xf32, #tpu.memory_space<vmem>>
        %parallel_loop3A_861 = tpu.memref_squeeze %parallel_loop3A_860 : memref<1x64x128xf32, #tpu.memory_space<vmem>> -> memref<64x128xf32, #tpu.memory_space<vmem>>
        %parallel_loop3A_862 = tpu.vector_load_idx %parallel_loop3A_861[%parallel_loop3A_674, %parallel_loop3A_857] : memref<64x128xf32, #tpu.memory_space<vmem>>[vector<16xi32>, vector<16xi32>], vector<16xf32>,
        %parallel_loop3A_863 = arith.constant 0 : i32
        %parallel_loop3A_864 = arith.constant 0 : i32
        %parallel_loop3A_865 = tpu.memref_slice %arg13[%parallel_loop3A_576, %parallel_loop3A_863, %parallel_loop3A_864] : memref<4x64x128xf32, #tpu.memory_space<vmem>> -> memref<1x64x128xf32, #tpu.memory_space<vmem>>
        %parallel_loop3A_866 = tpu.memref_squeeze %parallel_loop3A_865 : memref<1x64x128xf32, #tpu.memory_space<vmem>> -> memref<64x128xf32, #tpu.memory_space<vmem>>
        %parallel_loop3A_867 = tpu.vector_load_idx %parallel_loop3A_866[%parallel_loop3A_674, %parallel_loop3A_857] : memref<64x128xf32, #tpu.memory_space<vmem>>[vector<16xi32>, vector<16xi32>], vector<16xf32>,
        %parallel_loop3A_868 = arith.mulf %parallel_loop3A_862, %parallel_loop3A_867 : vector<16xf32>
        %parallel_loop3A_869 = arith.addf %scan3A_731, %parallel_loop3A_868 : vector<16xf32>
        %parallel_loop3A_870 = arith.constant 1 : i32
        %parallel_loop3A_871 = vector.broadcast %parallel_loop3A_870 : i32 to vector<16xi32>
        %parallel_loop3A_872 = arith.addi %parallel_loop3A_857, %parallel_loop3A_871 : vector<16xi32>
        %parallel_loop3A_873 = arith.constant 127 : i32
        %parallel_loop3A_874 = vector.broadcast %parallel_loop3A_873 : i32 to vector<16xi32>
        %parallel_loop3A_875 = arith.andi %parallel_loop3A_872, %parallel_loop3A_874 : vector<16xi32>
        %parallel_loop3A_876 = arith.constant 0 : i32
        %parallel_loop3A_877 = arith.constant 0 : i32
        %parallel_loop3A_878 = tpu.memref_slice %arg12[%parallel_loop3A_575, %parallel_loop3A_876, %parallel_loop3A_877] : memref<4x64x128xf32, #tpu.memory_space<vmem>> -> memref<1x64x128xf32, #tpu.memory_space<vmem>>
        %parallel_loop3A_879 = tpu.memref_squeeze %parallel_loop3A_878 : memref<1x64x128xf32, #tpu.memory_space<vmem>> -> memref<64x128xf32, #tpu.memory_space<vmem>>
        %parallel_loop3A_880 = tpu.vector_load_idx %parallel_loop3A_879[%parallel_loop3A_674, %parallel_loop3A_875] : memref<64x128xf32, #tpu.memory_space<vmem>>[vector<16xi32>, vector<16xi32>], vector<16xf32>,
        %parallel_loop3A_881 = arith.constant 0 : i32
        %parallel_loop3A_882 = arith.constant 0 : i32
        %parallel_loop3A_883 = tpu.memref_slice %arg13[%parallel_loop3A_576, %parallel_loop3A_881, %parallel_loop3A_882] : memref<4x64x128xf32, #tpu.memory_space<vmem>> -> memref<1x64x128xf32, #tpu.memory_space<vmem>>
        %parallel_loop3A_884 = tpu.memref_squeeze %parallel_loop3A_883 : memref<1x64x128xf32, #tpu.memory_space<vmem>> -> memref<64x128xf32, #tpu.memory_space<vmem>>
        %parallel_loop3A_885 = tpu.vector_load_idx %parallel_loop3A_884[%parallel_loop3A_674, %parallel_loop3A_875] : memref<64x128xf32, #tpu.memory_space<vmem>>[vector<16xi32>, vector<16xi32>], vector<16xf32>,
        %parallel_loop3A_886 = arith.mulf %parallel_loop3A_880, %parallel_loop3A_885 : vector<16xf32>
        %parallel_loop3A_887 = arith.addf %parallel_loop3A_743, %parallel_loop3A_886 : vector<16xf32>
        %parallel_loop3A_888 = arith.constant 1 : i32
        %parallel_loop3A_889 = vector.broadcast %parallel_loop3A_888 : i32 to vector<16xi32>
        %parallel_loop3A_890 = arith.addi %parallel_loop3A_875, %parallel_loop3A_889 : vector<16xi32>
        %parallel_loop3A_891 = arith.constant 127 : i32
        %parallel_loop3A_892 = vector.broadcast %parallel_loop3A_891 : i32 to vector<16xi32>
        %parallel_loop3A_893 = arith.andi %parallel_loop3A_890, %parallel_loop3A_892 : vector<16xi32>
        %parallel_loop3A_894 = arith.constant 0 : i32
        %parallel_loop3A_895 = arith.constant 0 : i32
        %parallel_loop3A_896 = tpu.memref_slice %arg12[%parallel_loop3A_575, %parallel_loop3A_894, %parallel_loop3A_895] : memref<4x64x128xf32, #tpu.memory_space<vmem>> -> memref<1x64x128xf32, #tpu.memory_space<vmem>>
        %parallel_loop3A_897 = tpu.memref_squeeze %parallel_loop3A_896 : memref<1x64x128xf32, #tpu.memory_space<vmem>> -> memref<64x128xf32, #tpu.memory_space<vmem>>
        %parallel_loop3A_898 = tpu.vector_load_idx %parallel_loop3A_897[%parallel_loop3A_674, %parallel_loop3A_893] : memref<64x128xf32, #tpu.memory_space<vmem>>[vector<16xi32>, vector<16xi32>], vector<16xf32>,
        %parallel_loop3A_899 = arith.constant 0 : i32
        %parallel_loop3A_900 = arith.constant 0 : i32
        %parallel_loop3A_901 = tpu.memref_slice %arg13[%parallel_loop3A_576, %parallel_loop3A_899, %parallel_loop3A_900] : memref<4x64x128xf32, #tpu.memory_space<vmem>> -> memref<1x64x128xf32, #tpu.memory_space<vmem>>
        %parallel_loop3A_902 = tpu.memref_squeeze %parallel_loop3A_901 : memref<1x64x128xf32, #tpu.memory_space<vmem>> -> memref<64x128xf32, #tpu.memory_space<vmem>>
        %parallel_loop3A_903 = tpu.vector_load_idx %parallel_loop3A_902[%parallel_loop3A_674, %parallel_loop3A_893] : memref<64x128xf32, #tpu.memory_space<vmem>>[vector<16xi32>, vector<16xi32>], vector<16xf32>,
        %parallel_loop3A_904 = arith.mulf %parallel_loop3A_898, %parallel_loop3A_903 : vector<16xf32>
        %parallel_loop3A_905 = arith.addf %parallel_loop3A_761, %parallel_loop3A_904 : vector<16xf32>
        %parallel_loop3A_906 = arith.constant 1 : i32
        %parallel_loop3A_907 = vector.broadcast %parallel_loop3A_906 : i32 to vector<16xi32>
        %parallel_loop3A_908 = arith.addi %parallel_loop3A_893, %parallel_loop3A_907 : vector<16xi32>
        %parallel_loop3A_909 = arith.constant 127 : i32
        %parallel_loop3A_910 = vector.broadcast %parallel_loop3A_909 : i32 to vector<16xi32>
        %parallel_loop3A_911 = arith.andi %parallel_loop3A_908, %parallel_loop3A_910 : vector<16xi32>
        %parallel_loop3A_912 = arith.constant 0 : i32
        %parallel_loop3A_913 = arith.constant 0 : i32
        %parallel_loop3A_914 = tpu.memref_slice %arg12[%parallel_loop3A_575, %parallel_loop3A_912, %parallel_loop3A_913] : memref<4x64x128xf32, #tpu.memory_space<vmem>> -> memref<1x64x128xf32, #tpu.memory_space<vmem>>
        %parallel_loop3A_915 = tpu.memref_squeeze %parallel_loop3A_914 : memref<1x64x128xf32, #tpu.memory_space<vmem>> -> memref<64x128xf32, #tpu.memory_space<vmem>>
        %parallel_loop3A_916 = tpu.vector_load_idx %parallel_loop3A_915[%parallel_loop3A_674, %parallel_loop3A_911] : memref<64x128xf32, #tpu.memory_space<vmem>>[vector<16xi32>, vector<16xi32>], vector<16xf32>,
        %parallel_loop3A_917 = arith.constant 0 : i32
        %parallel_loop3A_918 = arith.constant 0 : i32
        %parallel_loop3A_919 = tpu.memref_slice %arg13[%parallel_loop3A_576, %parallel_loop3A_917, %parallel_loop3A_918] : memref<4x64x128xf32, #tpu.memory_space<vmem>> -> memref<1x64x128xf32, #tpu.memory_space<vmem>>
        %parallel_loop3A_920 = tpu.memref_squeeze %parallel_loop3A_919 : memref<1x64x128xf32, #tpu.memory_space<vmem>> -> memref<64x128xf32, #tpu.memory_space<vmem>>
        %parallel_loop3A_921 = tpu.vector_load_idx %parallel_loop3A_920[%parallel_loop3A_674, %parallel_loop3A_911] : memref<64x128xf32, #tpu.memory_space<vmem>>[vector<16xi32>, vector<16xi32>], vector<16xf32>,
        %parallel_loop3A_922 = arith.mulf %parallel_loop3A_916, %parallel_loop3A_921 : vector<16xf32>
        %parallel_loop3A_923 = arith.addf %parallel_loop3A_779, %parallel_loop3A_922 : vector<16xf32>
        %parallel_loop3A_924 = arith.constant 1 : i32
        %parallel_loop3A_925 = vector.broadcast %parallel_loop3A_924 : i32 to vector<16xi32>
        %parallel_loop3A_926 = arith.addi %parallel_loop3A_911, %parallel_loop3A_925 : vector<16xi32>
        %parallel_loop3A_927 = arith.constant 127 : i32
        %parallel_loop3A_928 = vector.broadcast %parallel_loop3A_927 : i32 to vector<16xi32>
        %parallel_loop3A_929 = arith.andi %parallel_loop3A_926, %parallel_loop3A_928 : vector<16xi32>
        %parallel_loop3A_930 = arith.constant 0 : i32
        %parallel_loop3A_931 = arith.constant 0 : i32
        %parallel_loop3A_932 = tpu.memref_slice %arg12[%parallel_loop3A_575, %parallel_loop3A_930, %parallel_loop3A_931] : memref<4x64x128xf32, #tpu.memory_space<vmem>> -> memref<1x64x128xf32, #tpu.memory_space<vmem>>
        %parallel_loop3A_933 = tpu.memref_squeeze %parallel_loop3A_932 : memref<1x64x128xf32, #tpu.memory_space<vmem>> -> memref<64x128xf32, #tpu.memory_space<vmem>>
        %parallel_loop3A_934 = tpu.vector_load_idx %parallel_loop3A_933[%parallel_loop3A_674, %parallel_loop3A_929] : memref<64x128xf32, #tpu.memory_space<vmem>>[vector<16xi32>, vector<16xi32>], vector<16xf32>,
        %parallel_loop3A_935 = arith.constant 0 : i32
        %parallel_loop3A_936 = arith.constant 0 : i32
        %parallel_loop3A_937 = tpu.memref_slice %arg13[%parallel_loop3A_576, %parallel_loop3A_935, %parallel_loop3A_936] : memref<4x64x128xf32, #tpu.memory_space<vmem>> -> memref<1x64x128xf32, #tpu.memory_space<vmem>>
        %parallel_loop3A_938 = tpu.memref_squeeze %parallel_loop3A_937 : memref<1x64x128xf32, #tpu.memory_space<vmem>> -> memref<64x128xf32, #tpu.memory_space<vmem>>
        %parallel_loop3A_939 = tpu.vector_load_idx %parallel_loop3A_938[%parallel_loop3A_674, %parallel_loop3A_929] : memref<64x128xf32, #tpu.memory_space<vmem>>[vector<16xi32>, vector<16xi32>], vector<16xf32>,
        %parallel_loop3A_940 = arith.mulf %parallel_loop3A_934, %parallel_loop3A_939 : vector<16xf32>
        %parallel_loop3A_941 = arith.addf %parallel_loop3A_797, %parallel_loop3A_940 : vector<16xf32>
        %parallel_loop3A_942 = arith.constant 1 : i32
        %parallel_loop3A_943 = vector.broadcast %parallel_loop3A_942 : i32 to vector<16xi32>
        %parallel_loop3A_944 = arith.addi %parallel_loop3A_929, %parallel_loop3A_943 : vector<16xi32>
        %parallel_loop3A_945 = arith.constant 127 : i32
        %parallel_loop3A_946 = vector.broadcast %parallel_loop3A_945 : i32 to vector<16xi32>
        %parallel_loop3A_947 = arith.andi %parallel_loop3A_944, %parallel_loop3A_946 : vector<16xi32>
        %parallel_loop3A_948 = arith.constant 0 : i32
        %parallel_loop3A_949 = arith.constant 0 : i32
        %parallel_loop3A_950 = tpu.memref_slice %arg12[%parallel_loop3A_575, %parallel_loop3A_948, %parallel_loop3A_949] : memref<4x64x128xf32, #tpu.memory_space<vmem>> -> memref<1x64x128xf32, #tpu.memory_space<vmem>>
        %parallel_loop3A_951 = tpu.memref_squeeze %parallel_loop3A_950 : memref<1x64x128xf32, #tpu.memory_space<vmem>> -> memref<64x128xf32, #tpu.memory_space<vmem>>
        %parallel_loop3A_952 = tpu.vector_load_idx %parallel_loop3A_951[%parallel_loop3A_674, %parallel_loop3A_947] : memref<64x128xf32, #tpu.memory_space<vmem>>[vector<16xi32>, vector<16xi32>], vector<16xf32>,
        %parallel_loop3A_953 = arith.constant 0 : i32
        %parallel_loop3A_954 = arith.constant 0 : i32
        %parallel_loop3A_955 = tpu.memref_slice %arg13[%parallel_loop3A_576, %parallel_loop3A_953, %parallel_loop3A_954] : memref<4x64x128xf32, #tpu.memory_space<vmem>> -> memref<1x64x128xf32, #tpu.memory_space<vmem>>
        %parallel_loop3A_956 = tpu.memref_squeeze %parallel_loop3A_955 : memref<1x64x128xf32, #tpu.memory_space<vmem>> -> memref<64x128xf32, #tpu.memory_space<vmem>>
        %parallel_loop3A_957 = tpu.vector_load_idx %parallel_loop3A_956[%parallel_loop3A_674, %parallel_loop3A_947] : memref<64x128xf32, #tpu.memory_space<vmem>>[vector<16xi32>, vector<16xi32>], vector<16xf32>,
        %parallel_loop3A_958 = arith.mulf %parallel_loop3A_952, %parallel_loop3A_957 : vector<16xf32>
        %parallel_loop3A_959 = arith.addf %parallel_loop3A_815, %parallel_loop3A_958 : vector<16xf32>
        %parallel_loop3A_960 = arith.constant 1 : i32
        %parallel_loop3A_961 = vector.broadcast %parallel_loop3A_960 : i32 to vector<16xi32>
        %parallel_loop3A_962 = arith.addi %parallel_loop3A_947, %parallel_loop3A_961 : vector<16xi32>
        %parallel_loop3A_963 = arith.constant 127 : i32
        %parallel_loop3A_964 = vector.broadcast %parallel_loop3A_963 : i32 to vector<16xi32>
        %parallel_loop3A_965 = arith.andi %parallel_loop3A_962, %parallel_loop3A_964 : vector<16xi32>
        %parallel_loop3A_966 = arith.constant 0 : i32
        %parallel_loop3A_967 = arith.constant 0 : i32
        %parallel_loop3A_968 = tpu.memref_slice %arg12[%parallel_loop3A_575, %parallel_loop3A_966, %parallel_loop3A_967] : memref<4x64x128xf32, #tpu.memory_space<vmem>> -> memref<1x64x128xf32, #tpu.memory_space<vmem>>
        %parallel_loop3A_969 = tpu.memref_squeeze %parallel_loop3A_968 : memref<1x64x128xf32, #tpu.memory_space<vmem>> -> memref<64x128xf32, #tpu.memory_space<vmem>>
        %parallel_loop3A_970 = tpu.vector_load_idx %parallel_loop3A_969[%parallel_loop3A_674, %parallel_loop3A_965] : memref<64x128xf32, #tpu.memory_space<vmem>>[vector<16xi32>, vector<16xi32>], vector<16xf32>,
        %parallel_loop3A_971 = arith.constant 0 : i32
        %parallel_loop3A_972 = arith.constant 0 : i32
        %parallel_loop3A_973 = tpu.memref_slice %arg13[%parallel_loop3A_576, %parallel_loop3A_971, %parallel_loop3A_972] : memref<4x64x128xf32, #tpu.memory_space<vmem>> -> memref<1x64x128xf32, #tpu.memory_space<vmem>>
        %parallel_loop3A_974 = tpu.memref_squeeze %parallel_loop3A_973 : memref<1x64x128xf32, #tpu.memory_space<vmem>> -> memref<64x128xf32, #tpu.memory_space<vmem>>
        %parallel_loop3A_975 = tpu.vector_load_idx %parallel_loop3A_974[%parallel_loop3A_674, %parallel_loop3A_965] : memref<64x128xf32, #tpu.memory_space<vmem>>[vector<16xi32>, vector<16xi32>], vector<16xf32>,
        %parallel_loop3A_976 = arith.mulf %parallel_loop3A_970, %parallel_loop3A_975 : vector<16xf32>
        %parallel_loop3A_977 = arith.addf %parallel_loop3A_833, %parallel_loop3A_976 : vector<16xf32>
        %parallel_loop3A_978 = arith.constant 1 : i32
        %parallel_loop3A_979 = vector.broadcast %parallel_loop3A_978 : i32 to vector<16xi32>
        %parallel_loop3A_980 = arith.addi %parallel_loop3A_965, %parallel_loop3A_979 : vector<16xi32>
        %parallel_loop3A_981 = arith.constant 127 : i32
        %parallel_loop3A_982 = vector.broadcast %parallel_loop3A_981 : i32 to vector<16xi32>
        %parallel_loop3A_983 = arith.andi %parallel_loop3A_980, %parallel_loop3A_982 : vector<16xi32>
        %parallel_loop3A_984 = arith.constant 0 : i32
        %parallel_loop3A_985 = arith.constant 0 : i32
        %parallel_loop3A_986 = tpu.memref_slice %arg12[%parallel_loop3A_575, %parallel_loop3A_984, %parallel_loop3A_985] : memref<4x64x128xf32, #tpu.memory_space<vmem>> -> memref<1x64x128xf32, #tpu.memory_space<vmem>>
        %parallel_loop3A_987 = tpu.memref_squeeze %parallel_loop3A_986 : memref<1x64x128xf32, #tpu.memory_space<vmem>> -> memref<64x128xf32, #tpu.memory_space<vmem>>
        %parallel_loop3A_988 = tpu.vector_load_idx %parallel_loop3A_987[%parallel_loop3A_674, %parallel_loop3A_983] : memref<64x128xf32, #tpu.memory_space<vmem>>[vector<16xi32>, vector<16xi32>], vector<16xf32>,
        %parallel_loop3A_989 = arith.constant 0 : i32
        %parallel_loop3A_990 = arith.constant 0 : i32
        %parallel_loop3A_991 = tpu.memref_slice %arg13[%parallel_loop3A_576, %parallel_loop3A_989, %parallel_loop3A_990] : memref<4x64x128xf32, #tpu.memory_space<vmem>> -> memref<1x64x128xf32, #tpu.memory_space<vmem>>
        %parallel_loop3A_992 = tpu.memref_squeeze %parallel_loop3A_991 : memref<1x64x128xf32, #tpu.memory_space<vmem>> -> memref<64x128xf32, #tpu.memory_space<vmem>>
        %parallel_loop3A_993 = tpu.vector_load_idx %parallel_loop3A_992[%parallel_loop3A_674, %parallel_loop3A_983] : memref<64x128xf32, #tpu.memory_space<vmem>>[vector<16xi32>, vector<16xi32>], vector<16xf32>,
        %parallel_loop3A_994 = arith.mulf %parallel_loop3A_988, %parallel_loop3A_993 : vector<16xf32>
        %parallel_loop3A_995 = arith.addf %parallel_loop3A_851, %parallel_loop3A_994 : vector<16xf32>
        %parallel_loop3A_996 = arith.constant 1 : i32
        %parallel_loop3A_997 = vector.broadcast %parallel_loop3A_996 : i32 to vector<16xi32>
        %parallel_loop3A_998 = arith.addi %parallel_loop3A_983, %parallel_loop3A_997 : vector<16xi32>
        %parallel_loop3A_999 = arith.constant 127 : i32
        %parallel_loop3A_1000 = vector.broadcast %parallel_loop3A_999 : i32 to vector<16xi32>
        %parallel_loop3A_1001 = arith.andi %parallel_loop3A_998, %parallel_loop3A_1000 : vector<16xi32>
        %parallel_loop3A_1002 = arith.constant 0 : i32
        %parallel_loop3A_1003 = arith.constant 0 : i32
        %parallel_loop3A_1004 = tpu.memref_slice %arg12[%parallel_loop3A_575, %parallel_loop3A_1002, %parallel_loop3A_1003] : memref<4x64x128xf32, #tpu.memory_space<vmem>> -> memref<1x64x128xf32, #tpu.memory_space<vmem>>
        %parallel_loop3A_1005 = tpu.memref_squeeze %parallel_loop3A_1004 : memref<1x64x128xf32, #tpu.memory_space<vmem>> -> memref<64x128xf32, #tpu.memory_space<vmem>>
        %parallel_loop3A_1006 = tpu.vector_load_idx %parallel_loop3A_1005[%parallel_loop3A_674, %parallel_loop3A_1001] : memref<64x128xf32, #tpu.memory_space<vmem>>[vector<16xi32>, vector<16xi32>], vector<16xf32>,
        %parallel_loop3A_1007 = arith.constant 0 : i32
        %parallel_loop3A_1008 = arith.constant 0 : i32
        %parallel_loop3A_1009 = tpu.memref_slice %arg13[%parallel_loop3A_576, %parallel_loop3A_1007, %parallel_loop3A_1008] : memref<4x64x128xf32, #tpu.memory_space<vmem>> -> memref<1x64x128xf32, #tpu.memory_space<vmem>>
        %parallel_loop3A_1010 = tpu.memref_squeeze %parallel_loop3A_1009 : memref<1x64x128xf32, #tpu.memory_space<vmem>> -> memref<64x128xf32, #tpu.memory_space<vmem>>
        %parallel_loop3A_1011 = tpu.vector_load_idx %parallel_loop3A_1010[%parallel_loop3A_674, %parallel_loop3A_1001] : memref<64x128xf32, #tpu.memory_space<vmem>>[vector<16xi32>, vector<16xi32>], vector<16xf32>,
        %parallel_loop3A_1012 = arith.mulf %parallel_loop3A_1006, %parallel_loop3A_1011 : vector<16xf32>
        %parallel_loop3A_1013 = arith.addf %parallel_loop3A_869, %parallel_loop3A_1012 : vector<16xf32>
        %parallel_loop3A_1014 = arith.constant 1 : i32
        %parallel_loop3A_1015 = vector.broadcast %parallel_loop3A_1014 : i32 to vector<16xi32>
        %parallel_loop3A_1016 = arith.addi %parallel_loop3A_1001, %parallel_loop3A_1015 : vector<16xi32>
        %parallel_loop3A_1017 = arith.constant 127 : i32
        %parallel_loop3A_1018 = vector.broadcast %parallel_loop3A_1017 : i32 to vector<16xi32>
        %parallel_loop3A_1019 = arith.andi %parallel_loop3A_1016, %parallel_loop3A_1018 : vector<16xi32>
        scf.yield %parallel_loop3A_1019, %parallel_loop3A_887, %parallel_loop3A_905, %parallel_loop3A_923, %parallel_loop3A_941, %parallel_loop3A_959, %parallel_loop3A_977, %parallel_loop3A_995, %parallel_loop3A_1013 : vector<16xi32>, vector<16xf32>, vector<16xf32>, vector<16xf32>, vector<16xf32>, vector<16xf32>, vector<16xf32>, vector<16xf32>, vector<16xf32>
      }
      %parallel_loop3A_696 = arith.constant 8 : i32
      %parallel_loop3A_697 = arith.addf %parallel_loop3A_695#1, %parallel_loop3A_695#2 : vector<16xf32>
      %parallel_loop3A_698 = arith.addf %parallel_loop3A_695#3, %parallel_loop3A_695#4 : vector<16xf32>
      %parallel_loop3A_699 = arith.addf %parallel_loop3A_697, %parallel_loop3A_698 : vector<16xf32>
      %parallel_loop3A_700 = arith.addf %parallel_loop3A_695#5, %parallel_loop3A_695#6 : vector<16xf32>
      %parallel_loop3A_701 = arith.addf %parallel_loop3A_695#7, %parallel_loop3A_695#8 : vector<16xf32>
      %parallel_loop3A_702 = arith.addf %parallel_loop3A_700, %parallel_loop3A_701 : vector<16xf32>
      %parallel_loop3A_703 = arith.constant 0 : i32
      %parallel_loop3A_704 = tpu.memref_slice %arg14[%parallel_loop3A_577, %parallel_loop3A_703] : memref<4x64xf32, #tpu.memory_space<vmem>> -> memref<1x64xf32, #tpu.memory_space<vmem>>
      %parallel_loop3A_705 = tpu.memref_squeeze %parallel_loop3A_704 : memref<1x64xf32, #tpu.memory_space<vmem>> -> memref<64xf32, #tpu.memory_space<vmem>>
      %parallel_loop3A_706 = arith.index_cast %parallel_loop3A_671 : i32 to index
      %parallel_loop3A_707 = tpu.vector_load %parallel_loop3A_705[%parallel_loop3A_706] {strides = array<i32>} : memref<64xf32, #tpu.memory_space<vmem>>, vector<16xf32>,
      %parallel_loop3A_708 = arith.constant 0 : i32
      %parallel_loop3A_709 = tpu.memref_slice %arg15[%parallel_loop3A_578, %parallel_loop3A_708] : memref<4x64xf32, #tpu.memory_space<vmem>> -> memref<1x64xf32, #tpu.memory_space<vmem>>
      %parallel_loop3A_710 = tpu.memref_squeeze %parallel_loop3A_709 : memref<1x64xf32, #tpu.memory_space<vmem>> -> memref<64xf32, #tpu.memory_space<vmem>>
      %parallel_loop3A_711 = arith.index_cast %parallel_loop3A_671 : i32 to index
      %parallel_loop3A_712 = tpu.vector_load %parallel_loop3A_710[%parallel_loop3A_711] {strides = array<i32>} : memref<64xf32, #tpu.memory_space<vmem>>, vector<16xf32>,
      %parallel_loop3A_713 = arith.addf %parallel_loop3A_707, %parallel_loop3A_712 : vector<16xf32>
      %parallel_loop3A_714 = vector.broadcast %squeeze3A : f32 to vector<16xf32>
      %parallel_loop3A_715 = arith.addf %parallel_loop3A_713, %parallel_loop3A_714 : vector<16xf32>
      %parallel_loop3A_716 = arith.addf %parallel_loop3A_699, %parallel_loop3A_702 : vector<16xf32>
      %parallel_loop3A_717 = arith.addf %parallel_loop3A_715, %parallel_loop3A_716 : vector<16xf32>
      %parallel_loop3A_718 = arith.constant 320 : i32
      %parallel_loop3A_719 = arith.addi %parallel_loop3A_718, %parallel_loop3A_671 : i32
      %parallel_loop3A_720 = arith.index_cast %parallel_loop3A_719 : i32 to index
      %parallel_loop3A_721 = tpu.vector_load %arg16[%parallel_loop3A_720] {strides = array<i32>} : memref<512xf32, #tpu.memory_space<vmem>>, vector<16xf32>,
      tpu.vector_store %arg16[%parallel_loop3A_720], %parallel_loop3A_717 {strides = array<i32>} : memref<512xf32, #tpu.memory_space<vmem>>, vector<16xf32>,
      scf.yield %parallel_loop3A_672 : i32
    } {sc.loop_unroll_factor = 1 : i64, sc.parallel_access}
    %dma_wait3A_581 = arith.constant 2 : i32
    %dma_wait3A_582 = arith.constant 0 : i32
    %dma_wait3A_583 = arith.constant 0 : i32
    %dma_wait3A_584 = tpu.memref_slice %arg12[%dma_wait3A_581, %dma_wait3A_582, %dma_wait3A_583] : memref<4x64x128xf32, #tpu.memory_space<vmem>> -> memref<1x64x128xf32, #tpu.memory_space<vmem>>
    %dma_wait3A_585 = tpu.memref_squeeze %dma_wait3A_584 : memref<1x64x128xf32, #tpu.memory_space<vmem>> -> memref<64x128xf32, #tpu.memory_space<vmem>>
    %dma_wait3A_586 = arith.constant 384 : i32
    %dma_wait3A_587 = tpu.memref_slice %arg9[%dma_wait3A_586] : memref<512xi32, #tpu.memory_space<vmem>> -> memref<64xi32, #tpu.memory_space<vmem>>
    %dma_wait3A_588 = arith.constant 0 : i32
    %dma_wait3A_589 = arith.constant 0 : i32
    %dma_wait3A_590 = tpu.memref_slice %arg4[%dma_wait3A_588, %dma_wait3A_589] : memref<100000x128xf32, #tpu.memory_space<hbm>> -> memref<100000x128xf32, #tpu.memory_space<hbm>>
    tpu.wait_indirect_dma semaphore(%arg20 : memref<!tpu.dma_semaphore, #tpu.memory_space<semaphore_mem>>) src(%dma_wait3A_590 : memref<100000x128xf32, #tpu.memory_space<hbm>>) dst(%dma_wait3A_585 : memref<64x128xf32, #tpu.memory_space<vmem>>)
    %dma_wait3A_591 = arith.constant 2 : i32
    %dma_wait3A_592 = arith.constant 0 : i32
    %dma_wait3A_593 = arith.constant 0 : i32
    %dma_wait3A_594 = tpu.memref_slice %arg13[%dma_wait3A_591, %dma_wait3A_592, %dma_wait3A_593] : memref<4x64x128xf32, #tpu.memory_space<vmem>> -> memref<1x64x128xf32, #tpu.memory_space<vmem>>
    %dma_wait3A_595 = tpu.memref_squeeze %dma_wait3A_594 : memref<1x64x128xf32, #tpu.memory_space<vmem>> -> memref<64x128xf32, #tpu.memory_space<vmem>>
    %dma_wait3A_596 = arith.constant 384 : i32
    %dma_wait3A_597 = tpu.memref_slice %arg10[%dma_wait3A_596] : memref<512xi32, #tpu.memory_space<vmem>> -> memref<64xi32, #tpu.memory_space<vmem>>
    %dma_wait3A_598 = arith.constant 0 : i32
    %dma_wait3A_599 = arith.constant 0 : i32
    %dma_wait3A_600 = tpu.memref_slice %arg6[%dma_wait3A_598, %dma_wait3A_599] : memref<100000x128xf32, #tpu.memory_space<hbm>> -> memref<100000x128xf32, #tpu.memory_space<hbm>>
    tpu.wait_indirect_dma semaphore(%arg20 : memref<!tpu.dma_semaphore, #tpu.memory_space<semaphore_mem>>) src(%dma_wait3A_600 : memref<100000x128xf32, #tpu.memory_space<hbm>>) dst(%dma_wait3A_595 : memref<64x128xf32, #tpu.memory_space<vmem>>)
    %dma_wait3A_601 = arith.constant 2 : i32
    %dma_wait3A_602 = arith.constant 0 : i32
    %dma_wait3A_603 = tpu.memref_slice %arg14[%dma_wait3A_601, %dma_wait3A_602] : memref<4x64xf32, #tpu.memory_space<vmem>> -> memref<1x64xf32, #tpu.memory_space<vmem>>
    %dma_wait3A_604 = tpu.memref_squeeze %dma_wait3A_603 : memref<1x64xf32, #tpu.memory_space<vmem>> -> memref<64xf32, #tpu.memory_space<vmem>>
    %dma_wait3A_605 = arith.constant 384 : i32
    %dma_wait3A_606 = tpu.memref_slice %arg9[%dma_wait3A_605] : memref<512xi32, #tpu.memory_space<vmem>> -> memref<64xi32, #tpu.memory_space<vmem>>
    %dma_wait3A_607 = arith.constant 0 : i32
    %dma_wait3A_608 = tpu.memref_slice %arg5[%dma_wait3A_607] : memref<200000xf32, #tpu.memory_space<hbm>> -> memref<200000xf32, #tpu.memory_space<hbm>>
    tpu.wait_indirect_dma semaphore(%arg20 : memref<!tpu.dma_semaphore, #tpu.memory_space<semaphore_mem>>) src(%dma_wait3A_608 : memref<200000xf32, #tpu.memory_space<hbm>>) dst(%dma_wait3A_604 : memref<64xf32, #tpu.memory_space<vmem>>)
    %dma_wait3A_609 = arith.constant 2 : i32
    %dma_wait3A_610 = arith.constant 0 : i32
    %dma_wait3A_611 = tpu.memref_slice %arg15[%dma_wait3A_609, %dma_wait3A_610] : memref<4x64xf32, #tpu.memory_space<vmem>> -> memref<1x64xf32, #tpu.memory_space<vmem>>
    %dma_wait3A_612 = tpu.memref_squeeze %dma_wait3A_611 : memref<1x64xf32, #tpu.memory_space<vmem>> -> memref<64xf32, #tpu.memory_space<vmem>>
    %dma_wait3A_613 = arith.constant 384 : i32
    %dma_wait3A_614 = tpu.memref_slice %arg11[%dma_wait3A_613] : memref<512xi32, #tpu.memory_space<vmem>> -> memref<64xi32, #tpu.memory_space<vmem>>
    %dma_wait3A_615 = arith.constant 0 : i32
    %dma_wait3A_616 = tpu.memref_slice %arg5[%dma_wait3A_615] : memref<200000xf32, #tpu.memory_space<hbm>> -> memref<200000xf32, #tpu.memory_space<hbm>>
    tpu.wait_indirect_dma semaphore(%arg20 : memref<!tpu.dma_semaphore, #tpu.memory_space<semaphore_mem>>) src(%dma_wait3A_616 : memref<200000xf32, #tpu.memory_space<hbm>>) dst(%dma_wait3A_612 : memref<64xf32, #tpu.memory_space<vmem>>)
    %parallel_loop3A_617 = arith.constant 0 : i32
    %parallel_loop3A_618 = arith.constant 64 : i32
    %parallel_loop3A_619 = arith.constant 16 : i32
    %parallel_loop3A_620 = arith.constant 2 : i32
    %parallel_loop3A_621 = arith.constant 2 : i32
    %parallel_loop3A_622 = arith.constant 2 : i32
    %parallel_loop3A_623 = arith.constant 2 : i32
    %parallel_loop3A_624 = arith.constant 0 : i32
    %parallel_loop3A_625 = scf.for %parallel_loop3A_671 = %parallel_loop3A_617 to %parallel_loop3A_618 step %parallel_loop3A_619 iter_args(%parallel_loop3A_672 = %parallel_loop3A_624) -> (i32)  : i32 {
      %parallel_loop3A_673 = vector.broadcast %parallel_loop3A_671 : i32 to vector<16xi32>
      %parallel_loop3A_674 = arith.addi %iota3A, %parallel_loop3A_673 : vector<16xi32>
      %parallel_loop3A_675 = arith.constant 0.000000e+00 : f32
      %parallel_loop3A_676 = vector.broadcast %parallel_loop3A_675 : f32 to vector<16xf32>
      %parallel_loop3A_677 = arith.constant 0.000000e+00 : f32
      %parallel_loop3A_678 = vector.broadcast %parallel_loop3A_677 : f32 to vector<16xf32>
      %parallel_loop3A_679 = arith.constant 0.000000e+00 : f32
      %parallel_loop3A_680 = vector.broadcast %parallel_loop3A_679 : f32 to vector<16xf32>
      %parallel_loop3A_681 = arith.constant 0.000000e+00 : f32
      %parallel_loop3A_682 = vector.broadcast %parallel_loop3A_681 : f32 to vector<16xf32>
      %parallel_loop3A_683 = arith.constant 0.000000e+00 : f32
      %parallel_loop3A_684 = vector.broadcast %parallel_loop3A_683 : f32 to vector<16xf32>
      %parallel_loop3A_685 = arith.constant 0.000000e+00 : f32
      %parallel_loop3A_686 = vector.broadcast %parallel_loop3A_685 : f32 to vector<16xf32>
      %parallel_loop3A_687 = arith.constant 0.000000e+00 : f32
      %parallel_loop3A_688 = vector.broadcast %parallel_loop3A_687 : f32 to vector<16xf32>
      %parallel_loop3A_689 = arith.constant 0.000000e+00 : f32
      %parallel_loop3A_690 = vector.broadcast %parallel_loop3A_689 : f32 to vector<16xf32>
      %parallel_loop3A_691 = arith.constant 0 : i32
      %parallel_loop3A_692 = arith.constant 8 : i32
      %parallel_loop3A_693 = arith.addi %parallel_loop3A_691, %parallel_loop3A_692 : i32
      %parallel_loop3A_694 = arith.constant 1 : i32
      %parallel_loop3A_695:9 = scf.for %scan3A_722 = %parallel_loop3A_691 to %parallel_loop3A_693 step %parallel_loop3A_694 iter_args(%scan3A_723 = %iota3A, %scan3A_724 = %parallel_loop3A_676, %scan3A_725 = %parallel_loop3A_678, %scan3A_726 = %parallel_loop3A_680, %scan3A_727 = %parallel_loop3A_682, %scan3A_728 = %parallel_loop3A_684, %scan3A_729 = %parallel_loop3A_686, %scan3A_730 = %parallel_loop3A_688, %scan3A_731 = %parallel_loop3A_690) -> (vector<16xi32>, vector<16xf32>, vector<16xf32>, vector<16xf32>, vector<16xf32>, vector<16xf32>, vector<16xf32>, vector<16xf32>, vector<16xf32>)  : i32 {
        %parallel_loop3A_732 = arith.constant 0 : i32
        %parallel_loop3A_733 = arith.constant 0 : i32
        %parallel_loop3A_734 = tpu.memref_slice %arg12[%parallel_loop3A_620, %parallel_loop3A_732, %parallel_loop3A_733] : memref<4x64x128xf32, #tpu.memory_space<vmem>> -> memref<1x64x128xf32, #tpu.memory_space<vmem>>
        %parallel_loop3A_735 = tpu.memref_squeeze %parallel_loop3A_734 : memref<1x64x128xf32, #tpu.memory_space<vmem>> -> memref<64x128xf32, #tpu.memory_space<vmem>>
        %parallel_loop3A_736 = tpu.vector_load_idx %parallel_loop3A_735[%parallel_loop3A_674, %scan3A_723] : memref<64x128xf32, #tpu.memory_space<vmem>>[vector<16xi32>, vector<16xi32>], vector<16xf32>,
        %parallel_loop3A_737 = arith.constant 0 : i32
        %parallel_loop3A_738 = arith.constant 0 : i32
        %parallel_loop3A_739 = tpu.memref_slice %arg13[%parallel_loop3A_621, %parallel_loop3A_737, %parallel_loop3A_738] : memref<4x64x128xf32, #tpu.memory_space<vmem>> -> memref<1x64x128xf32, #tpu.memory_space<vmem>>
        %parallel_loop3A_740 = tpu.memref_squeeze %parallel_loop3A_739 : memref<1x64x128xf32, #tpu.memory_space<vmem>> -> memref<64x128xf32, #tpu.memory_space<vmem>>
        %parallel_loop3A_741 = tpu.vector_load_idx %parallel_loop3A_740[%parallel_loop3A_674, %scan3A_723] : memref<64x128xf32, #tpu.memory_space<vmem>>[vector<16xi32>, vector<16xi32>], vector<16xf32>,
        %parallel_loop3A_742 = arith.mulf %parallel_loop3A_736, %parallel_loop3A_741 : vector<16xf32>
        %parallel_loop3A_743 = arith.addf %scan3A_724, %parallel_loop3A_742 : vector<16xf32>
        %parallel_loop3A_744 = arith.constant 1 : i32
        %parallel_loop3A_745 = vector.broadcast %parallel_loop3A_744 : i32 to vector<16xi32>
        %parallel_loop3A_746 = arith.addi %scan3A_723, %parallel_loop3A_745 : vector<16xi32>
        %parallel_loop3A_747 = arith.constant 127 : i32
        %parallel_loop3A_748 = vector.broadcast %parallel_loop3A_747 : i32 to vector<16xi32>
        %parallel_loop3A_749 = arith.andi %parallel_loop3A_746, %parallel_loop3A_748 : vector<16xi32>
        %parallel_loop3A_750 = arith.constant 0 : i32
        %parallel_loop3A_751 = arith.constant 0 : i32
        %parallel_loop3A_752 = tpu.memref_slice %arg12[%parallel_loop3A_620, %parallel_loop3A_750, %parallel_loop3A_751] : memref<4x64x128xf32, #tpu.memory_space<vmem>> -> memref<1x64x128xf32, #tpu.memory_space<vmem>>
        %parallel_loop3A_753 = tpu.memref_squeeze %parallel_loop3A_752 : memref<1x64x128xf32, #tpu.memory_space<vmem>> -> memref<64x128xf32, #tpu.memory_space<vmem>>
        %parallel_loop3A_754 = tpu.vector_load_idx %parallel_loop3A_753[%parallel_loop3A_674, %parallel_loop3A_749] : memref<64x128xf32, #tpu.memory_space<vmem>>[vector<16xi32>, vector<16xi32>], vector<16xf32>,
        %parallel_loop3A_755 = arith.constant 0 : i32
        %parallel_loop3A_756 = arith.constant 0 : i32
        %parallel_loop3A_757 = tpu.memref_slice %arg13[%parallel_loop3A_621, %parallel_loop3A_755, %parallel_loop3A_756] : memref<4x64x128xf32, #tpu.memory_space<vmem>> -> memref<1x64x128xf32, #tpu.memory_space<vmem>>
        %parallel_loop3A_758 = tpu.memref_squeeze %parallel_loop3A_757 : memref<1x64x128xf32, #tpu.memory_space<vmem>> -> memref<64x128xf32, #tpu.memory_space<vmem>>
        %parallel_loop3A_759 = tpu.vector_load_idx %parallel_loop3A_758[%parallel_loop3A_674, %parallel_loop3A_749] : memref<64x128xf32, #tpu.memory_space<vmem>>[vector<16xi32>, vector<16xi32>], vector<16xf32>,
        %parallel_loop3A_760 = arith.mulf %parallel_loop3A_754, %parallel_loop3A_759 : vector<16xf32>
        %parallel_loop3A_761 = arith.addf %scan3A_725, %parallel_loop3A_760 : vector<16xf32>
        %parallel_loop3A_762 = arith.constant 1 : i32
        %parallel_loop3A_763 = vector.broadcast %parallel_loop3A_762 : i32 to vector<16xi32>
        %parallel_loop3A_764 = arith.addi %parallel_loop3A_749, %parallel_loop3A_763 : vector<16xi32>
        %parallel_loop3A_765 = arith.constant 127 : i32
        %parallel_loop3A_766 = vector.broadcast %parallel_loop3A_765 : i32 to vector<16xi32>
        %parallel_loop3A_767 = arith.andi %parallel_loop3A_764, %parallel_loop3A_766 : vector<16xi32>
        %parallel_loop3A_768 = arith.constant 0 : i32
        %parallel_loop3A_769 = arith.constant 0 : i32
        %parallel_loop3A_770 = tpu.memref_slice %arg12[%parallel_loop3A_620, %parallel_loop3A_768, %parallel_loop3A_769] : memref<4x64x128xf32, #tpu.memory_space<vmem>> -> memref<1x64x128xf32, #tpu.memory_space<vmem>>
        %parallel_loop3A_771 = tpu.memref_squeeze %parallel_loop3A_770 : memref<1x64x128xf32, #tpu.memory_space<vmem>> -> memref<64x128xf32, #tpu.memory_space<vmem>>
        %parallel_loop3A_772 = tpu.vector_load_idx %parallel_loop3A_771[%parallel_loop3A_674, %parallel_loop3A_767] : memref<64x128xf32, #tpu.memory_space<vmem>>[vector<16xi32>, vector<16xi32>], vector<16xf32>,
        %parallel_loop3A_773 = arith.constant 0 : i32
        %parallel_loop3A_774 = arith.constant 0 : i32
        %parallel_loop3A_775 = tpu.memref_slice %arg13[%parallel_loop3A_621, %parallel_loop3A_773, %parallel_loop3A_774] : memref<4x64x128xf32, #tpu.memory_space<vmem>> -> memref<1x64x128xf32, #tpu.memory_space<vmem>>
        %parallel_loop3A_776 = tpu.memref_squeeze %parallel_loop3A_775 : memref<1x64x128xf32, #tpu.memory_space<vmem>> -> memref<64x128xf32, #tpu.memory_space<vmem>>
        %parallel_loop3A_777 = tpu.vector_load_idx %parallel_loop3A_776[%parallel_loop3A_674, %parallel_loop3A_767] : memref<64x128xf32, #tpu.memory_space<vmem>>[vector<16xi32>, vector<16xi32>], vector<16xf32>,
        %parallel_loop3A_778 = arith.mulf %parallel_loop3A_772, %parallel_loop3A_777 : vector<16xf32>
        %parallel_loop3A_779 = arith.addf %scan3A_726, %parallel_loop3A_778 : vector<16xf32>
        %parallel_loop3A_780 = arith.constant 1 : i32
        %parallel_loop3A_781 = vector.broadcast %parallel_loop3A_780 : i32 to vector<16xi32>
        %parallel_loop3A_782 = arith.addi %parallel_loop3A_767, %parallel_loop3A_781 : vector<16xi32>
        %parallel_loop3A_783 = arith.constant 127 : i32
        %parallel_loop3A_784 = vector.broadcast %parallel_loop3A_783 : i32 to vector<16xi32>
        %parallel_loop3A_785 = arith.andi %parallel_loop3A_782, %parallel_loop3A_784 : vector<16xi32>
        %parallel_loop3A_786 = arith.constant 0 : i32
        %parallel_loop3A_787 = arith.constant 0 : i32
        %parallel_loop3A_788 = tpu.memref_slice %arg12[%parallel_loop3A_620, %parallel_loop3A_786, %parallel_loop3A_787] : memref<4x64x128xf32, #tpu.memory_space<vmem>> -> memref<1x64x128xf32, #tpu.memory_space<vmem>>
        %parallel_loop3A_789 = tpu.memref_squeeze %parallel_loop3A_788 : memref<1x64x128xf32, #tpu.memory_space<vmem>> -> memref<64x128xf32, #tpu.memory_space<vmem>>
        %parallel_loop3A_790 = tpu.vector_load_idx %parallel_loop3A_789[%parallel_loop3A_674, %parallel_loop3A_785] : memref<64x128xf32, #tpu.memory_space<vmem>>[vector<16xi32>, vector<16xi32>], vector<16xf32>,
        %parallel_loop3A_791 = arith.constant 0 : i32
        %parallel_loop3A_792 = arith.constant 0 : i32
        %parallel_loop3A_793 = tpu.memref_slice %arg13[%parallel_loop3A_621, %parallel_loop3A_791, %parallel_loop3A_792] : memref<4x64x128xf32, #tpu.memory_space<vmem>> -> memref<1x64x128xf32, #tpu.memory_space<vmem>>
        %parallel_loop3A_794 = tpu.memref_squeeze %parallel_loop3A_793 : memref<1x64x128xf32, #tpu.memory_space<vmem>> -> memref<64x128xf32, #tpu.memory_space<vmem>>
        %parallel_loop3A_795 = tpu.vector_load_idx %parallel_loop3A_794[%parallel_loop3A_674, %parallel_loop3A_785] : memref<64x128xf32, #tpu.memory_space<vmem>>[vector<16xi32>, vector<16xi32>], vector<16xf32>,
        %parallel_loop3A_796 = arith.mulf %parallel_loop3A_790, %parallel_loop3A_795 : vector<16xf32>
        %parallel_loop3A_797 = arith.addf %scan3A_727, %parallel_loop3A_796 : vector<16xf32>
        %parallel_loop3A_798 = arith.constant 1 : i32
        %parallel_loop3A_799 = vector.broadcast %parallel_loop3A_798 : i32 to vector<16xi32>
        %parallel_loop3A_800 = arith.addi %parallel_loop3A_785, %parallel_loop3A_799 : vector<16xi32>
        %parallel_loop3A_801 = arith.constant 127 : i32
        %parallel_loop3A_802 = vector.broadcast %parallel_loop3A_801 : i32 to vector<16xi32>
        %parallel_loop3A_803 = arith.andi %parallel_loop3A_800, %parallel_loop3A_802 : vector<16xi32>
        %parallel_loop3A_804 = arith.constant 0 : i32
        %parallel_loop3A_805 = arith.constant 0 : i32
        %parallel_loop3A_806 = tpu.memref_slice %arg12[%parallel_loop3A_620, %parallel_loop3A_804, %parallel_loop3A_805] : memref<4x64x128xf32, #tpu.memory_space<vmem>> -> memref<1x64x128xf32, #tpu.memory_space<vmem>>
        %parallel_loop3A_807 = tpu.memref_squeeze %parallel_loop3A_806 : memref<1x64x128xf32, #tpu.memory_space<vmem>> -> memref<64x128xf32, #tpu.memory_space<vmem>>
        %parallel_loop3A_808 = tpu.vector_load_idx %parallel_loop3A_807[%parallel_loop3A_674, %parallel_loop3A_803] : memref<64x128xf32, #tpu.memory_space<vmem>>[vector<16xi32>, vector<16xi32>], vector<16xf32>,
        %parallel_loop3A_809 = arith.constant 0 : i32
        %parallel_loop3A_810 = arith.constant 0 : i32
        %parallel_loop3A_811 = tpu.memref_slice %arg13[%parallel_loop3A_621, %parallel_loop3A_809, %parallel_loop3A_810] : memref<4x64x128xf32, #tpu.memory_space<vmem>> -> memref<1x64x128xf32, #tpu.memory_space<vmem>>
        %parallel_loop3A_812 = tpu.memref_squeeze %parallel_loop3A_811 : memref<1x64x128xf32, #tpu.memory_space<vmem>> -> memref<64x128xf32, #tpu.memory_space<vmem>>
        %parallel_loop3A_813 = tpu.vector_load_idx %parallel_loop3A_812[%parallel_loop3A_674, %parallel_loop3A_803] : memref<64x128xf32, #tpu.memory_space<vmem>>[vector<16xi32>, vector<16xi32>], vector<16xf32>,
        %parallel_loop3A_814 = arith.mulf %parallel_loop3A_808, %parallel_loop3A_813 : vector<16xf32>
        %parallel_loop3A_815 = arith.addf %scan3A_728, %parallel_loop3A_814 : vector<16xf32>
        %parallel_loop3A_816 = arith.constant 1 : i32
        %parallel_loop3A_817 = vector.broadcast %parallel_loop3A_816 : i32 to vector<16xi32>
        %parallel_loop3A_818 = arith.addi %parallel_loop3A_803, %parallel_loop3A_817 : vector<16xi32>
        %parallel_loop3A_819 = arith.constant 127 : i32
        %parallel_loop3A_820 = vector.broadcast %parallel_loop3A_819 : i32 to vector<16xi32>
        %parallel_loop3A_821 = arith.andi %parallel_loop3A_818, %parallel_loop3A_820 : vector<16xi32>
        %parallel_loop3A_822 = arith.constant 0 : i32
        %parallel_loop3A_823 = arith.constant 0 : i32
        %parallel_loop3A_824 = tpu.memref_slice %arg12[%parallel_loop3A_620, %parallel_loop3A_822, %parallel_loop3A_823] : memref<4x64x128xf32, #tpu.memory_space<vmem>> -> memref<1x64x128xf32, #tpu.memory_space<vmem>>
        %parallel_loop3A_825 = tpu.memref_squeeze %parallel_loop3A_824 : memref<1x64x128xf32, #tpu.memory_space<vmem>> -> memref<64x128xf32, #tpu.memory_space<vmem>>
        %parallel_loop3A_826 = tpu.vector_load_idx %parallel_loop3A_825[%parallel_loop3A_674, %parallel_loop3A_821] : memref<64x128xf32, #tpu.memory_space<vmem>>[vector<16xi32>, vector<16xi32>], vector<16xf32>,
        %parallel_loop3A_827 = arith.constant 0 : i32
        %parallel_loop3A_828 = arith.constant 0 : i32
        %parallel_loop3A_829 = tpu.memref_slice %arg13[%parallel_loop3A_621, %parallel_loop3A_827, %parallel_loop3A_828] : memref<4x64x128xf32, #tpu.memory_space<vmem>> -> memref<1x64x128xf32, #tpu.memory_space<vmem>>
        %parallel_loop3A_830 = tpu.memref_squeeze %parallel_loop3A_829 : memref<1x64x128xf32, #tpu.memory_space<vmem>> -> memref<64x128xf32, #tpu.memory_space<vmem>>
        %parallel_loop3A_831 = tpu.vector_load_idx %parallel_loop3A_830[%parallel_loop3A_674, %parallel_loop3A_821] : memref<64x128xf32, #tpu.memory_space<vmem>>[vector<16xi32>, vector<16xi32>], vector<16xf32>,
        %parallel_loop3A_832 = arith.mulf %parallel_loop3A_826, %parallel_loop3A_831 : vector<16xf32>
        %parallel_loop3A_833 = arith.addf %scan3A_729, %parallel_loop3A_832 : vector<16xf32>
        %parallel_loop3A_834 = arith.constant 1 : i32
        %parallel_loop3A_835 = vector.broadcast %parallel_loop3A_834 : i32 to vector<16xi32>
        %parallel_loop3A_836 = arith.addi %parallel_loop3A_821, %parallel_loop3A_835 : vector<16xi32>
        %parallel_loop3A_837 = arith.constant 127 : i32
        %parallel_loop3A_838 = vector.broadcast %parallel_loop3A_837 : i32 to vector<16xi32>
        %parallel_loop3A_839 = arith.andi %parallel_loop3A_836, %parallel_loop3A_838 : vector<16xi32>
        %parallel_loop3A_840 = arith.constant 0 : i32
        %parallel_loop3A_841 = arith.constant 0 : i32
        %parallel_loop3A_842 = tpu.memref_slice %arg12[%parallel_loop3A_620, %parallel_loop3A_840, %parallel_loop3A_841] : memref<4x64x128xf32, #tpu.memory_space<vmem>> -> memref<1x64x128xf32, #tpu.memory_space<vmem>>
        %parallel_loop3A_843 = tpu.memref_squeeze %parallel_loop3A_842 : memref<1x64x128xf32, #tpu.memory_space<vmem>> -> memref<64x128xf32, #tpu.memory_space<vmem>>
        %parallel_loop3A_844 = tpu.vector_load_idx %parallel_loop3A_843[%parallel_loop3A_674, %parallel_loop3A_839] : memref<64x128xf32, #tpu.memory_space<vmem>>[vector<16xi32>, vector<16xi32>], vector<16xf32>,
        %parallel_loop3A_845 = arith.constant 0 : i32
        %parallel_loop3A_846 = arith.constant 0 : i32
        %parallel_loop3A_847 = tpu.memref_slice %arg13[%parallel_loop3A_621, %parallel_loop3A_845, %parallel_loop3A_846] : memref<4x64x128xf32, #tpu.memory_space<vmem>> -> memref<1x64x128xf32, #tpu.memory_space<vmem>>
        %parallel_loop3A_848 = tpu.memref_squeeze %parallel_loop3A_847 : memref<1x64x128xf32, #tpu.memory_space<vmem>> -> memref<64x128xf32, #tpu.memory_space<vmem>>
        %parallel_loop3A_849 = tpu.vector_load_idx %parallel_loop3A_848[%parallel_loop3A_674, %parallel_loop3A_839] : memref<64x128xf32, #tpu.memory_space<vmem>>[vector<16xi32>, vector<16xi32>], vector<16xf32>,
        %parallel_loop3A_850 = arith.mulf %parallel_loop3A_844, %parallel_loop3A_849 : vector<16xf32>
        %parallel_loop3A_851 = arith.addf %scan3A_730, %parallel_loop3A_850 : vector<16xf32>
        %parallel_loop3A_852 = arith.constant 1 : i32
        %parallel_loop3A_853 = vector.broadcast %parallel_loop3A_852 : i32 to vector<16xi32>
        %parallel_loop3A_854 = arith.addi %parallel_loop3A_839, %parallel_loop3A_853 : vector<16xi32>
        %parallel_loop3A_855 = arith.constant 127 : i32
        %parallel_loop3A_856 = vector.broadcast %parallel_loop3A_855 : i32 to vector<16xi32>
        %parallel_loop3A_857 = arith.andi %parallel_loop3A_854, %parallel_loop3A_856 : vector<16xi32>
        %parallel_loop3A_858 = arith.constant 0 : i32
        %parallel_loop3A_859 = arith.constant 0 : i32
        %parallel_loop3A_860 = tpu.memref_slice %arg12[%parallel_loop3A_620, %parallel_loop3A_858, %parallel_loop3A_859] : memref<4x64x128xf32, #tpu.memory_space<vmem>> -> memref<1x64x128xf32, #tpu.memory_space<vmem>>
        %parallel_loop3A_861 = tpu.memref_squeeze %parallel_loop3A_860 : memref<1x64x128xf32, #tpu.memory_space<vmem>> -> memref<64x128xf32, #tpu.memory_space<vmem>>
        %parallel_loop3A_862 = tpu.vector_load_idx %parallel_loop3A_861[%parallel_loop3A_674, %parallel_loop3A_857] : memref<64x128xf32, #tpu.memory_space<vmem>>[vector<16xi32>, vector<16xi32>], vector<16xf32>,
        %parallel_loop3A_863 = arith.constant 0 : i32
        %parallel_loop3A_864 = arith.constant 0 : i32
        %parallel_loop3A_865 = tpu.memref_slice %arg13[%parallel_loop3A_621, %parallel_loop3A_863, %parallel_loop3A_864] : memref<4x64x128xf32, #tpu.memory_space<vmem>> -> memref<1x64x128xf32, #tpu.memory_space<vmem>>
        %parallel_loop3A_866 = tpu.memref_squeeze %parallel_loop3A_865 : memref<1x64x128xf32, #tpu.memory_space<vmem>> -> memref<64x128xf32, #tpu.memory_space<vmem>>
        %parallel_loop3A_867 = tpu.vector_load_idx %parallel_loop3A_866[%parallel_loop3A_674, %parallel_loop3A_857] : memref<64x128xf32, #tpu.memory_space<vmem>>[vector<16xi32>, vector<16xi32>], vector<16xf32>,
        %parallel_loop3A_868 = arith.mulf %parallel_loop3A_862, %parallel_loop3A_867 : vector<16xf32>
        %parallel_loop3A_869 = arith.addf %scan3A_731, %parallel_loop3A_868 : vector<16xf32>
        %parallel_loop3A_870 = arith.constant 1 : i32
        %parallel_loop3A_871 = vector.broadcast %parallel_loop3A_870 : i32 to vector<16xi32>
        %parallel_loop3A_872 = arith.addi %parallel_loop3A_857, %parallel_loop3A_871 : vector<16xi32>
        %parallel_loop3A_873 = arith.constant 127 : i32
        %parallel_loop3A_874 = vector.broadcast %parallel_loop3A_873 : i32 to vector<16xi32>
        %parallel_loop3A_875 = arith.andi %parallel_loop3A_872, %parallel_loop3A_874 : vector<16xi32>
        %parallel_loop3A_876 = arith.constant 0 : i32
        %parallel_loop3A_877 = arith.constant 0 : i32
        %parallel_loop3A_878 = tpu.memref_slice %arg12[%parallel_loop3A_620, %parallel_loop3A_876, %parallel_loop3A_877] : memref<4x64x128xf32, #tpu.memory_space<vmem>> -> memref<1x64x128xf32, #tpu.memory_space<vmem>>
        %parallel_loop3A_879 = tpu.memref_squeeze %parallel_loop3A_878 : memref<1x64x128xf32, #tpu.memory_space<vmem>> -> memref<64x128xf32, #tpu.memory_space<vmem>>
        %parallel_loop3A_880 = tpu.vector_load_idx %parallel_loop3A_879[%parallel_loop3A_674, %parallel_loop3A_875] : memref<64x128xf32, #tpu.memory_space<vmem>>[vector<16xi32>, vector<16xi32>], vector<16xf32>,
        %parallel_loop3A_881 = arith.constant 0 : i32
        %parallel_loop3A_882 = arith.constant 0 : i32
        %parallel_loop3A_883 = tpu.memref_slice %arg13[%parallel_loop3A_621, %parallel_loop3A_881, %parallel_loop3A_882] : memref<4x64x128xf32, #tpu.memory_space<vmem>> -> memref<1x64x128xf32, #tpu.memory_space<vmem>>
        %parallel_loop3A_884 = tpu.memref_squeeze %parallel_loop3A_883 : memref<1x64x128xf32, #tpu.memory_space<vmem>> -> memref<64x128xf32, #tpu.memory_space<vmem>>
        %parallel_loop3A_885 = tpu.vector_load_idx %parallel_loop3A_884[%parallel_loop3A_674, %parallel_loop3A_875] : memref<64x128xf32, #tpu.memory_space<vmem>>[vector<16xi32>, vector<16xi32>], vector<16xf32>,
        %parallel_loop3A_886 = arith.mulf %parallel_loop3A_880, %parallel_loop3A_885 : vector<16xf32>
        %parallel_loop3A_887 = arith.addf %parallel_loop3A_743, %parallel_loop3A_886 : vector<16xf32>
        %parallel_loop3A_888 = arith.constant 1 : i32
        %parallel_loop3A_889 = vector.broadcast %parallel_loop3A_888 : i32 to vector<16xi32>
        %parallel_loop3A_890 = arith.addi %parallel_loop3A_875, %parallel_loop3A_889 : vector<16xi32>
        %parallel_loop3A_891 = arith.constant 127 : i32
        %parallel_loop3A_892 = vector.broadcast %parallel_loop3A_891 : i32 to vector<16xi32>
        %parallel_loop3A_893 = arith.andi %parallel_loop3A_890, %parallel_loop3A_892 : vector<16xi32>
        %parallel_loop3A_894 = arith.constant 0 : i32
        %parallel_loop3A_895 = arith.constant 0 : i32
        %parallel_loop3A_896 = tpu.memref_slice %arg12[%parallel_loop3A_620, %parallel_loop3A_894, %parallel_loop3A_895] : memref<4x64x128xf32, #tpu.memory_space<vmem>> -> memref<1x64x128xf32, #tpu.memory_space<vmem>>
        %parallel_loop3A_897 = tpu.memref_squeeze %parallel_loop3A_896 : memref<1x64x128xf32, #tpu.memory_space<vmem>> -> memref<64x128xf32, #tpu.memory_space<vmem>>
        %parallel_loop3A_898 = tpu.vector_load_idx %parallel_loop3A_897[%parallel_loop3A_674, %parallel_loop3A_893] : memref<64x128xf32, #tpu.memory_space<vmem>>[vector<16xi32>, vector<16xi32>], vector<16xf32>,
        %parallel_loop3A_899 = arith.constant 0 : i32
        %parallel_loop3A_900 = arith.constant 0 : i32
        %parallel_loop3A_901 = tpu.memref_slice %arg13[%parallel_loop3A_621, %parallel_loop3A_899, %parallel_loop3A_900] : memref<4x64x128xf32, #tpu.memory_space<vmem>> -> memref<1x64x128xf32, #tpu.memory_space<vmem>>
        %parallel_loop3A_902 = tpu.memref_squeeze %parallel_loop3A_901 : memref<1x64x128xf32, #tpu.memory_space<vmem>> -> memref<64x128xf32, #tpu.memory_space<vmem>>
        %parallel_loop3A_903 = tpu.vector_load_idx %parallel_loop3A_902[%parallel_loop3A_674, %parallel_loop3A_893] : memref<64x128xf32, #tpu.memory_space<vmem>>[vector<16xi32>, vector<16xi32>], vector<16xf32>,
        %parallel_loop3A_904 = arith.mulf %parallel_loop3A_898, %parallel_loop3A_903 : vector<16xf32>
        %parallel_loop3A_905 = arith.addf %parallel_loop3A_761, %parallel_loop3A_904 : vector<16xf32>
        %parallel_loop3A_906 = arith.constant 1 : i32
        %parallel_loop3A_907 = vector.broadcast %parallel_loop3A_906 : i32 to vector<16xi32>
        %parallel_loop3A_908 = arith.addi %parallel_loop3A_893, %parallel_loop3A_907 : vector<16xi32>
        %parallel_loop3A_909 = arith.constant 127 : i32
        %parallel_loop3A_910 = vector.broadcast %parallel_loop3A_909 : i32 to vector<16xi32>
        %parallel_loop3A_911 = arith.andi %parallel_loop3A_908, %parallel_loop3A_910 : vector<16xi32>
        %parallel_loop3A_912 = arith.constant 0 : i32
        %parallel_loop3A_913 = arith.constant 0 : i32
        %parallel_loop3A_914 = tpu.memref_slice %arg12[%parallel_loop3A_620, %parallel_loop3A_912, %parallel_loop3A_913] : memref<4x64x128xf32, #tpu.memory_space<vmem>> -> memref<1x64x128xf32, #tpu.memory_space<vmem>>
        %parallel_loop3A_915 = tpu.memref_squeeze %parallel_loop3A_914 : memref<1x64x128xf32, #tpu.memory_space<vmem>> -> memref<64x128xf32, #tpu.memory_space<vmem>>
        %parallel_loop3A_916 = tpu.vector_load_idx %parallel_loop3A_915[%parallel_loop3A_674, %parallel_loop3A_911] : memref<64x128xf32, #tpu.memory_space<vmem>>[vector<16xi32>, vector<16xi32>], vector<16xf32>,
        %parallel_loop3A_917 = arith.constant 0 : i32
        %parallel_loop3A_918 = arith.constant 0 : i32
        %parallel_loop3A_919 = tpu.memref_slice %arg13[%parallel_loop3A_621, %parallel_loop3A_917, %parallel_loop3A_918] : memref<4x64x128xf32, #tpu.memory_space<vmem>> -> memref<1x64x128xf32, #tpu.memory_space<vmem>>
        %parallel_loop3A_920 = tpu.memref_squeeze %parallel_loop3A_919 : memref<1x64x128xf32, #tpu.memory_space<vmem>> -> memref<64x128xf32, #tpu.memory_space<vmem>>
        %parallel_loop3A_921 = tpu.vector_load_idx %parallel_loop3A_920[%parallel_loop3A_674, %parallel_loop3A_911] : memref<64x128xf32, #tpu.memory_space<vmem>>[vector<16xi32>, vector<16xi32>], vector<16xf32>,
        %parallel_loop3A_922 = arith.mulf %parallel_loop3A_916, %parallel_loop3A_921 : vector<16xf32>
        %parallel_loop3A_923 = arith.addf %parallel_loop3A_779, %parallel_loop3A_922 : vector<16xf32>
        %parallel_loop3A_924 = arith.constant 1 : i32
        %parallel_loop3A_925 = vector.broadcast %parallel_loop3A_924 : i32 to vector<16xi32>
        %parallel_loop3A_926 = arith.addi %parallel_loop3A_911, %parallel_loop3A_925 : vector<16xi32>
        %parallel_loop3A_927 = arith.constant 127 : i32
        %parallel_loop3A_928 = vector.broadcast %parallel_loop3A_927 : i32 to vector<16xi32>
        %parallel_loop3A_929 = arith.andi %parallel_loop3A_926, %parallel_loop3A_928 : vector<16xi32>
        %parallel_loop3A_930 = arith.constant 0 : i32
        %parallel_loop3A_931 = arith.constant 0 : i32
        %parallel_loop3A_932 = tpu.memref_slice %arg12[%parallel_loop3A_620, %parallel_loop3A_930, %parallel_loop3A_931] : memref<4x64x128xf32, #tpu.memory_space<vmem>> -> memref<1x64x128xf32, #tpu.memory_space<vmem>>
        %parallel_loop3A_933 = tpu.memref_squeeze %parallel_loop3A_932 : memref<1x64x128xf32, #tpu.memory_space<vmem>> -> memref<64x128xf32, #tpu.memory_space<vmem>>
        %parallel_loop3A_934 = tpu.vector_load_idx %parallel_loop3A_933[%parallel_loop3A_674, %parallel_loop3A_929] : memref<64x128xf32, #tpu.memory_space<vmem>>[vector<16xi32>, vector<16xi32>], vector<16xf32>,
        %parallel_loop3A_935 = arith.constant 0 : i32
        %parallel_loop3A_936 = arith.constant 0 : i32
        %parallel_loop3A_937 = tpu.memref_slice %arg13[%parallel_loop3A_621, %parallel_loop3A_935, %parallel_loop3A_936] : memref<4x64x128xf32, #tpu.memory_space<vmem>> -> memref<1x64x128xf32, #tpu.memory_space<vmem>>
        %parallel_loop3A_938 = tpu.memref_squeeze %parallel_loop3A_937 : memref<1x64x128xf32, #tpu.memory_space<vmem>> -> memref<64x128xf32, #tpu.memory_space<vmem>>
        %parallel_loop3A_939 = tpu.vector_load_idx %parallel_loop3A_938[%parallel_loop3A_674, %parallel_loop3A_929] : memref<64x128xf32, #tpu.memory_space<vmem>>[vector<16xi32>, vector<16xi32>], vector<16xf32>,
        %parallel_loop3A_940 = arith.mulf %parallel_loop3A_934, %parallel_loop3A_939 : vector<16xf32>
        %parallel_loop3A_941 = arith.addf %parallel_loop3A_797, %parallel_loop3A_940 : vector<16xf32>
        %parallel_loop3A_942 = arith.constant 1 : i32
        %parallel_loop3A_943 = vector.broadcast %parallel_loop3A_942 : i32 to vector<16xi32>
        %parallel_loop3A_944 = arith.addi %parallel_loop3A_929, %parallel_loop3A_943 : vector<16xi32>
        %parallel_loop3A_945 = arith.constant 127 : i32
        %parallel_loop3A_946 = vector.broadcast %parallel_loop3A_945 : i32 to vector<16xi32>
        %parallel_loop3A_947 = arith.andi %parallel_loop3A_944, %parallel_loop3A_946 : vector<16xi32>
        %parallel_loop3A_948 = arith.constant 0 : i32
        %parallel_loop3A_949 = arith.constant 0 : i32
        %parallel_loop3A_950 = tpu.memref_slice %arg12[%parallel_loop3A_620, %parallel_loop3A_948, %parallel_loop3A_949] : memref<4x64x128xf32, #tpu.memory_space<vmem>> -> memref<1x64x128xf32, #tpu.memory_space<vmem>>
        %parallel_loop3A_951 = tpu.memref_squeeze %parallel_loop3A_950 : memref<1x64x128xf32, #tpu.memory_space<vmem>> -> memref<64x128xf32, #tpu.memory_space<vmem>>
        %parallel_loop3A_952 = tpu.vector_load_idx %parallel_loop3A_951[%parallel_loop3A_674, %parallel_loop3A_947] : memref<64x128xf32, #tpu.memory_space<vmem>>[vector<16xi32>, vector<16xi32>], vector<16xf32>,
        %parallel_loop3A_953 = arith.constant 0 : i32
        %parallel_loop3A_954 = arith.constant 0 : i32
        %parallel_loop3A_955 = tpu.memref_slice %arg13[%parallel_loop3A_621, %parallel_loop3A_953, %parallel_loop3A_954] : memref<4x64x128xf32, #tpu.memory_space<vmem>> -> memref<1x64x128xf32, #tpu.memory_space<vmem>>
        %parallel_loop3A_956 = tpu.memref_squeeze %parallel_loop3A_955 : memref<1x64x128xf32, #tpu.memory_space<vmem>> -> memref<64x128xf32, #tpu.memory_space<vmem>>
        %parallel_loop3A_957 = tpu.vector_load_idx %parallel_loop3A_956[%parallel_loop3A_674, %parallel_loop3A_947] : memref<64x128xf32, #tpu.memory_space<vmem>>[vector<16xi32>, vector<16xi32>], vector<16xf32>,
        %parallel_loop3A_958 = arith.mulf %parallel_loop3A_952, %parallel_loop3A_957 : vector<16xf32>
        %parallel_loop3A_959 = arith.addf %parallel_loop3A_815, %parallel_loop3A_958 : vector<16xf32>
        %parallel_loop3A_960 = arith.constant 1 : i32
        %parallel_loop3A_961 = vector.broadcast %parallel_loop3A_960 : i32 to vector<16xi32>
        %parallel_loop3A_962 = arith.addi %parallel_loop3A_947, %parallel_loop3A_961 : vector<16xi32>
        %parallel_loop3A_963 = arith.constant 127 : i32
        %parallel_loop3A_964 = vector.broadcast %parallel_loop3A_963 : i32 to vector<16xi32>
        %parallel_loop3A_965 = arith.andi %parallel_loop3A_962, %parallel_loop3A_964 : vector<16xi32>
        %parallel_loop3A_966 = arith.constant 0 : i32
        %parallel_loop3A_967 = arith.constant 0 : i32
        %parallel_loop3A_968 = tpu.memref_slice %arg12[%parallel_loop3A_620, %parallel_loop3A_966, %parallel_loop3A_967] : memref<4x64x128xf32, #tpu.memory_space<vmem>> -> memref<1x64x128xf32, #tpu.memory_space<vmem>>
        %parallel_loop3A_969 = tpu.memref_squeeze %parallel_loop3A_968 : memref<1x64x128xf32, #tpu.memory_space<vmem>> -> memref<64x128xf32, #tpu.memory_space<vmem>>
        %parallel_loop3A_970 = tpu.vector_load_idx %parallel_loop3A_969[%parallel_loop3A_674, %parallel_loop3A_965] : memref<64x128xf32, #tpu.memory_space<vmem>>[vector<16xi32>, vector<16xi32>], vector<16xf32>,
        %parallel_loop3A_971 = arith.constant 0 : i32
        %parallel_loop3A_972 = arith.constant 0 : i32
        %parallel_loop3A_973 = tpu.memref_slice %arg13[%parallel_loop3A_621, %parallel_loop3A_971, %parallel_loop3A_972] : memref<4x64x128xf32, #tpu.memory_space<vmem>> -> memref<1x64x128xf32, #tpu.memory_space<vmem>>
        %parallel_loop3A_974 = tpu.memref_squeeze %parallel_loop3A_973 : memref<1x64x128xf32, #tpu.memory_space<vmem>> -> memref<64x128xf32, #tpu.memory_space<vmem>>
        %parallel_loop3A_975 = tpu.vector_load_idx %parallel_loop3A_974[%parallel_loop3A_674, %parallel_loop3A_965] : memref<64x128xf32, #tpu.memory_space<vmem>>[vector<16xi32>, vector<16xi32>], vector<16xf32>,
        %parallel_loop3A_976 = arith.mulf %parallel_loop3A_970, %parallel_loop3A_975 : vector<16xf32>
        %parallel_loop3A_977 = arith.addf %parallel_loop3A_833, %parallel_loop3A_976 : vector<16xf32>
        %parallel_loop3A_978 = arith.constant 1 : i32
        %parallel_loop3A_979 = vector.broadcast %parallel_loop3A_978 : i32 to vector<16xi32>
        %parallel_loop3A_980 = arith.addi %parallel_loop3A_965, %parallel_loop3A_979 : vector<16xi32>
        %parallel_loop3A_981 = arith.constant 127 : i32
        %parallel_loop3A_982 = vector.broadcast %parallel_loop3A_981 : i32 to vector<16xi32>
        %parallel_loop3A_983 = arith.andi %parallel_loop3A_980, %parallel_loop3A_982 : vector<16xi32>
        %parallel_loop3A_984 = arith.constant 0 : i32
        %parallel_loop3A_985 = arith.constant 0 : i32
        %parallel_loop3A_986 = tpu.memref_slice %arg12[%parallel_loop3A_620, %parallel_loop3A_984, %parallel_loop3A_985] : memref<4x64x128xf32, #tpu.memory_space<vmem>> -> memref<1x64x128xf32, #tpu.memory_space<vmem>>
        %parallel_loop3A_987 = tpu.memref_squeeze %parallel_loop3A_986 : memref<1x64x128xf32, #tpu.memory_space<vmem>> -> memref<64x128xf32, #tpu.memory_space<vmem>>
        %parallel_loop3A_988 = tpu.vector_load_idx %parallel_loop3A_987[%parallel_loop3A_674, %parallel_loop3A_983] : memref<64x128xf32, #tpu.memory_space<vmem>>[vector<16xi32>, vector<16xi32>], vector<16xf32>,
        %parallel_loop3A_989 = arith.constant 0 : i32
        %parallel_loop3A_990 = arith.constant 0 : i32
        %parallel_loop3A_991 = tpu.memref_slice %arg13[%parallel_loop3A_621, %parallel_loop3A_989, %parallel_loop3A_990] : memref<4x64x128xf32, #tpu.memory_space<vmem>> -> memref<1x64x128xf32, #tpu.memory_space<vmem>>
        %parallel_loop3A_992 = tpu.memref_squeeze %parallel_loop3A_991 : memref<1x64x128xf32, #tpu.memory_space<vmem>> -> memref<64x128xf32, #tpu.memory_space<vmem>>
        %parallel_loop3A_993 = tpu.vector_load_idx %parallel_loop3A_992[%parallel_loop3A_674, %parallel_loop3A_983] : memref<64x128xf32, #tpu.memory_space<vmem>>[vector<16xi32>, vector<16xi32>], vector<16xf32>,
        %parallel_loop3A_994 = arith.mulf %parallel_loop3A_988, %parallel_loop3A_993 : vector<16xf32>
        %parallel_loop3A_995 = arith.addf %parallel_loop3A_851, %parallel_loop3A_994 : vector<16xf32>
        %parallel_loop3A_996 = arith.constant 1 : i32
        %parallel_loop3A_997 = vector.broadcast %parallel_loop3A_996 : i32 to vector<16xi32>
        %parallel_loop3A_998 = arith.addi %parallel_loop3A_983, %parallel_loop3A_997 : vector<16xi32>
        %parallel_loop3A_999 = arith.constant 127 : i32
        %parallel_loop3A_1000 = vector.broadcast %parallel_loop3A_999 : i32 to vector<16xi32>
        %parallel_loop3A_1001 = arith.andi %parallel_loop3A_998, %parallel_loop3A_1000 : vector<16xi32>
        %parallel_loop3A_1002 = arith.constant 0 : i32
        %parallel_loop3A_1003 = arith.constant 0 : i32
        %parallel_loop3A_1004 = tpu.memref_slice %arg12[%parallel_loop3A_620, %parallel_loop3A_1002, %parallel_loop3A_1003] : memref<4x64x128xf32, #tpu.memory_space<vmem>> -> memref<1x64x128xf32, #tpu.memory_space<vmem>>
        %parallel_loop3A_1005 = tpu.memref_squeeze %parallel_loop3A_1004 : memref<1x64x128xf32, #tpu.memory_space<vmem>> -> memref<64x128xf32, #tpu.memory_space<vmem>>
        %parallel_loop3A_1006 = tpu.vector_load_idx %parallel_loop3A_1005[%parallel_loop3A_674, %parallel_loop3A_1001] : memref<64x128xf32, #tpu.memory_space<vmem>>[vector<16xi32>, vector<16xi32>], vector<16xf32>,
        %parallel_loop3A_1007 = arith.constant 0 : i32
        %parallel_loop3A_1008 = arith.constant 0 : i32
        %parallel_loop3A_1009 = tpu.memref_slice %arg13[%parallel_loop3A_621, %parallel_loop3A_1007, %parallel_loop3A_1008] : memref<4x64x128xf32, #tpu.memory_space<vmem>> -> memref<1x64x128xf32, #tpu.memory_space<vmem>>
        %parallel_loop3A_1010 = tpu.memref_squeeze %parallel_loop3A_1009 : memref<1x64x128xf32, #tpu.memory_space<vmem>> -> memref<64x128xf32, #tpu.memory_space<vmem>>
        %parallel_loop3A_1011 = tpu.vector_load_idx %parallel_loop3A_1010[%parallel_loop3A_674, %parallel_loop3A_1001] : memref<64x128xf32, #tpu.memory_space<vmem>>[vector<16xi32>, vector<16xi32>], vector<16xf32>,
        %parallel_loop3A_1012 = arith.mulf %parallel_loop3A_1006, %parallel_loop3A_1011 : vector<16xf32>
        %parallel_loop3A_1013 = arith.addf %parallel_loop3A_869, %parallel_loop3A_1012 : vector<16xf32>
        %parallel_loop3A_1014 = arith.constant 1 : i32
        %parallel_loop3A_1015 = vector.broadcast %parallel_loop3A_1014 : i32 to vector<16xi32>
        %parallel_loop3A_1016 = arith.addi %parallel_loop3A_1001, %parallel_loop3A_1015 : vector<16xi32>
        %parallel_loop3A_1017 = arith.constant 127 : i32
        %parallel_loop3A_1018 = vector.broadcast %parallel_loop3A_1017 : i32 to vector<16xi32>
        %parallel_loop3A_1019 = arith.andi %parallel_loop3A_1016, %parallel_loop3A_1018 : vector<16xi32>
        scf.yield %parallel_loop3A_1019, %parallel_loop3A_887, %parallel_loop3A_905, %parallel_loop3A_923, %parallel_loop3A_941, %parallel_loop3A_959, %parallel_loop3A_977, %parallel_loop3A_995, %parallel_loop3A_1013 : vector<16xi32>, vector<16xf32>, vector<16xf32>, vector<16xf32>, vector<16xf32>, vector<16xf32>, vector<16xf32>, vector<16xf32>, vector<16xf32>
      }
      %parallel_loop3A_696 = arith.constant 8 : i32
      %parallel_loop3A_697 = arith.addf %parallel_loop3A_695#1, %parallel_loop3A_695#2 : vector<16xf32>
      %parallel_loop3A_698 = arith.addf %parallel_loop3A_695#3, %parallel_loop3A_695#4 : vector<16xf32>
      %parallel_loop3A_699 = arith.addf %parallel_loop3A_697, %parallel_loop3A_698 : vector<16xf32>
      %parallel_loop3A_700 = arith.addf %parallel_loop3A_695#5, %parallel_loop3A_695#6 : vector<16xf32>
      %parallel_loop3A_701 = arith.addf %parallel_loop3A_695#7, %parallel_loop3A_695#8 : vector<16xf32>
      %parallel_loop3A_702 = arith.addf %parallel_loop3A_700, %parallel_loop3A_701 : vector<16xf32>
      %parallel_loop3A_703 = arith.constant 0 : i32
      %parallel_loop3A_704 = tpu.memref_slice %arg14[%parallel_loop3A_622, %parallel_loop3A_703] : memref<4x64xf32, #tpu.memory_space<vmem>> -> memref<1x64xf32, #tpu.memory_space<vmem>>
      %parallel_loop3A_705 = tpu.memref_squeeze %parallel_loop3A_704 : memref<1x64xf32, #tpu.memory_space<vmem>> -> memref<64xf32, #tpu.memory_space<vmem>>
      %parallel_loop3A_706 = arith.index_cast %parallel_loop3A_671 : i32 to index
      %parallel_loop3A_707 = tpu.vector_load %parallel_loop3A_705[%parallel_loop3A_706] {strides = array<i32>} : memref<64xf32, #tpu.memory_space<vmem>>, vector<16xf32>,
      %parallel_loop3A_708 = arith.constant 0 : i32
      %parallel_loop3A_709 = tpu.memref_slice %arg15[%parallel_loop3A_623, %parallel_loop3A_708] : memref<4x64xf32, #tpu.memory_space<vmem>> -> memref<1x64xf32, #tpu.memory_space<vmem>>
      %parallel_loop3A_710 = tpu.memref_squeeze %parallel_loop3A_709 : memref<1x64xf32, #tpu.memory_space<vmem>> -> memref<64xf32, #tpu.memory_space<vmem>>
      %parallel_loop3A_711 = arith.index_cast %parallel_loop3A_671 : i32 to index
      %parallel_loop3A_712 = tpu.vector_load %parallel_loop3A_710[%parallel_loop3A_711] {strides = array<i32>} : memref<64xf32, #tpu.memory_space<vmem>>, vector<16xf32>,
      %parallel_loop3A_713 = arith.addf %parallel_loop3A_707, %parallel_loop3A_712 : vector<16xf32>
      %parallel_loop3A_714 = vector.broadcast %squeeze3A : f32 to vector<16xf32>
      %parallel_loop3A_715 = arith.addf %parallel_loop3A_713, %parallel_loop3A_714 : vector<16xf32>
      %parallel_loop3A_716 = arith.addf %parallel_loop3A_699, %parallel_loop3A_702 : vector<16xf32>
      %parallel_loop3A_717 = arith.addf %parallel_loop3A_715, %parallel_loop3A_716 : vector<16xf32>
      %parallel_loop3A_718 = arith.constant 384 : i32
      %parallel_loop3A_719 = arith.addi %parallel_loop3A_718, %parallel_loop3A_671 : i32
      %parallel_loop3A_720 = arith.index_cast %parallel_loop3A_719 : i32 to index
      %parallel_loop3A_721 = tpu.vector_load %arg16[%parallel_loop3A_720] {strides = array<i32>} : memref<512xf32, #tpu.memory_space<vmem>>, vector<16xf32>,
      tpu.vector_store %arg16[%parallel_loop3A_720], %parallel_loop3A_717 {strides = array<i32>} : memref<512xf32, #tpu.memory_space<vmem>>, vector<16xf32>,
      scf.yield %parallel_loop3A_672 : i32
    } {sc.loop_unroll_factor = 1 : i64, sc.parallel_access}
    %dma_wait3A_626 = arith.constant 3 : i32
    %dma_wait3A_627 = arith.constant 0 : i32
    %dma_wait3A_628 = arith.constant 0 : i32
    %dma_wait3A_629 = tpu.memref_slice %arg12[%dma_wait3A_626, %dma_wait3A_627, %dma_wait3A_628] : memref<4x64x128xf32, #tpu.memory_space<vmem>> -> memref<1x64x128xf32, #tpu.memory_space<vmem>>
    %dma_wait3A_630 = tpu.memref_squeeze %dma_wait3A_629 : memref<1x64x128xf32, #tpu.memory_space<vmem>> -> memref<64x128xf32, #tpu.memory_space<vmem>>
    %dma_wait3A_631 = arith.constant 448 : i32
    %dma_wait3A_632 = tpu.memref_slice %arg9[%dma_wait3A_631] : memref<512xi32, #tpu.memory_space<vmem>> -> memref<64xi32, #tpu.memory_space<vmem>>
    %dma_wait3A_633 = arith.constant 0 : i32
    %dma_wait3A_634 = arith.constant 0 : i32
    %dma_wait3A_635 = tpu.memref_slice %arg4[%dma_wait3A_633, %dma_wait3A_634] : memref<100000x128xf32, #tpu.memory_space<hbm>> -> memref<100000x128xf32, #tpu.memory_space<hbm>>
    tpu.wait_indirect_dma semaphore(%arg21 : memref<!tpu.dma_semaphore, #tpu.memory_space<semaphore_mem>>) src(%dma_wait3A_635 : memref<100000x128xf32, #tpu.memory_space<hbm>>) dst(%dma_wait3A_630 : memref<64x128xf32, #tpu.memory_space<vmem>>)
    %dma_wait3A_636 = arith.constant 3 : i32
    %dma_wait3A_637 = arith.constant 0 : i32
    %dma_wait3A_638 = arith.constant 0 : i32
    %dma_wait3A_639 = tpu.memref_slice %arg13[%dma_wait3A_636, %dma_wait3A_637, %dma_wait3A_638] : memref<4x64x128xf32, #tpu.memory_space<vmem>> -> memref<1x64x128xf32, #tpu.memory_space<vmem>>
    %dma_wait3A_640 = tpu.memref_squeeze %dma_wait3A_639 : memref<1x64x128xf32, #tpu.memory_space<vmem>> -> memref<64x128xf32, #tpu.memory_space<vmem>>
    %dma_wait3A_641 = arith.constant 448 : i32
    %dma_wait3A_642 = tpu.memref_slice %arg10[%dma_wait3A_641] : memref<512xi32, #tpu.memory_space<vmem>> -> memref<64xi32, #tpu.memory_space<vmem>>
    %dma_wait3A_643 = arith.constant 0 : i32
    %dma_wait3A_644 = arith.constant 0 : i32
    %dma_wait3A_645 = tpu.memref_slice %arg6[%dma_wait3A_643, %dma_wait3A_644] : memref<100000x128xf32, #tpu.memory_space<hbm>> -> memref<100000x128xf32, #tpu.memory_space<hbm>>
    tpu.wait_indirect_dma semaphore(%arg21 : memref<!tpu.dma_semaphore, #tpu.memory_space<semaphore_mem>>) src(%dma_wait3A_645 : memref<100000x128xf32, #tpu.memory_space<hbm>>) dst(%dma_wait3A_640 : memref<64x128xf32, #tpu.memory_space<vmem>>)
    %dma_wait3A_646 = arith.constant 3 : i32
    %dma_wait3A_647 = arith.constant 0 : i32
    %dma_wait3A_648 = tpu.memref_slice %arg14[%dma_wait3A_646, %dma_wait3A_647] : memref<4x64xf32, #tpu.memory_space<vmem>> -> memref<1x64xf32, #tpu.memory_space<vmem>>
    %dma_wait3A_649 = tpu.memref_squeeze %dma_wait3A_648 : memref<1x64xf32, #tpu.memory_space<vmem>> -> memref<64xf32, #tpu.memory_space<vmem>>
    %dma_wait3A_650 = arith.constant 448 : i32
    %dma_wait3A_651 = tpu.memref_slice %arg9[%dma_wait3A_650] : memref<512xi32, #tpu.memory_space<vmem>> -> memref<64xi32, #tpu.memory_space<vmem>>
    %dma_wait3A_652 = arith.constant 0 : i32
    %dma_wait3A_653 = tpu.memref_slice %arg5[%dma_wait3A_652] : memref<200000xf32, #tpu.memory_space<hbm>> -> memref<200000xf32, #tpu.memory_space<hbm>>
    tpu.wait_indirect_dma semaphore(%arg21 : memref<!tpu.dma_semaphore, #tpu.memory_space<semaphore_mem>>) src(%dma_wait3A_653 : memref<200000xf32, #tpu.memory_space<hbm>>) dst(%dma_wait3A_649 : memref<64xf32, #tpu.memory_space<vmem>>)
    %dma_wait3A_654 = arith.constant 3 : i32
    %dma_wait3A_655 = arith.constant 0 : i32
    %dma_wait3A_656 = tpu.memref_slice %arg15[%dma_wait3A_654, %dma_wait3A_655] : memref<4x64xf32, #tpu.memory_space<vmem>> -> memref<1x64xf32, #tpu.memory_space<vmem>>
    %dma_wait3A_657 = tpu.memref_squeeze %dma_wait3A_656 : memref<1x64xf32, #tpu.memory_space<vmem>> -> memref<64xf32, #tpu.memory_space<vmem>>
    %dma_wait3A_658 = arith.constant 448 : i32
    %dma_wait3A_659 = tpu.memref_slice %arg11[%dma_wait3A_658] : memref<512xi32, #tpu.memory_space<vmem>> -> memref<64xi32, #tpu.memory_space<vmem>>
    %dma_wait3A_660 = arith.constant 0 : i32
    %dma_wait3A_661 = tpu.memref_slice %arg5[%dma_wait3A_660] : memref<200000xf32, #tpu.memory_space<hbm>> -> memref<200000xf32, #tpu.memory_space<hbm>>
    tpu.wait_indirect_dma semaphore(%arg21 : memref<!tpu.dma_semaphore, #tpu.memory_space<semaphore_mem>>) src(%dma_wait3A_661 : memref<200000xf32, #tpu.memory_space<hbm>>) dst(%dma_wait3A_657 : memref<64xf32, #tpu.memory_space<vmem>>)
    %parallel_loop3A_662 = arith.constant 0 : i32
    %parallel_loop3A_663 = arith.constant 64 : i32
    %parallel_loop3A_664 = arith.constant 16 : i32
    %parallel_loop3A_665 = arith.constant 3 : i32
    %parallel_loop3A_666 = arith.constant 3 : i32
    %parallel_loop3A_667 = arith.constant 3 : i32
    %parallel_loop3A_668 = arith.constant 3 : i32
    %parallel_loop3A_669 = arith.constant 0 : i32
    %parallel_loop3A_670 = scf.for %parallel_loop3A_671 = %parallel_loop3A_662 to %parallel_loop3A_663 step %parallel_loop3A_664 iter_args(%parallel_loop3A_672 = %parallel_loop3A_669) -> (i32)  : i32 {
      %parallel_loop3A_673 = vector.broadcast %parallel_loop3A_671 : i32 to vector<16xi32>
      %parallel_loop3A_674 = arith.addi %iota3A, %parallel_loop3A_673 : vector<16xi32>
      %parallel_loop3A_675 = arith.constant 0.000000e+00 : f32
      %parallel_loop3A_676 = vector.broadcast %parallel_loop3A_675 : f32 to vector<16xf32>
      %parallel_loop3A_677 = arith.constant 0.000000e+00 : f32
      %parallel_loop3A_678 = vector.broadcast %parallel_loop3A_677 : f32 to vector<16xf32>
      %parallel_loop3A_679 = arith.constant 0.000000e+00 : f32
      %parallel_loop3A_680 = vector.broadcast %parallel_loop3A_679 : f32 to vector<16xf32>
      %parallel_loop3A_681 = arith.constant 0.000000e+00 : f32
      %parallel_loop3A_682 = vector.broadcast %parallel_loop3A_681 : f32 to vector<16xf32>
      %parallel_loop3A_683 = arith.constant 0.000000e+00 : f32
      %parallel_loop3A_684 = vector.broadcast %parallel_loop3A_683 : f32 to vector<16xf32>
      %parallel_loop3A_685 = arith.constant 0.000000e+00 : f32
      %parallel_loop3A_686 = vector.broadcast %parallel_loop3A_685 : f32 to vector<16xf32>
      %parallel_loop3A_687 = arith.constant 0.000000e+00 : f32
      %parallel_loop3A_688 = vector.broadcast %parallel_loop3A_687 : f32 to vector<16xf32>
      %parallel_loop3A_689 = arith.constant 0.000000e+00 : f32
      %parallel_loop3A_690 = vector.broadcast %parallel_loop3A_689 : f32 to vector<16xf32>
      %parallel_loop3A_691 = arith.constant 0 : i32
      %parallel_loop3A_692 = arith.constant 8 : i32
      %parallel_loop3A_693 = arith.addi %parallel_loop3A_691, %parallel_loop3A_692 : i32
      %parallel_loop3A_694 = arith.constant 1 : i32
      %parallel_loop3A_695:9 = scf.for %scan3A_722 = %parallel_loop3A_691 to %parallel_loop3A_693 step %parallel_loop3A_694 iter_args(%scan3A_723 = %iota3A, %scan3A_724 = %parallel_loop3A_676, %scan3A_725 = %parallel_loop3A_678, %scan3A_726 = %parallel_loop3A_680, %scan3A_727 = %parallel_loop3A_682, %scan3A_728 = %parallel_loop3A_684, %scan3A_729 = %parallel_loop3A_686, %scan3A_730 = %parallel_loop3A_688, %scan3A_731 = %parallel_loop3A_690) -> (vector<16xi32>, vector<16xf32>, vector<16xf32>, vector<16xf32>, vector<16xf32>, vector<16xf32>, vector<16xf32>, vector<16xf32>, vector<16xf32>)  : i32 {
        %parallel_loop3A_732 = arith.constant 0 : i32
        %parallel_loop3A_733 = arith.constant 0 : i32
        %parallel_loop3A_734 = tpu.memref_slice %arg12[%parallel_loop3A_665, %parallel_loop3A_732, %parallel_loop3A_733] : memref<4x64x128xf32, #tpu.memory_space<vmem>> -> memref<1x64x128xf32, #tpu.memory_space<vmem>>
        %parallel_loop3A_735 = tpu.memref_squeeze %parallel_loop3A_734 : memref<1x64x128xf32, #tpu.memory_space<vmem>> -> memref<64x128xf32, #tpu.memory_space<vmem>>
        %parallel_loop3A_736 = tpu.vector_load_idx %parallel_loop3A_735[%parallel_loop3A_674, %scan3A_723] : memref<64x128xf32, #tpu.memory_space<vmem>>[vector<16xi32>, vector<16xi32>], vector<16xf32>,
        %parallel_loop3A_737 = arith.constant 0 : i32
        %parallel_loop3A_738 = arith.constant 0 : i32
        %parallel_loop3A_739 = tpu.memref_slice %arg13[%parallel_loop3A_666, %parallel_loop3A_737, %parallel_loop3A_738] : memref<4x64x128xf32, #tpu.memory_space<vmem>> -> memref<1x64x128xf32, #tpu.memory_space<vmem>>
        %parallel_loop3A_740 = tpu.memref_squeeze %parallel_loop3A_739 : memref<1x64x128xf32, #tpu.memory_space<vmem>> -> memref<64x128xf32, #tpu.memory_space<vmem>>
        %parallel_loop3A_741 = tpu.vector_load_idx %parallel_loop3A_740[%parallel_loop3A_674, %scan3A_723] : memref<64x128xf32, #tpu.memory_space<vmem>>[vector<16xi32>, vector<16xi32>], vector<16xf32>,
        %parallel_loop3A_742 = arith.mulf %parallel_loop3A_736, %parallel_loop3A_741 : vector<16xf32>
        %parallel_loop3A_743 = arith.addf %scan3A_724, %parallel_loop3A_742 : vector<16xf32>
        %parallel_loop3A_744 = arith.constant 1 : i32
        %parallel_loop3A_745 = vector.broadcast %parallel_loop3A_744 : i32 to vector<16xi32>
        %parallel_loop3A_746 = arith.addi %scan3A_723, %parallel_loop3A_745 : vector<16xi32>
        %parallel_loop3A_747 = arith.constant 127 : i32
        %parallel_loop3A_748 = vector.broadcast %parallel_loop3A_747 : i32 to vector<16xi32>
        %parallel_loop3A_749 = arith.andi %parallel_loop3A_746, %parallel_loop3A_748 : vector<16xi32>
        %parallel_loop3A_750 = arith.constant 0 : i32
        %parallel_loop3A_751 = arith.constant 0 : i32
        %parallel_loop3A_752 = tpu.memref_slice %arg12[%parallel_loop3A_665, %parallel_loop3A_750, %parallel_loop3A_751] : memref<4x64x128xf32, #tpu.memory_space<vmem>> -> memref<1x64x128xf32, #tpu.memory_space<vmem>>
        %parallel_loop3A_753 = tpu.memref_squeeze %parallel_loop3A_752 : memref<1x64x128xf32, #tpu.memory_space<vmem>> -> memref<64x128xf32, #tpu.memory_space<vmem>>
        %parallel_loop3A_754 = tpu.vector_load_idx %parallel_loop3A_753[%parallel_loop3A_674, %parallel_loop3A_749] : memref<64x128xf32, #tpu.memory_space<vmem>>[vector<16xi32>, vector<16xi32>], vector<16xf32>,
        %parallel_loop3A_755 = arith.constant 0 : i32
        %parallel_loop3A_756 = arith.constant 0 : i32
        %parallel_loop3A_757 = tpu.memref_slice %arg13[%parallel_loop3A_666, %parallel_loop3A_755, %parallel_loop3A_756] : memref<4x64x128xf32, #tpu.memory_space<vmem>> -> memref<1x64x128xf32, #tpu.memory_space<vmem>>
        %parallel_loop3A_758 = tpu.memref_squeeze %parallel_loop3A_757 : memref<1x64x128xf32, #tpu.memory_space<vmem>> -> memref<64x128xf32, #tpu.memory_space<vmem>>
        %parallel_loop3A_759 = tpu.vector_load_idx %parallel_loop3A_758[%parallel_loop3A_674, %parallel_loop3A_749] : memref<64x128xf32, #tpu.memory_space<vmem>>[vector<16xi32>, vector<16xi32>], vector<16xf32>,
        %parallel_loop3A_760 = arith.mulf %parallel_loop3A_754, %parallel_loop3A_759 : vector<16xf32>
        %parallel_loop3A_761 = arith.addf %scan3A_725, %parallel_loop3A_760 : vector<16xf32>
        %parallel_loop3A_762 = arith.constant 1 : i32
        %parallel_loop3A_763 = vector.broadcast %parallel_loop3A_762 : i32 to vector<16xi32>
        %parallel_loop3A_764 = arith.addi %parallel_loop3A_749, %parallel_loop3A_763 : vector<16xi32>
        %parallel_loop3A_765 = arith.constant 127 : i32
        %parallel_loop3A_766 = vector.broadcast %parallel_loop3A_765 : i32 to vector<16xi32>
        %parallel_loop3A_767 = arith.andi %parallel_loop3A_764, %parallel_loop3A_766 : vector<16xi32>
        %parallel_loop3A_768 = arith.constant 0 : i32
        %parallel_loop3A_769 = arith.constant 0 : i32
        %parallel_loop3A_770 = tpu.memref_slice %arg12[%parallel_loop3A_665, %parallel_loop3A_768, %parallel_loop3A_769] : memref<4x64x128xf32, #tpu.memory_space<vmem>> -> memref<1x64x128xf32, #tpu.memory_space<vmem>>
        %parallel_loop3A_771 = tpu.memref_squeeze %parallel_loop3A_770 : memref<1x64x128xf32, #tpu.memory_space<vmem>> -> memref<64x128xf32, #tpu.memory_space<vmem>>
        %parallel_loop3A_772 = tpu.vector_load_idx %parallel_loop3A_771[%parallel_loop3A_674, %parallel_loop3A_767] : memref<64x128xf32, #tpu.memory_space<vmem>>[vector<16xi32>, vector<16xi32>], vector<16xf32>,
        %parallel_loop3A_773 = arith.constant 0 : i32
        %parallel_loop3A_774 = arith.constant 0 : i32
        %parallel_loop3A_775 = tpu.memref_slice %arg13[%parallel_loop3A_666, %parallel_loop3A_773, %parallel_loop3A_774] : memref<4x64x128xf32, #tpu.memory_space<vmem>> -> memref<1x64x128xf32, #tpu.memory_space<vmem>>
        %parallel_loop3A_776 = tpu.memref_squeeze %parallel_loop3A_775 : memref<1x64x128xf32, #tpu.memory_space<vmem>> -> memref<64x128xf32, #tpu.memory_space<vmem>>
        %parallel_loop3A_777 = tpu.vector_load_idx %parallel_loop3A_776[%parallel_loop3A_674, %parallel_loop3A_767] : memref<64x128xf32, #tpu.memory_space<vmem>>[vector<16xi32>, vector<16xi32>], vector<16xf32>,
        %parallel_loop3A_778 = arith.mulf %parallel_loop3A_772, %parallel_loop3A_777 : vector<16xf32>
        %parallel_loop3A_779 = arith.addf %scan3A_726, %parallel_loop3A_778 : vector<16xf32>
        %parallel_loop3A_780 = arith.constant 1 : i32
        %parallel_loop3A_781 = vector.broadcast %parallel_loop3A_780 : i32 to vector<16xi32>
        %parallel_loop3A_782 = arith.addi %parallel_loop3A_767, %parallel_loop3A_781 : vector<16xi32>
        %parallel_loop3A_783 = arith.constant 127 : i32
        %parallel_loop3A_784 = vector.broadcast %parallel_loop3A_783 : i32 to vector<16xi32>
        %parallel_loop3A_785 = arith.andi %parallel_loop3A_782, %parallel_loop3A_784 : vector<16xi32>
        %parallel_loop3A_786 = arith.constant 0 : i32
        %parallel_loop3A_787 = arith.constant 0 : i32
        %parallel_loop3A_788 = tpu.memref_slice %arg12[%parallel_loop3A_665, %parallel_loop3A_786, %parallel_loop3A_787] : memref<4x64x128xf32, #tpu.memory_space<vmem>> -> memref<1x64x128xf32, #tpu.memory_space<vmem>>
        %parallel_loop3A_789 = tpu.memref_squeeze %parallel_loop3A_788 : memref<1x64x128xf32, #tpu.memory_space<vmem>> -> memref<64x128xf32, #tpu.memory_space<vmem>>
        %parallel_loop3A_790 = tpu.vector_load_idx %parallel_loop3A_789[%parallel_loop3A_674, %parallel_loop3A_785] : memref<64x128xf32, #tpu.memory_space<vmem>>[vector<16xi32>, vector<16xi32>], vector<16xf32>,
        %parallel_loop3A_791 = arith.constant 0 : i32
        %parallel_loop3A_792 = arith.constant 0 : i32
        %parallel_loop3A_793 = tpu.memref_slice %arg13[%parallel_loop3A_666, %parallel_loop3A_791, %parallel_loop3A_792] : memref<4x64x128xf32, #tpu.memory_space<vmem>> -> memref<1x64x128xf32, #tpu.memory_space<vmem>>
        %parallel_loop3A_794 = tpu.memref_squeeze %parallel_loop3A_793 : memref<1x64x128xf32, #tpu.memory_space<vmem>> -> memref<64x128xf32, #tpu.memory_space<vmem>>
        %parallel_loop3A_795 = tpu.vector_load_idx %parallel_loop3A_794[%parallel_loop3A_674, %parallel_loop3A_785] : memref<64x128xf32, #tpu.memory_space<vmem>>[vector<16xi32>, vector<16xi32>], vector<16xf32>,
        %parallel_loop3A_796 = arith.mulf %parallel_loop3A_790, %parallel_loop3A_795 : vector<16xf32>
        %parallel_loop3A_797 = arith.addf %scan3A_727, %parallel_loop3A_796 : vector<16xf32>
        %parallel_loop3A_798 = arith.constant 1 : i32
        %parallel_loop3A_799 = vector.broadcast %parallel_loop3A_798 : i32 to vector<16xi32>
        %parallel_loop3A_800 = arith.addi %parallel_loop3A_785, %parallel_loop3A_799 : vector<16xi32>
        %parallel_loop3A_801 = arith.constant 127 : i32
        %parallel_loop3A_802 = vector.broadcast %parallel_loop3A_801 : i32 to vector<16xi32>
        %parallel_loop3A_803 = arith.andi %parallel_loop3A_800, %parallel_loop3A_802 : vector<16xi32>
        %parallel_loop3A_804 = arith.constant 0 : i32
        %parallel_loop3A_805 = arith.constant 0 : i32
        %parallel_loop3A_806 = tpu.memref_slice %arg12[%parallel_loop3A_665, %parallel_loop3A_804, %parallel_loop3A_805] : memref<4x64x128xf32, #tpu.memory_space<vmem>> -> memref<1x64x128xf32, #tpu.memory_space<vmem>>
        %parallel_loop3A_807 = tpu.memref_squeeze %parallel_loop3A_806 : memref<1x64x128xf32, #tpu.memory_space<vmem>> -> memref<64x128xf32, #tpu.memory_space<vmem>>
        %parallel_loop3A_808 = tpu.vector_load_idx %parallel_loop3A_807[%parallel_loop3A_674, %parallel_loop3A_803] : memref<64x128xf32, #tpu.memory_space<vmem>>[vector<16xi32>, vector<16xi32>], vector<16xf32>,
        %parallel_loop3A_809 = arith.constant 0 : i32
        %parallel_loop3A_810 = arith.constant 0 : i32
        %parallel_loop3A_811 = tpu.memref_slice %arg13[%parallel_loop3A_666, %parallel_loop3A_809, %parallel_loop3A_810] : memref<4x64x128xf32, #tpu.memory_space<vmem>> -> memref<1x64x128xf32, #tpu.memory_space<vmem>>
        %parallel_loop3A_812 = tpu.memref_squeeze %parallel_loop3A_811 : memref<1x64x128xf32, #tpu.memory_space<vmem>> -> memref<64x128xf32, #tpu.memory_space<vmem>>
        %parallel_loop3A_813 = tpu.vector_load_idx %parallel_loop3A_812[%parallel_loop3A_674, %parallel_loop3A_803] : memref<64x128xf32, #tpu.memory_space<vmem>>[vector<16xi32>, vector<16xi32>], vector<16xf32>,
        %parallel_loop3A_814 = arith.mulf %parallel_loop3A_808, %parallel_loop3A_813 : vector<16xf32>
        %parallel_loop3A_815 = arith.addf %scan3A_728, %parallel_loop3A_814 : vector<16xf32>
        %parallel_loop3A_816 = arith.constant 1 : i32
        %parallel_loop3A_817 = vector.broadcast %parallel_loop3A_816 : i32 to vector<16xi32>
        %parallel_loop3A_818 = arith.addi %parallel_loop3A_803, %parallel_loop3A_817 : vector<16xi32>
        %parallel_loop3A_819 = arith.constant 127 : i32
        %parallel_loop3A_820 = vector.broadcast %parallel_loop3A_819 : i32 to vector<16xi32>
        %parallel_loop3A_821 = arith.andi %parallel_loop3A_818, %parallel_loop3A_820 : vector<16xi32>
        %parallel_loop3A_822 = arith.constant 0 : i32
        %parallel_loop3A_823 = arith.constant 0 : i32
        %parallel_loop3A_824 = tpu.memref_slice %arg12[%parallel_loop3A_665, %parallel_loop3A_822, %parallel_loop3A_823] : memref<4x64x128xf32, #tpu.memory_space<vmem>> -> memref<1x64x128xf32, #tpu.memory_space<vmem>>
        %parallel_loop3A_825 = tpu.memref_squeeze %parallel_loop3A_824 : memref<1x64x128xf32, #tpu.memory_space<vmem>> -> memref<64x128xf32, #tpu.memory_space<vmem>>
        %parallel_loop3A_826 = tpu.vector_load_idx %parallel_loop3A_825[%parallel_loop3A_674, %parallel_loop3A_821] : memref<64x128xf32, #tpu.memory_space<vmem>>[vector<16xi32>, vector<16xi32>], vector<16xf32>,
        %parallel_loop3A_827 = arith.constant 0 : i32
        %parallel_loop3A_828 = arith.constant 0 : i32
        %parallel_loop3A_829 = tpu.memref_slice %arg13[%parallel_loop3A_666, %parallel_loop3A_827, %parallel_loop3A_828] : memref<4x64x128xf32, #tpu.memory_space<vmem>> -> memref<1x64x128xf32, #tpu.memory_space<vmem>>
        %parallel_loop3A_830 = tpu.memref_squeeze %parallel_loop3A_829 : memref<1x64x128xf32, #tpu.memory_space<vmem>> -> memref<64x128xf32, #tpu.memory_space<vmem>>
        %parallel_loop3A_831 = tpu.vector_load_idx %parallel_loop3A_830[%parallel_loop3A_674, %parallel_loop3A_821] : memref<64x128xf32, #tpu.memory_space<vmem>>[vector<16xi32>, vector<16xi32>], vector<16xf32>,
        %parallel_loop3A_832 = arith.mulf %parallel_loop3A_826, %parallel_loop3A_831 : vector<16xf32>
        %parallel_loop3A_833 = arith.addf %scan3A_729, %parallel_loop3A_832 : vector<16xf32>
        %parallel_loop3A_834 = arith.constant 1 : i32
        %parallel_loop3A_835 = vector.broadcast %parallel_loop3A_834 : i32 to vector<16xi32>
        %parallel_loop3A_836 = arith.addi %parallel_loop3A_821, %parallel_loop3A_835 : vector<16xi32>
        %parallel_loop3A_837 = arith.constant 127 : i32
        %parallel_loop3A_838 = vector.broadcast %parallel_loop3A_837 : i32 to vector<16xi32>
        %parallel_loop3A_839 = arith.andi %parallel_loop3A_836, %parallel_loop3A_838 : vector<16xi32>
        %parallel_loop3A_840 = arith.constant 0 : i32
        %parallel_loop3A_841 = arith.constant 0 : i32
        %parallel_loop3A_842 = tpu.memref_slice %arg12[%parallel_loop3A_665, %parallel_loop3A_840, %parallel_loop3A_841] : memref<4x64x128xf32, #tpu.memory_space<vmem>> -> memref<1x64x128xf32, #tpu.memory_space<vmem>>
        %parallel_loop3A_843 = tpu.memref_squeeze %parallel_loop3A_842 : memref<1x64x128xf32, #tpu.memory_space<vmem>> -> memref<64x128xf32, #tpu.memory_space<vmem>>
        %parallel_loop3A_844 = tpu.vector_load_idx %parallel_loop3A_843[%parallel_loop3A_674, %parallel_loop3A_839] : memref<64x128xf32, #tpu.memory_space<vmem>>[vector<16xi32>, vector<16xi32>], vector<16xf32>,
        %parallel_loop3A_845 = arith.constant 0 : i32
        %parallel_loop3A_846 = arith.constant 0 : i32
        %parallel_loop3A_847 = tpu.memref_slice %arg13[%parallel_loop3A_666, %parallel_loop3A_845, %parallel_loop3A_846] : memref<4x64x128xf32, #tpu.memory_space<vmem>> -> memref<1x64x128xf32, #tpu.memory_space<vmem>>
        %parallel_loop3A_848 = tpu.memref_squeeze %parallel_loop3A_847 : memref<1x64x128xf32, #tpu.memory_space<vmem>> -> memref<64x128xf32, #tpu.memory_space<vmem>>
        %parallel_loop3A_849 = tpu.vector_load_idx %parallel_loop3A_848[%parallel_loop3A_674, %parallel_loop3A_839] : memref<64x128xf32, #tpu.memory_space<vmem>>[vector<16xi32>, vector<16xi32>], vector<16xf32>,
        %parallel_loop3A_850 = arith.mulf %parallel_loop3A_844, %parallel_loop3A_849 : vector<16xf32>
        %parallel_loop3A_851 = arith.addf %scan3A_730, %parallel_loop3A_850 : vector<16xf32>
        %parallel_loop3A_852 = arith.constant 1 : i32
        %parallel_loop3A_853 = vector.broadcast %parallel_loop3A_852 : i32 to vector<16xi32>
        %parallel_loop3A_854 = arith.addi %parallel_loop3A_839, %parallel_loop3A_853 : vector<16xi32>
        %parallel_loop3A_855 = arith.constant 127 : i32
        %parallel_loop3A_856 = vector.broadcast %parallel_loop3A_855 : i32 to vector<16xi32>
        %parallel_loop3A_857 = arith.andi %parallel_loop3A_854, %parallel_loop3A_856 : vector<16xi32>
        %parallel_loop3A_858 = arith.constant 0 : i32
        %parallel_loop3A_859 = arith.constant 0 : i32
        %parallel_loop3A_860 = tpu.memref_slice %arg12[%parallel_loop3A_665, %parallel_loop3A_858, %parallel_loop3A_859] : memref<4x64x128xf32, #tpu.memory_space<vmem>> -> memref<1x64x128xf32, #tpu.memory_space<vmem>>
        %parallel_loop3A_861 = tpu.memref_squeeze %parallel_loop3A_860 : memref<1x64x128xf32, #tpu.memory_space<vmem>> -> memref<64x128xf32, #tpu.memory_space<vmem>>
        %parallel_loop3A_862 = tpu.vector_load_idx %parallel_loop3A_861[%parallel_loop3A_674, %parallel_loop3A_857] : memref<64x128xf32, #tpu.memory_space<vmem>>[vector<16xi32>, vector<16xi32>], vector<16xf32>,
        %parallel_loop3A_863 = arith.constant 0 : i32
        %parallel_loop3A_864 = arith.constant 0 : i32
        %parallel_loop3A_865 = tpu.memref_slice %arg13[%parallel_loop3A_666, %parallel_loop3A_863, %parallel_loop3A_864] : memref<4x64x128xf32, #tpu.memory_space<vmem>> -> memref<1x64x128xf32, #tpu.memory_space<vmem>>
        %parallel_loop3A_866 = tpu.memref_squeeze %parallel_loop3A_865 : memref<1x64x128xf32, #tpu.memory_space<vmem>> -> memref<64x128xf32, #tpu.memory_space<vmem>>
        %parallel_loop3A_867 = tpu.vector_load_idx %parallel_loop3A_866[%parallel_loop3A_674, %parallel_loop3A_857] : memref<64x128xf32, #tpu.memory_space<vmem>>[vector<16xi32>, vector<16xi32>], vector<16xf32>,
        %parallel_loop3A_868 = arith.mulf %parallel_loop3A_862, %parallel_loop3A_867 : vector<16xf32>
        %parallel_loop3A_869 = arith.addf %scan3A_731, %parallel_loop3A_868 : vector<16xf32>
        %parallel_loop3A_870 = arith.constant 1 : i32
        %parallel_loop3A_871 = vector.broadcast %parallel_loop3A_870 : i32 to vector<16xi32>
        %parallel_loop3A_872 = arith.addi %parallel_loop3A_857, %parallel_loop3A_871 : vector<16xi32>
        %parallel_loop3A_873 = arith.constant 127 : i32
        %parallel_loop3A_874 = vector.broadcast %parallel_loop3A_873 : i32 to vector<16xi32>
        %parallel_loop3A_875 = arith.andi %parallel_loop3A_872, %parallel_loop3A_874 : vector<16xi32>
        %parallel_loop3A_876 = arith.constant 0 : i32
        %parallel_loop3A_877 = arith.constant 0 : i32
        %parallel_loop3A_878 = tpu.memref_slice %arg12[%parallel_loop3A_665, %parallel_loop3A_876, %parallel_loop3A_877] : memref<4x64x128xf32, #tpu.memory_space<vmem>> -> memref<1x64x128xf32, #tpu.memory_space<vmem>>
        %parallel_loop3A_879 = tpu.memref_squeeze %parallel_loop3A_878 : memref<1x64x128xf32, #tpu.memory_space<vmem>> -> memref<64x128xf32, #tpu.memory_space<vmem>>
        %parallel_loop3A_880 = tpu.vector_load_idx %parallel_loop3A_879[%parallel_loop3A_674, %parallel_loop3A_875] : memref<64x128xf32, #tpu.memory_space<vmem>>[vector<16xi32>, vector<16xi32>], vector<16xf32>,
        %parallel_loop3A_881 = arith.constant 0 : i32
        %parallel_loop3A_882 = arith.constant 0 : i32
        %parallel_loop3A_883 = tpu.memref_slice %arg13[%parallel_loop3A_666, %parallel_loop3A_881, %parallel_loop3A_882] : memref<4x64x128xf32, #tpu.memory_space<vmem>> -> memref<1x64x128xf32, #tpu.memory_space<vmem>>
        %parallel_loop3A_884 = tpu.memref_squeeze %parallel_loop3A_883 : memref<1x64x128xf32, #tpu.memory_space<vmem>> -> memref<64x128xf32, #tpu.memory_space<vmem>>
        %parallel_loop3A_885 = tpu.vector_load_idx %parallel_loop3A_884[%parallel_loop3A_674, %parallel_loop3A_875] : memref<64x128xf32, #tpu.memory_space<vmem>>[vector<16xi32>, vector<16xi32>], vector<16xf32>,
        %parallel_loop3A_886 = arith.mulf %parallel_loop3A_880, %parallel_loop3A_885 : vector<16xf32>
        %parallel_loop3A_887 = arith.addf %parallel_loop3A_743, %parallel_loop3A_886 : vector<16xf32>
        %parallel_loop3A_888 = arith.constant 1 : i32
        %parallel_loop3A_889 = vector.broadcast %parallel_loop3A_888 : i32 to vector<16xi32>
        %parallel_loop3A_890 = arith.addi %parallel_loop3A_875, %parallel_loop3A_889 : vector<16xi32>
        %parallel_loop3A_891 = arith.constant 127 : i32
        %parallel_loop3A_892 = vector.broadcast %parallel_loop3A_891 : i32 to vector<16xi32>
        %parallel_loop3A_893 = arith.andi %parallel_loop3A_890, %parallel_loop3A_892 : vector<16xi32>
        %parallel_loop3A_894 = arith.constant 0 : i32
        %parallel_loop3A_895 = arith.constant 0 : i32
        %parallel_loop3A_896 = tpu.memref_slice %arg12[%parallel_loop3A_665, %parallel_loop3A_894, %parallel_loop3A_895] : memref<4x64x128xf32, #tpu.memory_space<vmem>> -> memref<1x64x128xf32, #tpu.memory_space<vmem>>
        %parallel_loop3A_897 = tpu.memref_squeeze %parallel_loop3A_896 : memref<1x64x128xf32, #tpu.memory_space<vmem>> -> memref<64x128xf32, #tpu.memory_space<vmem>>
        %parallel_loop3A_898 = tpu.vector_load_idx %parallel_loop3A_897[%parallel_loop3A_674, %parallel_loop3A_893] : memref<64x128xf32, #tpu.memory_space<vmem>>[vector<16xi32>, vector<16xi32>], vector<16xf32>,
        %parallel_loop3A_899 = arith.constant 0 : i32
        %parallel_loop3A_900 = arith.constant 0 : i32
        %parallel_loop3A_901 = tpu.memref_slice %arg13[%parallel_loop3A_666, %parallel_loop3A_899, %parallel_loop3A_900] : memref<4x64x128xf32, #tpu.memory_space<vmem>> -> memref<1x64x128xf32, #tpu.memory_space<vmem>>
        %parallel_loop3A_902 = tpu.memref_squeeze %parallel_loop3A_901 : memref<1x64x128xf32, #tpu.memory_space<vmem>> -> memref<64x128xf32, #tpu.memory_space<vmem>>
        %parallel_loop3A_903 = tpu.vector_load_idx %parallel_loop3A_902[%parallel_loop3A_674, %parallel_loop3A_893] : memref<64x128xf32, #tpu.memory_space<vmem>>[vector<16xi32>, vector<16xi32>], vector<16xf32>,
        %parallel_loop3A_904 = arith.mulf %parallel_loop3A_898, %parallel_loop3A_903 : vector<16xf32>
        %parallel_loop3A_905 = arith.addf %parallel_loop3A_761, %parallel_loop3A_904 : vector<16xf32>
        %parallel_loop3A_906 = arith.constant 1 : i32
        %parallel_loop3A_907 = vector.broadcast %parallel_loop3A_906 : i32 to vector<16xi32>
        %parallel_loop3A_908 = arith.addi %parallel_loop3A_893, %parallel_loop3A_907 : vector<16xi32>
        %parallel_loop3A_909 = arith.constant 127 : i32
        %parallel_loop3A_910 = vector.broadcast %parallel_loop3A_909 : i32 to vector<16xi32>
        %parallel_loop3A_911 = arith.andi %parallel_loop3A_908, %parallel_loop3A_910 : vector<16xi32>
        %parallel_loop3A_912 = arith.constant 0 : i32
        %parallel_loop3A_913 = arith.constant 0 : i32
        %parallel_loop3A_914 = tpu.memref_slice %arg12[%parallel_loop3A_665, %parallel_loop3A_912, %parallel_loop3A_913] : memref<4x64x128xf32, #tpu.memory_space<vmem>> -> memref<1x64x128xf32, #tpu.memory_space<vmem>>
        %parallel_loop3A_915 = tpu.memref_squeeze %parallel_loop3A_914 : memref<1x64x128xf32, #tpu.memory_space<vmem>> -> memref<64x128xf32, #tpu.memory_space<vmem>>
        %parallel_loop3A_916 = tpu.vector_load_idx %parallel_loop3A_915[%parallel_loop3A_674, %parallel_loop3A_911] : memref<64x128xf32, #tpu.memory_space<vmem>>[vector<16xi32>, vector<16xi32>], vector<16xf32>,
        %parallel_loop3A_917 = arith.constant 0 : i32
        %parallel_loop3A_918 = arith.constant 0 : i32
        %parallel_loop3A_919 = tpu.memref_slice %arg13[%parallel_loop3A_666, %parallel_loop3A_917, %parallel_loop3A_918] : memref<4x64x128xf32, #tpu.memory_space<vmem>> -> memref<1x64x128xf32, #tpu.memory_space<vmem>>
        %parallel_loop3A_920 = tpu.memref_squeeze %parallel_loop3A_919 : memref<1x64x128xf32, #tpu.memory_space<vmem>> -> memref<64x128xf32, #tpu.memory_space<vmem>>
        %parallel_loop3A_921 = tpu.vector_load_idx %parallel_loop3A_920[%parallel_loop3A_674, %parallel_loop3A_911] : memref<64x128xf32, #tpu.memory_space<vmem>>[vector<16xi32>, vector<16xi32>], vector<16xf32>,
        %parallel_loop3A_922 = arith.mulf %parallel_loop3A_916, %parallel_loop3A_921 : vector<16xf32>
        %parallel_loop3A_923 = arith.addf %parallel_loop3A_779, %parallel_loop3A_922 : vector<16xf32>
        %parallel_loop3A_924 = arith.constant 1 : i32
        %parallel_loop3A_925 = vector.broadcast %parallel_loop3A_924 : i32 to vector<16xi32>
        %parallel_loop3A_926 = arith.addi %parallel_loop3A_911, %parallel_loop3A_925 : vector<16xi32>
        %parallel_loop3A_927 = arith.constant 127 : i32
        %parallel_loop3A_928 = vector.broadcast %parallel_loop3A_927 : i32 to vector<16xi32>
        %parallel_loop3A_929 = arith.andi %parallel_loop3A_926, %parallel_loop3A_928 : vector<16xi32>
        %parallel_loop3A_930 = arith.constant 0 : i32
        %parallel_loop3A_931 = arith.constant 0 : i32
        %parallel_loop3A_932 = tpu.memref_slice %arg12[%parallel_loop3A_665, %parallel_loop3A_930, %parallel_loop3A_931] : memref<4x64x128xf32, #tpu.memory_space<vmem>> -> memref<1x64x128xf32, #tpu.memory_space<vmem>>
        %parallel_loop3A_933 = tpu.memref_squeeze %parallel_loop3A_932 : memref<1x64x128xf32, #tpu.memory_space<vmem>> -> memref<64x128xf32, #tpu.memory_space<vmem>>
        %parallel_loop3A_934 = tpu.vector_load_idx %parallel_loop3A_933[%parallel_loop3A_674, %parallel_loop3A_929] : memref<64x128xf32, #tpu.memory_space<vmem>>[vector<16xi32>, vector<16xi32>], vector<16xf32>,
        %parallel_loop3A_935 = arith.constant 0 : i32
        %parallel_loop3A_936 = arith.constant 0 : i32
        %parallel_loop3A_937 = tpu.memref_slice %arg13[%parallel_loop3A_666, %parallel_loop3A_935, %parallel_loop3A_936] : memref<4x64x128xf32, #tpu.memory_space<vmem>> -> memref<1x64x128xf32, #tpu.memory_space<vmem>>
        %parallel_loop3A_938 = tpu.memref_squeeze %parallel_loop3A_937 : memref<1x64x128xf32, #tpu.memory_space<vmem>> -> memref<64x128xf32, #tpu.memory_space<vmem>>
        %parallel_loop3A_939 = tpu.vector_load_idx %parallel_loop3A_938[%parallel_loop3A_674, %parallel_loop3A_929] : memref<64x128xf32, #tpu.memory_space<vmem>>[vector<16xi32>, vector<16xi32>], vector<16xf32>,
        %parallel_loop3A_940 = arith.mulf %parallel_loop3A_934, %parallel_loop3A_939 : vector<16xf32>
        %parallel_loop3A_941 = arith.addf %parallel_loop3A_797, %parallel_loop3A_940 : vector<16xf32>
        %parallel_loop3A_942 = arith.constant 1 : i32
        %parallel_loop3A_943 = vector.broadcast %parallel_loop3A_942 : i32 to vector<16xi32>
        %parallel_loop3A_944 = arith.addi %parallel_loop3A_929, %parallel_loop3A_943 : vector<16xi32>
        %parallel_loop3A_945 = arith.constant 127 : i32
        %parallel_loop3A_946 = vector.broadcast %parallel_loop3A_945 : i32 to vector<16xi32>
        %parallel_loop3A_947 = arith.andi %parallel_loop3A_944, %parallel_loop3A_946 : vector<16xi32>
        %parallel_loop3A_948 = arith.constant 0 : i32
        %parallel_loop3A_949 = arith.constant 0 : i32
        %parallel_loop3A_950 = tpu.memref_slice %arg12[%parallel_loop3A_665, %parallel_loop3A_948, %parallel_loop3A_949] : memref<4x64x128xf32, #tpu.memory_space<vmem>> -> memref<1x64x128xf32, #tpu.memory_space<vmem>>
        %parallel_loop3A_951 = tpu.memref_squeeze %parallel_loop3A_950 : memref<1x64x128xf32, #tpu.memory_space<vmem>> -> memref<64x128xf32, #tpu.memory_space<vmem>>
        %parallel_loop3A_952 = tpu.vector_load_idx %parallel_loop3A_951[%parallel_loop3A_674, %parallel_loop3A_947] : memref<64x128xf32, #tpu.memory_space<vmem>>[vector<16xi32>, vector<16xi32>], vector<16xf32>,
        %parallel_loop3A_953 = arith.constant 0 : i32
        %parallel_loop3A_954 = arith.constant 0 : i32
        %parallel_loop3A_955 = tpu.memref_slice %arg13[%parallel_loop3A_666, %parallel_loop3A_953, %parallel_loop3A_954] : memref<4x64x128xf32, #tpu.memory_space<vmem>> -> memref<1x64x128xf32, #tpu.memory_space<vmem>>
        %parallel_loop3A_956 = tpu.memref_squeeze %parallel_loop3A_955 : memref<1x64x128xf32, #tpu.memory_space<vmem>> -> memref<64x128xf32, #tpu.memory_space<vmem>>
        %parallel_loop3A_957 = tpu.vector_load_idx %parallel_loop3A_956[%parallel_loop3A_674, %parallel_loop3A_947] : memref<64x128xf32, #tpu.memory_space<vmem>>[vector<16xi32>, vector<16xi32>], vector<16xf32>,
        %parallel_loop3A_958 = arith.mulf %parallel_loop3A_952, %parallel_loop3A_957 : vector<16xf32>
        %parallel_loop3A_959 = arith.addf %parallel_loop3A_815, %parallel_loop3A_958 : vector<16xf32>
        %parallel_loop3A_960 = arith.constant 1 : i32
        %parallel_loop3A_961 = vector.broadcast %parallel_loop3A_960 : i32 to vector<16xi32>
        %parallel_loop3A_962 = arith.addi %parallel_loop3A_947, %parallel_loop3A_961 : vector<16xi32>
        %parallel_loop3A_963 = arith.constant 127 : i32
        %parallel_loop3A_964 = vector.broadcast %parallel_loop3A_963 : i32 to vector<16xi32>
        %parallel_loop3A_965 = arith.andi %parallel_loop3A_962, %parallel_loop3A_964 : vector<16xi32>
        %parallel_loop3A_966 = arith.constant 0 : i32
        %parallel_loop3A_967 = arith.constant 0 : i32
        %parallel_loop3A_968 = tpu.memref_slice %arg12[%parallel_loop3A_665, %parallel_loop3A_966, %parallel_loop3A_967] : memref<4x64x128xf32, #tpu.memory_space<vmem>> -> memref<1x64x128xf32, #tpu.memory_space<vmem>>
        %parallel_loop3A_969 = tpu.memref_squeeze %parallel_loop3A_968 : memref<1x64x128xf32, #tpu.memory_space<vmem>> -> memref<64x128xf32, #tpu.memory_space<vmem>>
        %parallel_loop3A_970 = tpu.vector_load_idx %parallel_loop3A_969[%parallel_loop3A_674, %parallel_loop3A_965] : memref<64x128xf32, #tpu.memory_space<vmem>>[vector<16xi32>, vector<16xi32>], vector<16xf32>,
        %parallel_loop3A_971 = arith.constant 0 : i32
        %parallel_loop3A_972 = arith.constant 0 : i32
        %parallel_loop3A_973 = tpu.memref_slice %arg13[%parallel_loop3A_666, %parallel_loop3A_971, %parallel_loop3A_972] : memref<4x64x128xf32, #tpu.memory_space<vmem>> -> memref<1x64x128xf32, #tpu.memory_space<vmem>>
        %parallel_loop3A_974 = tpu.memref_squeeze %parallel_loop3A_973 : memref<1x64x128xf32, #tpu.memory_space<vmem>> -> memref<64x128xf32, #tpu.memory_space<vmem>>
        %parallel_loop3A_975 = tpu.vector_load_idx %parallel_loop3A_974[%parallel_loop3A_674, %parallel_loop3A_965] : memref<64x128xf32, #tpu.memory_space<vmem>>[vector<16xi32>, vector<16xi32>], vector<16xf32>,
        %parallel_loop3A_976 = arith.mulf %parallel_loop3A_970, %parallel_loop3A_975 : vector<16xf32>
        %parallel_loop3A_977 = arith.addf %parallel_loop3A_833, %parallel_loop3A_976 : vector<16xf32>
        %parallel_loop3A_978 = arith.constant 1 : i32
        %parallel_loop3A_979 = vector.broadcast %parallel_loop3A_978 : i32 to vector<16xi32>
        %parallel_loop3A_980 = arith.addi %parallel_loop3A_965, %parallel_loop3A_979 : vector<16xi32>
        %parallel_loop3A_981 = arith.constant 127 : i32
        %parallel_loop3A_982 = vector.broadcast %parallel_loop3A_981 : i32 to vector<16xi32>
        %parallel_loop3A_983 = arith.andi %parallel_loop3A_980, %parallel_loop3A_982 : vector<16xi32>
        %parallel_loop3A_984 = arith.constant 0 : i32
        %parallel_loop3A_985 = arith.constant 0 : i32
        %parallel_loop3A_986 = tpu.memref_slice %arg12[%parallel_loop3A_665, %parallel_loop3A_984, %parallel_loop3A_985] : memref<4x64x128xf32, #tpu.memory_space<vmem>> -> memref<1x64x128xf32, #tpu.memory_space<vmem>>
        %parallel_loop3A_987 = tpu.memref_squeeze %parallel_loop3A_986 : memref<1x64x128xf32, #tpu.memory_space<vmem>> -> memref<64x128xf32, #tpu.memory_space<vmem>>
        %parallel_loop3A_988 = tpu.vector_load_idx %parallel_loop3A_987[%parallel_loop3A_674, %parallel_loop3A_983] : memref<64x128xf32, #tpu.memory_space<vmem>>[vector<16xi32>, vector<16xi32>], vector<16xf32>,
        %parallel_loop3A_989 = arith.constant 0 : i32
        %parallel_loop3A_990 = arith.constant 0 : i32
        %parallel_loop3A_991 = tpu.memref_slice %arg13[%parallel_loop3A_666, %parallel_loop3A_989, %parallel_loop3A_990] : memref<4x64x128xf32, #tpu.memory_space<vmem>> -> memref<1x64x128xf32, #tpu.memory_space<vmem>>
        %parallel_loop3A_992 = tpu.memref_squeeze %parallel_loop3A_991 : memref<1x64x128xf32, #tpu.memory_space<vmem>> -> memref<64x128xf32, #tpu.memory_space<vmem>>
        %parallel_loop3A_993 = tpu.vector_load_idx %parallel_loop3A_992[%parallel_loop3A_674, %parallel_loop3A_983] : memref<64x128xf32, #tpu.memory_space<vmem>>[vector<16xi32>, vector<16xi32>], vector<16xf32>,
        %parallel_loop3A_994 = arith.mulf %parallel_loop3A_988, %parallel_loop3A_993 : vector<16xf32>
        %parallel_loop3A_995 = arith.addf %parallel_loop3A_851, %parallel_loop3A_994 : vector<16xf32>
        %parallel_loop3A_996 = arith.constant 1 : i32
        %parallel_loop3A_997 = vector.broadcast %parallel_loop3A_996 : i32 to vector<16xi32>
        %parallel_loop3A_998 = arith.addi %parallel_loop3A_983, %parallel_loop3A_997 : vector<16xi32>
        %parallel_loop3A_999 = arith.constant 127 : i32
        %parallel_loop3A_1000 = vector.broadcast %parallel_loop3A_999 : i32 to vector<16xi32>
        %parallel_loop3A_1001 = arith.andi %parallel_loop3A_998, %parallel_loop3A_1000 : vector<16xi32>
        %parallel_loop3A_1002 = arith.constant 0 : i32
        %parallel_loop3A_1003 = arith.constant 0 : i32
        %parallel_loop3A_1004 = tpu.memref_slice %arg12[%parallel_loop3A_665, %parallel_loop3A_1002, %parallel_loop3A_1003] : memref<4x64x128xf32, #tpu.memory_space<vmem>> -> memref<1x64x128xf32, #tpu.memory_space<vmem>>
        %parallel_loop3A_1005 = tpu.memref_squeeze %parallel_loop3A_1004 : memref<1x64x128xf32, #tpu.memory_space<vmem>> -> memref<64x128xf32, #tpu.memory_space<vmem>>
        %parallel_loop3A_1006 = tpu.vector_load_idx %parallel_loop3A_1005[%parallel_loop3A_674, %parallel_loop3A_1001] : memref<64x128xf32, #tpu.memory_space<vmem>>[vector<16xi32>, vector<16xi32>], vector<16xf32>,
        %parallel_loop3A_1007 = arith.constant 0 : i32
        %parallel_loop3A_1008 = arith.constant 0 : i32
        %parallel_loop3A_1009 = tpu.memref_slice %arg13[%parallel_loop3A_666, %parallel_loop3A_1007, %parallel_loop3A_1008] : memref<4x64x128xf32, #tpu.memory_space<vmem>> -> memref<1x64x128xf32, #tpu.memory_space<vmem>>
        %parallel_loop3A_1010 = tpu.memref_squeeze %parallel_loop3A_1009 : memref<1x64x128xf32, #tpu.memory_space<vmem>> -> memref<64x128xf32, #tpu.memory_space<vmem>>
        %parallel_loop3A_1011 = tpu.vector_load_idx %parallel_loop3A_1010[%parallel_loop3A_674, %parallel_loop3A_1001] : memref<64x128xf32, #tpu.memory_space<vmem>>[vector<16xi32>, vector<16xi32>], vector<16xf32>,
        %parallel_loop3A_1012 = arith.mulf %parallel_loop3A_1006, %parallel_loop3A_1011 : vector<16xf32>
        %parallel_loop3A_1013 = arith.addf %parallel_loop3A_869, %parallel_loop3A_1012 : vector<16xf32>
        %parallel_loop3A_1014 = arith.constant 1 : i32
        %parallel_loop3A_1015 = vector.broadcast %parallel_loop3A_1014 : i32 to vector<16xi32>
        %parallel_loop3A_1016 = arith.addi %parallel_loop3A_1001, %parallel_loop3A_1015 : vector<16xi32>
        %parallel_loop3A_1017 = arith.constant 127 : i32
        %parallel_loop3A_1018 = vector.broadcast %parallel_loop3A_1017 : i32 to vector<16xi32>
        %parallel_loop3A_1019 = arith.andi %parallel_loop3A_1016, %parallel_loop3A_1018 : vector<16xi32>
        scf.yield %parallel_loop3A_1019, %parallel_loop3A_887, %parallel_loop3A_905, %parallel_loop3A_923, %parallel_loop3A_941, %parallel_loop3A_959, %parallel_loop3A_977, %parallel_loop3A_995, %parallel_loop3A_1013 : vector<16xi32>, vector<16xf32>, vector<16xf32>, vector<16xf32>, vector<16xf32>, vector<16xf32>, vector<16xf32>, vector<16xf32>, vector<16xf32>
      }
      %parallel_loop3A_696 = arith.constant 8 : i32
      %parallel_loop3A_697 = arith.addf %parallel_loop3A_695#1, %parallel_loop3A_695#2 : vector<16xf32>
      %parallel_loop3A_698 = arith.addf %parallel_loop3A_695#3, %parallel_loop3A_695#4 : vector<16xf32>
      %parallel_loop3A_699 = arith.addf %parallel_loop3A_697, %parallel_loop3A_698 : vector<16xf32>
      %parallel_loop3A_700 = arith.addf %parallel_loop3A_695#5, %parallel_loop3A_695#6 : vector<16xf32>
      %parallel_loop3A_701 = arith.addf %parallel_loop3A_695#7, %parallel_loop3A_695#8 : vector<16xf32>
      %parallel_loop3A_702 = arith.addf %parallel_loop3A_700, %parallel_loop3A_701 : vector<16xf32>
      %parallel_loop3A_703 = arith.constant 0 : i32
      %parallel_loop3A_704 = tpu.memref_slice %arg14[%parallel_loop3A_667, %parallel_loop3A_703] : memref<4x64xf32, #tpu.memory_space<vmem>> -> memref<1x64xf32, #tpu.memory_space<vmem>>
      %parallel_loop3A_705 = tpu.memref_squeeze %parallel_loop3A_704 : memref<1x64xf32, #tpu.memory_space<vmem>> -> memref<64xf32, #tpu.memory_space<vmem>>
      %parallel_loop3A_706 = arith.index_cast %parallel_loop3A_671 : i32 to index
      %parallel_loop3A_707 = tpu.vector_load %parallel_loop3A_705[%parallel_loop3A_706] {strides = array<i32>} : memref<64xf32, #tpu.memory_space<vmem>>, vector<16xf32>,
      %parallel_loop3A_708 = arith.constant 0 : i32
      %parallel_loop3A_709 = tpu.memref_slice %arg15[%parallel_loop3A_668, %parallel_loop3A_708] : memref<4x64xf32, #tpu.memory_space<vmem>> -> memref<1x64xf32, #tpu.memory_space<vmem>>
      %parallel_loop3A_710 = tpu.memref_squeeze %parallel_loop3A_709 : memref<1x64xf32, #tpu.memory_space<vmem>> -> memref<64xf32, #tpu.memory_space<vmem>>
      %parallel_loop3A_711 = arith.index_cast %parallel_loop3A_671 : i32 to index
      %parallel_loop3A_712 = tpu.vector_load %parallel_loop3A_710[%parallel_loop3A_711] {strides = array<i32>} : memref<64xf32, #tpu.memory_space<vmem>>, vector<16xf32>,
      %parallel_loop3A_713 = arith.addf %parallel_loop3A_707, %parallel_loop3A_712 : vector<16xf32>
      %parallel_loop3A_714 = vector.broadcast %squeeze3A : f32 to vector<16xf32>
      %parallel_loop3A_715 = arith.addf %parallel_loop3A_713, %parallel_loop3A_714 : vector<16xf32>
      %parallel_loop3A_716 = arith.addf %parallel_loop3A_699, %parallel_loop3A_702 : vector<16xf32>
      %parallel_loop3A_717 = arith.addf %parallel_loop3A_715, %parallel_loop3A_716 : vector<16xf32>
      %parallel_loop3A_718 = arith.constant 448 : i32
      %parallel_loop3A_719 = arith.addi %parallel_loop3A_718, %parallel_loop3A_671 : i32
      %parallel_loop3A_720 = arith.index_cast %parallel_loop3A_719 : i32 to index
      %parallel_loop3A_721 = tpu.vector_load %arg16[%parallel_loop3A_720] {strides = array<i32>} : memref<512xf32, #tpu.memory_space<vmem>>, vector<16xf32>,
      tpu.vector_store %arg16[%parallel_loop3A_720], %parallel_loop3A_717 {strides = array<i32>} : memref<512xf32, #tpu.memory_space<vmem>>, vector<16xf32>,
      scf.yield %parallel_loop3A_672 : i32
    } {sc.loop_unroll_factor = 1 : i64, sc.parallel_access}
    "tpu.region"() ({
      %run_scoped3A = tpu.sem_alloc : memref<!tpu.dma_semaphore, #tpu.memory_space<semaphore_mem>>
      %dma_start3A_671 = tpu.memref_slice %arg8[%mul3A_2] : memref<16384xf32, #tpu.memory_space<hbm>> -> memref<512xf32, #tpu.memory_space<hbm>>
      %dma_start3A_672 = tpu.memref_slice %arg8[%mul3A_2] : memref<16384xf32, #tpu.memory_space<hbm>> -> memref<512xf32, #tpu.memory_space<hbm>>
      tpu.enqueue_dma source(%arg16 : memref<512xf32, #tpu.memory_space<vmem>>) target(%dma_start3A_672 : memref<512xf32, #tpu.memory_space<hbm>>) target_semaphore(%run_scoped3A : memref<!tpu.dma_semaphore, #tpu.memory_space<semaphore_mem>>)
      %dma_wait3A_673 = tpu.memref_slice %arg8[%mul3A_2] : memref<16384xf32, #tpu.memory_space<hbm>> -> memref<512xf32, #tpu.memory_space<hbm>>
      %dma_wait3A_674 = tpu.memref_slice %arg8[%mul3A_2] : memref<16384xf32, #tpu.memory_space<hbm>> -> memref<512xf32, #tpu.memory_space<hbm>>
      tpu.wait_dma2 semaphore(%run_scoped3A : memref<!tpu.dma_semaphore, #tpu.memory_space<semaphore_mem>>) src(%arg16 : memref<512xf32, #tpu.memory_space<vmem>>) dst(%dma_wait3A_674 : memref<512xf32, #tpu.memory_space<hbm>>)
      tpu.yield
    }) : () -> ()
    return
  }
}

</mosaic_0001>

<sc_bundles>
// kernel: _sc_call.3.cloned.1.call-start
scs
__scs_entry_jumppad:
0x0: {  	(pc) =	sbr.rel $0x88, $3  }
0x1: {  	(tag) =	ssettag $0x0;
	lr =	simm.s32 $0x1  }
0x2: {  	[smem:$0x3F9B] =	sst lr;
	_ =	strace $0xD0000000  }
0x3: {  	_ = 	snop  }
0x4: {  	_ = 	snop  }
0x5: {  	_ = 	snop  }
0x6: {  	_ = 	snop  }
0x7: {  	_ = 	snop  }
__scs_overlays_trampoline_lowered:
0x8: {  	[smem:$0x3FAA] =	sst s0  }
0x9: {  	[smem:$0x3FAB] =	sst s1  }
0xa: {  	[smem:$0x3FAC] =	sst s2  }
0xb: {  	[smem:$0x3FAD] =	sst s3  }
0xc: {  	[smem:$0x3FAE] =	sst s4  }
0xd: {  	[smem:$0x3FAF] =	sst s5  }
0xe: {  	[smem:$0x3FB0] =	sst s6  }
0xf: {  	[smem:$0x3FB1] =	sst s7  }
0x10: {  	[smem:$0x3FB2] =	sst s8  }
0x11: {  	[smem:$0x3FB3] =	sst s9;
	s0 =	simm.s32 @!p0 $0x0  }
0x12: {  	s1 =	sld [smem:$0x3F99];
	s0 =	simm.s32 @p0 $0x1  }
0x13: {  	[smem:$0x3FB4] =	sst s0;
	s0 =	simm.s32 @!p1 $0x0  }
0x14: {  	s2 =	sld [smem:$0x3F98];
	s0 =	simm.s32 @p1 $0x1  }
0x15: {  	[smem:$0x3FB5] =	sst s0;
	s0 =	simm.s32 @!p2 $0x0  }
0x16: {  	s3 =	sld [smem:$0x3FDB];
	s0 =	simm.s32 @p2 $0x1  }
0x17: {  	s4 =	simm.s32 $0x1BF5;
	[smem:$0x3FB7] =	sst s0  }
0x18: {  	s0 =	sld [smem:$0x3F9A];
	_ =	swait.ge [sflag:s4], $0x0  }
0x19: {  	s7 =	sld [smem:$0x3F9B]  }
0x1a: {  	s8 =	sadd.s32 $0xFFFFE003, lr  }
0x1b: {  	s9 =	sadd.s32 $0xFFFFFEF7, lr;
	s5 =	simm.s32 $0xFFFFFFFF;
	p2 =	slt.u32 s8, $0xFFFFF086  }
0x1c: {  	p1 =	slt.u32 s9, $0xF7A;
	s5 =	simm.s32 @!p2 $0x0  }
0x1d: {  	s5 =	simm.s32 @p1 $0x1;
	p0 =	seq.s32 s7, s2  }
0x1e: {  	s7 =	smul.u32 @!p0 $0xF7A, s2;
	p2 =	seq.s32 @!p0 s5, $0x0  }
0x1f: {  	s9 =	smul.u32 $0xF7A, s1;
	s8 =	simm.s32 @!p0 $0x1BF5;
	p2 =	por !p2, p0  }
0x20: {  	[sflag:s8] =	ssyncset.s32 @!p0 $0xFFFFF086;
	s6 =	sadd.s32 @!p0 s3, s7;
	s7 =	simm.s32 @!p0 $0x108  }
0x21: {  	s3 =	sadd.s32 s3, s9;
	s6 =	sadd.s32 @!p0 $0x88, s6;
	s7 =	simm.s32 @p2 $0x1082  }
0x22: {  	[simem:s7], [sflag:s8] =	dma.local @!p0 [hbm:s6], $0xF7A  }
0x23: {  	s9 =	sor.u32 $0xD0000000, s2;
	s6 =	simm.s32 $0x108;
	_ =	swait.ge @!p0 [sflag:s8], $0x0  }
0x24: {  	s3 =	sadd.s32 $0x88, s3;
	s6 =	simm.s32 @!p1 $0x1082;
	[sflag:s4] =	ssyncset.s32 $0xFFFFF086  }
0x25: {  	[simem:s6], [sflag:s4] =	dma.local [hbm:s3], $0xF7A  }
0x26: {  	[smem:$0x3F9B] =	sst s1;
	(tag) =	ssettag s2;
	_ =	strace s9  }
0x27: {  	s1 =	sld [smem:$0x3FAB]  }
0x28: {  	s2 =	sld [smem:$0x3FAC]  }
0x29: {  	s4 =	sld [smem:$0x3FAE]  }
0x2a: {  	p0 =	seq.s32 s5, $0x0;
	s5 =	sld [smem:$0x3FAF]  }
0x2b: {  	s6 =	sld [smem:$0x3FB0]  }
0x2c: {  	s7 =	sld [smem:$0x3FB1]  }
0x2d: {  	s3 =	simm.s32 $0x108;
	s8 =	sld [smem:$0x3FB2]  }
0x2e: {  	s3 =	simm.s32 @!p0 $0x1082;
	s9 =	sld [smem:$0x3FB3]  }
0x2f: {  	lr =	sadd.s32 s0, s3;
	s0 =	sld [smem:$0x3FAA]  }
0x30: {  	s3 =	sld [smem:$0x3FAD]  }
0x31: {  	[smem:$0x3FB6] =	sst s10  }
0x32: {  	s10 =	sld [smem:$0x3FB4];
	_ =	sdelay $0x3  }
0x33: {  	p0 =	seq.s32 s10, $0x1;
	s10 =	sld [smem:$0x3FB6];
	_ =	sdelay $0x3  }
0x34: {  	[smem:$0x3FB6] =	sst s10  }
0x35: {  	s10 =	sld [smem:$0x3FB5];
	_ =	sdelay $0x3  }
0x36: {  	p1 =	seq.s32 s10, $0x1;
	s10 =	sld [smem:$0x3FB6];
	_ =	sdelay $0x3  }
0x37: {  	[smem:$0x3FB6] =	sst s10  }
0x38: {  	s10 =	sld [smem:$0x3FB7]  }
0x39: {  	_ = 	snop;
	(pc) =	sbr.ind lr, $3  }
0x3a: {  	_ = 	snop  }
0x3b: {  	_ = 	snop  }
0x3c: {  	p2 =	seq.s32 s10, $0x1;
	s10 =	sld [smem:$0x3FB6]  }
0x3d: {  	_ =	shalt  }
0x3e: {  	_ =	shalt  }
0x3f: {  	_ =	shalt  }
0x40: {  	_ =	shalt  }
0x41: {  	_ =	shalt  }
0x42: {  	_ =	shalt  }
0x43: {  	_ =	shalt  }
0x44: {  	_ =	shalt  }
0x45: {  	_ =	shalt  }
0x46: {  	_ =	shalt  }
0x47: {  	_ =	shalt  }
0x48: {  	_ =	shalt  }
0x49: {  	_ =	shalt  }
0x4a: {  	_ =	shalt  }
0x4b: {  	_ =	shalt  }
0x4c: {  	_ =	shalt  }
0x4d: {  	_ =	shalt  }
0x4e: {  	_ =	shalt  }
0x4f: {  	_ =	shalt  }
0x50: {  	_ =	shalt  }
0x51: {  	_ =	shalt  }
0x52: {  	_ =	shalt  }
0x53: {  	_ =	shalt  }
0x54: {  	_ =	shalt  }
0x55: {  	_ =	shalt  }
0x56: {  	_ =	shalt  }
0x57: {  	_ =	shalt  }
0x58: {  	_ =	shalt  }
0x59: {  	_ =	shalt  }
0x5a: {  	_ =	shalt  }
0x5b: {  	_ =	shalt  }
0x5c: {  	_ =	shalt  }
0x5d: {  	_ =	shalt  }
0x5e: {  	_ =	shalt  }
0x5f: {  	_ =	shalt  }
0x60: {  	_ =	shalt  }
0x61: {  	_ =	shalt  }
0x62: {  	_ =	shalt  }
0x63: {  	_ =	shalt  }
0x64: {  	_ =	shalt  }
0x65: {  	_ =	shalt  }
0x66: {  	_ =	shalt  }
0x67: {  	_ =	shalt  }
0x68: {  	_ =	shalt  }
0x69: {  	_ =	shalt  }
0x6a: {  	_ =	shalt  }
0x6b: {  	_ =	shalt  }
0x6c: {  	_ =	shalt  }
0x6d: {  	_ =	shalt  }
0x6e: {  	_ =	shalt  }
0x6f: {  	_ =	shalt  }
0x70: {  	_ =	shalt  }
0x71: {  	_ =	shalt  }
0x72: {  	_ =	shalt  }
0x73: {  	_ =	shalt  }
0x74: {  	_ =	shalt  }
0x75: {  	_ =	shalt  }
0x76: {  	_ =	shalt  }
0x77: {  	_ =	shalt  }
0x78: {  	_ =	shalt  }
0x79: {  	_ =	shalt  }
0x7a: {  	_ =	shalt  }
0x7b: {  	_ =	shalt  }
0x7c: {  	_ =	shalt  }
0x7d: {  	_ =	shalt  }
0x7e: {  	_ =	shalt  }
0x7f: {  	_ =	shalt  }
0x80: {  	_ =	shalt  }
0x81: {  	_ =	shalt  }
0x82: {  	_ =	shalt  }
0x83: {  	_ =	shalt  }
0x84: {  	_ =	shalt  }
0x85: {  	_ =	shalt  }
0x86: {  	_ =	shalt  }
0x87: {  	_ =	shalt  }
.Lfunc_end0:
.L_simem_size_0:
called_computation_lowered:
.L_overlay_start_0:
0x88: {  	s2 =	sld [smem:$0x3FD9]  }
0x89: {  	s3 =	sld [smem:$0x3FFE];
	_ =	sdelay $0x1  }
0x8a: {  	s1 =	srdreg.scid  }
0x8b: {  	s0 =	sand.u32 $0x1, s1  }
0x8c: {  	s18 =	sshll.u32 s0, $0xA;
	s2 =	sadd.s32 s3, s2  }
0x8d: {  	s2 =	sadd.s32 s2, s18  }
0x8e: {  	[smem:$0x3FC2] =	sst s2  }
0x8f: {  	_ = 	snop  }
0x90: {  	s2 =	sld [smem:$0x3FC9]  }
0x91: {  	s19 =	sld [smem:$0x3FC8]  }
0x92: {  	s4 =	sld [smem:$0x3FC7]  }
0x93: {  	s5 =	sld [smem:$0x3FC6]  }
0x94: {  	s6 =	sld [smem:$0x3FC5]  }
0x95: {  	s7 =	sld [smem:$0x3FC4]  }
0x96: {  	s8 =	sld [smem:$0x3FD0];
	(tm) =	ssettm $0x1  }
0x97: {  	s9 =	sld [smem:$0x3FFB];
	_ =	sdelay $0x3  }
0x98: {  	_ =	strace s9  }
0x99: {  	s9 =	sld [smem:$0x3FFC];
	_ =	sdelay $0x3  }
0x9a: {  	_ =	strace s9  }
0x9b: {  	s9 =	sld [smem:$0x3FFD];
	_ =	sdelay $0x3  }
0x9c: {  	_ =	strace s9  }
0x9d: {  	_ =	strace $0x8FFFFFFF  }
0x9e: {  	s20 =	sld [smem:$0x3FDB];
	_ =	sdelay $0x1  }
0x9f: {  	s10 =	simm.s32 $_scs_section_size  }
0xa0: {  	s11 =	simm.s32 $_size__tile_overlayer_lowered;
	s12 =	simm.s32 $_tile_overlayer_lowered  }
0xa1: {  	s23 =	simm.s32 $0x1BFF;
	s22 =	sshll.u32 s12, $0x1;
	s9 =	sadd.s32 s10, s20  }
0xa2: {  	s13 =	simm.s32 $0x0;
	s21 =	sshll.u32 s11, $0x1;
	s11 =	sadd.s32 s22, s9  }
0xa3: {  	[timem:s13], [sflag:s23] =	dma.local [hbm:s11], s21  }
0xa4: {  	_ =	swait.ge [sflag:s23], s21  }
0xa5: {  	s10 =	ssub.s32 $0x0, s21;
	[sflag:s23] =	ssyncset.done $0x0  }
0xa6: {  	[sflag:s23] =	ssyncadd.s32 s10;
	_ =	sdelay $0x1  }
0xa7: {  	s24 =	simm.s32 $0x1B8B  }
0xa8: {  	_ =	swait.ge [sflag:s24], $0x1  }
0xa9: {  	[sflag:s24] =	ssyncset.done $0x0  }
0xaa: {  	s25 =	simm.s32 $0x1B8E;
	[sflag:s24] =	ssyncadd.s32 $0xFFFFFFFF  }
0xab: {  	s26 =	simm.s32 $execute0_lowered;
	[smem:$0x3FD2] =	sst s25  }
0xac: {  	s10 =	sshll.u32 s26, $0x1;
	_ =	strace $0x80000046;
	[dreg:$0x1] =	wrdreg $0xFFFFFFFF  }
0xad: {  	s28 =	simm.s32 $_size_execute0_lowered;
	s9 =	sadd.s32 s9, s10;
	[dreg:$0x0] =	wrdreg $0x0  }
0xae: {  	s10 =	sshll.u32 s28, $0x1;
	[dreg:$0x2] =	wrdreg s9  }
0xaf: {  	[dreg:$0x3] =	wrdreg s10  }
0xb0: {  	[dreg:$0x4] =	wrdreg $0xC0  }
0xb1: {  	_ =	task [dreg:s13], $0x5FFFF  }
0xb2: {  	[dreg:$0x1] =	wrdreg $0xFFFFFFFF  }
0xb3: {  	[dreg:$0x0] =	wrdreg $0x60  }
0xb4: {  	[dreg:$0x2] =	wrdreg s2  }
0xb5: {  	[dreg:$0x3] =	wrdreg s19  }
0xb6: {  	[dreg:$0x4] =	wrdreg s4  }
0xb7: {  	[dreg:$0x5] =	wrdreg s5  }
0xb8: {  	[dreg:$0x6] =	wrdreg s6  }
0xb9: {  	[dreg:$0x7] =	wrdreg s7  }
0xba: {  	[dreg:$0x8] =	wrdreg s8  }
0xbb: {  	[dreg:$0x9] =	wrdreg $0x9  }
0xbc: {  	_ =	task.clear_ibuf [dreg:s13], $0xAFFFF;
	_ =	strace $0x90000046  }
0xbd: {  	s29 =	simm.s32 $0x9;
	_ =	strace $0x80000048  }
0xbe: {  	_ =	swait.ge [sflag:s29], $0x1  }
0xbf: {  	[sflag:s29] =	ssyncadd.s32 $0xFFFFFFFF  }
0xc0: {  	_ =	strace $0x90000048  }
0xc1: {  	_ =	sfence  }
0xc2: {  	s30 =	sld [smem:$0x0];
	_ =	sdelay $0x2  }
0xc3: {  	s31 =	sshll.u32 s1, $0xD;
	s1 =	sshrl.u32 s1, $0x2  }
0xc4: {  	s3 =	sand.u32 $0x4000, s31;
	s1 =	sadd.s32 s1, s30  }
0xc5: {  	s0 =	sor.u32 s3, s0;
	s1 =	sshll.u32 s1, $0x11  }
0xc6: {  	s0 =	sor.u32 s1, s0  }
0xc7: {  	s0 =	sadd.s32 $0x8F2B, s0  }
0xc8: {  	[sflag:s0] =	ssyncadd.remote.s32 $0x1  }
0xc9: {  	_ =	sfence.sel $0xFFFF  }
0xca: {  	[dreg:$0x0] =	wrdreg $0xFFFFFFFF;
	(pc) =	sbr.abs _section_cstart, $3  }
0xcb: {  	[dreg:$0x1] =	wrdreg $0xFFFFFFFF  }
0xcc: {  	_ =	task.clear_ibuf [dreg:s13], $0x2FFFF;
	_ =	strace $0x9FFFFFFF  }
0xcd: {  	(tm) =	ssettm $0x7FFFFFFF  }
tec
execute0_lowered:
.L_overlay_start_1:
0x0: {  	(tag) =	ssettag $0x1  }
0x1: {  	s0 =	rddreg [dreg:$0x0]  }
0x2: {  	s4 =	rddreg [dreg:$0x1]  }
0x3: {  	s1 =	rddreg [dreg:$0x2]  }
0x4: {  	s2 =	rddreg [dreg:$0x3]  }
0x5: {  	s3 =	rddreg [dreg:$0x4]  }
0x6: {  	s5 =	rddreg [dreg:$0x6]  }
0x7: {  	s7 =	srdreg.scid;
	s6 =	simm.s32 $0x0;
	s10 =	stileid.u32  }
0x8: {  	s13 =	simm.s32 $0x1;
	s14 =	simm.s32 $0x2;
	s15 =	simm.s32 $0x40  }
0x9: {  	s16 =	simm.s32 $0x600;
	s17 =	simm.s32 $0x8600;
	s21 =	simm.s32 $0x2600  }
0xa: {  	s23 =	simm.s32 $0xA600;
	s29 =	simm.s32 $0x4600;
	s31 =	simm.s32 $0xC600  }
0xb: {  	s12 =	simm.s32 $0x3;
	s22 =	simm.s32 $0x6600;
	s30 =	simm.s32 $0xE600  }
0xc: {  	s25 =	simm.s32 $0x10980;
	s18 =	simm.s32 $0x140;
	s20 =	simm.s32 $0x180  }
0xd: {  	s24 =	simm.s32 $0x4;
	s28 =	simm.s32 $0x5;
	s7 =	sand.u32 $0x1, s7  }
0xe: {  	s10 =	sshll.u32 s10, $0x7;
	s8 =	ssub.s32 $0x2, s7;
	s7 =	sshll.u32 s7, $0x6  }
0xf: {  	[smem:$0x7FF] =	sst s6;
	s9 =	sshrl.u32 s8, $0x1;
	s26 =	sor.u32 s7, s10  }
0x10: {  	_ =	strace $0x80000047;
	s11 =	ssub.s32 s8, s9;
	s7 =	sadd.s32 s0, s26  }
0x11: {  	s8 =	sadd.s32 s4, s26;
	s9 =	sadd.s32 s5, s26;
	s26 =	simm.s32 $0x1C0  }
0x12: {  	s0 =	simm.s32 $0x0;
	s10 =	smax.u32 s11, $0x1;
	s11 =	simm.s32 $0x100  }
.LBB2_1:
0x13: {  	[tilespmem:s6], [sflag:$0x1] =	stream.linear.gather [hbm4b:s7+s6], $0x200, $0x38;
	[tilespmem:$0x10C80] =	vst v63  }
0x14: {  	s4 =	simm.s32 $0x200  }
0x15: {  	[tilespmem:s4], [sflag:$0x2] =	stream.linear.gather [hbm4b:s8+s6], $0x200, $0x38;
	[tilespmem:$0x10C80] =	vst v63  }
0x16: {  	s19 =	rddreg [dreg:$0x5];
	s5 =	simm.s32 $0x10C00  }
0x17: {  	[tilespmem:s5], [sflag:$0x3] =	stream.linear.gather [hbm4b:s19+s6], $0x1, $0x38;
	[tilespmem:$0x10C80] =	vst v63  }
0x18: {  	_ =	swait.ge [sflag:s13], $0x200  }
0x19: {  	[sflag:s13] =	ssyncset.done $0x0  }
0x1a: {  	[sflag:s13] =	ssyncadd.s32 $0xFFFFFE00  }
0x1b: {  	_ =	swait.ge [sflag:s14], $0x200  }
0x1c: {  	[sflag:s14] =	ssyncset.done $0x0  }
0x1d: {  	s4 =	simm.s32 $0x0;
	[sflag:s14] =	ssyncadd.s32 $0xFFFFFE00  }
0x1e: {  	s19 =	simm.s32 $0x40;
	v0 =	vld [tilespmem:s4+$0x200]  }
.LBB2_2:
0x1f: {  	p0 =	sne.s32 s19, $0x7C0  }
.Ltmp0:
0x20: {  	_ = 	snop;
	(pc) =	sbr.rel @p0 .LBB2_2-.Ltmp0, $3  }
0x21: {  	_ =	sdelay $0x1  }
0x22: {  	s5 =	sshra.s32 s19, $0x2;
	s19 =	sadd.s32 $0x40, s19;
	v1 =	vadd.s32 $0x186A0, v0  }
0x23: {  	v0 =	vld [tilespmem:s5+$0x200];
	[tilespmem:s4+$0x400] =	vst v1;
	s4 =	smov.u32 s5  }
0x24: {  	_ =	sdelay $0x3  }
0x25: {  	v0 =	vadd.s32 $0x186A0, v0  }
0x26: {  	[tilespmem:s4+$0x400] =	vst v0;
	s4 =	simm.s32 $0x0  }
0x27: {  	[tilespmem:s16], [sflag:$0x1] =	stream.indirect.gather [hbm4b:s1+s15], $0x80, s4, s15, $0xb8;
	[tilespmem:$0x10C80] =	vst v63  }
0x28: {  	s5 =	simm.s32 $0x200  }
0x29: {  	[tilespmem:s17], [sflag:$0x1] =	stream.indirect.gather [hbm4b:s3+s15], $0x80, s5, s15, $0xb8;
	[tilespmem:$0x10C80] =	vst v63  }
0x2a: {  	s19 =	simm.s32 $0x10600  }
0x2b: {  	[tilespmem:s19], [sflag:$0x1] =	stream.indirect.gather [hbm4b:s2+s15], $0x1, s4, s15, $0xb8;
	[tilespmem:$0x10C80] =	vst v63  }
0x2c: {  	s5 =	simm.s32 $0x400;
	s19 =	simm.s32 $0x10800  }
0x2d: {  	[tilespmem:s19], [sflag:$0x1] =	stream.indirect.gather [hbm4b:s2+s15], $0x1, s5, s15, $0xb8;
	[tilespmem:$0x10C80] =	vst v63  }
0x2e: {  	_ = 	snop  }
0x2f: {  	[tilespmem:s21], [sflag:$0x2] =	stream.indirect.gather [hbm4b:s1+s15], $0x80, s15, s15, $0xb8;
	[tilespmem:$0x10C80] =	vst v63  }
0x30: {  	s19 =	simm.s32 $0x240  }
0x31: {  	[tilespmem:s23], [sflag:$0x2] =	stream.indirect.gather [hbm4b:s3+s15], $0x80, s19, s15, $0xb8;
	[tilespmem:$0x10C80] =	vst v63  }
0x32: {  	s19 =	simm.s32 $0x10680  }
0x33: {  	[tilespmem:s19], [sflag:$0x2] =	stream.indirect.gather [hbm4b:s2+s15], $0x1, s15, s15, $0xb8;
	[tilespmem:$0x10C80] =	vst v63  }
0x34: {  	s5 =	simm.s32 $0x440;
	s19 =	simm.s32 $0x10880  }
0x35: {  	[tilespmem:s19], [sflag:$0x2] =	stream.indirect.gather [hbm4b:s2+s15], $0x1, s5, s15, $0xb8;
	[tilespmem:$0x10C80] =	vst v63  }
0x36: {  	s5 =	simm.s32 $0x80  }
0x37: {  	[tilespmem:s29], [sflag:$0x3] =	stream.indirect.gather [hbm4b:s1+s15], $0x80, s5, s15, $0xb8;
	[tilespmem:$0x10C80] =	vst v63  }
0x38: {  	s19 =	simm.s32 $0x280  }
0x39: {  	[tilespmem:s31], [sflag:$0x3] =	stream.indirect.gather [hbm4b:s3+s15], $0x80, s19, s15, $0xb8;
	[tilespmem:$0x10C80] =	vst v63  }
0x3a: {  	s19 =	simm.s32 $0x10700  }
0x3b: {  	[tilespmem:s19], [sflag:$0x3] =	stream.indirect.gather [hbm4b:s2+s15], $0x1, s5, s15, $0xb8;
	[tilespmem:$0x10C80] =	vst v63  }
0x3c: {  	s5 =	simm.s32 $0x480;
	s19 =	simm.s32 $0x10900  }
0x3d: {  	[tilespmem:s19], [sflag:$0x3] =	stream.indirect.gather [hbm4b:s2+s15], $0x1, s5, s15, $0xb8;
	[tilespmem:$0x10C80] =	vst v63  }
0x3e: {  	_ =	swait.ge [sflag:s12], $0x1  }
0x3f: {  	[sflag:s12] =	ssyncset.done $0x0  }
0x40: {  	s5 =	simm.s32 $0xC0;
	[sflag:s12] =	ssyncadd.s32 $0xFFFFFFFF  }
0x41: {  	v0 =	vld.msk [tilespmem:$0x10C00 ss:$0x0], $0xffff;
	[tilespmem:s22], [sflag:$0x4] =	stream.indirect.gather [hbm4b:s1+s15], $0x80, s5, s15, $0xb8  }
0x42: {  	s19 =	simm.s32 $0x2C0  }
0x43: {  	[tilespmem:s30], [sflag:$0x4] =	stream.indirect.gather [hbm4b:s3+s15], $0x80, s19, s15, $0xb8;
	[tilespmem:$0x10C80] =	vst v63  }
0x44: {  	s19 =	simm.s32 $0x10780  }
0x45: {  	[tilespmem:s19], [sflag:$0x4] =	stream.indirect.gather [hbm4b:s2+s15], $0x1, s5, s15, $0xb8;
	[tilespmem:$0x10C80] =	vst v63  }
0x46: {  	s19 =	simm.s32 $0x4C0  }
0x47: {  	[tilespmem:s25], [sflag:$0x4] =	stream.indirect.gather [hbm4b:s2+s15], $0x1, s19, s15, $0xb8;
	[tilespmem:$0x10C80] =	vst v63  }
0x48: {  	_ =	swait.ge [sflag:s13], $0x2000  }
0x49: {  	[sflag:s13] =	ssyncset.done $0x0  }
0x4a: {  	[sflag:s13] =	ssyncadd.s32 $0xFFFFE000  }
0x4b: {  	_ =	swait.ge [sflag:s13], $0x2000  }
0x4c: {  	[sflag:s13] =	ssyncset.done $0x0  }
0x4d: {  	[sflag:s13] =	ssyncadd.s32 $0xFFFFE000  }
0x4e: {  	_ =	swait.ge [sflag:s13], $0x40  }
0x4f: {  	[sflag:s13] =	ssyncset.done $0x0  }
0x50: {  	[sflag:s13] =	ssyncadd.s32 $0xFFFFFFC0  }
0x51: {  	_ =	swait.ge [sflag:s13], $0x40  }
0x52: {  	[sflag:s13] =	ssyncset.done $0x0  }
0x53: {  	[sflag:s13] =	ssyncadd.s32 $0xFFFFFFC0  }
.LBB2_4:
0x54: {  	v11 =	vlaneseq.u32  }
0x55: {  	v1 =	vmov s4;
	v2 =	vmul.u32 $0x80, v11  }
0x56: {  	v1 =	vshll.u32 v1, $0x7;
	v3 =	vadd.s32 $0x1, v11  }
0x57: {  	v1 =	vor.u32 v2, v1;
	v2 =	vand.u32 $0x7F, v3  }
0x58: {  	v4 =	vadd.s32 $0x3, v11;
	v2 =	vor.u32 v1, v2  }
0x59: {  	v4 =	vand.u32 $0x7F, v4  }
0x5a: {  	v6 =	vadd.s32 $0x9, v11;
	v5 =	vor.u32 v1, v4  }
0x5b: {  	v6 =	vand.u32 $0x7F, v6  }
0x5c: {  	v6 =	vor.u32 v1, v6  }
0x5d: {  	v3 =	vadd.s32 $0x2, v11;
	v8 =	vld.idx.msk [tilespmem:v2+s16+$0x0], $0xffff  }
0x5e: {  	v3 =	vand.u32 $0x7F, v3;
	v12 =	vor.u32 v1, v11;
	v14 =	vld.idx.msk [tilespmem:v2+s17+$0x0], $0xffff  }
0x5f: {  	v9 =	vadd.s32 $0x7, v11;
	v3 =	vor.u32 v1, v3;
	v15 =	vld.idx.msk [tilespmem:v5+s17+$0x0], $0xffff  }
0x60: {  	v9 =	vand.u32 $0x7F, v9;
	v18 =	vld.idx.msk [tilespmem:v5+s16+$0x0], $0xffff  }
0x61: {  	v24 =	vadd.s32 $0xB, v11;
	v4 =	vadd.s32 $0xE, v11;
	v25 =	vor.u32 v1, v9;
	v20 =	vld.idx.msk [tilespmem:v6+s17+$0x0], $0xffff  }
0x62: {  	v7 =	vadd.s32 $0xA, v11;
	v24 =	vand.u32 $0x7F, v24;
	v4 =	vand.u32 $0x7F, v4;
	v6 =	vld.idx.msk [tilespmem:v6+s16+$0x0], $0xffff  }
0x63: {  	v4 =	vor.u32 v1, v4;
	v2 =	vand.u32 $0x7F, v7;
	v5 =	vadd.s32 $0x4, v11;
	v7 =	vld.idx.msk [tilespmem:v12+s16+$0x0], $0xffff  }
0x64: {  	v29 =	vor.u32 v1, v24;
	v10 =	vld.idx.msk [tilespmem:v3+s17+$0x0], $0xffff;
	v16 =	vor.u32 v1, v2;
	v5 =	vand.u32 $0x7F, v5  }
0x65: {  	v24 =	vadd.s32 $0xD, v11;
	v17 =	vld.idx.msk [tilespmem:v3+s16+$0x0], $0xffff;
	v3 =	vadd.s32 $0xC, v11;
	v21 =	vor.u32 v1, v5  }
0x66: {  	v30 =	vand.u32 $0x7F, v24;
	v24 =	vld.idx.msk [tilespmem:v25+s16+$0x0], $0xffff;
	v2 =	vadd.s32 $0x6, v11;
	v3 =	vand.u32 $0x7F, v3  }
0x67: {  	v25 =	vld.idx.msk [tilespmem:v25+s17+$0x0], $0xffff;
	v2 =	vand.u32 $0x7F, v2;
	v19 =	vor.u32 v1, v3;
	v3 =	vadd.s32 $0x5, v11  }
0x68: {  	v13 =	vor.u32 v1, v2;
	v2 =	vld.idx.msk [tilespmem:v4+s16+$0x0], $0xffff;
	v5 =	vand.u32 $0x7F, v3  }
0x69: {  	v22 =	vor.u32 v1, v5;
	v3 =	vld.idx.msk [tilespmem:v16+s16+$0x0], $0xffff  }
0x6a: {  	v26 =	vld.idx.msk [tilespmem:v21+s17+$0x0], $0xffff  }
0x6b: {  	v21 =	vld.idx.msk [tilespmem:v21+s16+$0x0], $0xffff  }
0x6c: {  	v27 =	vadd.s32 $0xF, v11;
	v23 =	vld.idx.msk [tilespmem:v19+s16+$0x0], $0xffff  }
0x6d: {  	v9 =	vimm.f32 $0.0e+00;
	v10 =	vmul.f32 v10, v17;
	v17 =	vadd.s32 $0x8, v11;
	v19 =	vld.idx.msk [tilespmem:v19+s17+$0x0], $0xffff  }
0x6e: {  	v8 =	vmul.f32 v14, v8;
	v20 =	vmul.f32 v20, v6;
	v17 =	vand.u32 $0x7F, v17;
	v14 =	vld.idx.msk [tilespmem:v22+s16+$0x0], $0xffff  }
0x6f: {  	v15 =	vmul.f32 v15, v18;
	v18 =	vand.u32 $0x7F, v27;
	v28 =	vor.u32 v1, v17;
	v22 =	vld.idx.msk [tilespmem:v22+s17+$0x0], $0xffff  }
0x70: {  	v27 =	vor.u32 v1, v18;
	v18 =	vld.idx.msk [tilespmem:v16+s17+$0x0], $0xffff;
	v11 =	vadd.s32 $0x10, v11;
	v8 =	vadd.f32 v8, v9  }
0x71: {  	v5 =	vld.idx.msk [tilespmem:v13+s17+$0x0], $0xffff;
	v6 =	vadd.f32 v10, v9;
	v10 =	vadd.f32 v15, v9;
	v15 =	vmul.f32 v26, v21  }
0x72: {  	v16 =	vand.u32 $0x7F, v11;
	v11 =	vimm.f32 $0.0e+00;
	v17 =	vld.idx.msk [tilespmem:v29+s16+$0x0], $0xffff;
	v8 =	vadd.f32 v20, v8  }
0x73: {  	v26 =	vor.u32 v1, v30;
	v20 =	vmul.f32 v19, v23;
	v19 =	vld.idx.msk [tilespmem:v29+s17+$0x0], $0xffff;
	v23 =	vadd.f32 v15, v9  }
0x74: {  	s19 =	simm.s32 $0x7;
	v15 =	vimm.f32 $0.0e+00;
	v21 =	vmul.f32 v22, v14;
	v22 =	vld.idx.msk [tilespmem:v28+s16+$0x0], $0xffff;
	v14 =	vimm.f32 $0.0e+00  }
.LBB2_5:
0x75: {  	v29 =	vadd.s32 $0x1, v16;
	v30 =	vadd.s32 $0x4, v16;
	v31 =	vadd.s32 $0x9, v16;
	p0 =	sne.s32 s19, $0x1;
	s19 =	sadd.s32 $0xFFFFFFFF, s19;
	v28 =	vld.idx.msk [tilespmem:v28+s17+$0x0], $0xffff  }
0x76: {  	v32 =	vadd.s32 $0xA, v16;
	v29 =	vand.u32 $0x7F, v29;
	v30 =	vand.u32 $0x7F, v30;
	v33 =	vld.idx.msk [tilespmem:v12+s17+$0x0], $0xffff  }
0x77: {  	v34 =	vadd.s32 $0xE, v16;
	v35 =	vadd.s32 $0xF, v16;
	v12 =	vadd.s32 $0x2, v16;
	v36 =	vld.idx.msk [tilespmem:v4+s17+$0x0], $0xffff  }
0x78: {  	v29 =	vor.u32 v1, v29;
	v4 =	vand.u32 $0x7F, v12;
	v12 =	vadd.s32 $0xD, v16;
	v37 =	vld.idx.msk [tilespmem:v13+s16+$0x0], $0xffff  }
0x79: {  	v13 =	vor.u32 v1, v4;
	v4 =	vadd.s32 $0x3, v16;
	v38 =	vand.u32 $0x7F, v12;
	v12 =	vld.idx.msk [tilespmem:v27+s17+$0x0], $0xffff  }
0x7a: {  	v39 =	vadd.s32 $0x8, v16;
	v35 =	vand.u32 $0x7F, v35;
	v4 =	vand.u32 $0x7F, v4;
	v27 =	vld.idx.msk [tilespmem:v27+s16+$0x0], $0xffff  }
0x7b: {  	v34 =	vand.u32 $0x7F, v34;
	v40 =	vor.u32 v1, v4;
	v4 =	vadd.s32 $0xC, v16;
	v41 =	vld.idx.msk [tilespmem:v26+s16+$0x0], $0xffff  }
0x7c: {  	v42 =	vadd.s32 $0x5, v16;
	v43 =	vadd.s32 $0x7, v16;
	v24 =	vmul.f32 v25, v24;
	v25 =	vld.idx.msk [tilespmem:v26+s17+$0x0], $0xffff  }
0x7d: {  	v30 =	vor.u32 v1, v30;
	v44 =	vand.u32 $0x7F, v4;
	v4 =	vor.u32 v1, v34;
	v26 =	vld.idx.msk [tilespmem:v29+s16+$0x0], $0xffff  }
0x7e: {  	v45 =	vadd.s32 $0xB, v16;
	v43 =	vand.u32 $0x7F, v43;
	v31 =	vand.u32 $0x7F, v31;
	v34 =	vld.idx.msk [tilespmem:v13+s17+$0x0], $0xffff  }
0x7f: {  	v42 =	vand.u32 $0x7F, v42;
	v32 =	vand.u32 $0x7F, v32;
	v31 =	vor.u32 v1, v31;
	v29 =	vld.idx.msk [tilespmem:v29+s17+$0x0], $0xffff  }
0x80: {  	v45 =	vand.u32 $0x7F, v45;
	v32 =	vor.u32 v1, v32;
	v27 =	vmul.f32 v12, v27;
	v46 =	vld.idx.msk [tilespmem:v40+s17+$0x0], $0xffff  }
0x81: {  	v7 =	vmul.f32 v33, v7;
	v12 =	vor.u32 v1, v16;
	v47 =	vld.idx.msk [tilespmem:v13+s16+$0x0], $0xffff;
	v13 =	vadd.s32 $0x6, v16  }
0x82: {  	v23 =	vadd.f32 v20, v23;
	v33 =	vld.idx.msk [tilespmem:v40+s16+$0x0], $0xffff;
	v13 =	vand.u32 $0x7F, v13;
	v40 =	vor.u32 v1, v44  }
0x83: {  	v9 =	vadd.f32 v24, v9;
	v20 =	vmul.f32 v36, v2;
	v13 =	vor.u32 v1, v13;
	v2 =	vld.idx.msk [tilespmem:v4+s16+$0x0], $0xffff  }
0x84: {  	v15 =	vadd.f32 v21, v15;
	v21 =	vmul.f32 v28, v22;
	v22 =	vmul.f32 v25, v41;
	v24 =	vld.idx.msk [tilespmem:v31+s17+$0x0], $0xffff  }
0x85: {  	v17 =	vmul.f32 v19, v17;
	v14 =	vadd.f32 v7, v14;
	v25 =	vmul.f32 v29, v26;
	v26 =	vld.idx.msk [tilespmem:v31+s16+$0x0], $0xffff  }
0x86: {  	v18 =	vmul.f32 v18, v3;
	v19 =	vmul.f32 v5, v37;
	v15 =	vadd.f32 v22, v15;
	v3 =	vld.idx.msk [tilespmem:v32+s16+$0x0], $0xffff  }
0x87: {  	v14 =	vadd.f32 v21, v14;
	v22 =	vor.u32 v1, v42;
	v8 =	vadd.f32 v25, v8;
	v7 =	vld.idx.msk [tilespmem:v12+s16+$0x0], $0xffff  }
0x88: {  	v6 =	vadd.f32 v18, v6;
	v21 =	vand.u32 $0x7F, v39;
	v11 =	vadd.f32 v19, v11;
	v5 =	vld.idx.msk [tilespmem:v13+s17+$0x0], $0xffff  }
0x89: {  	v10 =	vadd.f32 v17, v10;
	v9 =	vadd.f32 v27, v9;
	v18 =	vmul.f32 v34, v47;
	v29 =	vld.idx.msk [tilespmem:v40+s16+$0x0], $0xffff  }
0x8a: {  	v17 =	vor.u32 v1, v43;
	v11 =	vadd.f32 v20, v11;
	v19 =	vld.idx.msk [tilespmem:v30+s17+$0x0], $0xffff  }
0x8b: {  	v6 =	vadd.f32 v18, v6;
	v20 =	vmul.f32 v24, v26;
	v18 =	vld.idx.msk [tilespmem:v30+s16+$0x0], $0xffff  }
0x8c: {  	v26 =	vor.u32 v1, v45;
	v30 =	vld.idx.msk [tilespmem:v22+s16+$0x0], $0xffff  }
0x8d: {  	v8 =	vadd.f32 v20, v8;
	v20 =	vld.idx.msk [tilespmem:v40+s17+$0x0], $0xffff  }
0x8e: {  	v22 =	vld.idx.msk [tilespmem:v22+s17+$0x0], $0xffff  }
0x8f: {  	v28 =	vor.u32 v1, v21;
	v27 =	vmul.f32 v46, v33;
	v24 =	vld.idx.msk [tilespmem:v17+s16+$0x0], $0xffff  }
.Ltmp1:
0x90: {  	v25 =	vld.idx.msk [tilespmem:v17+s17+$0x0], $0xffff;
	(pc) =	sbr.rel @p0 .LBB2_5-.Ltmp1, $4  }
0x91: {  	v10 =	vadd.f32 v27, v10;
	v17 =	vld.idx.msk [tilespmem:v26+s16+$0x0], $0xffff  }
0x92: {  	v27 =	vor.u32 v1, v35;
	v21 =	vmul.f32 v19, v18;
	v18 =	vld.idx.msk [tilespmem:v32+s17+$0x0], $0xffff  }
0x93: {  	v16 =	vadd.s32 $0x10, v16;
	v20 =	vmul.f32 v20, v29;
	v19 =	vld.idx.msk [tilespmem:v26+s17+$0x0], $0xffff;
	v26 =	vor.u32 v1, v38  }
0x94: {  	v16 =	vand.u32 $0x7F, v16;
	v23 =	vadd.f32 v21, v23;
	v21 =	vmul.f32 v22, v30;
	v22 =	vld.idx.msk [tilespmem:v28+s16+$0x0], $0xffff  }
0x95: {  	_ =	sdelay $0x3  }
0x96: {  	v1 =	vld.idx.msk [tilespmem:v28+s17+$0x0], $0xffff  }
0x97: {  	v12 =	vld.idx.msk [tilespmem:v12+s17+$0x0], $0xffff  }
0x98: {  	v16 =	vld.idx.msk [tilespmem:v27+s17+$0x0], $0xffff  }
0x99: {  	v52 =	vld.idx.msk [tilespmem:v27+s16+$0x0], $0xffff  }
0x9a: {  	v53 =	vld.idx.msk [tilespmem:v26+s16+$0x0], $0xffff  }
0x9b: {  	v13 =	vld.idx.msk [tilespmem:v13+s16+$0x0], $0xffff  }
0x9c: {  	v54 =	vld.idx.msk [tilespmem:v26+s17+$0x0], $0xffff  }
0x9d: {  	v4 =	vld.idx.msk [tilespmem:v4+s17+$0x0], $0xffff;
	v24 =	vmul.f32 v25, v24  }
0x9e: {  	v55 =	vadd.f32 v20, v23;
	v15 =	vadd.f32 v21, v15;
	v3 =	vmul.f32 v18, v3  }
0x9f: {  	v9 =	vadd.f32 v24, v9;
	v57 =	vmul.f32 v19, v17;
	v7 =	vmul.f32 v12, v7  }
0xa0: {  	v3 =	vadd.f32 v3, v6;
	v16 =	vmul.f32 v16, v52;
	v5 =	vmul.f32 v5, v13  }
0xa1: {  	v56 =	vmul.f32 v54, v53;
	v1 =	vmul.f32 v1, v22;
	v7 =	vadd.f32 v7, v14  }
0xa2: {  	v60 =	vld [tilespmem:s4+$0x10600];
	v2 =	vmul.f32 v4, v2;
	v61 =	vadd.f32 v57, v10;
	v59 =	vadd.f32 v5, v11  }
0xa3: {  	v62 =	vld [tilespmem:s4+$0x10800];
	v58 =	vadd.f32 v56, v15;
	v1 =	vadd.f32 v1, v7  }
0xa4: {  	v9 =	vadd.f32 v16, v9;
	v2 =	vadd.f32 v2, v59  }
0xa5: {  	v3 =	vadd.f32 v61, v3;
	v1 =	vadd.f32 v8, v1  }
0xa6: {  	v63 =	vadd.f32 v58, v55;
	v2 =	vadd.f32 v9, v2  }
0xa7: {  	v1 =	vadd.f32 v3, v1  }
0xa8: {  	v2 =	vadd.f32 v2, v63;
	v3 =	vadd.f32 v62, v60  }
0xa9: {  	p0 =	slt.u32 s4, $0x30  }
.Ltmp2:
0xaa: {  	v3 =	vadd.f32 v3, v0;
	v1 =	vadd.f32 v2, v1;
	(pc) =	sbr.rel @p0 .LBB2_4-.Ltmp2, $4  }
0xab: {  	_ = 	snop  }
0xac: {  	v1 =	vadd.f32 v3, v1  }
0xad: {  	s5 =	sadd.s32 $0x10, s4  }
0xae: {  	[tilespmem:s4+$0x10A00] =	vst v1;
	s4 =	smov.u32 s5  }
0xaf: {  	[tilespmem:s16], [sflag:$0x1] =	stream.indirect.gather [hbm4b:s1+s15], $0x80, s11, s15, $0xb8;
	[tilespmem:$0x10C80] =	vst v63  }
0xb0: {  	s4 =	simm.s32 $0x300  }
0xb1: {  	[tilespmem:s17], [sflag:$0x1] =	stream.indirect.gather [hbm4b:s3+s15], $0x80, s4, s15, $0xb8;
	[tilespmem:$0x10C80] =	vst v63  }
0xb2: {  	s5 =	simm.s32 $0x10600  }
0xb3: {  	[tilespmem:s5], [sflag:$0x1] =	stream.indirect.gather [hbm4b:s2+s15], $0x1, s11, s15, $0xb8;
	[tilespmem:$0x10C80] =	vst v63  }
0xb4: {  	s19 =	simm.s32 $0x10800;
	s5 =	simm.s32 $0x500  }
0xb5: {  	[tilespmem:s19], [sflag:$0x1] =	stream.indirect.gather [hbm4b:s2+s15], $0x1, s5, s15, $0xb8;
	[tilespmem:$0x10C80] =	vst v63  }
0xb6: {  	_ =	swait.ge [sflag:s14], $0x2000  }
0xb7: {  	[sflag:s14] =	ssyncset.done $0x0  }
0xb8: {  	[sflag:s14] =	ssyncadd.s32 $0xFFFFE000  }
0xb9: {  	_ =	swait.ge [sflag:s14], $0x2000  }
0xba: {  	[sflag:s14] =	ssyncset.done $0x0  }
0xbb: {  	[sflag:s14] =	ssyncadd.s32 $0xFFFFE000  }
0xbc: {  	_ =	swait.ge [sflag:s14], $0x40  }
0xbd: {  	[sflag:s14] =	ssyncset.done $0x0  }
0xbe: {  	[sflag:s14] =	ssyncadd.s32 $0xFFFFFFC0  }
0xbf: {  	_ =	swait.ge [sflag:s14], $0x40  }
0xc0: {  	[sflag:s14] =	ssyncset.done $0x0  }
0xc1: {  	s4 =	simm.s32 $0x0;
	[sflag:s14] =	ssyncadd.s32 $0xFFFFFFC0  }
.LBB2_8:
0xc2: {  	v11 =	vlaneseq.u32  }
0xc3: {  	v1 =	vmov s4;
	v2 =	vmul.u32 $0x80, v11  }
0xc4: {  	v1 =	vshll.u32 v1, $0x7;
	v3 =	vadd.s32 $0x1, v11  }
0xc5: {  	v1 =	vor.u32 v2, v1;
	v2 =	vand.u32 $0x7F, v3  }
0xc6: {  	v4 =	vadd.s32 $0x3, v11;
	v2 =	vor.u32 v1, v2  }
0xc7: {  	v4 =	vand.u32 $0x7F, v4  }
0xc8: {  	v6 =	vadd.s32 $0x9, v11;
	v5 =	vor.u32 v1, v4  }
0xc9: {  	v6 =	vand.u32 $0x7F, v6  }
0xca: {  	v6 =	vor.u32 v1, v6  }
0xcb: {  	v3 =	vadd.s32 $0x2, v11;
	v8 =	vld.idx.msk [tilespmem:v2+s21+$0x0], $0xffff  }
0xcc: {  	v3 =	vand.u32 $0x7F, v3;
	v12 =	vor.u32 v1, v11;
	v14 =	vld.idx.msk [tilespmem:v2+s23+$0x0], $0xffff  }
0xcd: {  	v9 =	vadd.s32 $0x7, v11;
	v3 =	vor.u32 v1, v3;
	v15 =	vld.idx.msk [tilespmem:v5+s23+$0x0], $0xffff  }
0xce: {  	v9 =	vand.u32 $0x7F, v9;
	v18 =	vld.idx.msk [tilespmem:v5+s21+$0x0], $0xffff  }
0xcf: {  	v24 =	vadd.s32 $0xB, v11;
	v4 =	vadd.s32 $0xE, v11;
	v25 =	vor.u32 v1, v9;
	v20 =	vld.idx.msk [tilespmem:v6+s23+$0x0], $0xffff  }
0xd0: {  	v7 =	vadd.s32 $0xA, v11;
	v24 =	vand.u32 $0x7F, v24;
	v4 =	vand.u32 $0x7F, v4;
	v6 =	vld.idx.msk [tilespmem:v6+s21+$0x0], $0xffff  }
0xd1: {  	v4 =	vor.u32 v1, v4;
	v2 =	vand.u32 $0x7F, v7;
	v5 =	vadd.s32 $0x4, v11;
	v7 =	vld.idx.msk [tilespmem:v12+s21+$0x0], $0xffff  }
0xd2: {  	v29 =	vor.u32 v1, v24;
	v10 =	vld.idx.msk [tilespmem:v3+s23+$0x0], $0xffff;
	v16 =	vor.u32 v1, v2;
	v5 =	vand.u32 $0x7F, v5  }
0xd3: {  	v24 =	vadd.s32 $0xD, v11;
	v17 =	vld.idx.msk [tilespmem:v3+s21+$0x0], $0xffff;
	v3 =	vadd.s32 $0xC, v11;
	v21 =	vor.u32 v1, v5  }
0xd4: {  	v30 =	vand.u32 $0x7F, v24;
	v24 =	vld.idx.msk [tilespmem:v25+s21+$0x0], $0xffff;
	v2 =	vadd.s32 $0x6, v11;
	v3 =	vand.u32 $0x7F, v3  }
0xd5: {  	v25 =	vld.idx.msk [tilespmem:v25+s23+$0x0], $0xffff;
	v2 =	vand.u32 $0x7F, v2;
	v19 =	vor.u32 v1, v3;
	v3 =	vadd.s32 $0x5, v11  }
0xd6: {  	v13 =	vor.u32 v1, v2;
	v2 =	vld.idx.msk [tilespmem:v4+s21+$0x0], $0xffff;
	v5 =	vand.u32 $0x7F, v3  }
0xd7: {  	v22 =	vor.u32 v1, v5;
	v3 =	vld.idx.msk [tilespmem:v16+s21+$0x0], $0xffff  }
0xd8: {  	v26 =	vld.idx.msk [tilespmem:v21+s23+$0x0], $0xffff  }
0xd9: {  	v21 =	vld.idx.msk [tilespmem:v21+s21+$0x0], $0xffff  }
0xda: {  	v27 =	vadd.s32 $0xF, v11;
	v23 =	vld.idx.msk [tilespmem:v19+s21+$0x0], $0xffff  }
0xdb: {  	v9 =	vimm.f32 $0.0e+00;
	v10 =	vmul.f32 v10, v17;
	v17 =	vadd.s32 $0x8, v11;
	v19 =	vld.idx.msk [tilespmem:v19+s23+$0x0], $0xffff  }
0xdc: {  	v8 =	vmul.f32 v14, v8;
	v20 =	vmul.f32 v20, v6;
	v17 =	vand.u32 $0x7F, v17;
	v14 =	vld.idx.msk [tilespmem:v22+s21+$0x0], $0xffff  }
0xdd: {  	v15 =	vmul.f32 v15, v18;
	v18 =	vand.u32 $0x7F, v27;
	v28 =	vor.u32 v1, v17;
	v22 =	vld.idx.msk [tilespmem:v22+s23+$0x0], $0xffff  }
0xde: {  	v27 =	vor.u32 v1, v18;
	v18 =	vld.idx.msk [tilespmem:v16+s23+$0x0], $0xffff;
	v11 =	vadd.s32 $0x10, v11;
	v8 =	vadd.f32 v8, v9  }
0xdf: {  	v5 =	vld.idx.msk [tilespmem:v13+s23+$0x0], $0xffff;
	v6 =	vadd.f32 v10, v9;
	v10 =	vadd.f32 v15, v9;
	v15 =	vmul.f32 v26, v21  }
0xe0: {  	v16 =	vand.u32 $0x7F, v11;
	v11 =	vimm.f32 $0.0e+00;
	v17 =	vld.idx.msk [tilespmem:v29+s21+$0x0], $0xffff;
	v8 =	vadd.f32 v20, v8  }
0xe1: {  	v26 =	vor.u32 v1, v30;
	v20 =	vmul.f32 v19, v23;
	v19 =	vld.idx.msk [tilespmem:v29+s23+$0x0], $0xffff;
	v23 =	vadd.f32 v15, v9  }
0xe2: {  	s19 =	simm.s32 $0x7;
	v15 =	vimm.f32 $0.0e+00;
	v21 =	vmul.f32 v22, v14;
	v22 =	vld.idx.msk [tilespmem:v28+s21+$0x0], $0xffff;
	v14 =	vimm.f32 $0.0e+00  }
.LBB2_9:
0xe3: {  	v29 =	vadd.s32 $0x1, v16;
	v30 =	vadd.s32 $0x4, v16;
	v31 =	vadd.s32 $0x9, v16;
	p0 =	sne.s32 s19, $0x1;
	s19 =	sadd.s32 $0xFFFFFFFF, s19;
	v28 =	vld.idx.msk [tilespmem:v28+s23+$0x0], $0xffff  }
0xe4: {  	v32 =	vadd.s32 $0xA, v16;
	v29 =	vand.u32 $0x7F, v29;
	v30 =	vand.u32 $0x7F, v30;
	v33 =	vld.idx.msk [tilespmem:v12+s23+$0x0], $0xffff  }
0xe5: {  	v34 =	vadd.s32 $0xE, v16;
	v35 =	vadd.s32 $0xF, v16;
	v12 =	vadd.s32 $0x2, v16;
	v36 =	vld.idx.msk [tilespmem:v4+s23+$0x0], $0xffff  }
0xe6: {  	v29 =	vor.u32 v1, v29;
	v4 =	vand.u32 $0x7F, v12;
	v12 =	vadd.s32 $0xD, v16;
	v37 =	vld.idx.msk [tilespmem:v13+s21+$0x0], $0xffff  }
0xe7: {  	v13 =	vor.u32 v1, v4;
	v4 =	vadd.s32 $0x3, v16;
	v38 =	vand.u32 $0x7F, v12;
	v12 =	vld.idx.msk [tilespmem:v27+s23+$0x0], $0xffff  }
0xe8: {  	v39 =	vadd.s32 $0x8, v16;
	v35 =	vand.u32 $0x7F, v35;
	v4 =	vand.u32 $0x7F, v4;
	v27 =	vld.idx.msk [tilespmem:v27+s21+$0x0], $0xffff  }
0xe9: {  	v34 =	vand.u32 $0x7F, v34;
	v40 =	vor.u32 v1, v4;
	v4 =	vadd.s32 $0xC, v16;
	v41 =	vld.idx.msk [tilespmem:v26+s21+$0x0], $0xffff  }
0xea: {  	v42 =	vadd.s32 $0x5, v16;
	v43 =	vadd.s32 $0x7, v16;
	v24 =	vmul.f32 v25, v24;
	v25 =	vld.idx.msk [tilespmem:v26+s23+$0x0], $0xffff  }
0xeb: {  	v30 =	vor.u32 v1, v30;
	v44 =	vand.u32 $0x7F, v4;
	v4 =	vor.u32 v1, v34;
	v26 =	vld.idx.msk [tilespmem:v29+s21+$0x0], $0xffff  }
0xec: {  	v45 =	vadd.s32 $0xB, v16;
	v43 =	vand.u32 $0x7F, v43;
	v31 =	vand.u32 $0x7F, v31;
	v34 =	vld.idx.msk [tilespmem:v13+s23+$0x0], $0xffff  }
0xed: {  	v42 =	vand.u32 $0x7F, v42;
	v32 =	vand.u32 $0x7F, v32;
	v31 =	vor.u32 v1, v31;
	v29 =	vld.idx.msk [tilespmem:v29+s23+$0x0], $0xffff  }
0xee: {  	v45 =	vand.u32 $0x7F, v45;
	v32 =	vor.u32 v1, v32;
	v27 =	vmul.f32 v12, v27;
	v46 =	vld.idx.msk [tilespmem:v40+s23+$0x0], $0xffff  }
0xef: {  	v7 =	vmul.f32 v33, v7;
	v12 =	vor.u32 v1, v16;
	v47 =	vld.idx.msk [tilespmem:v13+s21+$0x0], $0xffff;
	v13 =	vadd.s32 $0x6, v16  }
0xf0: {  	v23 =	vadd.f32 v20, v23;
	v33 =	vld.idx.msk [tilespmem:v40+s21+$0x0], $0xffff;
	v13 =	vand.u32 $0x7F, v13;
	v40 =	vor.u32 v1, v44  }
0xf1: {  	v9 =	vadd.f32 v24, v9;
	v20 =	vmul.f32 v36, v2;
	v13 =	vor.u32 v1, v13;
	v2 =	vld.idx.msk [tilespmem:v4+s21+$0x0], $0xffff  }
0xf2: {  	v15 =	vadd.f32 v21, v15;
	v21 =	vmul.f32 v28, v22;
	v22 =	vmul.f32 v25, v41;
	v24 =	vld.idx.msk [tilespmem:v31+s23+$0x0], $0xffff  }
0xf3: {  	v17 =	vmul.f32 v19, v17;
	v14 =	vadd.f32 v7, v14;
	v25 =	vmul.f32 v29, v26;
	v26 =	vld.idx.msk [tilespmem:v31+s21+$0x0], $0xffff  }
0xf4: {  	v18 =	vmul.f32 v18, v3;
	v19 =	vmul.f32 v5, v37;
	v15 =	vadd.f32 v22, v15;
	v3 =	vld.idx.msk [tilespmem:v32+s21+$0x0], $0xffff  }
0xf5: {  	v14 =	vadd.f32 v21, v14;
	v22 =	vor.u32 v1, v42;
	v8 =	vadd.f32 v25, v8;
	v7 =	vld.idx.msk [tilespmem:v12+s21+$0x0], $0xffff  }
0xf6: {  	v6 =	vadd.f32 v18, v6;
	v21 =	vand.u32 $0x7F, v39;
	v11 =	vadd.f32 v19, v11;
	v5 =	vld.idx.msk [tilespmem:v13+s23+$0x0], $0xffff  }
0xf7: {  	v10 =	vadd.f32 v17, v10;
	v9 =	vadd.f32 v27, v9;
	v18 =	vmul.f32 v34, v47;
	v29 =	vld.idx.msk [tilespmem:v40+s21+$0x0], $0xffff  }
0xf8: {  	v17 =	vor.u32 v1, v43;
	v11 =	vadd.f32 v20, v11;
	v19 =	vld.idx.msk [tilespmem:v30+s23+$0x0], $0xffff  }
0xf9: {  	v6 =	vadd.f32 v18, v6;
	v20 =	vmul.f32 v24, v26;
	v18 =	vld.idx.msk [tilespmem:v30+s21+$0x0], $0xffff  }
0xfa: {  	v26 =	vor.u32 v1, v45;
	v30 =	vld.idx.msk [tilespmem:v22+s21+$0x0], $0xffff  }
0xfb: {  	v8 =	vadd.f32 v20, v8;
	v20 =	vld.idx.msk [tilespmem:v40+s23+$0x0], $0xffff  }
0xfc: {  	v22 =	vld.idx.msk [tilespmem:v22+s23+$0x0], $0xffff  }
0xfd: {  	v28 =	vor.u32 v1, v21;
	v27 =	vmul.f32 v46, v33;
	v24 =	vld.idx.msk [tilespmem:v17+s21+$0x0], $0xffff  }
.Ltmp3:
0xfe: {  	v25 =	vld.idx.msk [tilespmem:v17+s23+$0x0], $0xffff;
	(pc) =	sbr.rel @p0 .LBB2_9-.Ltmp3, $4  }
0xff: {  	v10 =	vadd.f32 v27, v10;
	v17 =	vld.idx.msk [tilespmem:v26+s21+$0x0], $0xffff  }
0x100: {  	v27 =	vor.u32 v1, v35;
	v21 =	vmul.f32 v19, v18;
	v18 =	vld.idx.msk [tilespmem:v32+s23+$0x0], $0xffff  }
0x101: {  	v16 =	vadd.s32 $0x10, v16;
	v20 =	vmul.f32 v20, v29;
	v19 =	vld.idx.msk [tilespmem:v26+s23+$0x0], $0xffff;
	v26 =	vor.u32 v1, v38  }
0x102: {  	v16 =	vand.u32 $0x7F, v16;
	v23 =	vadd.f32 v21, v23;
	v21 =	vmul.f32 v22, v30;
	v22 =	vld.idx.msk [tilespmem:v28+s21+$0x0], $0xffff  }
0x103: {  	_ =	sdelay $0x3  }
0x104: {  	v1 =	vld.idx.msk [tilespmem:v28+s23+$0x0], $0xffff  }
0x105: {  	v12 =	vld.idx.msk [tilespmem:v12+s23+$0x0], $0xffff  }
0x106: {  	v16 =	vld.idx.msk [tilespmem:v27+s23+$0x0], $0xffff  }
0x107: {  	v52 =	vld.idx.msk [tilespmem:v27+s21+$0x0], $0xffff  }
0x108: {  	v53 =	vld.idx.msk [tilespmem:v26+s21+$0x0], $0xffff  }
0x109: {  	v13 =	vld.idx.msk [tilespmem:v13+s21+$0x0], $0xffff  }
0x10a: {  	v54 =	vld.idx.msk [tilespmem:v26+s23+$0x0], $0xffff  }
0x10b: {  	v4 =	vld.idx.msk [tilespmem:v4+s23+$0x0], $0xffff;
	v24 =	vmul.f32 v25, v24  }
0x10c: {  	v55 =	vadd.f32 v20, v23;
	v15 =	vadd.f32 v21, v15;
	v3 =	vmul.f32 v18, v3  }
0x10d: {  	v9 =	vadd.f32 v24, v9;
	v57 =	vmul.f32 v19, v17;
	v7 =	vmul.f32 v12, v7  }
0x10e: {  	v3 =	vadd.f32 v3, v6;
	v16 =	vmul.f32 v16, v52;
	v5 =	vmul.f32 v5, v13  }
0x10f: {  	v56 =	vmul.f32 v54, v53;
	v1 =	vmul.f32 v1, v22;
	v7 =	vadd.f32 v7, v14  }
0x110: {  	v60 =	vld [tilespmem:s4+$0x10680];
	v2 =	vmul.f32 v4, v2;
	v61 =	vadd.f32 v57, v10;
	v59 =	vadd.f32 v5, v11  }
0x111: {  	v62 =	vld [tilespmem:s4+$0x10880];
	v58 =	vadd.f32 v56, v15;
	v1 =	vadd.f32 v1, v7  }
0x112: {  	v9 =	vadd.f32 v16, v9;
	v2 =	vadd.f32 v2, v59  }
0x113: {  	v3 =	vadd.f32 v61, v3;
	v1 =	vadd.f32 v8, v1  }
0x114: {  	v63 =	vadd.f32 v58, v55;
	v2 =	vadd.f32 v9, v2  }
0x115: {  	v1 =	vadd.f32 v3, v1  }
0x116: {  	v2 =	vadd.f32 v2, v63;
	v3 =	vadd.f32 v62, v60  }
0x117: {  	p0 =	slt.u32 s4, $0x30  }
.Ltmp4:
0x118: {  	v3 =	vadd.f32 v3, v0;
	v1 =	vadd.f32 v2, v1;
	(pc) =	sbr.rel @p0 .LBB2_8-.Ltmp4, $4  }
0x119: {  	_ = 	snop  }
0x11a: {  	v1 =	vadd.f32 v3, v1  }
0x11b: {  	s5 =	sadd.s32 $0x10, s4  }
0x11c: {  	[tilespmem:s4+$0x10A40] =	vst v1;
	s4 =	smov.u32 s5  }
0x11d: {  	[tilespmem:s21], [sflag:$0x2] =	stream.indirect.gather [hbm4b:s1+s15], $0x80, s18, s15, $0xb8;
	[tilespmem:$0x10C80] =	vst v63  }
0x11e: {  	s4 =	simm.s32 $0x340  }
0x11f: {  	[tilespmem:s23], [sflag:$0x2] =	stream.indirect.gather [hbm4b:s3+s15], $0x80, s4, s15, $0xb8;
	[tilespmem:$0x10C80] =	vst v63  }
0x120: {  	s5 =	simm.s32 $0x10680  }
0x121: {  	[tilespmem:s5], [sflag:$0x2] =	stream.indirect.gather [hbm4b:s2+s15], $0x1, s18, s15, $0xb8;
	[tilespmem:$0x10C80] =	vst v63  }
0x122: {  	s19 =	simm.s32 $0x10880;
	s5 =	simm.s32 $0x540  }
0x123: {  	[tilespmem:s19], [sflag:$0x2] =	stream.indirect.gather [hbm4b:s2+s15], $0x1, s5, s15, $0xb8;
	[tilespmem:$0x10C80] =	vst v63  }
0x124: {  	_ =	swait.ge [sflag:s12], $0x2000  }
0x125: {  	[sflag:s12] =	ssyncset.done $0x0  }
0x126: {  	[sflag:s12] =	ssyncadd.s32 $0xFFFFE000  }
0x127: {  	_ =	swait.ge [sflag:s12], $0x2000  }
0x128: {  	[sflag:s12] =	ssyncset.done $0x0  }
0x129: {  	[sflag:s12] =	ssyncadd.s32 $0xFFFFE000  }
0x12a: {  	_ =	swait.ge [sflag:s12], $0x40  }
0x12b: {  	[sflag:s12] =	ssyncset.done $0x0  }
0x12c: {  	[sflag:s12] =	ssyncadd.s32 $0xFFFFFFC0  }
0x12d: {  	_ =	swait.ge [sflag:s12], $0x40  }
0x12e: {  	[sflag:s12] =	ssyncset.done $0x0  }
0x12f: {  	s4 =	simm.s32 $0x0;
	[sflag:s12] =	ssyncadd.s32 $0xFFFFFFC0  }
.LBB2_12:
0x130: {  	v11 =	vlaneseq.u32  }
0x131: {  	v1 =	vmov s4;
	v2 =	vmul.u32 $0x80, v11  }
0x132: {  	v1 =	vshll.u32 v1, $0x7;
	v3 =	vadd.s32 $0x1, v11  }
0x133: {  	v1 =	vor.u32 v2, v1;
	v2 =	vand.u32 $0x7F, v3  }
0x134: {  	v4 =	vadd.s32 $0x3, v11;
	v2 =	vor.u32 v1, v2  }
0x135: {  	v4 =	vand.u32 $0x7F, v4  }
0x136: {  	v6 =	vadd.s32 $0x9, v11;
	v5 =	vor.u32 v1, v4  }
0x137: {  	v6 =	vand.u32 $0x7F, v6  }
0x138: {  	v6 =	vor.u32 v1, v6  }
0x139: {  	v3 =	vadd.s32 $0x2, v11;
	v8 =	vld.idx.msk [tilespmem:v2+s29+$0x0], $0xffff  }
0x13a: {  	v3 =	vand.u32 $0x7F, v3;
	v12 =	vor.u32 v1, v11;
	v14 =	vld.idx.msk [tilespmem:v2+s31+$0x0], $0xffff  }
0x13b: {  	v9 =	vadd.s32 $0x7, v11;
	v3 =	vor.u32 v1, v3;
	v15 =	vld.idx.msk [tilespmem:v5+s31+$0x0], $0xffff  }
0x13c: {  	v9 =	vand.u32 $0x7F, v9;
	v18 =	vld.idx.msk [tilespmem:v5+s29+$0x0], $0xffff  }
0x13d: {  	v24 =	vadd.s32 $0xB, v11;
	v4 =	vadd.s32 $0xE, v11;
	v25 =	vor.u32 v1, v9;
	v20 =	vld.idx.msk [tilespmem:v6+s31+$0x0], $0xffff  }
0x13e: {  	v7 =	vadd.s32 $0xA, v11;
	v24 =	vand.u32 $0x7F, v24;
	v4 =	vand.u32 $0x7F, v4;
	v6 =	vld.idx.msk [tilespmem:v6+s29+$0x0], $0xffff  }
0x13f: {  	v4 =	vor.u32 v1, v4;
	v2 =	vand.u32 $0x7F, v7;
	v5 =	vadd.s32 $0x4, v11;
	v7 =	vld.idx.msk [tilespmem:v12+s29+$0x0], $0xffff  }
0x140: {  	v29 =	vor.u32 v1, v24;
	v10 =	vld.idx.msk [tilespmem:v3+s31+$0x0], $0xffff;
	v16 =	vor.u32 v1, v2;
	v5 =	vand.u32 $0x7F, v5  }
0x141: {  	v24 =	vadd.s32 $0xD, v11;
	v17 =	vld.idx.msk [tilespmem:v3+s29+$0x0], $0xffff;
	v3 =	vadd.s32 $0xC, v11;
	v21 =	vor.u32 v1, v5  }
0x142: {  	v30 =	vand.u32 $0x7F, v24;
	v24 =	vld.idx.msk [tilespmem:v25+s29+$0x0], $0xffff;
	v2 =	vadd.s32 $0x6, v11;
	v3 =	vand.u32 $0x7F, v3  }
0x143: {  	v25 =	vld.idx.msk [tilespmem:v25+s31+$0x0], $0xffff;
	v2 =	vand.u32 $0x7F, v2;
	v19 =	vor.u32 v1, v3;
	v3 =	vadd.s32 $0x5, v11  }
0x144: {  	v13 =	vor.u32 v1, v2;
	v2 =	vld.idx.msk [tilespmem:v4+s29+$0x0], $0xffff;
	v5 =	vand.u32 $0x7F, v3  }
0x145: {  	v22 =	vor.u32 v1, v5;
	v3 =	vld.idx.msk [tilespmem:v16+s29+$0x0], $0xffff  }
0x146: {  	v26 =	vld.idx.msk [tilespmem:v21+s31+$0x0], $0xffff  }
0x147: {  	v21 =	vld.idx.msk [tilespmem:v21+s29+$0x0], $0xffff  }
0x148: {  	v27 =	vadd.s32 $0xF, v11;
	v23 =	vld.idx.msk [tilespmem:v19+s29+$0x0], $0xffff  }
0x149: {  	v9 =	vimm.f32 $0.0e+00;
	v10 =	vmul.f32 v10, v17;
	v17 =	vadd.s32 $0x8, v11;
	v19 =	vld.idx.msk [tilespmem:v19+s31+$0x0], $0xffff  }
0x14a: {  	v8 =	vmul.f32 v14, v8;
	v20 =	vmul.f32 v20, v6;
	v17 =	vand.u32 $0x7F, v17;
	v14 =	vld.idx.msk [tilespmem:v22+s29+$0x0], $0xffff  }
0x14b: {  	v15 =	vmul.f32 v15, v18;
	v18 =	vand.u32 $0x7F, v27;
	v28 =	vor.u32 v1, v17;
	v22 =	vld.idx.msk [tilespmem:v22+s31+$0x0], $0xffff  }
0x14c: {  	v27 =	vor.u32 v1, v18;
	v18 =	vld.idx.msk [tilespmem:v16+s31+$0x0], $0xffff;
	v11 =	vadd.s32 $0x10, v11;
	v8 =	vadd.f32 v8, v9  }
0x14d: {  	v5 =	vld.idx.msk [tilespmem:v13+s31+$0x0], $0xffff;
	v6 =	vadd.f32 v10, v9;
	v10 =	vadd.f32 v15, v9;
	v15 =	vmul.f32 v26, v21  }
0x14e: {  	v16 =	vand.u32 $0x7F, v11;
	v11 =	vimm.f32 $0.0e+00;
	v17 =	vld.idx.msk [tilespmem:v29+s29+$0x0], $0xffff;
	v8 =	vadd.f32 v20, v8  }
0x14f: {  	v26 =	vor.u32 v1, v30;
	v20 =	vmul.f32 v19, v23;
	v19 =	vld.idx.msk [tilespmem:v29+s31+$0x0], $0xffff;
	v23 =	vadd.f32 v15, v9  }
0x150: {  	s19 =	simm.s32 $0x7;
	v15 =	vimm.f32 $0.0e+00;
	v21 =	vmul.f32 v22, v14;
	v22 =	vld.idx.msk [tilespmem:v28+s29+$0x0], $0xffff;
	v14 =	vimm.f32 $0.0e+00  }
.LBB2_13:
0x151: {  	v29 =	vadd.s32 $0x1, v16;
	v30 =	vadd.s32 $0x4, v16;
	v31 =	vadd.s32 $0x9, v16;
	p0 =	sne.s32 s19, $0x1;
	s19 =	sadd.s32 $0xFFFFFFFF, s19;
	v28 =	vld.idx.msk [tilespmem:v28+s31+$0x0], $0xffff  }
0x152: {  	v32 =	vadd.s32 $0xA, v16;
	v29 =	vand.u32 $0x7F, v29;
	v30 =	vand.u32 $0x7F, v30;
	v33 =	vld.idx.msk [tilespmem:v12+s31+$0x0], $0xffff  }
0x153: {  	v34 =	vadd.s32 $0xE, v16;
	v35 =	vadd.s32 $0xF, v16;
	v12 =	vadd.s32 $0x2, v16;
	v36 =	vld.idx.msk [tilespmem:v4+s31+$0x0], $0xffff  }
0x154: {  	v29 =	vor.u32 v1, v29;
	v4 =	vand.u32 $0x7F, v12;
	v12 =	vadd.s32 $0xD, v16;
	v37 =	vld.idx.msk [tilespmem:v13+s29+$0x0], $0xffff  }
0x155: {  	v13 =	vor.u32 v1, v4;
	v4 =	vadd.s32 $0x3, v16;
	v38 =	vand.u32 $0x7F, v12;
	v12 =	vld.idx.msk [tilespmem:v27+s31+$0x0], $0xffff  }
0x156: {  	v39 =	vadd.s32 $0x8, v16;
	v35 =	vand.u32 $0x7F, v35;
	v4 =	vand.u32 $0x7F, v4;
	v27 =	vld.idx.msk [tilespmem:v27+s29+$0x0], $0xffff  }
0x157: {  	v34 =	vand.u32 $0x7F, v34;
	v40 =	vor.u32 v1, v4;
	v4 =	vadd.s32 $0xC, v16;
	v41 =	vld.idx.msk [tilespmem:v26+s29+$0x0], $0xffff  }
0x158: {  	v42 =	vadd.s32 $0x5, v16;
	v43 =	vadd.s32 $0x7, v16;
	v24 =	vmul.f32 v25, v24;
	v25 =	vld.idx.msk [tilespmem:v26+s31+$0x0], $0xffff  }
0x159: {  	v30 =	vor.u32 v1, v30;
	v44 =	vand.u32 $0x7F, v4;
	v4 =	vor.u32 v1, v34;
	v26 =	vld.idx.msk [tilespmem:v29+s29+$0x0], $0xffff  }
0x15a: {  	v45 =	vadd.s32 $0xB, v16;
	v43 =	vand.u32 $0x7F, v43;
	v31 =	vand.u32 $0x7F, v31;
	v34 =	vld.idx.msk [tilespmem:v13+s31+$0x0], $0xffff  }
0x15b: {  	v42 =	vand.u32 $0x7F, v42;
	v32 =	vand.u32 $0x7F, v32;
	v31 =	vor.u32 v1, v31;
	v29 =	vld.idx.msk [tilespmem:v29+s31+$0x0], $0xffff  }
0x15c: {  	v45 =	vand.u32 $0x7F, v45;
	v32 =	vor.u32 v1, v32;
	v27 =	vmul.f32 v12, v27;
	v46 =	vld.idx.msk [tilespmem:v40+s31+$0x0], $0xffff  }
0x15d: {  	v7 =	vmul.f32 v33, v7;
	v12 =	vor.u32 v1, v16;
	v47 =	vld.idx.msk [tilespmem:v13+s29+$0x0], $0xffff;
	v13 =	vadd.s32 $0x6, v16  }
0x15e: {  	v23 =	vadd.f32 v20, v23;
	v33 =	vld.idx.msk [tilespmem:v40+s29+$0x0], $0xffff;
	v13 =	vand.u32 $0x7F, v13;
	v40 =	vor.u32 v1, v44  }
0x15f: {  	v9 =	vadd.f32 v24, v9;
	v20 =	vmul.f32 v36, v2;
	v13 =	vor.u32 v1, v13;
	v2 =	vld.idx.msk [tilespmem:v4+s29+$0x0], $0xffff  }
0x160: {  	v15 =	vadd.f32 v21, v15;
	v21 =	vmul.f32 v28, v22;
	v22 =	vmul.f32 v25, v41;
	v24 =	vld.idx.msk [tilespmem:v31+s31+$0x0], $0xffff  }
0x161: {  	v17 =	vmul.f32 v19, v17;
	v14 =	vadd.f32 v7, v14;
	v25 =	vmul.f32 v29, v26;
	v26 =	vld.idx.msk [tilespmem:v31+s29+$0x0], $0xffff  }
0x162: {  	v18 =	vmul.f32 v18, v3;
	v19 =	vmul.f32 v5, v37;
	v15 =	vadd.f32 v22, v15;
	v3 =	vld.idx.msk [tilespmem:v32+s29+$0x0], $0xffff  }
0x163: {  	v14 =	vadd.f32 v21, v14;
	v22 =	vor.u32 v1, v42;
	v8 =	vadd.f32 v25, v8;
	v7 =	vld.idx.msk [tilespmem:v12+s29+$0x0], $0xffff  }
0x164: {  	v6 =	vadd.f32 v18, v6;
	v21 =	vand.u32 $0x7F, v39;
	v11 =	vadd.f32 v19, v11;
	v5 =	vld.idx.msk [tilespmem:v13+s31+$0x0], $0xffff  }
0x165: {  	v10 =	vadd.f32 v17, v10;
	v9 =	vadd.f32 v27, v9;
	v18 =	vmul.f32 v34, v47;
	v29 =	vld.idx.msk [tilespmem:v40+s29+$0x0], $0xffff  }
0x166: {  	v17 =	vor.u32 v1, v43;
	v11 =	vadd.f32 v20, v11;
	v19 =	vld.idx.msk [tilespmem:v30+s31+$0x0], $0xffff  }
0x167: {  	v6 =	vadd.f32 v18, v6;
	v20 =	vmul.f32 v24, v26;
	v18 =	vld.idx.msk [tilespmem:v30+s29+$0x0], $0xffff  }
0x168: {  	v26 =	vor.u32 v1, v45;
	v30 =	vld.idx.msk [tilespmem:v22+s29+$0x0], $0xffff  }
0x169: {  	v8 =	vadd.f32 v20, v8;
	v20 =	vld.idx.msk [tilespmem:v40+s31+$0x0], $0xffff  }
0x16a: {  	v22 =	vld.idx.msk [tilespmem:v22+s31+$0x0], $0xffff  }
0x16b: {  	v28 =	vor.u32 v1, v21;
	v27 =	vmul.f32 v46, v33;
	v24 =	vld.idx.msk [tilespmem:v17+s29+$0x0], $0xffff  }
.Ltmp5:
0x16c: {  	v25 =	vld.idx.msk [tilespmem:v17+s31+$0x0], $0xffff;
	(pc) =	sbr.rel @p0 .LBB2_13-.Ltmp5, $4  }
0x16d: {  	v10 =	vadd.f32 v27, v10;
	v17 =	vld.idx.msk [tilespmem:v26+s29+$0x0], $0xffff  }
0x16e: {  	v27 =	vor.u32 v1, v35;
	v21 =	vmul.f32 v19, v18;
	v18 =	vld.idx.msk [tilespmem:v32+s31+$0x0], $0xffff  }
0x16f: {  	v16 =	vadd.s32 $0x10, v16;
	v20 =	vmul.f32 v20, v29;
	v19 =	vld.idx.msk [tilespmem:v26+s31+$0x0], $0xffff;
	v26 =	vor.u32 v1, v38  }
0x170: {  	v16 =	vand.u32 $0x7F, v16;
	v23 =	vadd.f32 v21, v23;
	v21 =	vmul.f32 v22, v30;
	v22 =	vld.idx.msk [tilespmem:v28+s29+$0x0], $0xffff  }
0x171: {  	_ =	sdelay $0x3  }
0x172: {  	v1 =	vld.idx.msk [tilespmem:v28+s31+$0x0], $0xffff  }
0x173: {  	v12 =	vld.idx.msk [tilespmem:v12+s31+$0x0], $0xffff  }
0x174: {  	v16 =	vld.idx.msk [tilespmem:v27+s31+$0x0], $0xffff  }
0x175: {  	v52 =	vld.idx.msk [tilespmem:v27+s29+$0x0], $0xffff  }
0x176: {  	v53 =	vld.idx.msk [tilespmem:v26+s29+$0x0], $0xffff  }
0x177: {  	v13 =	vld.idx.msk [tilespmem:v13+s29+$0x0], $0xffff  }
0x178: {  	v54 =	vld.idx.msk [tilespmem:v26+s31+$0x0], $0xffff  }
0x179: {  	v4 =	vld.idx.msk [tilespmem:v4+s31+$0x0], $0xffff;
	v24 =	vmul.f32 v25, v24  }
0x17a: {  	v55 =	vadd.f32 v20, v23;
	v15 =	vadd.f32 v21, v15;
	v3 =	vmul.f32 v18, v3  }
0x17b: {  	v9 =	vadd.f32 v24, v9;
	v57 =	vmul.f32 v19, v17;
	v7 =	vmul.f32 v12, v7  }
0x17c: {  	v3 =	vadd.f32 v3, v6;
	v16 =	vmul.f32 v16, v52;
	v5 =	vmul.f32 v5, v13  }
0x17d: {  	v56 =	vmul.f32 v54, v53;
	v1 =	vmul.f32 v1, v22;
	v7 =	vadd.f32 v7, v14  }
0x17e: {  	v60 =	vld [tilespmem:s4+$0x10700];
	v2 =	vmul.f32 v4, v2;
	v61 =	vadd.f32 v57, v10;
	v59 =	vadd.f32 v5, v11  }
0x17f: {  	v62 =	vld [tilespmem:s4+$0x10900];
	v58 =	vadd.f32 v56, v15;
	v1 =	vadd.f32 v1, v7  }
0x180: {  	v9 =	vadd.f32 v16, v9;
	v2 =	vadd.f32 v2, v59  }
0x181: {  	v3 =	vadd.f32 v61, v3;
	v1 =	vadd.f32 v8, v1  }
0x182: {  	v63 =	vadd.f32 v58, v55;
	v2 =	vadd.f32 v9, v2  }
0x183: {  	v1 =	vadd.f32 v3, v1  }
0x184: {  	v2 =	vadd.f32 v2, v63;
	v3 =	vadd.f32 v62, v60  }
0x185: {  	p0 =	slt.u32 s4, $0x30  }
.Ltmp6:
0x186: {  	v3 =	vadd.f32 v3, v0;
	v1 =	vadd.f32 v2, v1;
	(pc) =	sbr.rel @p0 .LBB2_12-.Ltmp6, $4  }
0x187: {  	_ = 	snop  }
0x188: {  	v1 =	vadd.f32 v3, v1  }
0x189: {  	s5 =	sadd.s32 $0x10, s4  }
0x18a: {  	[tilespmem:s4+$0x10A80] =	vst v1;
	s4 =	smov.u32 s5  }
0x18b: {  	[tilespmem:s29], [sflag:$0x3] =	stream.indirect.gather [hbm4b:s1+s15], $0x80, s20, s15, $0xb8;
	[tilespmem:$0x10C80] =	vst v63  }
0x18c: {  	s4 =	simm.s32 $0x380  }
0x18d: {  	[tilespmem:s31], [sflag:$0x3] =	stream.indirect.gather [hbm4b:s3+s15], $0x80, s4, s15, $0xb8;
	[tilespmem:$0x10C80] =	vst v63  }
0x18e: {  	s5 =	simm.s32 $0x10700  }
0x18f: {  	[tilespmem:s5], [sflag:$0x3] =	stream.indirect.gather [hbm4b:s2+s15], $0x1, s20, s15, $0xb8;
	[tilespmem:$0x10C80] =	vst v63  }
0x190: {  	s19 =	simm.s32 $0x10900;
	s5 =	simm.s32 $0x580  }
0x191: {  	[tilespmem:s19], [sflag:$0x3] =	stream.indirect.gather [hbm4b:s2+s15], $0x1, s5, s15, $0xb8;
	[tilespmem:$0x10C80] =	vst v63  }
0x192: {  	_ =	swait.ge [sflag:s24], $0x2000  }
0x193: {  	[sflag:s24] =	ssyncset.done $0x0  }
0x194: {  	[sflag:s24] =	ssyncadd.s32 $0xFFFFE000  }
0x195: {  	_ =	swait.ge [sflag:s24], $0x2000  }
0x196: {  	[sflag:s24] =	ssyncset.done $0x0  }
0x197: {  	[sflag:s24] =	ssyncadd.s32 $0xFFFFE000  }
0x198: {  	_ =	swait.ge [sflag:s24], $0x40  }
0x199: {  	[sflag:s24] =	ssyncset.done $0x0  }
0x19a: {  	[sflag:s24] =	ssyncadd.s32 $0xFFFFFFC0  }
0x19b: {  	_ =	swait.ge [sflag:s24], $0x40  }
0x19c: {  	[sflag:s24] =	ssyncset.done $0x0  }
0x19d: {  	s4 =	simm.s32 $0x0;
	[sflag:s24] =	ssyncadd.s32 $0xFFFFFFC0  }
.LBB2_16:
0x19e: {  	v11 =	vlaneseq.u32  }
0x19f: {  	v1 =	vmov s4;
	v2 =	vmul.u32 $0x80, v11  }
0x1a0: {  	v1 =	vshll.u32 v1, $0x7;
	v3 =	vadd.s32 $0x1, v11  }
0x1a1: {  	v1 =	vor.u32 v2, v1;
	v2 =	vand.u32 $0x7F, v3  }
0x1a2: {  	v4 =	vadd.s32 $0x3, v11;
	v2 =	vor.u32 v1, v2  }
0x1a3: {  	v4 =	vand.u32 $0x7F, v4  }
0x1a4: {  	v6 =	vadd.s32 $0x9, v11;
	v5 =	vor.u32 v1, v4  }
0x1a5: {  	v6 =	vand.u32 $0x7F, v6  }
0x1a6: {  	v6 =	vor.u32 v1, v6  }
0x1a7: {  	v3 =	vadd.s32 $0x2, v11;
	v8 =	vld.idx.msk [tilespmem:v2+s22+$0x0], $0xffff  }
0x1a8: {  	v3 =	vand.u32 $0x7F, v3;
	v12 =	vor.u32 v1, v11;
	v14 =	vld.idx.msk [tilespmem:v2+s30+$0x0], $0xffff  }
0x1a9: {  	v9 =	vadd.s32 $0x7, v11;
	v3 =	vor.u32 v1, v3;
	v15 =	vld.idx.msk [tilespmem:v5+s30+$0x0], $0xffff  }
0x1aa: {  	v9 =	vand.u32 $0x7F, v9;
	v18 =	vld.idx.msk [tilespmem:v5+s22+$0x0], $0xffff  }
0x1ab: {  	v24 =	vadd.s32 $0xB, v11;
	v4 =	vadd.s32 $0xE, v11;
	v25 =	vor.u32 v1, v9;
	v20 =	vld.idx.msk [tilespmem:v6+s30+$0x0], $0xffff  }
0x1ac: {  	v7 =	vadd.s32 $0xA, v11;
	v24 =	vand.u32 $0x7F, v24;
	v4 =	vand.u32 $0x7F, v4;
	v6 =	vld.idx.msk [tilespmem:v6+s22+$0x0], $0xffff  }
0x1ad: {  	v4 =	vor.u32 v1, v4;
	v2 =	vand.u32 $0x7F, v7;
	v5 =	vadd.s32 $0x4, v11;
	v7 =	vld.idx.msk [tilespmem:v12+s22+$0x0], $0xffff  }
0x1ae: {  	v29 =	vor.u32 v1, v24;
	v10 =	vld.idx.msk [tilespmem:v3+s30+$0x0], $0xffff;
	v16 =	vor.u32 v1, v2;
	v5 =	vand.u32 $0x7F, v5  }
0x1af: {  	v24 =	vadd.s32 $0xD, v11;
	v17 =	vld.idx.msk [tilespmem:v3+s22+$0x0], $0xffff;
	v3 =	vadd.s32 $0xC, v11;
	v21 =	vor.u32 v1, v5  }
0x1b0: {  	v30 =	vand.u32 $0x7F, v24;
	v24 =	vld.idx.msk [tilespmem:v25+s22+$0x0], $0xffff;
	v2 =	vadd.s32 $0x6, v11;
	v3 =	vand.u32 $0x7F, v3  }
0x1b1: {  	v25 =	vld.idx.msk [tilespmem:v25+s30+$0x0], $0xffff;
	v2 =	vand.u32 $0x7F, v2;
	v19 =	vor.u32 v1, v3;
	v3 =	vadd.s32 $0x5, v11  }
0x1b2: {  	v13 =	vor.u32 v1, v2;
	v2 =	vld.idx.msk [tilespmem:v4+s22+$0x0], $0xffff;
	v5 =	vand.u32 $0x7F, v3  }
0x1b3: {  	v22 =	vor.u32 v1, v5;
	v3 =	vld.idx.msk [tilespmem:v16+s22+$0x0], $0xffff  }
0x1b4: {  	v26 =	vld.idx.msk [tilespmem:v21+s30+$0x0], $0xffff  }
0x1b5: {  	v21 =	vld.idx.msk [tilespmem:v21+s22+$0x0], $0xffff  }
0x1b6: {  	v27 =	vadd.s32 $0xF, v11;
	v23 =	vld.idx.msk [tilespmem:v19+s22+$0x0], $0xffff  }
0x1b7: {  	v9 =	vimm.f32 $0.0e+00;
	v10 =	vmul.f32 v10, v17;
	v17 =	vadd.s32 $0x8, v11;
	v19 =	vld.idx.msk [tilespmem:v19+s30+$0x0], $0xffff  }
0x1b8: {  	v8 =	vmul.f32 v14, v8;
	v20 =	vmul.f32 v20, v6;
	v17 =	vand.u32 $0x7F, v17;
	v14 =	vld.idx.msk [tilespmem:v22+s22+$0x0], $0xffff  }
0x1b9: {  	v15 =	vmul.f32 v15, v18;
	v18 =	vand.u32 $0x7F, v27;
	v28 =	vor.u32 v1, v17;
	v22 =	vld.idx.msk [tilespmem:v22+s30+$0x0], $0xffff  }
0x1ba: {  	v27 =	vor.u32 v1, v18;
	v18 =	vld.idx.msk [tilespmem:v16+s30+$0x0], $0xffff;
	v11 =	vadd.s32 $0x10, v11;
	v8 =	vadd.f32 v8, v9  }
0x1bb: {  	v5 =	vld.idx.msk [tilespmem:v13+s30+$0x0], $0xffff;
	v6 =	vadd.f32 v10, v9;
	v10 =	vadd.f32 v15, v9;
	v15 =	vmul.f32 v26, v21  }
0x1bc: {  	v16 =	vand.u32 $0x7F, v11;
	v11 =	vimm.f32 $0.0e+00;
	v17 =	vld.idx.msk [tilespmem:v29+s22+$0x0], $0xffff;
	v8 =	vadd.f32 v20, v8  }
0x1bd: {  	v26 =	vor.u32 v1, v30;
	v20 =	vmul.f32 v19, v23;
	v19 =	vld.idx.msk [tilespmem:v29+s30+$0x0], $0xffff;
	v23 =	vadd.f32 v15, v9  }
0x1be: {  	s19 =	simm.s32 $0x7;
	v15 =	vimm.f32 $0.0e+00;
	v21 =	vmul.f32 v22, v14;
	v22 =	vld.idx.msk [tilespmem:v28+s22+$0x0], $0xffff;
	v14 =	vimm.f32 $0.0e+00  }
.LBB2_17:
0x1bf: {  	v29 =	vadd.s32 $0x1, v16;
	v30 =	vadd.s32 $0x4, v16;
	v31 =	vadd.s32 $0x9, v16;
	p0 =	sne.s32 s19, $0x1;
	s19 =	sadd.s32 $0xFFFFFFFF, s19;
	v28 =	vld.idx.msk [tilespmem:v28+s30+$0x0], $0xffff  }
0x1c0: {  	v32 =	vadd.s32 $0xA, v16;
	v29 =	vand.u32 $0x7F, v29;
	v30 =	vand.u32 $0x7F, v30;
	v33 =	vld.idx.msk [tilespmem:v12+s30+$0x0], $0xffff  }
0x1c1: {  	v34 =	vadd.s32 $0xE, v16;
	v35 =	vadd.s32 $0xF, v16;
	v12 =	vadd.s32 $0x2, v16;
	v36 =	vld.idx.msk [tilespmem:v4+s30+$0x0], $0xffff  }
0x1c2: {  	v29 =	vor.u32 v1, v29;
	v4 =	vand.u32 $0x7F, v12;
	v12 =	vadd.s32 $0xD, v16;
	v37 =	vld.idx.msk [tilespmem:v13+s22+$0x0], $0xffff  }
0x1c3: {  	v13 =	vor.u32 v1, v4;
	v4 =	vadd.s32 $0x3, v16;
	v38 =	vand.u32 $0x7F, v12;
	v12 =	vld.idx.msk [tilespmem:v27+s30+$0x0], $0xffff  }
0x1c4: {  	v39 =	vadd.s32 $0x8, v16;
	v35 =	vand.u32 $0x7F, v35;
	v4 =	vand.u32 $0x7F, v4;
	v27 =	vld.idx.msk [tilespmem:v27+s22+$0x0], $0xffff  }
0x1c5: {  	v34 =	vand.u32 $0x7F, v34;
	v40 =	vor.u32 v1, v4;
	v4 =	vadd.s32 $0xC, v16;
	v41 =	vld.idx.msk [tilespmem:v26+s22+$0x0], $0xffff  }
0x1c6: {  	v42 =	vadd.s32 $0x5, v16;
	v43 =	vadd.s32 $0x7, v16;
	v24 =	vmul.f32 v25, v24;
	v25 =	vld.idx.msk [tilespmem:v26+s30+$0x0], $0xffff  }
0x1c7: {  	v30 =	vor.u32 v1, v30;
	v44 =	vand.u32 $0x7F, v4;
	v4 =	vor.u32 v1, v34;
	v26 =	vld.idx.msk [tilespmem:v29+s22+$0x0], $0xffff  }
0x1c8: {  	v45 =	vadd.s32 $0xB, v16;
	v43 =	vand.u32 $0x7F, v43;
	v31 =	vand.u32 $0x7F, v31;
	v34 =	vld.idx.msk [tilespmem:v13+s30+$0x0], $0xffff  }
0x1c9: {  	v42 =	vand.u32 $0x7F, v42;
	v32 =	vand.u32 $0x7F, v32;
	v31 =	vor.u32 v1, v31;
	v29 =	vld.idx.msk [tilespmem:v29+s30+$0x0], $0xffff  }
0x1ca: {  	v45 =	vand.u32 $0x7F, v45;
	v32 =	vor.u32 v1, v32;
	v27 =	vmul.f32 v12, v27;
	v46 =	vld.idx.msk [tilespmem:v40+s30+$0x0], $0xffff  }
0x1cb: {  	v7 =	vmul.f32 v33, v7;
	v12 =	vor.u32 v1, v16;
	v47 =	vld.idx.msk [tilespmem:v13+s22+$0x0], $0xffff;
	v13 =	vadd.s32 $0x6, v16  }
0x1cc: {  	v23 =	vadd.f32 v20, v23;
	v33 =	vld.idx.msk [tilespmem:v40+s22+$0x0], $0xffff;
	v13 =	vand.u32 $0x7F, v13;
	v40 =	vor.u32 v1, v44  }
0x1cd: {  	v9 =	vadd.f32 v24, v9;
	v20 =	vmul.f32 v36, v2;
	v13 =	vor.u32 v1, v13;
	v2 =	vld.idx.msk [tilespmem:v4+s22+$0x0], $0xffff  }
0x1ce: {  	v15 =	vadd.f32 v21, v15;
	v21 =	vmul.f32 v28, v22;
	v22 =	vmul.f32 v25, v41;
	v24 =	vld.idx.msk [tilespmem:v31+s30+$0x0], $0xffff  }
0x1cf: {  	v17 =	vmul.f32 v19, v17;
	v14 =	vadd.f32 v7, v14;
	v25 =	vmul.f32 v29, v26;
	v26 =	vld.idx.msk [tilespmem:v31+s22+$0x0], $0xffff  }
0x1d0: {  	v18 =	vmul.f32 v18, v3;
	v19 =	vmul.f32 v5, v37;
	v15 =	vadd.f32 v22, v15;
	v3 =	vld.idx.msk [tilespmem:v32+s22+$0x0], $0xffff  }
0x1d1: {  	v14 =	vadd.f32 v21, v14;
	v22 =	vor.u32 v1, v42;
	v8 =	vadd.f32 v25, v8;
	v7 =	vld.idx.msk [tilespmem:v12+s22+$0x0], $0xffff  }
0x1d2: {  	v6 =	vadd.f32 v18, v6;
	v21 =	vand.u32 $0x7F, v39;
	v11 =	vadd.f32 v19, v11;
	v5 =	vld.idx.msk [tilespmem:v13+s30+$0x0], $0xffff  }
0x1d3: {  	v10 =	vadd.f32 v17, v10;
	v9 =	vadd.f32 v27, v9;
	v18 =	vmul.f32 v34, v47;
	v29 =	vld.idx.msk [tilespmem:v40+s22+$0x0], $0xffff  }
0x1d4: {  	v17 =	vor.u32 v1, v43;
	v11 =	vadd.f32 v20, v11;
	v19 =	vld.idx.msk [tilespmem:v30+s30+$0x0], $0xffff  }
0x1d5: {  	v6 =	vadd.f32 v18, v6;
	v20 =	vmul.f32 v24, v26;
	v18 =	vld.idx.msk [tilespmem:v30+s22+$0x0], $0xffff  }
0x1d6: {  	v26 =	vor.u32 v1, v45;
	v30 =	vld.idx.msk [tilespmem:v22+s22+$0x0], $0xffff  }
0x1d7: {  	v8 =	vadd.f32 v20, v8;
	v20 =	vld.idx.msk [tilespmem:v40+s30+$0x0], $0xffff  }
0x1d8: {  	v22 =	vld.idx.msk [tilespmem:v22+s30+$0x0], $0xffff  }
0x1d9: {  	v28 =	vor.u32 v1, v21;
	v27 =	vmul.f32 v46, v33;
	v24 =	vld.idx.msk [tilespmem:v17+s22+$0x0], $0xffff  }
.Ltmp7:
0x1da: {  	v25 =	vld.idx.msk [tilespmem:v17+s30+$0x0], $0xffff;
	(pc) =	sbr.rel @p0 .LBB2_17-.Ltmp7, $4  }
0x1db: {  	v10 =	vadd.f32 v27, v10;
	v17 =	vld.idx.msk [tilespmem:v26+s22+$0x0], $0xffff  }
0x1dc: {  	v27 =	vor.u32 v1, v35;
	v21 =	vmul.f32 v19, v18;
	v18 =	vld.idx.msk [tilespmem:v32+s30+$0x0], $0xffff  }
0x1dd: {  	v16 =	vadd.s32 $0x10, v16;
	v20 =	vmul.f32 v20, v29;
	v19 =	vld.idx.msk [tilespmem:v26+s30+$0x0], $0xffff;
	v26 =	vor.u32 v1, v38  }
0x1de: {  	v16 =	vand.u32 $0x7F, v16;
	v23 =	vadd.f32 v21, v23;
	v21 =	vmul.f32 v22, v30;
	v22 =	vld.idx.msk [tilespmem:v28+s22+$0x0], $0xffff  }
0x1df: {  	_ =	sdelay $0x3  }
0x1e0: {  	v1 =	vld.idx.msk [tilespmem:v28+s30+$0x0], $0xffff  }
0x1e1: {  	v12 =	vld.idx.msk [tilespmem:v12+s30+$0x0], $0xffff  }
0x1e2: {  	v16 =	vld.idx.msk [tilespmem:v27+s30+$0x0], $0xffff  }
0x1e3: {  	v52 =	vld.idx.msk [tilespmem:v27+s22+$0x0], $0xffff  }
0x1e4: {  	v53 =	vld.idx.msk [tilespmem:v26+s22+$0x0], $0xffff  }
0x1e5: {  	v13 =	vld.idx.msk [tilespmem:v13+s22+$0x0], $0xffff  }
0x1e6: {  	v54 =	vld.idx.msk [tilespmem:v26+s30+$0x0], $0xffff  }
0x1e7: {  	v4 =	vld.idx.msk [tilespmem:v4+s30+$0x0], $0xffff;
	v24 =	vmul.f32 v25, v24  }
0x1e8: {  	v55 =	vadd.f32 v20, v23;
	v15 =	vadd.f32 v21, v15;
	v3 =	vmul.f32 v18, v3  }
0x1e9: {  	v9 =	vadd.f32 v24, v9;
	v57 =	vmul.f32 v19, v17;
	v7 =	vmul.f32 v12, v7  }
0x1ea: {  	v3 =	vadd.f32 v3, v6;
	v16 =	vmul.f32 v16, v52;
	v5 =	vmul.f32 v5, v13  }
0x1eb: {  	v56 =	vmul.f32 v54, v53;
	v1 =	vmul.f32 v1, v22;
	v7 =	vadd.f32 v7, v14  }
0x1ec: {  	v60 =	vld [tilespmem:s4+$0x10780];
	v2 =	vmul.f32 v4, v2;
	v61 =	vadd.f32 v57, v10;
	v59 =	vadd.f32 v5, v11  }
0x1ed: {  	v62 =	vld [tilespmem:s4+$0x10980];
	v58 =	vadd.f32 v56, v15;
	v1 =	vadd.f32 v1, v7  }
0x1ee: {  	v9 =	vadd.f32 v16, v9;
	v2 =	vadd.f32 v2, v59  }
0x1ef: {  	v3 =	vadd.f32 v61, v3;
	v1 =	vadd.f32 v8, v1  }
0x1f0: {  	v63 =	vadd.f32 v58, v55;
	v2 =	vadd.f32 v9, v2  }
0x1f1: {  	v1 =	vadd.f32 v3, v1  }
0x1f2: {  	v2 =	vadd.f32 v2, v63;
	v3 =	vadd.f32 v62, v60  }
0x1f3: {  	p0 =	slt.u32 s4, $0x30  }
.Ltmp8:
0x1f4: {  	v3 =	vadd.f32 v3, v0;
	v1 =	vadd.f32 v2, v1;
	(pc) =	sbr.rel @p0 .LBB2_16-.Ltmp8, $4  }
0x1f5: {  	_ = 	snop  }
0x1f6: {  	v1 =	vadd.f32 v3, v1  }
0x1f7: {  	s5 =	sadd.s32 $0x10, s4  }
0x1f8: {  	[tilespmem:s4+$0x10AC0] =	vst v1;
	s4 =	smov.u32 s5  }
0x1f9: {  	[tilespmem:s22], [sflag:$0x4] =	stream.indirect.gather [hbm4b:s1+s15], $0x80, s26, s15, $0xb8;
	[tilespmem:$0x10C80] =	vst v63  }
0x1fa: {  	s4 =	simm.s32 $0x3C0  }
0x1fb: {  	[tilespmem:s30], [sflag:$0x4] =	stream.indirect.gather [hbm4b:s3+s15], $0x80, s4, s15, $0xb8;
	[tilespmem:$0x10C80] =	vst v63  }
0x1fc: {  	s5 =	simm.s32 $0x10780  }
0x1fd: {  	[tilespmem:s5], [sflag:$0x4] =	stream.indirect.gather [hbm4b:s2+s15], $0x1, s26, s15, $0xb8;
	[tilespmem:$0x10C80] =	vst v63  }
0x1fe: {  	s19 =	simm.s32 $0x5C0  }
0x1ff: {  	[tilespmem:s25], [sflag:$0x4] =	stream.indirect.gather [hbm4b:s2+s15], $0x1, s19, s15, $0xb8;
	[tilespmem:$0x10C80] =	vst v63  }
0x200: {  	_ =	swait.ge [sflag:s13], $0x2000  }
0x201: {  	[sflag:s13] =	ssyncset.done $0x0  }
0x202: {  	[sflag:s13] =	ssyncadd.s32 $0xFFFFE000  }
0x203: {  	_ =	swait.ge [sflag:s13], $0x2000  }
0x204: {  	[sflag:s13] =	ssyncset.done $0x0  }
0x205: {  	[sflag:s13] =	ssyncadd.s32 $0xFFFFE000  }
0x206: {  	_ =	swait.ge [sflag:s13], $0x40  }
0x207: {  	[sflag:s13] =	ssyncset.done $0x0  }
0x208: {  	[sflag:s13] =	ssyncadd.s32 $0xFFFFFFC0  }
0x209: {  	_ =	swait.ge [sflag:s13], $0x40  }
0x20a: {  	[sflag:s13] =	ssyncset.done $0x0  }
0x20b: {  	s4 =	simm.s32 $0x0;
	[sflag:s13] =	ssyncadd.s32 $0xFFFFFFC0  }
.LBB2_20:
0x20c: {  	v11 =	vlaneseq.u32  }
0x20d: {  	v1 =	vmov s4;
	v2 =	vmul.u32 $0x80, v11  }
0x20e: {  	v1 =	vshll.u32 v1, $0x7;
	v3 =	vadd.s32 $0x1, v11  }
0x20f: {  	v1 =	vor.u32 v2, v1;
	v2 =	vand.u32 $0x7F, v3  }
0x210: {  	v4 =	vadd.s32 $0x3, v11;
	v2 =	vor.u32 v1, v2  }
0x211: {  	v4 =	vand.u32 $0x7F, v4  }
0x212: {  	v6 =	vadd.s32 $0x9, v11;
	v5 =	vor.u32 v1, v4  }
0x213: {  	v6 =	vand.u32 $0x7F, v6  }
0x214: {  	v6 =	vor.u32 v1, v6  }
0x215: {  	v3 =	vadd.s32 $0x2, v11;
	v8 =	vld.idx.msk [tilespmem:v2+s16+$0x0], $0xffff  }
0x216: {  	v3 =	vand.u32 $0x7F, v3;
	v12 =	vor.u32 v1, v11;
	v14 =	vld.idx.msk [tilespmem:v2+s17+$0x0], $0xffff  }
0x217: {  	v9 =	vadd.s32 $0x7, v11;
	v3 =	vor.u32 v1, v3;
	v15 =	vld.idx.msk [tilespmem:v5+s17+$0x0], $0xffff  }
0x218: {  	v9 =	vand.u32 $0x7F, v9;
	v18 =	vld.idx.msk [tilespmem:v5+s16+$0x0], $0xffff  }
0x219: {  	v24 =	vadd.s32 $0xB, v11;
	v4 =	vadd.s32 $0xE, v11;
	v25 =	vor.u32 v1, v9;
	v20 =	vld.idx.msk [tilespmem:v6+s17+$0x0], $0xffff  }
0x21a: {  	v7 =	vadd.s32 $0xA, v11;
	v24 =	vand.u32 $0x7F, v24;
	v4 =	vand.u32 $0x7F, v4;
	v6 =	vld.idx.msk [tilespmem:v6+s16+$0x0], $0xffff  }
0x21b: {  	v4 =	vor.u32 v1, v4;
	v2 =	vand.u32 $0x7F, v7;
	v5 =	vadd.s32 $0x4, v11;
	v7 =	vld.idx.msk [tilespmem:v12+s16+$0x0], $0xffff  }
0x21c: {  	v29 =	vor.u32 v1, v24;
	v10 =	vld.idx.msk [tilespmem:v3+s17+$0x0], $0xffff;
	v16 =	vor.u32 v1, v2;
	v5 =	vand.u32 $0x7F, v5  }
0x21d: {  	v24 =	vadd.s32 $0xD, v11;
	v17 =	vld.idx.msk [tilespmem:v3+s16+$0x0], $0xffff;
	v3 =	vadd.s32 $0xC, v11;
	v21 =	vor.u32 v1, v5  }
0x21e: {  	v30 =	vand.u32 $0x7F, v24;
	v24 =	vld.idx.msk [tilespmem:v25+s16+$0x0], $0xffff;
	v2 =	vadd.s32 $0x6, v11;
	v3 =	vand.u32 $0x7F, v3  }
0x21f: {  	v25 =	vld.idx.msk [tilespmem:v25+s17+$0x0], $0xffff;
	v2 =	vand.u32 $0x7F, v2;
	v19 =	vor.u32 v1, v3;
	v3 =	vadd.s32 $0x5, v11  }
0x220: {  	v13 =	vor.u32 v1, v2;
	v2 =	vld.idx.msk [tilespmem:v4+s16+$0x0], $0xffff;
	v5 =	vand.u32 $0x7F, v3  }
0x221: {  	v22 =	vor.u32 v1, v5;
	v3 =	vld.idx.msk [tilespmem:v16+s16+$0x0], $0xffff  }
0x222: {  	v26 =	vld.idx.msk [tilespmem:v21+s17+$0x0], $0xffff  }
0x223: {  	v21 =	vld.idx.msk [tilespmem:v21+s16+$0x0], $0xffff  }
0x224: {  	v27 =	vadd.s32 $0xF, v11;
	v23 =	vld.idx.msk [tilespmem:v19+s16+$0x0], $0xffff  }
0x225: {  	v9 =	vimm.f32 $0.0e+00;
	v10 =	vmul.f32 v10, v17;
	v17 =	vadd.s32 $0x8, v11;
	v19 =	vld.idx.msk [tilespmem:v19+s17+$0x0], $0xffff  }
0x226: {  	v8 =	vmul.f32 v14, v8;
	v20 =	vmul.f32 v20, v6;
	v17 =	vand.u32 $0x7F, v17;
	v14 =	vld.idx.msk [tilespmem:v22+s16+$0x0], $0xffff  }
0x227: {  	v15 =	vmul.f32 v15, v18;
	v18 =	vand.u32 $0x7F, v27;
	v28 =	vor.u32 v1, v17;
	v22 =	vld.idx.msk [tilespmem:v22+s17+$0x0], $0xffff  }
0x228: {  	v27 =	vor.u32 v1, v18;
	v18 =	vld.idx.msk [tilespmem:v16+s17+$0x0], $0xffff;
	v11 =	vadd.s32 $0x10, v11;
	v8 =	vadd.f32 v8, v9  }
0x229: {  	v5 =	vld.idx.msk [tilespmem:v13+s17+$0x0], $0xffff;
	v6 =	vadd.f32 v10, v9;
	v10 =	vadd.f32 v15, v9;
	v15 =	vmul.f32 v26, v21  }
0x22a: {  	v16 =	vand.u32 $0x7F, v11;
	v11 =	vimm.f32 $0.0e+00;
	v17 =	vld.idx.msk [tilespmem:v29+s16+$0x0], $0xffff;
	v8 =	vadd.f32 v20, v8  }
0x22b: {  	v26 =	vor.u32 v1, v30;
	v20 =	vmul.f32 v19, v23;
	v19 =	vld.idx.msk [tilespmem:v29+s17+$0x0], $0xffff;
	v23 =	vadd.f32 v15, v9  }
0x22c: {  	s19 =	simm.s32 $0x7;
	v15 =	vimm.f32 $0.0e+00;
	v21 =	vmul.f32 v22, v14;
	v22 =	vld.idx.msk [tilespmem:v28+s16+$0x0], $0xffff;
	v14 =	vimm.f32 $0.0e+00  }
.LBB2_21:
0x22d: {  	v29 =	vadd.s32 $0x1, v16;
	v30 =	vadd.s32 $0x4, v16;
	v31 =	vadd.s32 $0x9, v16;
	p0 =	sne.s32 s19, $0x1;
	s19 =	sadd.s32 $0xFFFFFFFF, s19;
	v28 =	vld.idx.msk [tilespmem:v28+s17+$0x0], $0xffff  }
0x22e: {  	v32 =	vadd.s32 $0xA, v16;
	v29 =	vand.u32 $0x7F, v29;
	v30 =	vand.u32 $0x7F, v30;
	v33 =	vld.idx.msk [tilespmem:v12+s17+$0x0], $0xffff  }
0x22f: {  	v34 =	vadd.s32 $0xE, v16;
	v35 =	vadd.s32 $0xF, v16;
	v12 =	vadd.s32 $0x2, v16;
	v36 =	vld.idx.msk [tilespmem:v4+s17+$0x0], $0xffff  }
0x230: {  	v29 =	vor.u32 v1, v29;
	v4 =	vand.u32 $0x7F, v12;
	v12 =	vadd.s32 $0xD, v16;
	v37 =	vld.idx.msk [tilespmem:v13+s16+$0x0], $0xffff  }
0x231: {  	v13 =	vor.u32 v1, v4;
	v4 =	vadd.s32 $0x3, v16;
	v38 =	vand.u32 $0x7F, v12;
	v12 =	vld.idx.msk [tilespmem:v27+s17+$0x0], $0xffff  }
0x232: {  	v39 =	vadd.s32 $0x8, v16;
	v35 =	vand.u32 $0x7F, v35;
	v4 =	vand.u32 $0x7F, v4;
	v27 =	vld.idx.msk [tilespmem:v27+s16+$0x0], $0xffff  }
0x233: {  	v34 =	vand.u32 $0x7F, v34;
	v40 =	vor.u32 v1, v4;
	v4 =	vadd.s32 $0xC, v16;
	v41 =	vld.idx.msk [tilespmem:v26+s16+$0x0], $0xffff  }
0x234: {  	v42 =	vadd.s32 $0x5, v16;
	v43 =	vadd.s32 $0x7, v16;
	v24 =	vmul.f32 v25, v24;
	v25 =	vld.idx.msk [tilespmem:v26+s17+$0x0], $0xffff  }
0x235: {  	v30 =	vor.u32 v1, v30;
	v44 =	vand.u32 $0x7F, v4;
	v4 =	vor.u32 v1, v34;
	v26 =	vld.idx.msk [tilespmem:v29+s16+$0x0], $0xffff  }
0x236: {  	v45 =	vadd.s32 $0xB, v16;
	v43 =	vand.u32 $0x7F, v43;
	v31 =	vand.u32 $0x7F, v31;
	v34 =	vld.idx.msk [tilespmem:v13+s17+$0x0], $0xffff  }
0x237: {  	v42 =	vand.u32 $0x7F, v42;
	v32 =	vand.u32 $0x7F, v32;
	v31 =	vor.u32 v1, v31;
	v29 =	vld.idx.msk [tilespmem:v29+s17+$0x0], $0xffff  }
0x238: {  	v45 =	vand.u32 $0x7F, v45;
	v32 =	vor.u32 v1, v32;
	v27 =	vmul.f32 v12, v27;
	v46 =	vld.idx.msk [tilespmem:v40+s17+$0x0], $0xffff  }
0x239: {  	v7 =	vmul.f32 v33, v7;
	v12 =	vor.u32 v1, v16;
	v47 =	vld.idx.msk [tilespmem:v13+s16+$0x0], $0xffff;
	v13 =	vadd.s32 $0x6, v16  }
0x23a: {  	v23 =	vadd.f32 v20, v23;
	v33 =	vld.idx.msk [tilespmem:v40+s16+$0x0], $0xffff;
	v13 =	vand.u32 $0x7F, v13;
	v40 =	vor.u32 v1, v44  }
0x23b: {  	v9 =	vadd.f32 v24, v9;
	v20 =	vmul.f32 v36, v2;
	v13 =	vor.u32 v1, v13;
	v2 =	vld.idx.msk [tilespmem:v4+s16+$0x0], $0xffff  }
0x23c: {  	v15 =	vadd.f32 v21, v15;
	v21 =	vmul.f32 v28, v22;
	v22 =	vmul.f32 v25, v41;
	v24 =	vld.idx.msk [tilespmem:v31+s17+$0x0], $0xffff  }
0x23d: {  	v17 =	vmul.f32 v19, v17;
	v14 =	vadd.f32 v7, v14;
	v25 =	vmul.f32 v29, v26;
	v26 =	vld.idx.msk [tilespmem:v31+s16+$0x0], $0xffff  }
0x23e: {  	v18 =	vmul.f32 v18, v3;
	v19 =	vmul.f32 v5, v37;
	v15 =	vadd.f32 v22, v15;
	v3 =	vld.idx.msk [tilespmem:v32+s16+$0x0], $0xffff  }
0x23f: {  	v14 =	vadd.f32 v21, v14;
	v22 =	vor.u32 v1, v42;
	v8 =	vadd.f32 v25, v8;
	v7 =	vld.idx.msk [tilespmem:v12+s16+$0x0], $0xffff  }
0x240: {  	v6 =	vadd.f32 v18, v6;
	v21 =	vand.u32 $0x7F, v39;
	v11 =	vadd.f32 v19, v11;
	v5 =	vld.idx.msk [tilespmem:v13+s17+$0x0], $0xffff  }
0x241: {  	v10 =	vadd.f32 v17, v10;
	v9 =	vadd.f32 v27, v9;
	v18 =	vmul.f32 v34, v47;
	v29 =	vld.idx.msk [tilespmem:v40+s16+$0x0], $0xffff  }
0x242: {  	v17 =	vor.u32 v1, v43;
	v11 =	vadd.f32 v20, v11;
	v19 =	vld.idx.msk [tilespmem:v30+s17+$0x0], $0xffff  }
0x243: {  	v6 =	vadd.f32 v18, v6;
	v20 =	vmul.f32 v24, v26;
	v18 =	vld.idx.msk [tilespmem:v30+s16+$0x0], $0xffff  }
0x244: {  	v26 =	vor.u32 v1, v45;
	v30 =	vld.idx.msk [tilespmem:v22+s16+$0x0], $0xffff  }
0x245: {  	v8 =	vadd.f32 v20, v8;
	v20 =	vld.idx.msk [tilespmem:v40+s17+$0x0], $0xffff  }
0x246: {  	v22 =	vld.idx.msk [tilespmem:v22+s17+$0x0], $0xffff  }
0x247: {  	v28 =	vor.u32 v1, v21;
	v27 =	vmul.f32 v46, v33;
	v24 =	vld.idx.msk [tilespmem:v17+s16+$0x0], $0xffff  }
.Ltmp9:
0x248: {  	v25 =	vld.idx.msk [tilespmem:v17+s17+$0x0], $0xffff;
	(pc) =	sbr.rel @p0 .LBB2_21-.Ltmp9, $4  }
0x249: {  	v10 =	vadd.f32 v27, v10;
	v17 =	vld.idx.msk [tilespmem:v26+s16+$0x0], $0xffff  }
0x24a: {  	v27 =	vor.u32 v1, v35;
	v21 =	vmul.f32 v19, v18;
	v18 =	vld.idx.msk [tilespmem:v32+s17+$0x0], $0xffff  }
0x24b: {  	v16 =	vadd.s32 $0x10, v16;
	v20 =	vmul.f32 v20, v29;
	v19 =	vld.idx.msk [tilespmem:v26+s17+$0x0], $0xffff;
	v26 =	vor.u32 v1, v38  }
0x24c: {  	v16 =	vand.u32 $0x7F, v16;
	v23 =	vadd.f32 v21, v23;
	v21 =	vmul.f32 v22, v30;
	v22 =	vld.idx.msk [tilespmem:v28+s16+$0x0], $0xffff  }
0x24d: {  	_ =	sdelay $0x3  }
0x24e: {  	v1 =	vld.idx.msk [tilespmem:v28+s17+$0x0], $0xffff  }
0x24f: {  	v12 =	vld.idx.msk [tilespmem:v12+s17+$0x0], $0xffff  }
0x250: {  	v16 =	vld.idx.msk [tilespmem:v27+s17+$0x0], $0xffff  }
0x251: {  	v52 =	vld.idx.msk [tilespmem:v27+s16+$0x0], $0xffff  }
0x252: {  	v53 =	vld.idx.msk [tilespmem:v26+s16+$0x0], $0xffff  }
0x253: {  	v13 =	vld.idx.msk [tilespmem:v13+s16+$0x0], $0xffff  }
0x254: {  	v54 =	vld.idx.msk [tilespmem:v26+s17+$0x0], $0xffff  }
0x255: {  	v4 =	vld.idx.msk [tilespmem:v4+s17+$0x0], $0xffff;
	v24 =	vmul.f32 v25, v24  }
0x256: {  	v55 =	vadd.f32 v20, v23;
	v15 =	vadd.f32 v21, v15;
	v3 =	vmul.f32 v18, v3  }
0x257: {  	v9 =	vadd.f32 v24, v9;
	v57 =	vmul.f32 v19, v17;
	v7 =	vmul.f32 v12, v7  }
0x258: {  	v3 =	vadd.f32 v3, v6;
	v16 =	vmul.f32 v16, v52;
	v5 =	vmul.f32 v5, v13  }
0x259: {  	v56 =	vmul.f32 v54, v53;
	v1 =	vmul.f32 v1, v22;
	v7 =	vadd.f32 v7, v14  }
0x25a: {  	v60 =	vld [tilespmem:s4+$0x10600];
	v2 =	vmul.f32 v4, v2;
	v61 =	vadd.f32 v57, v10;
	v59 =	vadd.f32 v5, v11  }
0x25b: {  	v62 =	vld [tilespmem:s4+$0x10800];
	v58 =	vadd.f32 v56, v15;
	v1 =	vadd.f32 v1, v7  }
0x25c: {  	v9 =	vadd.f32 v16, v9;
	v2 =	vadd.f32 v2, v59  }
0x25d: {  	v3 =	vadd.f32 v61, v3;
	v1 =	vadd.f32 v8, v1  }
0x25e: {  	v63 =	vadd.f32 v58, v55;
	v2 =	vadd.f32 v9, v2  }
0x25f: {  	v1 =	vadd.f32 v3, v1  }
0x260: {  	v2 =	vadd.f32 v2, v63;
	v3 =	vadd.f32 v62, v60  }
0x261: {  	p0 =	slt.u32 s4, $0x30  }
.Ltmp10:
0x262: {  	v3 =	vadd.f32 v3, v0;
	v1 =	vadd.f32 v2, v1;
	(pc) =	sbr.rel @p0 .LBB2_20-.Ltmp10, $4  }
0x263: {  	_ = 	snop  }
0x264: {  	v1 =	vadd.f32 v3, v1  }
0x265: {  	s5 =	sadd.s32 $0x10, s4  }
0x266: {  	[tilespmem:s4+$0x10B00] =	vst v1;
	s4 =	smov.u32 s5  }
0x267: {  	_ =	swait.ge [sflag:s14], $0x2000  }
0x268: {  	[sflag:s14] =	ssyncset.done $0x0  }
0x269: {  	[sflag:s14] =	ssyncadd.s32 $0xFFFFE000  }
0x26a: {  	_ =	swait.ge [sflag:s14], $0x2000  }
0x26b: {  	[sflag:s14] =	ssyncset.done $0x0  }
0x26c: {  	[sflag:s14] =	ssyncadd.s32 $0xFFFFE000  }
0x26d: {  	_ =	swait.ge [sflag:s14], $0x40  }
0x26e: {  	[sflag:s14] =	ssyncset.done $0x0  }
0x26f: {  	[sflag:s14] =	ssyncadd.s32 $0xFFFFFFC0  }
0x270: {  	_ =	swait.ge [sflag:s14], $0x40  }
0x271: {  	[sflag:s14] =	ssyncset.done $0x0  }
0x272: {  	s4 =	simm.s32 $0x0;
	[sflag:s14] =	ssyncadd.s32 $0xFFFFFFC0  }
.LBB2_24:
0x273: {  	v11 =	vlaneseq.u32  }
0x274: {  	v1 =	vmov s4;
	v2 =	vmul.u32 $0x80, v11  }
0x275: {  	v1 =	vshll.u32 v1, $0x7;
	v3 =	vadd.s32 $0x1, v11  }
0x276: {  	v1 =	vor.u32 v2, v1;
	v2 =	vand.u32 $0x7F, v3  }
0x277: {  	v4 =	vadd.s32 $0x3, v11;
	v2 =	vor.u32 v1, v2  }
0x278: {  	v4 =	vand.u32 $0x7F, v4  }
0x279: {  	v6 =	vadd.s32 $0x9, v11;
	v5 =	vor.u32 v1, v4  }
0x27a: {  	v6 =	vand.u32 $0x7F, v6  }
0x27b: {  	v6 =	vor.u32 v1, v6  }
0x27c: {  	v3 =	vadd.s32 $0x2, v11;
	v8 =	vld.idx.msk [tilespmem:v2+s21+$0x0], $0xffff  }
0x27d: {  	v3 =	vand.u32 $0x7F, v3;
	v12 =	vor.u32 v1, v11;
	v14 =	vld.idx.msk [tilespmem:v2+s23+$0x0], $0xffff  }
0x27e: {  	v9 =	vadd.s32 $0x7, v11;
	v3 =	vor.u32 v1, v3;
	v15 =	vld.idx.msk [tilespmem:v5+s23+$0x0], $0xffff  }
0x27f: {  	v9 =	vand.u32 $0x7F, v9;
	v18 =	vld.idx.msk [tilespmem:v5+s21+$0x0], $0xffff  }
0x280: {  	v24 =	vadd.s32 $0xB, v11;
	v4 =	vadd.s32 $0xE, v11;
	v25 =	vor.u32 v1, v9;
	v20 =	vld.idx.msk [tilespmem:v6+s23+$0x0], $0xffff  }
0x281: {  	v7 =	vadd.s32 $0xA, v11;
	v24 =	vand.u32 $0x7F, v24;
	v4 =	vand.u32 $0x7F, v4;
	v6 =	vld.idx.msk [tilespmem:v6+s21+$0x0], $0xffff  }
0x282: {  	v4 =	vor.u32 v1, v4;
	v2 =	vand.u32 $0x7F, v7;
	v5 =	vadd.s32 $0x4, v11;
	v7 =	vld.idx.msk [tilespmem:v12+s21+$0x0], $0xffff  }
0x283: {  	v29 =	vor.u32 v1, v24;
	v10 =	vld.idx.msk [tilespmem:v3+s23+$0x0], $0xffff;
	v16 =	vor.u32 v1, v2;
	v5 =	vand.u32 $0x7F, v5  }
0x284: {  	v24 =	vadd.s32 $0xD, v11;
	v17 =	vld.idx.msk [tilespmem:v3+s21+$0x0], $0xffff;
	v3 =	vadd.s32 $0xC, v11;
	v21 =	vor.u32 v1, v5  }
0x285: {  	v30 =	vand.u32 $0x7F, v24;
	v24 =	vld.idx.msk [tilespmem:v25+s21+$0x0], $0xffff;
	v2 =	vadd.s32 $0x6, v11;
	v3 =	vand.u32 $0x7F, v3  }
0x286: {  	v25 =	vld.idx.msk [tilespmem:v25+s23+$0x0], $0xffff;
	v2 =	vand.u32 $0x7F, v2;
	v19 =	vor.u32 v1, v3;
	v3 =	vadd.s32 $0x5, v11  }
0x287: {  	v13 =	vor.u32 v1, v2;
	v2 =	vld.idx.msk [tilespmem:v4+s21+$0x0], $0xffff;
	v5 =	vand.u32 $0x7F, v3  }
0x288: {  	v22 =	vor.u32 v1, v5;
	v3 =	vld.idx.msk [tilespmem:v16+s21+$0x0], $0xffff  }
0x289: {  	v26 =	vld.idx.msk [tilespmem:v21+s23+$0x0], $0xffff  }
0x28a: {  	v21 =	vld.idx.msk [tilespmem:v21+s21+$0x0], $0xffff  }
0x28b: {  	v27 =	vadd.s32 $0xF, v11;
	v23 =	vld.idx.msk [tilespmem:v19+s21+$0x0], $0xffff  }
0x28c: {  	v9 =	vimm.f32 $0.0e+00;
	v10 =	vmul.f32 v10, v17;
	v17 =	vadd.s32 $0x8, v11;
	v19 =	vld.idx.msk [tilespmem:v19+s23+$0x0], $0xffff  }
0x28d: {  	v8 =	vmul.f32 v14, v8;
	v20 =	vmul.f32 v20, v6;
	v17 =	vand.u32 $0x7F, v17;
	v14 =	vld.idx.msk [tilespmem:v22+s21+$0x0], $0xffff  }
0x28e: {  	v15 =	vmul.f32 v15, v18;
	v18 =	vand.u32 $0x7F, v27;
	v28 =	vor.u32 v1, v17;
	v22 =	vld.idx.msk [tilespmem:v22+s23+$0x0], $0xffff  }
0x28f: {  	v27 =	vor.u32 v1, v18;
	v18 =	vld.idx.msk [tilespmem:v16+s23+$0x0], $0xffff;
	v11 =	vadd.s32 $0x10, v11;
	v8 =	vadd.f32 v8, v9  }
0x290: {  	v5 =	vld.idx.msk [tilespmem:v13+s23+$0x0], $0xffff;
	v6 =	vadd.f32 v10, v9;
	v10 =	vadd.f32 v15, v9;
	v15 =	vmul.f32 v26, v21  }
0x291: {  	v16 =	vand.u32 $0x7F, v11;
	v11 =	vimm.f32 $0.0e+00;
	v17 =	vld.idx.msk [tilespmem:v29+s21+$0x0], $0xffff;
	v8 =	vadd.f32 v20, v8  }
0x292: {  	v26 =	vor.u32 v1, v30;
	v20 =	vmul.f32 v19, v23;
	v19 =	vld.idx.msk [tilespmem:v29+s23+$0x0], $0xffff;
	v23 =	vadd.f32 v15, v9  }
0x293: {  	s19 =	simm.s32 $0x7;
	v15 =	vimm.f32 $0.0e+00;
	v21 =	vmul.f32 v22, v14;
	v22 =	vld.idx.msk [tilespmem:v28+s21+$0x0], $0xffff;
	v14 =	vimm.f32 $0.0e+00  }
.LBB2_25:
0x294: {  	v29 =	vadd.s32 $0x1, v16;
	v30 =	vadd.s32 $0x4, v16;
	v31 =	vadd.s32 $0x9, v16;
	p0 =	sne.s32 s19, $0x1;
	s19 =	sadd.s32 $0xFFFFFFFF, s19;
	v28 =	vld.idx.msk [tilespmem:v28+s23+$0x0], $0xffff  }
0x295: {  	v32 =	vadd.s32 $0xA, v16;
	v29 =	vand.u32 $0x7F, v29;
	v30 =	vand.u32 $0x7F, v30;
	v33 =	vld.idx.msk [tilespmem:v12+s23+$0x0], $0xffff  }
0x296: {  	v34 =	vadd.s32 $0xE, v16;
	v35 =	vadd.s32 $0xF, v16;
	v12 =	vadd.s32 $0x2, v16;
	v36 =	vld.idx.msk [tilespmem:v4+s23+$0x0], $0xffff  }
0x297: {  	v29 =	vor.u32 v1, v29;
	v4 =	vand.u32 $0x7F, v12;
	v12 =	vadd.s32 $0xD, v16;
	v37 =	vld.idx.msk [tilespmem:v13+s21+$0x0], $0xffff  }
0x298: {  	v13 =	vor.u32 v1, v4;
	v4 =	vadd.s32 $0x3, v16;
	v38 =	vand.u32 $0x7F, v12;
	v12 =	vld.idx.msk [tilespmem:v27+s23+$0x0], $0xffff  }
0x299: {  	v39 =	vadd.s32 $0x8, v16;
	v35 =	vand.u32 $0x7F, v35;
	v4 =	vand.u32 $0x7F, v4;
	v27 =	vld.idx.msk [tilespmem:v27+s21+$0x0], $0xffff  }
0x29a: {  	v34 =	vand.u32 $0x7F, v34;
	v40 =	vor.u32 v1, v4;
	v4 =	vadd.s32 $0xC, v16;
	v41 =	vld.idx.msk [tilespmem:v26+s21+$0x0], $0xffff  }
0x29b: {  	v42 =	vadd.s32 $0x5, v16;
	v43 =	vadd.s32 $0x7, v16;
	v24 =	vmul.f32 v25, v24;
	v25 =	vld.idx.msk [tilespmem:v26+s23+$0x0], $0xffff  }
0x29c: {  	v30 =	vor.u32 v1, v30;
	v44 =	vand.u32 $0x7F, v4;
	v4 =	vor.u32 v1, v34;
	v26 =	vld.idx.msk [tilespmem:v29+s21+$0x0], $0xffff  }
0x29d: {  	v45 =	vadd.s32 $0xB, v16;
	v43 =	vand.u32 $0x7F, v43;
	v31 =	vand.u32 $0x7F, v31;
	v34 =	vld.idx.msk [tilespmem:v13+s23+$0x0], $0xffff  }
0x29e: {  	v42 =	vand.u32 $0x7F, v42;
	v32 =	vand.u32 $0x7F, v32;
	v31 =	vor.u32 v1, v31;
	v29 =	vld.idx.msk [tilespmem:v29+s23+$0x0], $0xffff  }
0x29f: {  	v45 =	vand.u32 $0x7F, v45;
	v32 =	vor.u32 v1, v32;
	v27 =	vmul.f32 v12, v27;
	v46 =	vld.idx.msk [tilespmem:v40+s23+$0x0], $0xffff  }
0x2a0: {  	v7 =	vmul.f32 v33, v7;
	v12 =	vor.u32 v1, v16;
	v47 =	vld.idx.msk [tilespmem:v13+s21+$0x0], $0xffff;
	v13 =	vadd.s32 $0x6, v16  }
0x2a1: {  	v23 =	vadd.f32 v20, v23;
	v33 =	vld.idx.msk [tilespmem:v40+s21+$0x0], $0xffff;
	v13 =	vand.u32 $0x7F, v13;
	v40 =	vor.u32 v1, v44  }
0x2a2: {  	v9 =	vadd.f32 v24, v9;
	v20 =	vmul.f32 v36, v2;
	v13 =	vor.u32 v1, v13;
	v2 =	vld.idx.msk [tilespmem:v4+s21+$0x0], $0xffff  }
0x2a3: {  	v15 =	vadd.f32 v21, v15;
	v21 =	vmul.f32 v28, v22;
	v22 =	vmul.f32 v25, v41;
	v24 =	vld.idx.msk [tilespmem:v31+s23+$0x0], $0xffff  }
0x2a4: {  	v17 =	vmul.f32 v19, v17;
	v14 =	vadd.f32 v7, v14;
	v25 =	vmul.f32 v29, v26;
	v26 =	vld.idx.msk [tilespmem:v31+s21+$0x0], $0xffff  }
0x2a5: {  	v18 =	vmul.f32 v18, v3;
	v19 =	vmul.f32 v5, v37;
	v15 =	vadd.f32 v22, v15;
	v3 =	vld.idx.msk [tilespmem:v32+s21+$0x0], $0xffff  }
0x2a6: {  	v14 =	vadd.f32 v21, v14;
	v22 =	vor.u32 v1, v42;
	v8 =	vadd.f32 v25, v8;
	v7 =	vld.idx.msk [tilespmem:v12+s21+$0x0], $0xffff  }
0x2a7: {  	v6 =	vadd.f32 v18, v6;
	v21 =	vand.u32 $0x7F, v39;
	v11 =	vadd.f32 v19, v11;
	v5 =	vld.idx.msk [tilespmem:v13+s23+$0x0], $0xffff  }
0x2a8: {  	v10 =	vadd.f32 v17, v10;
	v9 =	vadd.f32 v27, v9;
	v18 =	vmul.f32 v34, v47;
	v29 =	vld.idx.msk [tilespmem:v40+s21+$0x0], $0xffff  }
0x2a9: {  	v17 =	vor.u32 v1, v43;
	v11 =	vadd.f32 v20, v11;
	v19 =	vld.idx.msk [tilespmem:v30+s23+$0x0], $0xffff  }
0x2aa: {  	v6 =	vadd.f32 v18, v6;
	v20 =	vmul.f32 v24, v26;
	v18 =	vld.idx.msk [tilespmem:v30+s21+$0x0], $0xffff  }
0x2ab: {  	v26 =	vor.u32 v1, v45;
	v30 =	vld.idx.msk [tilespmem:v22+s21+$0x0], $0xffff  }
0x2ac: {  	v8 =	vadd.f32 v20, v8;
	v20 =	vld.idx.msk [tilespmem:v40+s23+$0x0], $0xffff  }
0x2ad: {  	v22 =	vld.idx.msk [tilespmem:v22+s23+$0x0], $0xffff  }
0x2ae: {  	v28 =	vor.u32 v1, v21;
	v27 =	vmul.f32 v46, v33;
	v24 =	vld.idx.msk [tilespmem:v17+s21+$0x0], $0xffff  }
.Ltmp11:
0x2af: {  	v25 =	vld.idx.msk [tilespmem:v17+s23+$0x0], $0xffff;
	(pc) =	sbr.rel @p0 .LBB2_25-.Ltmp11, $4  }
0x2b0: {  	v10 =	vadd.f32 v27, v10;
	v17 =	vld.idx.msk [tilespmem:v26+s21+$0x0], $0xffff  }
0x2b1: {  	v27 =	vor.u32 v1, v35;
	v21 =	vmul.f32 v19, v18;
	v18 =	vld.idx.msk [tilespmem:v32+s23+$0x0], $0xffff  }
0x2b2: {  	v16 =	vadd.s32 $0x10, v16;
	v20 =	vmul.f32 v20, v29;
	v19 =	vld.idx.msk [tilespmem:v26+s23+$0x0], $0xffff;
	v26 =	vor.u32 v1, v38  }
0x2b3: {  	v16 =	vand.u32 $0x7F, v16;
	v23 =	vadd.f32 v21, v23;
	v21 =	vmul.f32 v22, v30;
	v22 =	vld.idx.msk [tilespmem:v28+s21+$0x0], $0xffff  }
0x2b4: {  	_ =	sdelay $0x3  }
0x2b5: {  	v1 =	vld.idx.msk [tilespmem:v28+s23+$0x0], $0xffff  }
0x2b6: {  	v12 =	vld.idx.msk [tilespmem:v12+s23+$0x0], $0xffff  }
0x2b7: {  	v16 =	vld.idx.msk [tilespmem:v27+s23+$0x0], $0xffff  }
0x2b8: {  	v52 =	vld.idx.msk [tilespmem:v27+s21+$0x0], $0xffff  }
0x2b9: {  	v53 =	vld.idx.msk [tilespmem:v26+s21+$0x0], $0xffff  }
0x2ba: {  	v13 =	vld.idx.msk [tilespmem:v13+s21+$0x0], $0xffff  }
0x2bb: {  	v54 =	vld.idx.msk [tilespmem:v26+s23+$0x0], $0xffff  }
0x2bc: {  	v4 =	vld.idx.msk [tilespmem:v4+s23+$0x0], $0xffff;
	v24 =	vmul.f32 v25, v24  }
0x2bd: {  	v55 =	vadd.f32 v20, v23;
	v15 =	vadd.f32 v21, v15;
	v3 =	vmul.f32 v18, v3  }
0x2be: {  	v9 =	vadd.f32 v24, v9;
	v57 =	vmul.f32 v19, v17;
	v7 =	vmul.f32 v12, v7  }
0x2bf: {  	v3 =	vadd.f32 v3, v6;
	v16 =	vmul.f32 v16, v52;
	v5 =	vmul.f32 v5, v13  }
0x2c0: {  	v56 =	vmul.f32 v54, v53;
	v1 =	vmul.f32 v1, v22;
	v7 =	vadd.f32 v7, v14  }
0x2c1: {  	v60 =	vld [tilespmem:s4+$0x10680];
	v2 =	vmul.f32 v4, v2;
	v61 =	vadd.f32 v57, v10;
	v59 =	vadd.f32 v5, v11  }
0x2c2: {  	v62 =	vld [tilespmem:s4+$0x10880];
	v58 =	vadd.f32 v56, v15;
	v1 =	vadd.f32 v1, v7  }
0x2c3: {  	v9 =	vadd.f32 v16, v9;
	v2 =	vadd.f32 v2, v59  }
0x2c4: {  	v3 =	vadd.f32 v61, v3;
	v1 =	vadd.f32 v8, v1  }
0x2c5: {  	v63 =	vadd.f32 v58, v55;
	v2 =	vadd.f32 v9, v2  }
0x2c6: {  	v1 =	vadd.f32 v3, v1  }
0x2c7: {  	v2 =	vadd.f32 v2, v63;
	v3 =	vadd.f32 v62, v60  }
0x2c8: {  	p0 =	slt.u32 s4, $0x30  }
.Ltmp12:
0x2c9: {  	v3 =	vadd.f32 v3, v0;
	v1 =	vadd.f32 v2, v1;
	(pc) =	sbr.rel @p0 .LBB2_24-.Ltmp12, $4  }
0x2ca: {  	_ = 	snop  }
0x2cb: {  	v1 =	vadd.f32 v3, v1  }
0x2cc: {  	s5 =	sadd.s32 $0x10, s4  }
0x2cd: {  	[tilespmem:s4+$0x10B40] =	vst v1;
	s4 =	smov.u32 s5  }
0x2ce: {  	_ =	swait.ge [sflag:s12], $0x2000  }
0x2cf: {  	[sflag:s12] =	ssyncset.done $0x0  }
0x2d0: {  	[sflag:s12] =	ssyncadd.s32 $0xFFFFE000  }
0x2d1: {  	_ =	swait.ge [sflag:s12], $0x2000  }
0x2d2: {  	[sflag:s12] =	ssyncset.done $0x0  }
0x2d3: {  	[sflag:s12] =	ssyncadd.s32 $0xFFFFE000  }
0x2d4: {  	_ =	swait.ge [sflag:s12], $0x40  }
0x2d5: {  	[sflag:s12] =	ssyncset.done $0x0  }
0x2d6: {  	[sflag:s12] =	ssyncadd.s32 $0xFFFFFFC0  }
0x2d7: {  	_ =	swait.ge [sflag:s12], $0x40  }
0x2d8: {  	[sflag:s12] =	ssyncset.done $0x0  }
0x2d9: {  	s4 =	simm.s32 $0x0;
	[sflag:s12] =	ssyncadd.s32 $0xFFFFFFC0  }
.LBB2_28:
0x2da: {  	v11 =	vlaneseq.u32  }
0x2db: {  	v1 =	vmov s4;
	v2 =	vmul.u32 $0x80, v11  }
0x2dc: {  	v1 =	vshll.u32 v1, $0x7;
	v3 =	vadd.s32 $0x1, v11  }
0x2dd: {  	v1 =	vor.u32 v2, v1;
	v2 =	vand.u32 $0x7F, v3  }
0x2de: {  	v4 =	vadd.s32 $0x3, v11;
	v2 =	vor.u32 v1, v2  }
0x2df: {  	v4 =	vand.u32 $0x7F, v4  }
0x2e0: {  	v6 =	vadd.s32 $0x9, v11;
	v5 =	vor.u32 v1, v4  }
0x2e1: {  	v6 =	vand.u32 $0x7F, v6  }
0x2e2: {  	v6 =	vor.u32 v1, v6  }
0x2e3: {  	v3 =	vadd.s32 $0x2, v11;
	v8 =	vld.idx.msk [tilespmem:v2+s29+$0x0], $0xffff  }
0x2e4: {  	v3 =	vand.u32 $0x7F, v3;
	v12 =	vor.u32 v1, v11;
	v14 =	vld.idx.msk [tilespmem:v2+s31+$0x0], $0xffff  }
0x2e5: {  	v9 =	vadd.s32 $0x7, v11;
	v3 =	vor.u32 v1, v3;
	v15 =	vld.idx.msk [tilespmem:v5+s31+$0x0], $0xffff  }
0x2e6: {  	v9 =	vand.u32 $0x7F, v9;
	v18 =	vld.idx.msk [tilespmem:v5+s29+$0x0], $0xffff  }
0x2e7: {  	v24 =	vadd.s32 $0xB, v11;
	v4 =	vadd.s32 $0xE, v11;
	v25 =	vor.u32 v1, v9;
	v20 =	vld.idx.msk [tilespmem:v6+s31+$0x0], $0xffff  }
0x2e8: {  	v7 =	vadd.s32 $0xA, v11;
	v24 =	vand.u32 $0x7F, v24;
	v4 =	vand.u32 $0x7F, v4;
	v6 =	vld.idx.msk [tilespmem:v6+s29+$0x0], $0xffff  }
0x2e9: {  	v4 =	vor.u32 v1, v4;
	v2 =	vand.u32 $0x7F, v7;
	v5 =	vadd.s32 $0x4, v11;
	v7 =	vld.idx.msk [tilespmem:v12+s29+$0x0], $0xffff  }
0x2ea: {  	v29 =	vor.u32 v1, v24;
	v10 =	vld.idx.msk [tilespmem:v3+s31+$0x0], $0xffff;
	v16 =	vor.u32 v1, v2;
	v5 =	vand.u32 $0x7F, v5  }
0x2eb: {  	v24 =	vadd.s32 $0xD, v11;
	v17 =	vld.idx.msk [tilespmem:v3+s29+$0x0], $0xffff;
	v3 =	vadd.s32 $0xC, v11;
	v21 =	vor.u32 v1, v5  }
0x2ec: {  	v30 =	vand.u32 $0x7F, v24;
	v24 =	vld.idx.msk [tilespmem:v25+s29+$0x0], $0xffff;
	v2 =	vadd.s32 $0x6, v11;
	v3 =	vand.u32 $0x7F, v3  }
0x2ed: {  	v25 =	vld.idx.msk [tilespmem:v25+s31+$0x0], $0xffff;
	v2 =	vand.u32 $0x7F, v2;
	v19 =	vor.u32 v1, v3;
	v3 =	vadd.s32 $0x5, v11  }
0x2ee: {  	v13 =	vor.u32 v1, v2;
	v2 =	vld.idx.msk [tilespmem:v4+s29+$0x0], $0xffff;
	v5 =	vand.u32 $0x7F, v3  }
0x2ef: {  	v22 =	vor.u32 v1, v5;
	v3 =	vld.idx.msk [tilespmem:v16+s29+$0x0], $0xffff  }
0x2f0: {  	v26 =	vld.idx.msk [tilespmem:v21+s31+$0x0], $0xffff  }
0x2f1: {  	v21 =	vld.idx.msk [tilespmem:v21+s29+$0x0], $0xffff  }
0x2f2: {  	v27 =	vadd.s32 $0xF, v11;
	v23 =	vld.idx.msk [tilespmem:v19+s29+$0x0], $0xffff  }
0x2f3: {  	v9 =	vimm.f32 $0.0e+00;
	v10 =	vmul.f32 v10, v17;
	v17 =	vadd.s32 $0x8, v11;
	v19 =	vld.idx.msk [tilespmem:v19+s31+$0x0], $0xffff  }
0x2f4: {  	v8 =	vmul.f32 v14, v8;
	v20 =	vmul.f32 v20, v6;
	v17 =	vand.u32 $0x7F, v17;
	v14 =	vld.idx.msk [tilespmem:v22+s29+$0x0], $0xffff  }
0x2f5: {  	v15 =	vmul.f32 v15, v18;
	v18 =	vand.u32 $0x7F, v27;
	v28 =	vor.u32 v1, v17;
	v22 =	vld.idx.msk [tilespmem:v22+s31+$0x0], $0xffff  }
0x2f6: {  	v27 =	vor.u32 v1, v18;
	v18 =	vld.idx.msk [tilespmem:v16+s31+$0x0], $0xffff;
	v11 =	vadd.s32 $0x10, v11;
	v8 =	vadd.f32 v8, v9  }
0x2f7: {  	v5 =	vld.idx.msk [tilespmem:v13+s31+$0x0], $0xffff;
	v6 =	vadd.f32 v10, v9;
	v10 =	vadd.f32 v15, v9;
	v15 =	vmul.f32 v26, v21  }
0x2f8: {  	v16 =	vand.u32 $0x7F, v11;
	v11 =	vimm.f32 $0.0e+00;
	v17 =	vld.idx.msk [tilespmem:v29+s29+$0x0], $0xffff;
	v8 =	vadd.f32 v20, v8  }
0x2f9: {  	v26 =	vor.u32 v1, v30;
	v20 =	vmul.f32 v19, v23;
	v19 =	vld.idx.msk [tilespmem:v29+s31+$0x0], $0xffff;
	v23 =	vadd.f32 v15, v9  }
0x2fa: {  	s19 =	simm.s32 $0x7;
	v15 =	vimm.f32 $0.0e+00;
	v21 =	vmul.f32 v22, v14;
	v22 =	vld.idx.msk [tilespmem:v28+s29+$0x0], $0xffff;
	v14 =	vimm.f32 $0.0e+00  }
.LBB2_29:
0x2fb: {  	v29 =	vadd.s32 $0x1, v16;
	v30 =	vadd.s32 $0x4, v16;
	v31 =	vadd.s32 $0x9, v16;
	p0 =	sne.s32 s19, $0x1;
	s19 =	sadd.s32 $0xFFFFFFFF, s19;
	v28 =	vld.idx.msk [tilespmem:v28+s31+$0x0], $0xffff  }
0x2fc: {  	v32 =	vadd.s32 $0xA, v16;
	v29 =	vand.u32 $0x7F, v29;
	v30 =	vand.u32 $0x7F, v30;
	v33 =	vld.idx.msk [tilespmem:v12+s31+$0x0], $0xffff  }
0x2fd: {  	v34 =	vadd.s32 $0xE, v16;
	v35 =	vadd.s32 $0xF, v16;
	v12 =	vadd.s32 $0x2, v16;
	v36 =	vld.idx.msk [tilespmem:v4+s31+$0x0], $0xffff  }
0x2fe: {  	v29 =	vor.u32 v1, v29;
	v4 =	vand.u32 $0x7F, v12;
	v12 =	vadd.s32 $0xD, v16;
	v37 =	vld.idx.msk [tilespmem:v13+s29+$0x0], $0xffff  }
0x2ff: {  	v13 =	vor.u32 v1, v4;
	v4 =	vadd.s32 $0x3, v16;
	v38 =	vand.u32 $0x7F, v12;
	v12 =	vld.idx.msk [tilespmem:v27+s31+$0x0], $0xffff  }
0x300: {  	v39 =	vadd.s32 $0x8, v16;
	v35 =	vand.u32 $0x7F, v35;
	v4 =	vand.u32 $0x7F, v4;
	v27 =	vld.idx.msk [tilespmem:v27+s29+$0x0], $0xffff  }
0x301: {  	v34 =	vand.u32 $0x7F, v34;
	v40 =	vor.u32 v1, v4;
	v4 =	vadd.s32 $0xC, v16;
	v41 =	vld.idx.msk [tilespmem:v26+s29+$0x0], $0xffff  }
0x302: {  	v42 =	vadd.s32 $0x5, v16;
	v43 =	vadd.s32 $0x7, v16;
	v24 =	vmul.f32 v25, v24;
	v25 =	vld.idx.msk [tilespmem:v26+s31+$0x0], $0xffff  }
0x303: {  	v30 =	vor.u32 v1, v30;
	v44 =	vand.u32 $0x7F, v4;
	v4 =	vor.u32 v1, v34;
	v26 =	vld.idx.msk [tilespmem:v29+s29+$0x0], $0xffff  }
0x304: {  	v45 =	vadd.s32 $0xB, v16;
	v43 =	vand.u32 $0x7F, v43;
	v31 =	vand.u32 $0x7F, v31;
	v34 =	vld.idx.msk [tilespmem:v13+s31+$0x0], $0xffff  }
0x305: {  	v42 =	vand.u32 $0x7F, v42;
	v32 =	vand.u32 $0x7F, v32;
	v31 =	vor.u32 v1, v31;
	v29 =	vld.idx.msk [tilespmem:v29+s31+$0x0], $0xffff  }
0x306: {  	v45 =	vand.u32 $0x7F, v45;
	v32 =	vor.u32 v1, v32;
	v27 =	vmul.f32 v12, v27;
	v46 =	vld.idx.msk [tilespmem:v40+s31+$0x0], $0xffff  }
0x307: {  	v7 =	vmul.f32 v33, v7;
	v12 =	vor.u32 v1, v16;
	v47 =	vld.idx.msk [tilespmem:v13+s29+$0x0], $0xffff;
	v13 =	vadd.s32 $0x6, v16  }
0x308: {  	v23 =	vadd.f32 v20, v23;
	v33 =	vld.idx.msk [tilespmem:v40+s29+$0x0], $0xffff;
	v13 =	vand.u32 $0x7F, v13;
	v40 =	vor.u32 v1, v44  }
0x309: {  	v9 =	vadd.f32 v24, v9;
	v20 =	vmul.f32 v36, v2;
	v13 =	vor.u32 v1, v13;
	v2 =	vld.idx.msk [tilespmem:v4+s29+$0x0], $0xffff  }
0x30a: {  	v15 =	vadd.f32 v21, v15;
	v21 =	vmul.f32 v28, v22;
	v22 =	vmul.f32 v25, v41;
	v24 =	vld.idx.msk [tilespmem:v31+s31+$0x0], $0xffff  }
0x30b: {  	v17 =	vmul.f32 v19, v17;
	v14 =	vadd.f32 v7, v14;
	v25 =	vmul.f32 v29, v26;
	v26 =	vld.idx.msk [tilespmem:v31+s29+$0x0], $0xffff  }
0x30c: {  	v18 =	vmul.f32 v18, v3;
	v19 =	vmul.f32 v5, v37;
	v15 =	vadd.f32 v22, v15;
	v3 =	vld.idx.msk [tilespmem:v32+s29+$0x0], $0xffff  }
0x30d: {  	v14 =	vadd.f32 v21, v14;
	v22 =	vor.u32 v1, v42;
	v8 =	vadd.f32 v25, v8;
	v7 =	vld.idx.msk [tilespmem:v12+s29+$0x0], $0xffff  }
0x30e: {  	v6 =	vadd.f32 v18, v6;
	v21 =	vand.u32 $0x7F, v39;
	v11 =	vadd.f32 v19, v11;
	v5 =	vld.idx.msk [tilespmem:v13+s31+$0x0], $0xffff  }
0x30f: {  	v10 =	vadd.f32 v17, v10;
	v9 =	vadd.f32 v27, v9;
	v18 =	vmul.f32 v34, v47;
	v29 =	vld.idx.msk [tilespmem:v40+s29+$0x0], $0xffff  }
0x310: {  	v17 =	vor.u32 v1, v43;
	v11 =	vadd.f32 v20, v11;
	v19 =	vld.idx.msk [tilespmem:v30+s31+$0x0], $0xffff  }
0x311: {  	v6 =	vadd.f32 v18, v6;
	v20 =	vmul.f32 v24, v26;
	v18 =	vld.idx.msk [tilespmem:v30+s29+$0x0], $0xffff  }
0x312: {  	v26 =	vor.u32 v1, v45;
	v30 =	vld.idx.msk [tilespmem:v22+s29+$0x0], $0xffff  }
0x313: {  	v8 =	vadd.f32 v20, v8;
	v20 =	vld.idx.msk [tilespmem:v40+s31+$0x0], $0xffff  }
0x314: {  	v22 =	vld.idx.msk [tilespmem:v22+s31+$0x0], $0xffff  }
0x315: {  	v28 =	vor.u32 v1, v21;
	v27 =	vmul.f32 v46, v33;
	v24 =	vld.idx.msk [tilespmem:v17+s29+$0x0], $0xffff  }
.Ltmp13:
0x316: {  	v25 =	vld.idx.msk [tilespmem:v17+s31+$0x0], $0xffff;
	(pc) =	sbr.rel @p0 .LBB2_29-.Ltmp13, $4  }
0x317: {  	v10 =	vadd.f32 v27, v10;
	v17 =	vld.idx.msk [tilespmem:v26+s29+$0x0], $0xffff  }
0x318: {  	v27 =	vor.u32 v1, v35;
	v21 =	vmul.f32 v19, v18;
	v18 =	vld.idx.msk [tilespmem:v32+s31+$0x0], $0xffff  }
0x319: {  	v16 =	vadd.s32 $0x10, v16;
	v20 =	vmul.f32 v20, v29;
	v19 =	vld.idx.msk [tilespmem:v26+s31+$0x0], $0xffff;
	v26 =	vor.u32 v1, v38  }
0x31a: {  	v16 =	vand.u32 $0x7F, v16;
	v23 =	vadd.f32 v21, v23;
	v21 =	vmul.f32 v22, v30;
	v22 =	vld.idx.msk [tilespmem:v28+s29+$0x0], $0xffff  }
0x31b: {  	_ =	sdelay $0x3  }
0x31c: {  	v1 =	vld.idx.msk [tilespmem:v28+s31+$0x0], $0xffff  }
0x31d: {  	v12 =	vld.idx.msk [tilespmem:v12+s31+$0x0], $0xffff  }
0x31e: {  	v16 =	vld.idx.msk [tilespmem:v27+s31+$0x0], $0xffff  }
0x31f: {  	v52 =	vld.idx.msk [tilespmem:v27+s29+$0x0], $0xffff  }
0x320: {  	v53 =	vld.idx.msk [tilespmem:v26+s29+$0x0], $0xffff  }
0x321: {  	v13 =	vld.idx.msk [tilespmem:v13+s29+$0x0], $0xffff  }
0x322: {  	v54 =	vld.idx.msk [tilespmem:v26+s31+$0x0], $0xffff  }
0x323: {  	v4 =	vld.idx.msk [tilespmem:v4+s31+$0x0], $0xffff;
	v24 =	vmul.f32 v25, v24  }
0x324: {  	v55 =	vadd.f32 v20, v23;
	v15 =	vadd.f32 v21, v15;
	v3 =	vmul.f32 v18, v3  }
0x325: {  	v9 =	vadd.f32 v24, v9;
	v57 =	vmul.f32 v19, v17;
	v7 =	vmul.f32 v12, v7  }
0x326: {  	v3 =	vadd.f32 v3, v6;
	v16 =	vmul.f32 v16, v52;
	v5 =	vmul.f32 v5, v13  }
0x327: {  	v56 =	vmul.f32 v54, v53;
	v1 =	vmul.f32 v1, v22;
	v7 =	vadd.f32 v7, v14  }
0x328: {  	v60 =	vld [tilespmem:s4+$0x10700];
	v2 =	vmul.f32 v4, v2;
	v61 =	vadd.f32 v57, v10;
	v59 =	vadd.f32 v5, v11  }
0x329: {  	v62 =	vld [tilespmem:s4+$0x10900];
	v58 =	vadd.f32 v56, v15;
	v1 =	vadd.f32 v1, v7  }
0x32a: {  	v9 =	vadd.f32 v16, v9;
	v2 =	vadd.f32 v2, v59  }
0x32b: {  	v3 =	vadd.f32 v61, v3;
	v1 =	vadd.f32 v8, v1  }
0x32c: {  	v63 =	vadd.f32 v58, v55;
	v2 =	vadd.f32 v9, v2  }
0x32d: {  	v1 =	vadd.f32 v3, v1  }
0x32e: {  	v2 =	vadd.f32 v2, v63;
	v3 =	vadd.f32 v62, v60  }
0x32f: {  	p0 =	slt.u32 s4, $0x30  }
.Ltmp14:
0x330: {  	v3 =	vadd.f32 v3, v0;
	v1 =	vadd.f32 v2, v1;
	(pc) =	sbr.rel @p0 .LBB2_28-.Ltmp14, $4  }
0x331: {  	_ = 	snop  }
0x332: {  	v1 =	vadd.f32 v3, v1  }
0x333: {  	s5 =	sadd.s32 $0x10, s4  }
0x334: {  	[tilespmem:s4+$0x10B80] =	vst v1;
	s4 =	smov.u32 s5  }
0x335: {  	_ =	swait.ge [sflag:s24], $0x2000  }
0x336: {  	[sflag:s24] =	ssyncset.done $0x0  }
0x337: {  	[sflag:s24] =	ssyncadd.s32 $0xFFFFE000  }
0x338: {  	_ =	swait.ge [sflag:s24], $0x2000  }
0x339: {  	[sflag:s24] =	ssyncset.done $0x0  }
0x33a: {  	[sflag:s24] =	ssyncadd.s32 $0xFFFFE000  }
0x33b: {  	_ =	swait.ge [sflag:s24], $0x40  }
0x33c: {  	[sflag:s24] =	ssyncset.done $0x0  }
0x33d: {  	[sflag:s24] =	ssyncadd.s32 $0xFFFFFFC0  }
0x33e: {  	_ =	swait.ge [sflag:s24], $0x40  }
0x33f: {  	[sflag:s24] =	ssyncset.done $0x0  }
0x340: {  	s4 =	simm.s32 $0x0;
	[sflag:s24] =	ssyncadd.s32 $0xFFFFFFC0  }
.LBB2_32:
0x341: {  	v11 =	vlaneseq.u32  }
0x342: {  	v1 =	vmov s4;
	v2 =	vmul.u32 $0x80, v11  }
0x343: {  	v1 =	vshll.u32 v1, $0x7;
	v3 =	vadd.s32 $0x1, v11  }
0x344: {  	v1 =	vor.u32 v2, v1;
	v2 =	vand.u32 $0x7F, v3  }
0x345: {  	v4 =	vadd.s32 $0x3, v11;
	v2 =	vor.u32 v1, v2  }
0x346: {  	v4 =	vand.u32 $0x7F, v4  }
0x347: {  	v6 =	vadd.s32 $0x9, v11;
	v5 =	vor.u32 v1, v4  }
0x348: {  	v6 =	vand.u32 $0x7F, v6  }
0x349: {  	v6 =	vor.u32 v1, v6  }
0x34a: {  	v3 =	vadd.s32 $0x2, v11;
	v8 =	vld.idx.msk [tilespmem:v2+s22+$0x0], $0xffff  }
0x34b: {  	v3 =	vand.u32 $0x7F, v3;
	v12 =	vor.u32 v1, v11;
	v14 =	vld.idx.msk [tilespmem:v2+s30+$0x0], $0xffff  }
0x34c: {  	v9 =	vadd.s32 $0x7, v11;
	v3 =	vor.u32 v1, v3;
	v15 =	vld.idx.msk [tilespmem:v5+s30+$0x0], $0xffff  }
0x34d: {  	v9 =	vand.u32 $0x7F, v9;
	v18 =	vld.idx.msk [tilespmem:v5+s22+$0x0], $0xffff  }
0x34e: {  	v24 =	vadd.s32 $0xB, v11;
	v4 =	vadd.s32 $0xE, v11;
	v25 =	vor.u32 v1, v9;
	v20 =	vld.idx.msk [tilespmem:v6+s30+$0x0], $0xffff  }
0x34f: {  	v7 =	vadd.s32 $0xA, v11;
	v24 =	vand.u32 $0x7F, v24;
	v4 =	vand.u32 $0x7F, v4;
	v6 =	vld.idx.msk [tilespmem:v6+s22+$0x0], $0xffff  }
0x350: {  	v4 =	vor.u32 v1, v4;
	v2 =	vand.u32 $0x7F, v7;
	v5 =	vadd.s32 $0x4, v11;
	v7 =	vld.idx.msk [tilespmem:v12+s22+$0x0], $0xffff  }
0x351: {  	v29 =	vor.u32 v1, v24;
	v10 =	vld.idx.msk [tilespmem:v3+s30+$0x0], $0xffff;
	v16 =	vor.u32 v1, v2;
	v5 =	vand.u32 $0x7F, v5  }
0x352: {  	v24 =	vadd.s32 $0xD, v11;
	v17 =	vld.idx.msk [tilespmem:v3+s22+$0x0], $0xffff;
	v3 =	vadd.s32 $0xC, v11;
	v21 =	vor.u32 v1, v5  }
0x353: {  	v30 =	vand.u32 $0x7F, v24;
	v24 =	vld.idx.msk [tilespmem:v25+s22+$0x0], $0xffff;
	v2 =	vadd.s32 $0x6, v11;
	v3 =	vand.u32 $0x7F, v3  }
0x354: {  	v25 =	vld.idx.msk [tilespmem:v25+s30+$0x0], $0xffff;
	v2 =	vand.u32 $0x7F, v2;
	v19 =	vor.u32 v1, v3;
	v3 =	vadd.s32 $0x5, v11  }
0x355: {  	v13 =	vor.u32 v1, v2;
	v2 =	vld.idx.msk [tilespmem:v4+s22+$0x0], $0xffff;
	v5 =	vand.u32 $0x7F, v3  }
0x356: {  	v22 =	vor.u32 v1, v5;
	v3 =	vld.idx.msk [tilespmem:v16+s22+$0x0], $0xffff  }
0x357: {  	v26 =	vld.idx.msk [tilespmem:v21+s30+$0x0], $0xffff  }
0x358: {  	v21 =	vld.idx.msk [tilespmem:v21+s22+$0x0], $0xffff  }
0x359: {  	v27 =	vadd.s32 $0xF, v11;
	v23 =	vld.idx.msk [tilespmem:v19+s22+$0x0], $0xffff  }
0x35a: {  	v9 =	vimm.f32 $0.0e+00;
	v10 =	vmul.f32 v10, v17;
	v17 =	vadd.s32 $0x8, v11;
	v19 =	vld.idx.msk [tilespmem:v19+s30+$0x0], $0xffff  }
0x35b: {  	v8 =	vmul.f32 v14, v8;
	v20 =	vmul.f32 v20, v6;
	v17 =	vand.u32 $0x7F, v17;
	v14 =	vld.idx.msk [tilespmem:v22+s22+$0x0], $0xffff  }
0x35c: {  	v15 =	vmul.f32 v15, v18;
	v18 =	vand.u32 $0x7F, v27;
	v28 =	vor.u32 v1, v17;
	v22 =	vld.idx.msk [tilespmem:v22+s30+$0x0], $0xffff  }
0x35d: {  	v27 =	vor.u32 v1, v18;
	v18 =	vld.idx.msk [tilespmem:v16+s30+$0x0], $0xffff;
	v11 =	vadd.s32 $0x10, v11;
	v8 =	vadd.f32 v8, v9  }
0x35e: {  	v5 =	vld.idx.msk [tilespmem:v13+s30+$0x0], $0xffff;
	v6 =	vadd.f32 v10, v9;
	v10 =	vadd.f32 v15, v9;
	v15 =	vmul.f32 v26, v21  }
0x35f: {  	v16 =	vand.u32 $0x7F, v11;
	v11 =	vimm.f32 $0.0e+00;
	v17 =	vld.idx.msk [tilespmem:v29+s22+$0x0], $0xffff;
	v8 =	vadd.f32 v20, v8  }
0x360: {  	v26 =	vor.u32 v1, v30;
	v20 =	vmul.f32 v19, v23;
	v19 =	vld.idx.msk [tilespmem:v29+s30+$0x0], $0xffff;
	v23 =	vadd.f32 v15, v9  }
0x361: {  	s19 =	simm.s32 $0x7;
	v15 =	vimm.f32 $0.0e+00;
	v21 =	vmul.f32 v22, v14;
	v22 =	vld.idx.msk [tilespmem:v28+s22+$0x0], $0xffff;
	v14 =	vimm.f32 $0.0e+00  }
.LBB2_33:
0x362: {  	v29 =	vadd.s32 $0x1, v16;
	v30 =	vadd.s32 $0x4, v16;
	v31 =	vadd.s32 $0x9, v16;
	p0 =	sne.s32 s19, $0x1;
	s19 =	sadd.s32 $0xFFFFFFFF, s19;
	v28 =	vld.idx.msk [tilespmem:v28+s30+$0x0], $0xffff  }
0x363: {  	v32 =	vadd.s32 $0xA, v16;
	v29 =	vand.u32 $0x7F, v29;
	v30 =	vand.u32 $0x7F, v30;
	v33 =	vld.idx.msk [tilespmem:v12+s30+$0x0], $0xffff  }
0x364: {  	v34 =	vadd.s32 $0xE, v16;
	v35 =	vadd.s32 $0xF, v16;
	v12 =	vadd.s32 $0x2, v16;
	v36 =	vld.idx.msk [tilespmem:v4+s30+$0x0], $0xffff  }
0x365: {  	v29 =	vor.u32 v1, v29;
	v4 =	vand.u32 $0x7F, v12;
	v12 =	vadd.s32 $0xD, v16;
	v37 =	vld.idx.msk [tilespmem:v13+s22+$0x0], $0xffff  }
0x366: {  	v13 =	vor.u32 v1, v4;
	v4 =	vadd.s32 $0x3, v16;
	v38 =	vand.u32 $0x7F, v12;
	v12 =	vld.idx.msk [tilespmem:v27+s30+$0x0], $0xffff  }
0x367: {  	v39 =	vadd.s32 $0x8, v16;
	v35 =	vand.u32 $0x7F, v35;
	v4 =	vand.u32 $0x7F, v4;
	v27 =	vld.idx.msk [tilespmem:v27+s22+$0x0], $0xffff  }
0x368: {  	v34 =	vand.u32 $0x7F, v34;
	v40 =	vor.u32 v1, v4;
	v4 =	vadd.s32 $0xC, v16;
	v41 =	vld.idx.msk [tilespmem:v26+s22+$0x0], $0xffff  }
0x369: {  	v42 =	vadd.s32 $0x5, v16;
	v43 =	vadd.s32 $0x7, v16;
	v24 =	vmul.f32 v25, v24;
	v25 =	vld.idx.msk [tilespmem:v26+s30+$0x0], $0xffff  }
0x36a: {  	v30 =	vor.u32 v1, v30;
	v44 =	vand.u32 $0x7F, v4;
	v4 =	vor.u32 v1, v34;
	v26 =	vld.idx.msk [tilespmem:v29+s22+$0x0], $0xffff  }
0x36b: {  	v45 =	vadd.s32 $0xB, v16;
	v43 =	vand.u32 $0x7F, v43;
	v31 =	vand.u32 $0x7F, v31;
	v34 =	vld.idx.msk [tilespmem:v13+s30+$0x0], $0xffff  }
0x36c: {  	v42 =	vand.u32 $0x7F, v42;
	v32 =	vand.u32 $0x7F, v32;
	v31 =	vor.u32 v1, v31;
	v29 =	vld.idx.msk [tilespmem:v29+s30+$0x0], $0xffff  }
0x36d: {  	v45 =	vand.u32 $0x7F, v45;
	v32 =	vor.u32 v1, v32;
	v27 =	vmul.f32 v12, v27;
	v46 =	vld.idx.msk [tilespmem:v40+s30+$0x0], $0xffff  }
0x36e: {  	v7 =	vmul.f32 v33, v7;
	v12 =	vor.u32 v1, v16;
	v47 =	vld.idx.msk [tilespmem:v13+s22+$0x0], $0xffff;
	v13 =	vadd.s32 $0x6, v16  }
0x36f: {  	v23 =	vadd.f32 v20, v23;
	v33 =	vld.idx.msk [tilespmem:v40+s22+$0x0], $0xffff;
	v13 =	vand.u32 $0x7F, v13;
	v40 =	vor.u32 v1, v44  }
0x370: {  	v9 =	vadd.f32 v24, v9;
	v20 =	vmul.f32 v36, v2;
	v13 =	vor.u32 v1, v13;
	v2 =	vld.idx.msk [tilespmem:v4+s22+$0x0], $0xffff  }
0x371: {  	v15 =	vadd.f32 v21, v15;
	v21 =	vmul.f32 v28, v22;
	v22 =	vmul.f32 v25, v41;
	v24 =	vld.idx.msk [tilespmem:v31+s30+$0x0], $0xffff  }
0x372: {  	v17 =	vmul.f32 v19, v17;
	v14 =	vadd.f32 v7, v14;
	v25 =	vmul.f32 v29, v26;
	v26 =	vld.idx.msk [tilespmem:v31+s22+$0x0], $0xffff  }
0x373: {  	v18 =	vmul.f32 v18, v3;
	v19 =	vmul.f32 v5, v37;
	v15 =	vadd.f32 v22, v15;
	v3 =	vld.idx.msk [tilespmem:v32+s22+$0x0], $0xffff  }
0x374: {  	v14 =	vadd.f32 v21, v14;
	v22 =	vor.u32 v1, v42;
	v8 =	vadd.f32 v25, v8;
	v7 =	vld.idx.msk [tilespmem:v12+s22+$0x0], $0xffff  }
0x375: {  	v6 =	vadd.f32 v18, v6;
	v21 =	vand.u32 $0x7F, v39;
	v11 =	vadd.f32 v19, v11;
	v5 =	vld.idx.msk [tilespmem:v13+s30+$0x0], $0xffff  }
0x376: {  	v10 =	vadd.f32 v17, v10;
	v9 =	vadd.f32 v27, v9;
	v18 =	vmul.f32 v34, v47;
	v29 =	vld.idx.msk [tilespmem:v40+s22+$0x0], $0xffff  }
0x377: {  	v17 =	vor.u32 v1, v43;
	v11 =	vadd.f32 v20, v11;
	v19 =	vld.idx.msk [tilespmem:v30+s30+$0x0], $0xffff  }
0x378: {  	v6 =	vadd.f32 v18, v6;
	v20 =	vmul.f32 v24, v26;
	v18 =	vld.idx.msk [tilespmem:v30+s22+$0x0], $0xffff  }
0x379: {  	v26 =	vor.u32 v1, v45;
	v30 =	vld.idx.msk [tilespmem:v22+s22+$0x0], $0xffff  }
0x37a: {  	v8 =	vadd.f32 v20, v8;
	v20 =	vld.idx.msk [tilespmem:v40+s30+$0x0], $0xffff  }
0x37b: {  	v22 =	vld.idx.msk [tilespmem:v22+s30+$0x0], $0xffff  }
0x37c: {  	v28 =	vor.u32 v1, v21;
	v27 =	vmul.f32 v46, v33;
	v24 =	vld.idx.msk [tilespmem:v17+s22+$0x0], $0xffff  }
.Ltmp15:
0x37d: {  	v25 =	vld.idx.msk [tilespmem:v17+s30+$0x0], $0xffff;
	(pc) =	sbr.rel @p0 .LBB2_33-.Ltmp15, $4  }
0x37e: {  	v10 =	vadd.f32 v27, v10;
	v17 =	vld.idx.msk [tilespmem:v26+s22+$0x0], $0xffff  }
0x37f: {  	v27 =	vor.u32 v1, v35;
	v21 =	vmul.f32 v19, v18;
	v18 =	vld.idx.msk [tilespmem:v32+s30+$0x0], $0xffff  }
0x380: {  	v16 =	vadd.s32 $0x10, v16;
	v20 =	vmul.f32 v20, v29;
	v19 =	vld.idx.msk [tilespmem:v26+s30+$0x0], $0xffff;
	v26 =	vor.u32 v1, v38  }
0x381: {  	v16 =	vand.u32 $0x7F, v16;
	v23 =	vadd.f32 v21, v23;
	v21 =	vmul.f32 v22, v30;
	v22 =	vld.idx.msk [tilespmem:v28+s22+$0x0], $0xffff  }
0x382: {  	_ =	sdelay $0x3  }
0x383: {  	v1 =	vld.idx.msk [tilespmem:v28+s30+$0x0], $0xffff  }
0x384: {  	v12 =	vld.idx.msk [tilespmem:v12+s30+$0x0], $0xffff  }
0x385: {  	v16 =	vld.idx.msk [tilespmem:v27+s30+$0x0], $0xffff  }
0x386: {  	v52 =	vld.idx.msk [tilespmem:v27+s22+$0x0], $0xffff  }
0x387: {  	v53 =	vld.idx.msk [tilespmem:v26+s22+$0x0], $0xffff  }
0x388: {  	v13 =	vld.idx.msk [tilespmem:v13+s22+$0x0], $0xffff  }
0x389: {  	v54 =	vld.idx.msk [tilespmem:v26+s30+$0x0], $0xffff  }
0x38a: {  	v4 =	vld.idx.msk [tilespmem:v4+s30+$0x0], $0xffff;
	v24 =	vmul.f32 v25, v24  }
0x38b: {  	v55 =	vadd.f32 v20, v23;
	v15 =	vadd.f32 v21, v15;
	v3 =	vmul.f32 v18, v3  }
0x38c: {  	v9 =	vadd.f32 v24, v9;
	v57 =	vmul.f32 v19, v17;
	v7 =	vmul.f32 v12, v7  }
0x38d: {  	v3 =	vadd.f32 v3, v6;
	v16 =	vmul.f32 v16, v52;
	v5 =	vmul.f32 v5, v13  }
0x38e: {  	v56 =	vmul.f32 v54, v53;
	v1 =	vmul.f32 v1, v22;
	v7 =	vadd.f32 v7, v14  }
0x38f: {  	v60 =	vld [tilespmem:s4+$0x10780];
	v2 =	vmul.f32 v4, v2;
	v61 =	vadd.f32 v57, v10;
	v59 =	vadd.f32 v5, v11  }
0x390: {  	v62 =	vld [tilespmem:s4+$0x10980];
	v58 =	vadd.f32 v56, v15;
	v1 =	vadd.f32 v1, v7  }
0x391: {  	v9 =	vadd.f32 v16, v9;
	v2 =	vadd.f32 v2, v59  }
0x392: {  	v3 =	vadd.f32 v61, v3;
	v1 =	vadd.f32 v8, v1  }
0x393: {  	v63 =	vadd.f32 v58, v55;
	v2 =	vadd.f32 v9, v2  }
0x394: {  	v1 =	vadd.f32 v3, v1  }
0x395: {  	v2 =	vadd.f32 v2, v63;
	v3 =	vadd.f32 v62, v60  }
0x396: {  	p0 =	slt.u32 s4, $0x30  }
.Ltmp16:
0x397: {  	v3 =	vadd.f32 v3, v0;
	v1 =	vadd.f32 v2, v1;
	(pc) =	sbr.rel @p0 .LBB2_32-.Ltmp16, $4  }
0x398: {  	_ = 	snop  }
0x399: {  	v1 =	vadd.f32 v3, v1  }
0x39a: {  	s5 =	sadd.s32 $0x10, s4  }
0x39b: {  	[tilespmem:s4+$0x10BC0] =	vst v1;
	s4 =	smov.u32 s5  }
0x39c: {  	s0 =	sadd.s32 $0x1, s0  }
0x39d: {  	p0 =	sne.s32 s0, s10  }
.Ltmp17:
0x39e: {  	s4 =	simm.s32 $0x10A00;
	(pc) =	sbr.rel @p0 .LBB2_1-.Ltmp17, $4  }
0x39f: {  	[hbm4b:s9+s6] =	stream.linear.scatter [tilespmem:s4], [sflag:$0x5], $0x200, $0x38;
	[tilespmem:$0x10C80] =	vst v63  }
0x3a0: {  	_ =	swait.ge [sflag:s28], $0x200  }
0x3a1: {  	[sflag:s28] =	ssyncset.done $0x0  }
0x3a2: {  	[sflag:s28] =	ssyncadd.s32 $0xFFFFFE00  }
0x3a3: {  	_ =	sfence.sel $0x180000  }
0x3a4: {  	[bflag:$0x0] =	sbarrier.arrive $0xFFFF  }
0x3a5: {  	_ =	strace $0x90000047  }
0x3a6: {  	s0 =	stileid.u32;
	[bflag:$0x2] =	sbarrier.arrive $0xFFFF  }
0x3a7: {  	p0 =	sne.s32 s0, $0x0;
	s0 =	rddreg [dreg:$0x7]  }
0x3a8: {  	s0 =	sadd.s32 @!p0 $0x100000, s0  }
0x3a9: {  	[sflag:s0] =	ssyncadd.tile.s32 @!p0 $0x1;
	_ =	shalt  }
.Lfunc_end2:
_tile_overlayer_lowered:
.L_overlay_start_2:
0x3aa: {  	(tag) =	ssettag $0x2  }
0x3ab: {  	s0 =	rddreg [dreg:$0x0];
	s2 =	stileid.u32  }
0x3ac: {  	s1 =	rddreg [dreg:$0x1];
	p0 =	sne.s32 s2, $0x0  }
0x3ad: {  	s3 =	rddreg [dreg:$0x2];
	[bflag:$0x3] =	sbarrier.arrive $0xFFFF;
	s2 =	simm.s32 @!p0 $0x1C05  }
0x3ae: {  	[timem:s3], [sflag:s2] =	dma.local @!p0 [hbm:s0], s1  }
0x3af: {  	s0 =	simm.s32 @!p0 $0x5  }
0x3b0: {  	_ =	swait.ge @!p0 [sflag:s0], s1  }
0x3b1: {  	s1 =	ssub.s32 @!p0 $0x0, s1;
	[sflag:s0] =	ssyncset.done @!p0 $0x0  }
0x3b2: {  	[sflag:s0] =	ssyncadd.s32 @!p0 s1  }
0x3b3: {  	[bflag:$0x3] =	sbarrier.arrive $0xFFFF  }
0x3b4: {  	_ =	shalt  }

</sc_bundles>
